<compile_context>
chip_gen: v7x
topology: tpu7x:2x2x1
jax: 0.10.2.dev20260603
libtpu: 0.0.44.dev20260713+nightly
codegen_flags: <defaults>
</compile_context>

<pallas_src>
import functools

import jax
import jax.numpy as jnp
from jax import lax
from jax.experimental import pallas as pl
from jax.experimental.pallas import tpu as pltpu
from jax.experimental.pallas import tpu_sc as plsc

NC = 2
NS = 16
NW = NC * NS
LANES = 16
CHUNK = 128
H = 64
DEPTH = 8
NROW = 1_000_000
PB = 1 << 17
NJ = 8
HP = 32
J_STRIDE = 8 * PB
A_STRIDE = NJ * J_STRIDE
FLAT = 4 * A_STRIDE


def _tc_detile(wt3):

    def body(lo_ref, hi_ref, out_ref):
        evb = lax.bitcast_convert_type(lo_ref[0], jnp.uint32)
        odb = lax.bitcast_convert_type(hi_ref[0], jnp.uint32)
        packed = lax.bitcast_convert_type(
            (evb >> 16) | (odb & jnp.uint32(0xFFFF0000)), jnp.float32)
        out_ref[...] = packed.reshape(J_STRIDE // 128, 128)

    return pl.pallas_call(
        body,
        grid=(4, NJ),
        in_specs=[
            pl.BlockSpec((1, 8, PB), lambda a, j: (a, 0, j)),
            pl.BlockSpec((1, 8, PB), lambda a, j: (a + 4, 0, j)),
        ],
        out_specs=pl.BlockSpec(
            (J_STRIDE // 128, 128), lambda a, j: (a * NJ + j, 0)),
        out_shape=jax.ShapeDtypeStruct((FLAT // 128, 128), jnp.float32),
    )(wt3, wt3)


def _build_sc(B):
    bpw = B // NW
    nch = bpw // CHUNK

    mesh = plsc.VectorSubcoreMesh(core_axis_name="c", subcore_axis_name="s")

    @functools.partial(
        pl.kernel,
        out_type=jax.ShapeDtypeStruct((B,), jnp.float32),
        mesh=mesh,
        compiler_params=pltpu.CompilerParams(
            needs_layout_passes=False, use_tc_tiling_on_sc=False),
        scratch_types=[
            pltpu.VMEM((nch, CHUNK), jnp.int32),
            pltpu.VMEM((nch, CHUNK), jnp.int32),
            pltpu.VMEM((HP, CHUNK), jnp.int32),
            pltpu.VMEM((HP, CHUNK), jnp.int32),
            pltpu.VMEM((HP * CHUNK,), jnp.float32),
            pltpu.VMEM((HP * CHUNK,), jnp.float32),
            pltpu.VMEM((bpw,), jnp.float32),
            pltpu.VMEM((bpw,), jnp.float32),
            pltpu.VMEM((bpw,), jnp.float32),
            pltpu.VMEM((LANES,), jnp.float32),
            pltpu.SemaphoreType.DMA,
        ],
    )
    def mf(user_hbm, item_hbm, uw_hbm, iw_hbm, ub_hbm, ib_hbm, bias_hbm,
           out_hbm, uid_v, iid_v, uhx_v, ihx_v, uval_v, ival_v,
           ubr_v, ibr_v, out_v, bias_v, sem):
        wid = lax.axis_index("s") * NC + lax.axis_index("c")
        base = wid * bpw

        pltpu.sync_copy(user_hbm.at[wid], uid_v)
        pltpu.sync_copy(item_hbm.at[wid], iid_v)
        pltpu.sync_copy(bias_hbm, bias_v)

        bias_copies = []
        for c in range(nch):
            sl = pl.ds(c * CHUNK, CHUNK)
            bias_copies.append(pltpu.make_async_copy(
                ub_hbm.at[uid_v.at[c]], ubr_v.at[sl], sem))
            bias_copies.append(pltpu.make_async_copy(
                ib_hbm.at[iid_v.at[c]], ibr_v.at[sl], sem))
        for cp in bias_copies:
            cp.start()

        bias_vec = bias_v[...]

        for c in range(nch):
            def build_body(hp, carry, _c=c):
                coff = (hp >> 3) * A_STRIDE + (hp & 7) * PB
                for g in range(CHUNK // LANES):
                    sl = pl.ds(g * LANES, LANES)
                    r = uid_v[_c, sl]
                    uhx_v[hp, sl] = (
                        (r >> 17) * J_STRIDE + (r & (PB - 1)) + coff)
                    r = iid_v[_c, sl]
                    ihx_v[hp, sl] = (
                        (r >> 17) * J_STRIDE + (r & (PB - 1)) + coff)
                return carry

            lax.fori_loop(0, HP, build_body, 0)

            def fire_one(hp):
                dst = pl.ds(hp * CHUNK, CHUNK)
                pltpu.make_async_copy(
                    uw_hbm.at[uhx_v.at[hp]], uval_v.at[dst], sem).start()
                pltpu.make_async_copy(
                    iw_hbm.at[ihx_v.at[hp]], ival_v.at[dst], sem).start()

            def wait_one(hp):
                dst = pl.ds(hp * CHUNK, CHUNK)
                pltpu.make_async_copy(
                    uw_hbm.at[uhx_v.at[hp]], uval_v.at[dst], sem).wait()
                pltpu.make_async_copy(
                    iw_hbm.at[ihx_v.at[hp]], ival_v.at[dst], sem).wait()

            def fire_body(hp, carry):
                fire_one(hp)

                @pl.when(hp >= DEPTH)
                def _():
                    wait_one(hp - DEPTH)
                return carry

            lax.fori_loop(0, HP, fire_body, 0)

            def drain_body(hp, carry):
                wait_one(hp)
                return carry

            lax.fori_loop(HP - DEPTH, HP, drain_body, 0)
            if c == 0:
                for cp in bias_copies:
                    cp.wait()

            himask = jnp.full((LANES,), 0xFFFF0000, jnp.uint32)

            def unpack2(w):
                bits = plsc.bitcast(w, jnp.uint32)
                ev = plsc.bitcast(bits << 16, jnp.float32)
                od = plsc.bitcast(bits & himask, jnp.float32)
                return ev, od

            for g in range(CHUNK // LANES):
                o = c * CHUNK + g * LANES
                ubv = ubr_v[pl.ds(o, LANES)]
                ibv = ibr_v[pl.ds(o, LANES)]

                def h_body(hp, acc, _g=g):
                    wu = uval_v[pl.ds(hp * CHUNK + _g * LANES, LANES)]
                    wi = ival_v[pl.ds(hp * CHUNK + _g * LANES, LANES)]
                    uev, uod = unpack2(wu)
                    iev, iod = unpack2(wi)
                    return (acc + (uev + ubv) * (iev + ibv)
                            + (uod + ubv) * (iod + ibv))

                acc = lax.fori_loop(
                    0, HP, h_body, jnp.zeros((LANES,), jnp.float32))
                out_v[pl.ds(o, LANES)] = acc + bias_vec

        pltpu.sync_copy(out_v, out_hbm.at[pl.ds(base, bpw)])

    return mf


def kernel(user, item, user_weight, item_weight, user_bias, item_bias, bias):
    B = user.shape[0]
    user_r = user.reshape(NW, B // NW // CHUNK, CHUNK)
    item_r = item.reshape(NW, B // NW // CHUNK, CHUNK)
    uw_flat = _tc_detile(user_weight.T.reshape(8, 8, NROW)).reshape(-1)
    iw_flat = _tc_detile(item_weight.T.reshape(8, 8, NROW)).reshape(-1)
    ub = user_bias.reshape(-1)
    ib = item_bias.reshape(-1)
    bias16 = jnp.broadcast_to(bias, (LANES,)).astype(jnp.float32)
    mf = _build_sc(B)
    return mf(user_r, item_r, uw_flat, iw_flat, ub, ib, bias16)

# --- scband reference (transcript-rebuilt; emitter-appended) ---
"""Pipeline reference for scband-mf-30116310679785 (READ-ONLY COPY).

The authoritative reference and input builder live on the scoring server;
editing this copy changes nothing except your own understanding.
"""

import jax, jax.numpy as jnp
import numpy as np

NUM_USERS = 1000000
NUM_ITEMS = 1000000
HIDDEN = 64
BATCH = 16384


def setup_inputs(seed: int = 0) -> dict:
    key = jax.random.key(seed)
    k_u, k_i, k_uw, k_iw = jax.random.split(key, 4)
    user = jax.random.randint(k_u, (BATCH,), 0, NUM_USERS, dtype=jnp.int64) if jax.config.jax_enable_x64 else jax.random.randint(k_u, (BATCH,), 0, NUM_USERS, dtype=jnp.int32)
    item = jax.random.randint(k_i, (BATCH,), 0, NUM_ITEMS, dtype=jnp.int32)
    user = user.astype(jnp.int32)
    # parameters, matching reset_parameters(): normal(0, 0.01) weights, zero biases
    user_weight = 0.01 * jax.random.normal(k_uw, (NUM_USERS, HIDDEN), dtype=jnp.float32)
    item_weight = 0.01 * jax.random.normal(k_iw, (NUM_ITEMS, HIDDEN), dtype=jnp.float32)
    user_bias = jnp.zeros((NUM_USERS, 1), dtype=jnp.float32)
    item_bias = jnp.zeros((NUM_ITEMS, 1), dtype=jnp.float32)
    bias = jnp.zeros((1,), dtype=jnp.float32)
    return {
        "user": user,
        "item": item,
        "user_weight": user_weight,
        "item_weight": item_weight,
        "user_bias": user_bias,
        "item_bias": item_bias,
        "bias": bias,
    }


def reference(user, item, user_weight, item_weight, user_bias, item_bias, bias):
    # user_embedding = user_weight[user] + user_bias[user]  (broadcast [B,1] -> [B,H])
    user_emb = jnp.take(user_weight, user, axis=0) + jnp.take(user_bias, user, axis=0)
    item_emb = jnp.take(item_weight, item, axis=0) + jnp.take(item_bias, item, axis=0)
    pred = (user_emb * item_emb).sum(axis=-1) + bias
    return pred

if __name__ == "__main__":
    import jax
    _d = setup_inputs()
    print(jax.jit(kernel)(*tuple(_d.values())))

</pallas_src>

<mosaic_0001>
#map = affine_map<(d0, d1) -> (0, 0, 0)>
#map1 = affine_map<(d0, d1) -> (0)>
module attributes {stable_mosaic.version = 14 : i64} {
  func.func @mf(%arg0: i32, %arg1: i32, %arg2: memref<32x4x128xi32, #tpu.memory_space<hbm>>, %arg3: memref<32x4x128xi32, #tpu.memory_space<hbm>>, %arg4: memref<33554432xf32, #tpu.memory_space<hbm>>, %arg5: memref<33554432xf32, #tpu.memory_space<hbm>>, %arg6: memref<1000000xf32, #tpu.memory_space<hbm>>, %arg7: memref<1000000xf32, #tpu.memory_space<hbm>>, %arg8: memref<16xf32, #tpu.memory_space<hbm>>, %arg9: memref<16384xf32, #tpu.memory_space<hbm>>, %arg10: memref<4x128xi32, #tpu.memory_space<vmem>>, %arg11: memref<4x128xi32, #tpu.memory_space<vmem>>, %arg12: memref<32x128xi32, #tpu.memory_space<vmem>>, %arg13: memref<32x128xi32, #tpu.memory_space<vmem>>, %arg14: memref<4096xf32, #tpu.memory_space<vmem>>, %arg15: memref<4096xf32, #tpu.memory_space<vmem>>, %arg16: memref<512xf32, #tpu.memory_space<vmem>>, %arg17: memref<512xf32, #tpu.memory_space<vmem>>, %arg18: memref<512xf32, #tpu.memory_space<vmem>>, %arg19: memref<16xf32, #tpu.memory_space<vmem>>, %arg20: memref<!tpu.dma_semaphore, #tpu.memory_space<semaphore_mem>>) attributes {dimension_semantics = [#tpu.dimension_semantics<core_parallel>, #tpu.dimension_semantics<subcore_parallel>], iteration_bounds = array<i64: 2, 16>, scalar_prefetch = 0 : i64, scratch_operands = 11 : i64, tpu.core_type = #tpu.core_type<sc_vector_subcore>, window_params = [{transform_indices = #map}, {transform_indices = #map}, {transform_indices = #map1}, {transform_indices = #map1}, {transform_indices = #map1}, {transform_indices = #map1}, {transform_indices = #map1}, {transform_indices = #map1}]} {
    %mul3A = arith.constant 2 : i32
    %mul3A_0 = arith.muli %arg1, %mul3A : i32
    %add3A = arith.addi %mul3A_0, %arg0 : i32
    %mul3A_1 = arith.constant 512 : i32
    %mul3A_2 = arith.muli %add3A, %mul3A_1 : i32
    "tpu.region"() ({
      %run_scoped3A = tpu.sem_alloc : memref<!tpu.dma_semaphore, #tpu.memory_space<semaphore_mem>>
      %dma_start3A_687 = arith.constant 0 : i32
      %dma_start3A_688 = arith.constant 0 : i32
      %dma_start3A_689 = tpu.memref_slice %arg2[%add3A, %dma_start3A_687, %dma_start3A_688] : memref<32x4x128xi32, #tpu.memory_space<hbm>> -> memref<1x4x128xi32, #tpu.memory_space<hbm>>
      %dma_start3A_690 = tpu.memref_squeeze %dma_start3A_689 : memref<1x4x128xi32, #tpu.memory_space<hbm>> -> memref<4x128xi32, #tpu.memory_space<hbm>>
      %dma_start3A_691 = arith.constant 0 : i32
      %dma_start3A_692 = arith.constant 0 : i32
      %dma_start3A_693 = tpu.memref_slice %arg2[%add3A, %dma_start3A_691, %dma_start3A_692] : memref<32x4x128xi32, #tpu.memory_space<hbm>> -> memref<1x4x128xi32, #tpu.memory_space<hbm>>
      %dma_start3A_694 = tpu.memref_squeeze %dma_start3A_693 : memref<1x4x128xi32, #tpu.memory_space<hbm>> -> memref<4x128xi32, #tpu.memory_space<hbm>>
      tpu.enqueue_dma source(%dma_start3A_694 : memref<4x128xi32, #tpu.memory_space<hbm>>) target(%arg10 : memref<4x128xi32, #tpu.memory_space<vmem>>) target_semaphore(%run_scoped3A : memref<!tpu.dma_semaphore, #tpu.memory_space<semaphore_mem>>)
      %dma_wait3A_695 = arith.constant 0 : i32
      %dma_wait3A_696 = arith.constant 0 : i32
      %dma_wait3A_697 = tpu.memref_slice %arg2[%add3A, %dma_wait3A_695, %dma_wait3A_696] : memref<32x4x128xi32, #tpu.memory_space<hbm>> -> memref<1x4x128xi32, #tpu.memory_space<hbm>>
      %dma_wait3A_698 = tpu.memref_squeeze %dma_wait3A_697 : memref<1x4x128xi32, #tpu.memory_space<hbm>> -> memref<4x128xi32, #tpu.memory_space<hbm>>
      %dma_wait3A_699 = arith.constant 0 : i32
      %dma_wait3A_700 = arith.constant 0 : i32
      %dma_wait3A_701 = tpu.memref_slice %arg2[%add3A, %dma_wait3A_699, %dma_wait3A_700] : memref<32x4x128xi32, #tpu.memory_space<hbm>> -> memref<1x4x128xi32, #tpu.memory_space<hbm>>
      %dma_wait3A_702 = tpu.memref_squeeze %dma_wait3A_701 : memref<1x4x128xi32, #tpu.memory_space<hbm>> -> memref<4x128xi32, #tpu.memory_space<hbm>>
      tpu.wait_dma2 semaphore(%run_scoped3A : memref<!tpu.dma_semaphore, #tpu.memory_space<semaphore_mem>>) src(%dma_wait3A_702 : memref<4x128xi32, #tpu.memory_space<hbm>>) dst(%arg10 : memref<4x128xi32, #tpu.memory_space<vmem>>)
      tpu.yield
    }) : () -> ()
    "tpu.region"() ({
      %run_scoped3A = tpu.sem_alloc : memref<!tpu.dma_semaphore, #tpu.memory_space<semaphore_mem>>
      %dma_start3A_687 = arith.constant 0 : i32
      %dma_start3A_688 = arith.constant 0 : i32
      %dma_start3A_689 = tpu.memref_slice %arg3[%add3A, %dma_start3A_687, %dma_start3A_688] : memref<32x4x128xi32, #tpu.memory_space<hbm>> -> memref<1x4x128xi32, #tpu.memory_space<hbm>>
      %dma_start3A_690 = tpu.memref_squeeze %dma_start3A_689 : memref<1x4x128xi32, #tpu.memory_space<hbm>> -> memref<4x128xi32, #tpu.memory_space<hbm>>
      %dma_start3A_691 = arith.constant 0 : i32
      %dma_start3A_692 = arith.constant 0 : i32
      %dma_start3A_693 = tpu.memref_slice %arg3[%add3A, %dma_start3A_691, %dma_start3A_692] : memref<32x4x128xi32, #tpu.memory_space<hbm>> -> memref<1x4x128xi32, #tpu.memory_space<hbm>>
      %dma_start3A_694 = tpu.memref_squeeze %dma_start3A_693 : memref<1x4x128xi32, #tpu.memory_space<hbm>> -> memref<4x128xi32, #tpu.memory_space<hbm>>
      tpu.enqueue_dma source(%dma_start3A_694 : memref<4x128xi32, #tpu.memory_space<hbm>>) target(%arg11 : memref<4x128xi32, #tpu.memory_space<vmem>>) target_semaphore(%run_scoped3A : memref<!tpu.dma_semaphore, #tpu.memory_space<semaphore_mem>>)
      %dma_wait3A_695 = arith.constant 0 : i32
      %dma_wait3A_696 = arith.constant 0 : i32
      %dma_wait3A_697 = tpu.memref_slice %arg3[%add3A, %dma_wait3A_695, %dma_wait3A_696] : memref<32x4x128xi32, #tpu.memory_space<hbm>> -> memref<1x4x128xi32, #tpu.memory_space<hbm>>
      %dma_wait3A_698 = tpu.memref_squeeze %dma_wait3A_697 : memref<1x4x128xi32, #tpu.memory_space<hbm>> -> memref<4x128xi32, #tpu.memory_space<hbm>>
      %dma_wait3A_699 = arith.constant 0 : i32
      %dma_wait3A_700 = arith.constant 0 : i32
      %dma_wait3A_701 = tpu.memref_slice %arg3[%add3A, %dma_wait3A_699, %dma_wait3A_700] : memref<32x4x128xi32, #tpu.memory_space<hbm>> -> memref<1x4x128xi32, #tpu.memory_space<hbm>>
      %dma_wait3A_702 = tpu.memref_squeeze %dma_wait3A_701 : memref<1x4x128xi32, #tpu.memory_space<hbm>> -> memref<4x128xi32, #tpu.memory_space<hbm>>
      tpu.wait_dma2 semaphore(%run_scoped3A : memref<!tpu.dma_semaphore, #tpu.memory_space<semaphore_mem>>) src(%dma_wait3A_702 : memref<4x128xi32, #tpu.memory_space<hbm>>) dst(%arg11 : memref<4x128xi32, #tpu.memory_space<vmem>>)
      tpu.yield
    }) : () -> ()
    "tpu.region"() ({
      %run_scoped3A = tpu.sem_alloc : memref<!tpu.dma_semaphore, #tpu.memory_space<semaphore_mem>>
      tpu.enqueue_dma source(%arg8 : memref<16xf32, #tpu.memory_space<hbm>>) target(%arg19 : memref<16xf32, #tpu.memory_space<vmem>>) target_semaphore(%run_scoped3A : memref<!tpu.dma_semaphore, #tpu.memory_space<semaphore_mem>>)
      tpu.wait_dma2 semaphore(%run_scoped3A : memref<!tpu.dma_semaphore, #tpu.memory_space<semaphore_mem>>) src(%arg8 : memref<16xf32, #tpu.memory_space<hbm>>) dst(%arg19 : memref<16xf32, #tpu.memory_space<vmem>>)
      tpu.yield
    }) : () -> ()
    %dma_start3A = arith.constant 0 : i32
    %dma_start3A_3 = arith.constant 0 : i32
    %dma_start3A_4 = tpu.memref_slice %arg16[%dma_start3A_3] : memref<512xf32, #tpu.memory_space<vmem>> -> memref<128xf32, #tpu.memory_space<vmem>>
    %dma_start3A_5 = arith.constant 0 : i32
    %dma_start3A_6 = tpu.memref_slice %arg10[%dma_start3A, %dma_start3A_5] : memref<4x128xi32, #tpu.memory_space<vmem>> -> memref<1x128xi32, #tpu.memory_space<vmem>>
    %dma_start3A_7 = tpu.memref_squeeze %dma_start3A_6 : memref<1x128xi32, #tpu.memory_space<vmem>> -> memref<128xi32, #tpu.memory_space<vmem>>
    %dma_start3A_8 = arith.constant 0 : i32
    %dma_start3A_9 = tpu.memref_slice %arg6[%dma_start3A_8] : memref<1000000xf32, #tpu.memory_space<hbm>> -> memref<1000000xf32, #tpu.memory_space<hbm>>
    tpu.enqueue_indirect_dma source(%dma_start3A_9 : memref<1000000xf32, #tpu.memory_space<hbm>>) target(%dma_start3A_4 : memref<128xf32, #tpu.memory_space<vmem>>) offsets(%dma_start3A_7 : memref<128xi32, #tpu.memory_space<vmem>>) semaphore(%arg20 : memref<!tpu.dma_semaphore, #tpu.memory_space<semaphore_mem>>)
    %dma_start3A_10 = arith.constant 0 : i32
    %dma_start3A_11 = arith.constant 0 : i32
    %dma_start3A_12 = tpu.memref_slice %arg17[%dma_start3A_11] : memref<512xf32, #tpu.memory_space<vmem>> -> memref<128xf32, #tpu.memory_space<vmem>>
    %dma_start3A_13 = arith.constant 0 : i32
    %dma_start3A_14 = tpu.memref_slice %arg11[%dma_start3A_10, %dma_start3A_13] : memref<4x128xi32, #tpu.memory_space<vmem>> -> memref<1x128xi32, #tpu.memory_space<vmem>>
    %dma_start3A_15 = tpu.memref_squeeze %dma_start3A_14 : memref<1x128xi32, #tpu.memory_space<vmem>> -> memref<128xi32, #tpu.memory_space<vmem>>
    %dma_start3A_16 = arith.constant 0 : i32
    %dma_start3A_17 = tpu.memref_slice %arg7[%dma_start3A_16] : memref<1000000xf32, #tpu.memory_space<hbm>> -> memref<1000000xf32, #tpu.memory_space<hbm>>
    tpu.enqueue_indirect_dma source(%dma_start3A_17 : memref<1000000xf32, #tpu.memory_space<hbm>>) target(%dma_start3A_12 : memref<128xf32, #tpu.memory_space<vmem>>) offsets(%dma_start3A_15 : memref<128xi32, #tpu.memory_space<vmem>>) semaphore(%arg20 : memref<!tpu.dma_semaphore, #tpu.memory_space<semaphore_mem>>)
    %dma_start3A_18 = arith.constant 1 : i32
    %dma_start3A_19 = arith.constant 128 : i32
    %dma_start3A_20 = tpu.memref_slice %arg16[%dma_start3A_19] : memref<512xf32, #tpu.memory_space<vmem>> -> memref<128xf32, #tpu.memory_space<vmem>>
    %dma_start3A_21 = arith.constant 0 : i32
    %dma_start3A_22 = tpu.memref_slice %arg10[%dma_start3A_18, %dma_start3A_21] : memref<4x128xi32, #tpu.memory_space<vmem>> -> memref<1x128xi32, #tpu.memory_space<vmem>>
    %dma_start3A_23 = tpu.memref_squeeze %dma_start3A_22 : memref<1x128xi32, #tpu.memory_space<vmem>> -> memref<128xi32, #tpu.memory_space<vmem>>
    %dma_start3A_24 = arith.constant 0 : i32
    %dma_start3A_25 = tpu.memref_slice %arg6[%dma_start3A_24] : memref<1000000xf32, #tpu.memory_space<hbm>> -> memref<1000000xf32, #tpu.memory_space<hbm>>
    tpu.enqueue_indirect_dma source(%dma_start3A_25 : memref<1000000xf32, #tpu.memory_space<hbm>>) target(%dma_start3A_20 : memref<128xf32, #tpu.memory_space<vmem>>) offsets(%dma_start3A_23 : memref<128xi32, #tpu.memory_space<vmem>>) semaphore(%arg20 : memref<!tpu.dma_semaphore, #tpu.memory_space<semaphore_mem>>)
    %dma_start3A_26 = arith.constant 1 : i32
    %dma_start3A_27 = arith.constant 128 : i32
    %dma_start3A_28 = tpu.memref_slice %arg17[%dma_start3A_27] : memref<512xf32, #tpu.memory_space<vmem>> -> memref<128xf32, #tpu.memory_space<vmem>>
    %dma_start3A_29 = arith.constant 0 : i32
    %dma_start3A_30 = tpu.memref_slice %arg11[%dma_start3A_26, %dma_start3A_29] : memref<4x128xi32, #tpu.memory_space<vmem>> -> memref<1x128xi32, #tpu.memory_space<vmem>>
    %dma_start3A_31 = tpu.memref_squeeze %dma_start3A_30 : memref<1x128xi32, #tpu.memory_space<vmem>> -> memref<128xi32, #tpu.memory_space<vmem>>
    %dma_start3A_32 = arith.constant 0 : i32
    %dma_start3A_33 = tpu.memref_slice %arg7[%dma_start3A_32] : memref<1000000xf32, #tpu.memory_space<hbm>> -> memref<1000000xf32, #tpu.memory_space<hbm>>
    tpu.enqueue_indirect_dma source(%dma_start3A_33 : memref<1000000xf32, #tpu.memory_space<hbm>>) target(%dma_start3A_28 : memref<128xf32, #tpu.memory_space<vmem>>) offsets(%dma_start3A_31 : memref<128xi32, #tpu.memory_space<vmem>>) semaphore(%arg20 : memref<!tpu.dma_semaphore, #tpu.memory_space<semaphore_mem>>)
    %dma_start3A_34 = arith.constant 2 : i32
    %dma_start3A_35 = arith.constant 256 : i32
    %dma_start3A_36 = tpu.memref_slice %arg16[%dma_start3A_35] : memref<512xf32, #tpu.memory_space<vmem>> -> memref<128xf32, #tpu.memory_space<vmem>>
    %dma_start3A_37 = arith.constant 0 : i32
    %dma_start3A_38 = tpu.memref_slice %arg10[%dma_start3A_34, %dma_start3A_37] : memref<4x128xi32, #tpu.memory_space<vmem>> -> memref<1x128xi32, #tpu.memory_space<vmem>>
    %dma_start3A_39 = tpu.memref_squeeze %dma_start3A_38 : memref<1x128xi32, #tpu.memory_space<vmem>> -> memref<128xi32, #tpu.memory_space<vmem>>
    %dma_start3A_40 = arith.constant 0 : i32
    %dma_start3A_41 = tpu.memref_slice %arg6[%dma_start3A_40] : memref<1000000xf32, #tpu.memory_space<hbm>> -> memref<1000000xf32, #tpu.memory_space<hbm>>
    tpu.enqueue_indirect_dma source(%dma_start3A_41 : memref<1000000xf32, #tpu.memory_space<hbm>>) target(%dma_start3A_36 : memref<128xf32, #tpu.memory_space<vmem>>) offsets(%dma_start3A_39 : memref<128xi32, #tpu.memory_space<vmem>>) semaphore(%arg20 : memref<!tpu.dma_semaphore, #tpu.memory_space<semaphore_mem>>)
    %dma_start3A_42 = arith.constant 2 : i32
    %dma_start3A_43 = arith.constant 256 : i32
    %dma_start3A_44 = tpu.memref_slice %arg17[%dma_start3A_43] : memref<512xf32, #tpu.memory_space<vmem>> -> memref<128xf32, #tpu.memory_space<vmem>>
    %dma_start3A_45 = arith.constant 0 : i32
    %dma_start3A_46 = tpu.memref_slice %arg11[%dma_start3A_42, %dma_start3A_45] : memref<4x128xi32, #tpu.memory_space<vmem>> -> memref<1x128xi32, #tpu.memory_space<vmem>>
    %dma_start3A_47 = tpu.memref_squeeze %dma_start3A_46 : memref<1x128xi32, #tpu.memory_space<vmem>> -> memref<128xi32, #tpu.memory_space<vmem>>
    %dma_start3A_48 = arith.constant 0 : i32
    %dma_start3A_49 = tpu.memref_slice %arg7[%dma_start3A_48] : memref<1000000xf32, #tpu.memory_space<hbm>> -> memref<1000000xf32, #tpu.memory_space<hbm>>
    tpu.enqueue_indirect_dma source(%dma_start3A_49 : memref<1000000xf32, #tpu.memory_space<hbm>>) target(%dma_start3A_44 : memref<128xf32, #tpu.memory_space<vmem>>) offsets(%dma_start3A_47 : memref<128xi32, #tpu.memory_space<vmem>>) semaphore(%arg20 : memref<!tpu.dma_semaphore, #tpu.memory_space<semaphore_mem>>)
    %dma_start3A_50 = arith.constant 3 : i32
    %dma_start3A_51 = arith.constant 384 : i32
    %dma_start3A_52 = tpu.memref_slice %arg16[%dma_start3A_51] : memref<512xf32, #tpu.memory_space<vmem>> -> memref<128xf32, #tpu.memory_space<vmem>>
    %dma_start3A_53 = arith.constant 0 : i32
    %dma_start3A_54 = tpu.memref_slice %arg10[%dma_start3A_50, %dma_start3A_53] : memref<4x128xi32, #tpu.memory_space<vmem>> -> memref<1x128xi32, #tpu.memory_space<vmem>>
    %dma_start3A_55 = tpu.memref_squeeze %dma_start3A_54 : memref<1x128xi32, #tpu.memory_space<vmem>> -> memref<128xi32, #tpu.memory_space<vmem>>
    %dma_start3A_56 = arith.constant 0 : i32
    %dma_start3A_57 = tpu.memref_slice %arg6[%dma_start3A_56] : memref<1000000xf32, #tpu.memory_space<hbm>> -> memref<1000000xf32, #tpu.memory_space<hbm>>
    tpu.enqueue_indirect_dma source(%dma_start3A_57 : memref<1000000xf32, #tpu.memory_space<hbm>>) target(%dma_start3A_52 : memref<128xf32, #tpu.memory_space<vmem>>) offsets(%dma_start3A_55 : memref<128xi32, #tpu.memory_space<vmem>>) semaphore(%arg20 : memref<!tpu.dma_semaphore, #tpu.memory_space<semaphore_mem>>)
    %dma_start3A_58 = arith.constant 3 : i32
    %dma_start3A_59 = arith.constant 384 : i32
    %dma_start3A_60 = tpu.memref_slice %arg17[%dma_start3A_59] : memref<512xf32, #tpu.memory_space<vmem>> -> memref<128xf32, #tpu.memory_space<vmem>>
    %dma_start3A_61 = arith.constant 0 : i32
    %dma_start3A_62 = tpu.memref_slice %arg11[%dma_start3A_58, %dma_start3A_61] : memref<4x128xi32, #tpu.memory_space<vmem>> -> memref<1x128xi32, #tpu.memory_space<vmem>>
    %dma_start3A_63 = tpu.memref_squeeze %dma_start3A_62 : memref<1x128xi32, #tpu.memory_space<vmem>> -> memref<128xi32, #tpu.memory_space<vmem>>
    %dma_start3A_64 = arith.constant 0 : i32
    %dma_start3A_65 = tpu.memref_slice %arg7[%dma_start3A_64] : memref<1000000xf32, #tpu.memory_space<hbm>> -> memref<1000000xf32, #tpu.memory_space<hbm>>
    tpu.enqueue_indirect_dma source(%dma_start3A_65 : memref<1000000xf32, #tpu.memory_space<hbm>>) target(%dma_start3A_60 : memref<128xf32, #tpu.memory_space<vmem>>) offsets(%dma_start3A_63 : memref<128xi32, #tpu.memory_space<vmem>>) semaphore(%arg20 : memref<!tpu.dma_semaphore, #tpu.memory_space<semaphore_mem>>)
    %get3A = arith.constant 0 : index
    %get3A_66 = tpu.vector_load %arg19[%get3A] {strides = array<i32>} : memref<16xf32, #tpu.memory_space<vmem>>, vector<16xf32>,
    %scan3A = arith.constant 0 : i32
    %scan3A_67 = arith.constant 0 : i32
    %scan3A_68 = arith.constant 32 : i32
    %scan3A_69 = arith.addi %scan3A_67, %scan3A_68 : i32
    %scan3A_70 = arith.constant 1 : i32
    scf.for %scan3A_687 = %scan3A_67 to %scan3A_69 step %scan3A_70  : i32 {
      %shift_right_arithmetic3A = arith.constant 3 : i32
      %shift_right_arithmetic3A_688 = arith.shrsi %scan3A_687, %shift_right_arithmetic3A : i32
      %mul3A_689 = arith.constant 8388608 : i32
      %mul3A_690 = arith.muli %shift_right_arithmetic3A_688, %mul3A_689 : i32
      %and3A = arith.constant 7 : i32
      %and3A_691 = arith.andi %scan3A_687, %and3A : i32
      %mul3A_692 = arith.constant 131072 : i32
      %mul3A_693 = arith.muli %and3A_691, %mul3A_692 : i32
      %add3A_694 = arith.addi %mul3A_690, %mul3A_693 : i32
      %get3A_695 = arith.constant 0 : i32
      %get3A_696 = arith.index_cast %get3A_695 : i32 to index
      %get3A_697 = arith.constant 0 : index
      %get3A_698 = tpu.vector_load %arg10[%get3A_696, %get3A_697] {strides = array<i32>} : memref<4x128xi32, #tpu.memory_space<vmem>>, vector<16xi32>,
      %shift_right_arithmetic3A_699 = arith.constant 17 : i32
      %shift_right_arithmetic3A_700 = vector.broadcast %shift_right_arithmetic3A_699 : i32 to vector<16xi32>
      %shift_right_arithmetic3A_701 = arith.shrsi %get3A_698, %shift_right_arithmetic3A_700 : vector<16xi32>
      %mul3A_702 = arith.constant 1048576 : i32
      %mul3A_703 = vector.broadcast %mul3A_702 : i32 to vector<16xi32>
      %mul3A_704 = arith.muli %shift_right_arithmetic3A_701, %mul3A_703 : vector<16xi32>
      %and3A_705 = arith.constant 131071 : i32
      %and3A_706 = vector.broadcast %and3A_705 : i32 to vector<16xi32>
      %and3A_707 = arith.andi %get3A_698, %and3A_706 : vector<16xi32>
      %add3A_708 = arith.addi %mul3A_704, %and3A_707 : vector<16xi32>
      %add3A_709 = vector.broadcast %add3A_694 : i32 to vector<16xi32>
      %add3A_710 = arith.addi %add3A_708, %add3A_709 : vector<16xi32>
      %swap3A_711 = arith.index_cast %scan3A_687 : i32 to index
      %swap3A_712 = arith.constant 0 : index
      %swap3A_713 = tpu.vector_load %arg12[%swap3A_711, %swap3A_712] {strides = array<i32>} : memref<32x128xi32, #tpu.memory_space<vmem>>, vector<16xi32>,
      tpu.vector_store %arg12[%swap3A_711, %swap3A_712], %add3A_710 {strides = array<i32>} : memref<32x128xi32, #tpu.memory_space<vmem>>, vector<16xi32>,
      %get3A_714 = arith.constant 0 : i32
      %get3A_715 = arith.index_cast %get3A_714 : i32 to index
      %get3A_716 = arith.constant 0 : index
      %get3A_717 = tpu.vector_load %arg11[%get3A_715, %get3A_716] {strides = array<i32>} : memref<4x128xi32, #tpu.memory_space<vmem>>, vector<16xi32>,
      %shift_right_arithmetic3A_718 = arith.constant 17 : i32
      %shift_right_arithmetic3A_719 = vector.broadcast %shift_right_arithmetic3A_718 : i32 to vector<16xi32>
      %shift_right_arithmetic3A_720 = arith.shrsi %get3A_717, %shift_right_arithmetic3A_719 : vector<16xi32>
      %mul3A_721 = arith.constant 1048576 : i32
      %mul3A_722 = vector.broadcast %mul3A_721 : i32 to vector<16xi32>
      %mul3A_723 = arith.muli %shift_right_arithmetic3A_720, %mul3A_722 : vector<16xi32>
      %and3A_724 = arith.constant 131071 : i32
      %and3A_725 = vector.broadcast %and3A_724 : i32 to vector<16xi32>
      %and3A_726 = arith.andi %get3A_717, %and3A_725 : vector<16xi32>
      %add3A_727 = arith.addi %mul3A_723, %and3A_726 : vector<16xi32>
      %add3A_728 = vector.broadcast %add3A_694 : i32 to vector<16xi32>
      %add3A_729 = arith.addi %add3A_727, %add3A_728 : vector<16xi32>
      %swap3A_730 = arith.index_cast %scan3A_687 : i32 to index
      %swap3A_731 = arith.constant 0 : index
      %swap3A_732 = tpu.vector_load %arg13[%swap3A_730, %swap3A_731] {strides = array<i32>} : memref<32x128xi32, #tpu.memory_space<vmem>>, vector<16xi32>,
      tpu.vector_store %arg13[%swap3A_730, %swap3A_731], %add3A_729 {strides = array<i32>} : memref<32x128xi32, #tpu.memory_space<vmem>>, vector<16xi32>,
      %get3A_733 = arith.constant 0 : i32
      %get3A_734 = arith.index_cast %get3A_733 : i32 to index
      %get3A_735 = arith.constant 16 : index
      %get3A_736 = tpu.vector_load %arg10[%get3A_734, %get3A_735] {strides = array<i32>} : memref<4x128xi32, #tpu.memory_space<vmem>>, vector<16xi32>,
      %shift_right_arithmetic3A_737 = arith.constant 17 : i32
      %shift_right_arithmetic3A_738 = vector.broadcast %shift_right_arithmetic3A_737 : i32 to vector<16xi32>
      %shift_right_arithmetic3A_739 = arith.shrsi %get3A_736, %shift_right_arithmetic3A_738 : vector<16xi32>
      %mul3A_740 = arith.constant 1048576 : i32
      %mul3A_741 = vector.broadcast %mul3A_740 : i32 to vector<16xi32>
      %mul3A_742 = arith.muli %shift_right_arithmetic3A_739, %mul3A_741 : vector<16xi32>
      %and3A_743 = arith.constant 131071 : i32
      %and3A_744 = vector.broadcast %and3A_743 : i32 to vector<16xi32>
      %and3A_745 = arith.andi %get3A_736, %and3A_744 : vector<16xi32>
      %add3A_746 = arith.addi %mul3A_742, %and3A_745 : vector<16xi32>
      %add3A_747 = vector.broadcast %add3A_694 : i32 to vector<16xi32>
      %add3A_748 = arith.addi %add3A_746, %add3A_747 : vector<16xi32>
      %swap3A_749 = arith.index_cast %scan3A_687 : i32 to index
      %swap3A_750 = arith.constant 16 : index
      %swap3A_751 = tpu.vector_load %arg12[%swap3A_749, %swap3A_750] {strides = array<i32>} : memref<32x128xi32, #tpu.memory_space<vmem>>, vector<16xi32>,
      tpu.vector_store %arg12[%swap3A_749, %swap3A_750], %add3A_748 {strides = array<i32>} : memref<32x128xi32, #tpu.memory_space<vmem>>, vector<16xi32>,
      %get3A_752 = arith.constant 0 : i32
      %get3A_753 = arith.index_cast %get3A_752 : i32 to index
      %get3A_754 = arith.constant 16 : index
      %get3A_755 = tpu.vector_load %arg11[%get3A_753, %get3A_754] {strides = array<i32>} : memref<4x128xi32, #tpu.memory_space<vmem>>, vector<16xi32>,
      %shift_right_arithmetic3A_756 = arith.constant 17 : i32
      %shift_right_arithmetic3A_757 = vector.broadcast %shift_right_arithmetic3A_756 : i32 to vector<16xi32>
      %shift_right_arithmetic3A_758 = arith.shrsi %get3A_755, %shift_right_arithmetic3A_757 : vector<16xi32>
      %mul3A_759 = arith.constant 1048576 : i32
      %mul3A_760 = vector.broadcast %mul3A_759 : i32 to vector<16xi32>
      %mul3A_761 = arith.muli %shift_right_arithmetic3A_758, %mul3A_760 : vector<16xi32>
      %and3A_762 = arith.constant 131071 : i32
      %and3A_763 = vector.broadcast %and3A_762 : i32 to vector<16xi32>
      %and3A_764 = arith.andi %get3A_755, %and3A_763 : vector<16xi32>
      %add3A_765 = arith.addi %mul3A_761, %and3A_764 : vector<16xi32>
      %add3A_766 = vector.broadcast %add3A_694 : i32 to vector<16xi32>
      %add3A_767 = arith.addi %add3A_765, %add3A_766 : vector<16xi32>
      %swap3A_768 = arith.index_cast %scan3A_687 : i32 to index
      %swap3A_769 = arith.constant 16 : index
      %swap3A_770 = tpu.vector_load %arg13[%swap3A_768, %swap3A_769] {strides = array<i32>} : memref<32x128xi32, #tpu.memory_space<vmem>>, vector<16xi32>,
      tpu.vector_store %arg13[%swap3A_768, %swap3A_769], %add3A_767 {strides = array<i32>} : memref<32x128xi32, #tpu.memory_space<vmem>>, vector<16xi32>,
      %get3A_771 = arith.constant 0 : i32
      %get3A_772 = arith.index_cast %get3A_771 : i32 to index
      %get3A_773 = arith.constant 32 : index
      %get3A_774 = tpu.vector_load %arg10[%get3A_772, %get3A_773] {strides = array<i32>} : memref<4x128xi32, #tpu.memory_space<vmem>>, vector<16xi32>,
      %shift_right_arithmetic3A_775 = arith.constant 17 : i32
      %shift_right_arithmetic3A_776 = vector.broadcast %shift_right_arithmetic3A_775 : i32 to vector<16xi32>
      %shift_right_arithmetic3A_777 = arith.shrsi %get3A_774, %shift_right_arithmetic3A_776 : vector<16xi32>
      %mul3A_778 = arith.constant 1048576 : i32
      %mul3A_779 = vector.broadcast %mul3A_778 : i32 to vector<16xi32>
      %mul3A_780 = arith.muli %shift_right_arithmetic3A_777, %mul3A_779 : vector<16xi32>
      %and3A_781 = arith.constant 131071 : i32
      %and3A_782 = vector.broadcast %and3A_781 : i32 to vector<16xi32>
      %and3A_783 = arith.andi %get3A_774, %and3A_782 : vector<16xi32>
      %add3A_784 = arith.addi %mul3A_780, %and3A_783 : vector<16xi32>
      %add3A_785 = vector.broadcast %add3A_694 : i32 to vector<16xi32>
      %add3A_786 = arith.addi %add3A_784, %add3A_785 : vector<16xi32>
      %swap3A_787 = arith.index_cast %scan3A_687 : i32 to index
      %swap3A_788 = arith.constant 32 : index
      %swap3A_789 = tpu.vector_load %arg12[%swap3A_787, %swap3A_788] {strides = array<i32>} : memref<32x128xi32, #tpu.memory_space<vmem>>, vector<16xi32>,
      tpu.vector_store %arg12[%swap3A_787, %swap3A_788], %add3A_786 {strides = array<i32>} : memref<32x128xi32, #tpu.memory_space<vmem>>, vector<16xi32>,
      %get3A_790 = arith.constant 0 : i32
      %get3A_791 = arith.index_cast %get3A_790 : i32 to index
      %get3A_792 = arith.constant 32 : index
      %get3A_793 = tpu.vector_load %arg11[%get3A_791, %get3A_792] {strides = array<i32>} : memref<4x128xi32, #tpu.memory_space<vmem>>, vector<16xi32>,
      %shift_right_arithmetic3A_794 = arith.constant 17 : i32
      %shift_right_arithmetic3A_795 = vector.broadcast %shift_right_arithmetic3A_794 : i32 to vector<16xi32>
      %shift_right_arithmetic3A_796 = arith.shrsi %get3A_793, %shift_right_arithmetic3A_795 : vector<16xi32>
      %mul3A_797 = arith.constant 1048576 : i32
      %mul3A_798 = vector.broadcast %mul3A_797 : i32 to vector<16xi32>
      %mul3A_799 = arith.muli %shift_right_arithmetic3A_796, %mul3A_798 : vector<16xi32>
      %and3A_800 = arith.constant 131071 : i32
      %and3A_801 = vector.broadcast %and3A_800 : i32 to vector<16xi32>
      %and3A_802 = arith.andi %get3A_793, %and3A_801 : vector<16xi32>
      %add3A_803 = arith.addi %mul3A_799, %and3A_802 : vector<16xi32>
      %add3A_804 = vector.broadcast %add3A_694 : i32 to vector<16xi32>
      %add3A_805 = arith.addi %add3A_803, %add3A_804 : vector<16xi32>
      %swap3A_806 = arith.index_cast %scan3A_687 : i32 to index
      %swap3A_807 = arith.constant 32 : index
      %swap3A_808 = tpu.vector_load %arg13[%swap3A_806, %swap3A_807] {strides = array<i32>} : memref<32x128xi32, #tpu.memory_space<vmem>>, vector<16xi32>,
      tpu.vector_store %arg13[%swap3A_806, %swap3A_807], %add3A_805 {strides = array<i32>} : memref<32x128xi32, #tpu.memory_space<vmem>>, vector<16xi32>,
      %get3A_809 = arith.constant 0 : i32
      %get3A_810 = arith.index_cast %get3A_809 : i32 to index
      %get3A_811 = arith.constant 48 : index
      %get3A_812 = tpu.vector_load %arg10[%get3A_810, %get3A_811] {strides = array<i32>} : memref<4x128xi32, #tpu.memory_space<vmem>>, vector<16xi32>,
      %shift_right_arithmetic3A_813 = arith.constant 17 : i32
      %shift_right_arithmetic3A_814 = vector.broadcast %shift_right_arithmetic3A_813 : i32 to vector<16xi32>
      %shift_right_arithmetic3A_815 = arith.shrsi %get3A_812, %shift_right_arithmetic3A_814 : vector<16xi32>
      %mul3A_816 = arith.constant 1048576 : i32
      %mul3A_817 = vector.broadcast %mul3A_816 : i32 to vector<16xi32>
      %mul3A_818 = arith.muli %shift_right_arithmetic3A_815, %mul3A_817 : vector<16xi32>
      %and3A_819 = arith.constant 131071 : i32
      %and3A_820 = vector.broadcast %and3A_819 : i32 to vector<16xi32>
      %and3A_821 = arith.andi %get3A_812, %and3A_820 : vector<16xi32>
      %add3A_822 = arith.addi %mul3A_818, %and3A_821 : vector<16xi32>
      %add3A_823 = vector.broadcast %add3A_694 : i32 to vector<16xi32>
      %add3A_824 = arith.addi %add3A_822, %add3A_823 : vector<16xi32>
      %swap3A_825 = arith.index_cast %scan3A_687 : i32 to index
      %swap3A_826 = arith.constant 48 : index
      %swap3A_827 = tpu.vector_load %arg12[%swap3A_825, %swap3A_826] {strides = array<i32>} : memref<32x128xi32, #tpu.memory_space<vmem>>, vector<16xi32>,
      tpu.vector_store %arg12[%swap3A_825, %swap3A_826], %add3A_824 {strides = array<i32>} : memref<32x128xi32, #tpu.memory_space<vmem>>, vector<16xi32>,
      %get3A_828 = arith.constant 0 : i32
      %get3A_829 = arith.index_cast %get3A_828 : i32 to index
      %get3A_830 = arith.constant 48 : index
      %get3A_831 = tpu.vector_load %arg11[%get3A_829, %get3A_830] {strides = array<i32>} : memref<4x128xi32, #tpu.memory_space<vmem>>, vector<16xi32>,
      %shift_right_arithmetic3A_832 = arith.constant 17 : i32
      %shift_right_arithmetic3A_833 = vector.broadcast %shift_right_arithmetic3A_832 : i32 to vector<16xi32>
      %shift_right_arithmetic3A_834 = arith.shrsi %get3A_831, %shift_right_arithmetic3A_833 : vector<16xi32>
      %mul3A_835 = arith.constant 1048576 : i32
      %mul3A_836 = vector.broadcast %mul3A_835 : i32 to vector<16xi32>
      %mul3A_837 = arith.muli %shift_right_arithmetic3A_834, %mul3A_836 : vector<16xi32>
      %and3A_838 = arith.constant 131071 : i32
      %and3A_839 = vector.broadcast %and3A_838 : i32 to vector<16xi32>
      %and3A_840 = arith.andi %get3A_831, %and3A_839 : vector<16xi32>
      %add3A_841 = arith.addi %mul3A_837, %and3A_840 : vector<16xi32>
      %add3A_842 = vector.broadcast %add3A_694 : i32 to vector<16xi32>
      %add3A_843 = arith.addi %add3A_841, %add3A_842 : vector<16xi32>
      %swap3A_844 = arith.index_cast %scan3A_687 : i32 to index
      %swap3A_845 = arith.constant 48 : index
      %swap3A_846 = tpu.vector_load %arg13[%swap3A_844, %swap3A_845] {strides = array<i32>} : memref<32x128xi32, #tpu.memory_space<vmem>>, vector<16xi32>,
      tpu.vector_store %arg13[%swap3A_844, %swap3A_845], %add3A_843 {strides = array<i32>} : memref<32x128xi32, #tpu.memory_space<vmem>>, vector<16xi32>,
      %get3A_847 = arith.constant 0 : i32
      %get3A_848 = arith.index_cast %get3A_847 : i32 to index
      %get3A_849 = arith.constant 64 : index
      %get3A_850 = tpu.vector_load %arg10[%get3A_848, %get3A_849] {strides = array<i32>} : memref<4x128xi32, #tpu.memory_space<vmem>>, vector<16xi32>,
      %shift_right_arithmetic3A_851 = arith.constant 17 : i32
      %shift_right_arithmetic3A_852 = vector.broadcast %shift_right_arithmetic3A_851 : i32 to vector<16xi32>
      %shift_right_arithmetic3A_853 = arith.shrsi %get3A_850, %shift_right_arithmetic3A_852 : vector<16xi32>
      %mul3A_854 = arith.constant 1048576 : i32
      %mul3A_855 = vector.broadcast %mul3A_854 : i32 to vector<16xi32>
      %mul3A_856 = arith.muli %shift_right_arithmetic3A_853, %mul3A_855 : vector<16xi32>
      %and3A_857 = arith.constant 131071 : i32
      %and3A_858 = vector.broadcast %and3A_857 : i32 to vector<16xi32>
      %and3A_859 = arith.andi %get3A_850, %and3A_858 : vector<16xi32>
      %add3A_860 = arith.addi %mul3A_856, %and3A_859 : vector<16xi32>
      %add3A_861 = vector.broadcast %add3A_694 : i32 to vector<16xi32>
      %add3A_862 = arith.addi %add3A_860, %add3A_861 : vector<16xi32>
      %swap3A_863 = arith.index_cast %scan3A_687 : i32 to index
      %swap3A_864 = arith.constant 64 : index
      %swap3A_865 = tpu.vector_load %arg12[%swap3A_863, %swap3A_864] {strides = array<i32>} : memref<32x128xi32, #tpu.memory_space<vmem>>, vector<16xi32>,
      tpu.vector_store %arg12[%swap3A_863, %swap3A_864], %add3A_862 {strides = array<i32>} : memref<32x128xi32, #tpu.memory_space<vmem>>, vector<16xi32>,
      %get3A_866 = arith.constant 0 : i32
      %get3A_867 = arith.index_cast %get3A_866 : i32 to index
      %get3A_868 = arith.constant 64 : index
      %get3A_869 = tpu.vector_load %arg11[%get3A_867, %get3A_868] {strides = array<i32>} : memref<4x128xi32, #tpu.memory_space<vmem>>, vector<16xi32>,
      %shift_right_arithmetic3A_870 = arith.constant 17 : i32
      %shift_right_arithmetic3A_871 = vector.broadcast %shift_right_arithmetic3A_870 : i32 to vector<16xi32>
      %shift_right_arithmetic3A_872 = arith.shrsi %get3A_869, %shift_right_arithmetic3A_871 : vector<16xi32>
      %mul3A_873 = arith.constant 1048576 : i32
      %mul3A_874 = vector.broadcast %mul3A_873 : i32 to vector<16xi32>
      %mul3A_875 = arith.muli %shift_right_arithmetic3A_872, %mul3A_874 : vector<16xi32>
      %and3A_876 = arith.constant 131071 : i32
      %and3A_877 = vector.broadcast %and3A_876 : i32 to vector<16xi32>
      %and3A_878 = arith.andi %get3A_869, %and3A_877 : vector<16xi32>
      %add3A_879 = arith.addi %mul3A_875, %and3A_878 : vector<16xi32>
      %add3A_880 = vector.broadcast %add3A_694 : i32 to vector<16xi32>
      %add3A_881 = arith.addi %add3A_879, %add3A_880 : vector<16xi32>
      %swap3A_882 = arith.index_cast %scan3A_687 : i32 to index
      %swap3A_883 = arith.constant 64 : index
      %swap3A_884 = tpu.vector_load %arg13[%swap3A_882, %swap3A_883] {strides = array<i32>} : memref<32x128xi32, #tpu.memory_space<vmem>>, vector<16xi32>,
      tpu.vector_store %arg13[%swap3A_882, %swap3A_883], %add3A_881 {strides = array<i32>} : memref<32x128xi32, #tpu.memory_space<vmem>>, vector<16xi32>,
      %get3A_885 = arith.constant 0 : i32
      %get3A_886 = arith.index_cast %get3A_885 : i32 to index
      %get3A_887 = arith.constant 80 : index
      %get3A_888 = tpu.vector_load %arg10[%get3A_886, %get3A_887] {strides = array<i32>} : memref<4x128xi32, #tpu.memory_space<vmem>>, vector<16xi32>,
      %shift_right_arithmetic3A_889 = arith.constant 17 : i32
      %shift_right_arithmetic3A_890 = vector.broadcast %shift_right_arithmetic3A_889 : i32 to vector<16xi32>
      %shift_right_arithmetic3A_891 = arith.shrsi %get3A_888, %shift_right_arithmetic3A_890 : vector<16xi32>
      %mul3A_892 = arith.constant 1048576 : i32
      %mul3A_893 = vector.broadcast %mul3A_892 : i32 to vector<16xi32>
      %mul3A_894 = arith.muli %shift_right_arithmetic3A_891, %mul3A_893 : vector<16xi32>
      %and3A_895 = arith.constant 131071 : i32
      %and3A_896 = vector.broadcast %and3A_895 : i32 to vector<16xi32>
      %and3A_897 = arith.andi %get3A_888, %and3A_896 : vector<16xi32>
      %add3A_898 = arith.addi %mul3A_894, %and3A_897 : vector<16xi32>
      %add3A_899 = vector.broadcast %add3A_694 : i32 to vector<16xi32>
      %add3A_900 = arith.addi %add3A_898, %add3A_899 : vector<16xi32>
      %swap3A_901 = arith.index_cast %scan3A_687 : i32 to index
      %swap3A_902 = arith.constant 80 : index
      %swap3A_903 = tpu.vector_load %arg12[%swap3A_901, %swap3A_902] {strides = array<i32>} : memref<32x128xi32, #tpu.memory_space<vmem>>, vector<16xi32>,
      tpu.vector_store %arg12[%swap3A_901, %swap3A_902], %add3A_900 {strides = array<i32>} : memref<32x128xi32, #tpu.memory_space<vmem>>, vector<16xi32>,
      %get3A_904 = arith.constant 0 : i32
      %get3A_905 = arith.index_cast %get3A_904 : i32 to index
      %get3A_906 = arith.constant 80 : index
      %get3A_907 = tpu.vector_load %arg11[%get3A_905, %get3A_906] {strides = array<i32>} : memref<4x128xi32, #tpu.memory_space<vmem>>, vector<16xi32>,
      %shift_right_arithmetic3A_908 = arith.constant 17 : i32
      %shift_right_arithmetic3A_909 = vector.broadcast %shift_right_arithmetic3A_908 : i32 to vector<16xi32>
      %shift_right_arithmetic3A_910 = arith.shrsi %get3A_907, %shift_right_arithmetic3A_909 : vector<16xi32>
      %mul3A_911 = arith.constant 1048576 : i32
      %mul3A_912 = vector.broadcast %mul3A_911 : i32 to vector<16xi32>
      %mul3A_913 = arith.muli %shift_right_arithmetic3A_910, %mul3A_912 : vector<16xi32>
      %and3A_914 = arith.constant 131071 : i32
      %and3A_915 = vector.broadcast %and3A_914 : i32 to vector<16xi32>
      %and3A_916 = arith.andi %get3A_907, %and3A_915 : vector<16xi32>
      %add3A_917 = arith.addi %mul3A_913, %and3A_916 : vector<16xi32>
      %add3A_918 = vector.broadcast %add3A_694 : i32 to vector<16xi32>
      %add3A_919 = arith.addi %add3A_917, %add3A_918 : vector<16xi32>
      %swap3A_920 = arith.index_cast %scan3A_687 : i32 to index
      %swap3A_921 = arith.constant 80 : index
      %swap3A_922 = tpu.vector_load %arg13[%swap3A_920, %swap3A_921] {strides = array<i32>} : memref<32x128xi32, #tpu.memory_space<vmem>>, vector<16xi32>,
      tpu.vector_store %arg13[%swap3A_920, %swap3A_921], %add3A_919 {strides = array<i32>} : memref<32x128xi32, #tpu.memory_space<vmem>>, vector<16xi32>,
      %get3A_923 = arith.constant 0 : i32
      %get3A_924 = arith.index_cast %get3A_923 : i32 to index
      %get3A_925 = arith.constant 96 : index
      %get3A_926 = tpu.vector_load %arg10[%get3A_924, %get3A_925] {strides = array<i32>} : memref<4x128xi32, #tpu.memory_space<vmem>>, vector<16xi32>,
      %shift_right_arithmetic3A_927 = arith.constant 17 : i32
      %shift_right_arithmetic3A_928 = vector.broadcast %shift_right_arithmetic3A_927 : i32 to vector<16xi32>
      %shift_right_arithmetic3A_929 = arith.shrsi %get3A_926, %shift_right_arithmetic3A_928 : vector<16xi32>
      %mul3A_930 = arith.constant 1048576 : i32
      %mul3A_931 = vector.broadcast %mul3A_930 : i32 to vector<16xi32>
      %mul3A_932 = arith.muli %shift_right_arithmetic3A_929, %mul3A_931 : vector<16xi32>
      %and3A_933 = arith.constant 131071 : i32
      %and3A_934 = vector.broadcast %and3A_933 : i32 to vector<16xi32>
      %and3A_935 = arith.andi %get3A_926, %and3A_934 : vector<16xi32>
      %add3A_936 = arith.addi %mul3A_932, %and3A_935 : vector<16xi32>
      %add3A_937 = vector.broadcast %add3A_694 : i32 to vector<16xi32>
      %add3A_938 = arith.addi %add3A_936, %add3A_937 : vector<16xi32>
      %swap3A_939 = arith.index_cast %scan3A_687 : i32 to index
      %swap3A_940 = arith.constant 96 : index
      %swap3A_941 = tpu.vector_load %arg12[%swap3A_939, %swap3A_940] {strides = array<i32>} : memref<32x128xi32, #tpu.memory_space<vmem>>, vector<16xi32>,
      tpu.vector_store %arg12[%swap3A_939, %swap3A_940], %add3A_938 {strides = array<i32>} : memref<32x128xi32, #tpu.memory_space<vmem>>, vector<16xi32>,
      %get3A_942 = arith.constant 0 : i32
      %get3A_943 = arith.index_cast %get3A_942 : i32 to index
      %get3A_944 = arith.constant 96 : index
      %get3A_945 = tpu.vector_load %arg11[%get3A_943, %get3A_944] {strides = array<i32>} : memref<4x128xi32, #tpu.memory_space<vmem>>, vector<16xi32>,
      %shift_right_arithmetic3A_946 = arith.constant 17 : i32
      %shift_right_arithmetic3A_947 = vector.broadcast %shift_right_arithmetic3A_946 : i32 to vector<16xi32>
      %shift_right_arithmetic3A_948 = arith.shrsi %get3A_945, %shift_right_arithmetic3A_947 : vector<16xi32>
      %mul3A_949 = arith.constant 1048576 : i32
      %mul3A_950 = vector.broadcast %mul3A_949 : i32 to vector<16xi32>
      %mul3A_951 = arith.muli %shift_right_arithmetic3A_948, %mul3A_950 : vector<16xi32>
      %and3A_952 = arith.constant 131071 : i32
      %and3A_953 = vector.broadcast %and3A_952 : i32 to vector<16xi32>
      %and3A_954 = arith.andi %get3A_945, %and3A_953 : vector<16xi32>
      %add3A_955 = arith.addi %mul3A_951, %and3A_954 : vector<16xi32>
      %add3A_956 = vector.broadcast %add3A_694 : i32 to vector<16xi32>
      %add3A_957 = arith.addi %add3A_955, %add3A_956 : vector<16xi32>
      %swap3A_958 = arith.index_cast %scan3A_687 : i32 to index
      %swap3A_959 = arith.constant 96 : index
      %swap3A_960 = tpu.vector_load %arg13[%swap3A_958, %swap3A_959] {strides = array<i32>} : memref<32x128xi32, #tpu.memory_space<vmem>>, vector<16xi32>,
      tpu.vector_store %arg13[%swap3A_958, %swap3A_959], %add3A_957 {strides = array<i32>} : memref<32x128xi32, #tpu.memory_space<vmem>>, vector<16xi32>,
      %get3A_961 = arith.constant 0 : i32
      %get3A_962 = arith.index_cast %get3A_961 : i32 to index
      %get3A_963 = arith.constant 112 : index
      %get3A_964 = tpu.vector_load %arg10[%get3A_962, %get3A_963] {strides = array<i32>} : memref<4x128xi32, #tpu.memory_space<vmem>>, vector<16xi32>,
      %shift_right_arithmetic3A_965 = arith.constant 17 : i32
      %shift_right_arithmetic3A_966 = vector.broadcast %shift_right_arithmetic3A_965 : i32 to vector<16xi32>
      %shift_right_arithmetic3A_967 = arith.shrsi %get3A_964, %shift_right_arithmetic3A_966 : vector<16xi32>
      %mul3A_968 = arith.constant 1048576 : i32
      %mul3A_969 = vector.broadcast %mul3A_968 : i32 to vector<16xi32>
      %mul3A_970 = arith.muli %shift_right_arithmetic3A_967, %mul3A_969 : vector<16xi32>
      %and3A_971 = arith.constant 131071 : i32
      %and3A_972 = vector.broadcast %and3A_971 : i32 to vector<16xi32>
      %and3A_973 = arith.andi %get3A_964, %and3A_972 : vector<16xi32>
      %add3A_974 = arith.addi %mul3A_970, %and3A_973 : vector<16xi32>
      %add3A_975 = vector.broadcast %add3A_694 : i32 to vector<16xi32>
      %add3A_976 = arith.addi %add3A_974, %add3A_975 : vector<16xi32>
      %swap3A_977 = arith.index_cast %scan3A_687 : i32 to index
      %swap3A_978 = arith.constant 112 : index
      %swap3A_979 = tpu.vector_load %arg12[%swap3A_977, %swap3A_978] {strides = array<i32>} : memref<32x128xi32, #tpu.memory_space<vmem>>, vector<16xi32>,
      tpu.vector_store %arg12[%swap3A_977, %swap3A_978], %add3A_976 {strides = array<i32>} : memref<32x128xi32, #tpu.memory_space<vmem>>, vector<16xi32>,
      %get3A_980 = arith.constant 0 : i32
      %get3A_981 = arith.index_cast %get3A_980 : i32 to index
      %get3A_982 = arith.constant 112 : index
      %get3A_983 = tpu.vector_load %arg11[%get3A_981, %get3A_982] {strides = array<i32>} : memref<4x128xi32, #tpu.memory_space<vmem>>, vector<16xi32>,
      %shift_right_arithmetic3A_984 = arith.constant 17 : i32
      %shift_right_arithmetic3A_985 = vector.broadcast %shift_right_arithmetic3A_984 : i32 to vector<16xi32>
      %shift_right_arithmetic3A_986 = arith.shrsi %get3A_983, %shift_right_arithmetic3A_985 : vector<16xi32>
      %mul3A_987 = arith.constant 1048576 : i32
      %mul3A_988 = vector.broadcast %mul3A_987 : i32 to vector<16xi32>
      %mul3A_989 = arith.muli %shift_right_arithmetic3A_986, %mul3A_988 : vector<16xi32>
      %and3A_990 = arith.constant 131071 : i32
      %and3A_991 = vector.broadcast %and3A_990 : i32 to vector<16xi32>
      %and3A_992 = arith.andi %get3A_983, %and3A_991 : vector<16xi32>
      %add3A_993 = arith.addi %mul3A_989, %and3A_992 : vector<16xi32>
      %add3A_994 = vector.broadcast %add3A_694 : i32 to vector<16xi32>
      %add3A_995 = arith.addi %add3A_993, %add3A_994 : vector<16xi32>
      %swap3A_996 = arith.index_cast %scan3A_687 : i32 to index
      %swap3A_997 = arith.constant 112 : index
      %swap3A_998 = tpu.vector_load %arg13[%swap3A_996, %swap3A_997] {strides = array<i32>} : memref<32x128xi32, #tpu.memory_space<vmem>>, vector<16xi32>,
      tpu.vector_store %arg13[%swap3A_996, %swap3A_997], %add3A_995 {strides = array<i32>} : memref<32x128xi32, #tpu.memory_space<vmem>>, vector<16xi32>,
    }
    %scan3A_71 = arith.constant 32 : i32
    %scan3A_72 = arith.constant 0 : i32
    %scan3A_73 = arith.constant 0 : i32
    %scan3A_74 = arith.constant 32 : i32
    %scan3A_75 = arith.addi %scan3A_73, %scan3A_74 : i32
    %scan3A_76 = arith.constant 1 : i32
    scf.for %scan3A_687 = %scan3A_73 to %scan3A_75 step %scan3A_76  : i32 {
      %mul3A_688 = arith.constant 128 : i32
      %mul3A_689 = arith.muli %scan3A_687, %mul3A_688 : i32
      %dma_start3A_690 = tpu.memref_slice %arg14[%mul3A_689] : memref<4096xf32, #tpu.memory_space<vmem>> -> memref<128xf32, #tpu.memory_space<vmem>>
      %dma_start3A_691 = arith.constant 0 : i32
      %dma_start3A_692 = tpu.memref_slice %arg12[%scan3A_687, %dma_start3A_691] : memref<32x128xi32, #tpu.memory_space<vmem>> -> memref<1x128xi32, #tpu.memory_space<vmem>>
      %dma_start3A_693 = tpu.memref_squeeze %dma_start3A_692 : memref<1x128xi32, #tpu.memory_space<vmem>> -> memref<128xi32, #tpu.memory_space<vmem>>
      %dma_start3A_694 = arith.constant 0 : i32
      %dma_start3A_695 = tpu.memref_slice %arg4[%dma_start3A_694] : memref<33554432xf32, #tpu.memory_space<hbm>> -> memref<33554432xf32, #tpu.memory_space<hbm>>
      tpu.enqueue_indirect_dma source(%dma_start3A_695 : memref<33554432xf32, #tpu.memory_space<hbm>>) target(%dma_start3A_690 : memref<128xf32, #tpu.memory_space<vmem>>) offsets(%dma_start3A_693 : memref<128xi32, #tpu.memory_space<vmem>>) semaphore(%arg20 : memref<!tpu.dma_semaphore, #tpu.memory_space<semaphore_mem>>)
      %dma_start3A_696 = tpu.memref_slice %arg15[%mul3A_689] : memref<4096xf32, #tpu.memory_space<vmem>> -> memref<128xf32, #tpu.memory_space<vmem>>
      %dma_start3A_697 = arith.constant 0 : i32
      %dma_start3A_698 = tpu.memref_slice %arg13[%scan3A_687, %dma_start3A_697] : memref<32x128xi32, #tpu.memory_space<vmem>> -> memref<1x128xi32, #tpu.memory_space<vmem>>
      %dma_start3A_699 = tpu.memref_squeeze %dma_start3A_698 : memref<1x128xi32, #tpu.memory_space<vmem>> -> memref<128xi32, #tpu.memory_space<vmem>>
      %dma_start3A_700 = arith.constant 0 : i32
      %dma_start3A_701 = tpu.memref_slice %arg5[%dma_start3A_700] : memref<33554432xf32, #tpu.memory_space<hbm>> -> memref<33554432xf32, #tpu.memory_space<hbm>>
      tpu.enqueue_indirect_dma source(%dma_start3A_701 : memref<33554432xf32, #tpu.memory_space<hbm>>) target(%dma_start3A_696 : memref<128xf32, #tpu.memory_space<vmem>>) offsets(%dma_start3A_699 : memref<128xi32, #tpu.memory_space<vmem>>) semaphore(%arg20 : memref<!tpu.dma_semaphore, #tpu.memory_space<semaphore_mem>>)
      %ge3A = arith.constant 8 : i32
      %ge3A_702 = arith.cmpi sge, %scan3A_687, %ge3A : i32
      %convert_element_type3A = arith.extui %ge3A_702 : i1 to i32
      %cond3A = arith.constant 0 : i32
      %cond3A_703 = arith.cmpi ne, %convert_element_type3A, %cond3A : i32
      scf.if %cond3A_703 {
        %sub3A = arith.constant 8 : i32
        %sub3A_704 = arith.subi %scan3A_687, %sub3A : i32
        %mul3A_705 = arith.constant 128 : i32
        %mul3A_706 = arith.muli %sub3A_704, %mul3A_705 : i32
        %dma_wait3A_707 = tpu.memref_slice %arg14[%mul3A_706] : memref<4096xf32, #tpu.memory_space<vmem>> -> memref<128xf32, #tpu.memory_space<vmem>>
        %dma_wait3A_708 = arith.constant 0 : i32
        %dma_wait3A_709 = tpu.memref_slice %arg12[%sub3A_704, %dma_wait3A_708] : memref<32x128xi32, #tpu.memory_space<vmem>> -> memref<1x128xi32, #tpu.memory_space<vmem>>
        %dma_wait3A_710 = tpu.memref_squeeze %dma_wait3A_709 : memref<1x128xi32, #tpu.memory_space<vmem>> -> memref<128xi32, #tpu.memory_space<vmem>>
        %dma_wait3A_711 = arith.constant 0 : i32
        %dma_wait3A_712 = tpu.memref_slice %arg4[%dma_wait3A_711] : memref<33554432xf32, #tpu.memory_space<hbm>> -> memref<33554432xf32, #tpu.memory_space<hbm>>
        tpu.wait_indirect_dma semaphore(%arg20 : memref<!tpu.dma_semaphore, #tpu.memory_space<semaphore_mem>>) src(%dma_wait3A_712 : memref<33554432xf32, #tpu.memory_space<hbm>>) dst(%dma_wait3A_707 : memref<128xf32, #tpu.memory_space<vmem>>)
        %dma_wait3A_713 = tpu.memref_slice %arg15[%mul3A_706] : memref<4096xf32, #tpu.memory_space<vmem>> -> memref<128xf32, #tpu.memory_space<vmem>>
        %dma_wait3A_714 = arith.constant 0 : i32
        %dma_wait3A_715 = tpu.memref_slice %arg13[%sub3A_704, %dma_wait3A_714] : memref<32x128xi32, #tpu.memory_space<vmem>> -> memref<1x128xi32, #tpu.memory_space<vmem>>
        %dma_wait3A_716 = tpu.memref_squeeze %dma_wait3A_715 : memref<1x128xi32, #tpu.memory_space<vmem>> -> memref<128xi32, #tpu.memory_space<vmem>>
        %dma_wait3A_717 = arith.constant 0 : i32
        %dma_wait3A_718 = tpu.memref_slice %arg5[%dma_wait3A_717] : memref<33554432xf32, #tpu.memory_space<hbm>> -> memref<33554432xf32, #tpu.memory_space<hbm>>
        tpu.wait_indirect_dma semaphore(%arg20 : memref<!tpu.dma_semaphore, #tpu.memory_space<semaphore_mem>>) src(%dma_wait3A_718 : memref<33554432xf32, #tpu.memory_space<hbm>>) dst(%dma_wait3A_713 : memref<128xf32, #tpu.memory_space<vmem>>)
      } else {
      }
    }
    %scan3A_77 = arith.constant 32 : i32
    %scan3A_78 = arith.constant 0 : i32
    %scan3A_79 = arith.constant 24 : i32
    %scan3A_80 = arith.constant 8 : i32
    %scan3A_81 = arith.addi %scan3A_79, %scan3A_80 : i32
    %scan3A_82 = arith.constant 1 : i32
    scf.for %scan3A_687 = %scan3A_79 to %scan3A_81 step %scan3A_82  : i32 {
      %mul3A_688 = arith.constant 128 : i32
      %mul3A_689 = arith.muli %scan3A_687, %mul3A_688 : i32
      %dma_wait3A_690 = tpu.memref_slice %arg14[%mul3A_689] : memref<4096xf32, #tpu.memory_space<vmem>> -> memref<128xf32, #tpu.memory_space<vmem>>
      %dma_wait3A_691 = arith.constant 0 : i32
      %dma_wait3A_692 = tpu.memref_slice %arg12[%scan3A_687, %dma_wait3A_691] : memref<32x128xi32, #tpu.memory_space<vmem>> -> memref<1x128xi32, #tpu.memory_space<vmem>>
      %dma_wait3A_693 = tpu.memref_squeeze %dma_wait3A_692 : memref<1x128xi32, #tpu.memory_space<vmem>> -> memref<128xi32, #tpu.memory_space<vmem>>
      %dma_wait3A_694 = arith.constant 0 : i32
      %dma_wait3A_695 = tpu.memref_slice %arg4[%dma_wait3A_694] : memref<33554432xf32, #tpu.memory_space<hbm>> -> memref<33554432xf32, #tpu.memory_space<hbm>>
      tpu.wait_indirect_dma semaphore(%arg20 : memref<!tpu.dma_semaphore, #tpu.memory_space<semaphore_mem>>) src(%dma_wait3A_695 : memref<33554432xf32, #tpu.memory_space<hbm>>) dst(%dma_wait3A_690 : memref<128xf32, #tpu.memory_space<vmem>>)
      %dma_wait3A_696 = tpu.memref_slice %arg15[%mul3A_689] : memref<4096xf32, #tpu.memory_space<vmem>> -> memref<128xf32, #tpu.memory_space<vmem>>
      %dma_wait3A_697 = arith.constant 0 : i32
      %dma_wait3A_698 = tpu.memref_slice %arg13[%scan3A_687, %dma_wait3A_697] : memref<32x128xi32, #tpu.memory_space<vmem>> -> memref<1x128xi32, #tpu.memory_space<vmem>>
      %dma_wait3A_699 = tpu.memref_squeeze %dma_wait3A_698 : memref<1x128xi32, #tpu.memory_space<vmem>> -> memref<128xi32, #tpu.memory_space<vmem>>
      %dma_wait3A_700 = arith.constant 0 : i32
      %dma_wait3A_701 = tpu.memref_slice %arg5[%dma_wait3A_700] : memref<33554432xf32, #tpu.memory_space<hbm>> -> memref<33554432xf32, #tpu.memory_space<hbm>>
      tpu.wait_indirect_dma semaphore(%arg20 : memref<!tpu.dma_semaphore, #tpu.memory_space<semaphore_mem>>) src(%dma_wait3A_701 : memref<33554432xf32, #tpu.memory_space<hbm>>) dst(%dma_wait3A_696 : memref<128xf32, #tpu.memory_space<vmem>>)
    }
    %scan3A_83 = arith.constant 8 : i32
    %dma_wait3A = arith.constant 0 : i32
    %dma_wait3A_84 = arith.constant 0 : i32
    %dma_wait3A_85 = tpu.memref_slice %arg16[%dma_wait3A_84] : memref<512xf32, #tpu.memory_space<vmem>> -> memref<128xf32, #tpu.memory_space<vmem>>
    %dma_wait3A_86 = arith.constant 0 : i32
    %dma_wait3A_87 = tpu.memref_slice %arg10[%dma_wait3A, %dma_wait3A_86] : memref<4x128xi32, #tpu.memory_space<vmem>> -> memref<1x128xi32, #tpu.memory_space<vmem>>
    %dma_wait3A_88 = tpu.memref_squeeze %dma_wait3A_87 : memref<1x128xi32, #tpu.memory_space<vmem>> -> memref<128xi32, #tpu.memory_space<vmem>>
    %dma_wait3A_89 = arith.constant 0 : i32
    %dma_wait3A_90 = tpu.memref_slice %arg6[%dma_wait3A_89] : memref<1000000xf32, #tpu.memory_space<hbm>> -> memref<1000000xf32, #tpu.memory_space<hbm>>
    tpu.wait_indirect_dma semaphore(%arg20 : memref<!tpu.dma_semaphore, #tpu.memory_space<semaphore_mem>>) src(%dma_wait3A_90 : memref<1000000xf32, #tpu.memory_space<hbm>>) dst(%dma_wait3A_85 : memref<128xf32, #tpu.memory_space<vmem>>)
    %dma_wait3A_91 = arith.constant 0 : i32
    %dma_wait3A_92 = arith.constant 0 : i32
    %dma_wait3A_93 = tpu.memref_slice %arg17[%dma_wait3A_92] : memref<512xf32, #tpu.memory_space<vmem>> -> memref<128xf32, #tpu.memory_space<vmem>>
    %dma_wait3A_94 = arith.constant 0 : i32
    %dma_wait3A_95 = tpu.memref_slice %arg11[%dma_wait3A_91, %dma_wait3A_94] : memref<4x128xi32, #tpu.memory_space<vmem>> -> memref<1x128xi32, #tpu.memory_space<vmem>>
    %dma_wait3A_96 = tpu.memref_squeeze %dma_wait3A_95 : memref<1x128xi32, #tpu.memory_space<vmem>> -> memref<128xi32, #tpu.memory_space<vmem>>
    %dma_wait3A_97 = arith.constant 0 : i32
    %dma_wait3A_98 = tpu.memref_slice %arg7[%dma_wait3A_97] : memref<1000000xf32, #tpu.memory_space<hbm>> -> memref<1000000xf32, #tpu.memory_space<hbm>>
    tpu.wait_indirect_dma semaphore(%arg20 : memref<!tpu.dma_semaphore, #tpu.memory_space<semaphore_mem>>) src(%dma_wait3A_98 : memref<1000000xf32, #tpu.memory_space<hbm>>) dst(%dma_wait3A_93 : memref<128xf32, #tpu.memory_space<vmem>>)
    %dma_wait3A_99 = arith.constant 1 : i32
    %dma_wait3A_100 = arith.constant 128 : i32
    %dma_wait3A_101 = tpu.memref_slice %arg16[%dma_wait3A_100] : memref<512xf32, #tpu.memory_space<vmem>> -> memref<128xf32, #tpu.memory_space<vmem>>
    %dma_wait3A_102 = arith.constant 0 : i32
    %dma_wait3A_103 = tpu.memref_slice %arg10[%dma_wait3A_99, %dma_wait3A_102] : memref<4x128xi32, #tpu.memory_space<vmem>> -> memref<1x128xi32, #tpu.memory_space<vmem>>
    %dma_wait3A_104 = tpu.memref_squeeze %dma_wait3A_103 : memref<1x128xi32, #tpu.memory_space<vmem>> -> memref<128xi32, #tpu.memory_space<vmem>>
    %dma_wait3A_105 = arith.constant 0 : i32
    %dma_wait3A_106 = tpu.memref_slice %arg6[%dma_wait3A_105] : memref<1000000xf32, #tpu.memory_space<hbm>> -> memref<1000000xf32, #tpu.memory_space<hbm>>
    tpu.wait_indirect_dma semaphore(%arg20 : memref<!tpu.dma_semaphore, #tpu.memory_space<semaphore_mem>>) src(%dma_wait3A_106 : memref<1000000xf32, #tpu.memory_space<hbm>>) dst(%dma_wait3A_101 : memref<128xf32, #tpu.memory_space<vmem>>)
    %dma_wait3A_107 = arith.constant 1 : i32
    %dma_wait3A_108 = arith.constant 128 : i32
    %dma_wait3A_109 = tpu.memref_slice %arg17[%dma_wait3A_108] : memref<512xf32, #tpu.memory_space<vmem>> -> memref<128xf32, #tpu.memory_space<vmem>>
    %dma_wait3A_110 = arith.constant 0 : i32
    %dma_wait3A_111 = tpu.memref_slice %arg11[%dma_wait3A_107, %dma_wait3A_110] : memref<4x128xi32, #tpu.memory_space<vmem>> -> memref<1x128xi32, #tpu.memory_space<vmem>>
    %dma_wait3A_112 = tpu.memref_squeeze %dma_wait3A_111 : memref<1x128xi32, #tpu.memory_space<vmem>> -> memref<128xi32, #tpu.memory_space<vmem>>
    %dma_wait3A_113 = arith.constant 0 : i32
    %dma_wait3A_114 = tpu.memref_slice %arg7[%dma_wait3A_113] : memref<1000000xf32, #tpu.memory_space<hbm>> -> memref<1000000xf32, #tpu.memory_space<hbm>>
    tpu.wait_indirect_dma semaphore(%arg20 : memref<!tpu.dma_semaphore, #tpu.memory_space<semaphore_mem>>) src(%dma_wait3A_114 : memref<1000000xf32, #tpu.memory_space<hbm>>) dst(%dma_wait3A_109 : memref<128xf32, #tpu.memory_space<vmem>>)
    %dma_wait3A_115 = arith.constant 2 : i32
    %dma_wait3A_116 = arith.constant 256 : i32
    %dma_wait3A_117 = tpu.memref_slice %arg16[%dma_wait3A_116] : memref<512xf32, #tpu.memory_space<vmem>> -> memref<128xf32, #tpu.memory_space<vmem>>
    %dma_wait3A_118 = arith.constant 0 : i32
    %dma_wait3A_119 = tpu.memref_slice %arg10[%dma_wait3A_115, %dma_wait3A_118] : memref<4x128xi32, #tpu.memory_space<vmem>> -> memref<1x128xi32, #tpu.memory_space<vmem>>
    %dma_wait3A_120 = tpu.memref_squeeze %dma_wait3A_119 : memref<1x128xi32, #tpu.memory_space<vmem>> -> memref<128xi32, #tpu.memory_space<vmem>>
    %dma_wait3A_121 = arith.constant 0 : i32
    %dma_wait3A_122 = tpu.memref_slice %arg6[%dma_wait3A_121] : memref<1000000xf32, #tpu.memory_space<hbm>> -> memref<1000000xf32, #tpu.memory_space<hbm>>
    tpu.wait_indirect_dma semaphore(%arg20 : memref<!tpu.dma_semaphore, #tpu.memory_space<semaphore_mem>>) src(%dma_wait3A_122 : memref<1000000xf32, #tpu.memory_space<hbm>>) dst(%dma_wait3A_117 : memref<128xf32, #tpu.memory_space<vmem>>)
    %dma_wait3A_123 = arith.constant 2 : i32
    %dma_wait3A_124 = arith.constant 256 : i32
    %dma_wait3A_125 = tpu.memref_slice %arg17[%dma_wait3A_124] : memref<512xf32, #tpu.memory_space<vmem>> -> memref<128xf32, #tpu.memory_space<vmem>>
    %dma_wait3A_126 = arith.constant 0 : i32
    %dma_wait3A_127 = tpu.memref_slice %arg11[%dma_wait3A_123, %dma_wait3A_126] : memref<4x128xi32, #tpu.memory_space<vmem>> -> memref<1x128xi32, #tpu.memory_space<vmem>>
    %dma_wait3A_128 = tpu.memref_squeeze %dma_wait3A_127 : memref<1x128xi32, #tpu.memory_space<vmem>> -> memref<128xi32, #tpu.memory_space<vmem>>
    %dma_wait3A_129 = arith.constant 0 : i32
    %dma_wait3A_130 = tpu.memref_slice %arg7[%dma_wait3A_129] : memref<1000000xf32, #tpu.memory_space<hbm>> -> memref<1000000xf32, #tpu.memory_space<hbm>>
    tpu.wait_indirect_dma semaphore(%arg20 : memref<!tpu.dma_semaphore, #tpu.memory_space<semaphore_mem>>) src(%dma_wait3A_130 : memref<1000000xf32, #tpu.memory_space<hbm>>) dst(%dma_wait3A_125 : memref<128xf32, #tpu.memory_space<vmem>>)
    %dma_wait3A_131 = arith.constant 3 : i32
    %dma_wait3A_132 = arith.constant 384 : i32
    %dma_wait3A_133 = tpu.memref_slice %arg16[%dma_wait3A_132] : memref<512xf32, #tpu.memory_space<vmem>> -> memref<128xf32, #tpu.memory_space<vmem>>
    %dma_wait3A_134 = arith.constant 0 : i32
    %dma_wait3A_135 = tpu.memref_slice %arg10[%dma_wait3A_131, %dma_wait3A_134] : memref<4x128xi32, #tpu.memory_space<vmem>> -> memref<1x128xi32, #tpu.memory_space<vmem>>
    %dma_wait3A_136 = tpu.memref_squeeze %dma_wait3A_135 : memref<1x128xi32, #tpu.memory_space<vmem>> -> memref<128xi32, #tpu.memory_space<vmem>>
    %dma_wait3A_137 = arith.constant 0 : i32
    %dma_wait3A_138 = tpu.memref_slice %arg6[%dma_wait3A_137] : memref<1000000xf32, #tpu.memory_space<hbm>> -> memref<1000000xf32, #tpu.memory_space<hbm>>
    tpu.wait_indirect_dma semaphore(%arg20 : memref<!tpu.dma_semaphore, #tpu.memory_space<semaphore_mem>>) src(%dma_wait3A_138 : memref<1000000xf32, #tpu.memory_space<hbm>>) dst(%dma_wait3A_133 : memref<128xf32, #tpu.memory_space<vmem>>)
    %dma_wait3A_139 = arith.constant 3 : i32
    %dma_wait3A_140 = arith.constant 384 : i32
    %dma_wait3A_141 = tpu.memref_slice %arg17[%dma_wait3A_140] : memref<512xf32, #tpu.memory_space<vmem>> -> memref<128xf32, #tpu.memory_space<vmem>>
    %dma_wait3A_142 = arith.constant 0 : i32
    %dma_wait3A_143 = tpu.memref_slice %arg11[%dma_wait3A_139, %dma_wait3A_142] : memref<4x128xi32, #tpu.memory_space<vmem>> -> memref<1x128xi32, #tpu.memory_space<vmem>>
    %dma_wait3A_144 = tpu.memref_squeeze %dma_wait3A_143 : memref<1x128xi32, #tpu.memory_space<vmem>> -> memref<128xi32, #tpu.memory_space<vmem>>
    %dma_wait3A_145 = arith.constant 0 : i32
    %dma_wait3A_146 = tpu.memref_slice %arg7[%dma_wait3A_145] : memref<1000000xf32, #tpu.memory_space<hbm>> -> memref<1000000xf32, #tpu.memory_space<hbm>>
    tpu.wait_indirect_dma semaphore(%arg20 : memref<!tpu.dma_semaphore, #tpu.memory_space<semaphore_mem>>) src(%dma_wait3A_146 : memref<1000000xf32, #tpu.memory_space<hbm>>) dst(%dma_wait3A_141 : memref<128xf32, #tpu.memory_space<vmem>>)
    %broadcast_in_dim3A = arith.constant -65536 : i32
    %broadcast_in_dim3A_147 = vector.broadcast %broadcast_in_dim3A : i32 to vector<16xi32>
    %get3A_148 = arith.constant 0 : index
    %get3A_149 = tpu.vector_load %arg16[%get3A_148] {strides = array<i32>} : memref<512xf32, #tpu.memory_space<vmem>>, vector<16xf32>,
    %get3A_150 = arith.constant 0 : index
    %get3A_151 = tpu.vector_load %arg17[%get3A_150] {strides = array<i32>} : memref<512xf32, #tpu.memory_space<vmem>>, vector<16xf32>,
    %broadcast_in_dim3A_152 = arith.constant 0.000000e+00 : f32
    %broadcast_in_dim3A_153 = vector.broadcast %broadcast_in_dim3A_152 : f32 to vector<16xf32>
    %scan3A_154 = arith.constant 0 : i32
    %scan3A_155 = arith.constant 32 : i32
    %scan3A_156 = arith.addi %scan3A_154, %scan3A_155 : i32
    %scan3A_157 = arith.constant 1 : i32
    %scan3A_158 = scf.for %scan3A_687 = %scan3A_154 to %scan3A_156 step %scan3A_157 iter_args(%scan3A_688 = %broadcast_in_dim3A_153) -> (vector<16xf32>)  : i32 {
      %mul3A_689 = arith.constant 128 : i32
      %mul3A_690 = arith.muli %scan3A_687, %mul3A_689 : i32
      %add3A_691 = arith.constant 0 : i32
      %add3A_692 = arith.addi %mul3A_690, %add3A_691 : i32
      %get3A_693 = arith.index_cast %add3A_692 : i32 to index
      %get3A_694 = tpu.vector_load %arg14[%get3A_693] {strides = array<i32>} : memref<4096xf32, #tpu.memory_space<vmem>>, vector<16xf32>,
      %mul3A_695 = arith.constant 128 : i32
      %mul3A_696 = arith.muli %scan3A_687, %mul3A_695 : i32
      %add3A_697 = arith.constant 0 : i32
      %add3A_698 = arith.addi %mul3A_696, %add3A_697 : i32
      %get3A_699 = arith.index_cast %add3A_698 : i32 to index
      %get3A_700 = tpu.vector_load %arg15[%get3A_699] {strides = array<i32>} : memref<4096xf32, #tpu.memory_space<vmem>>, vector<16xf32>,
      %bitcast3A = vector.bitcast %get3A_694 : vector<16xf32> to vector<16xi32>
      %shift_left3A = arith.constant 16 : i32
      %shift_left3A_701 = vector.broadcast %shift_left3A : i32 to vector<16xi32>
      %shift_left3A_702 = arith.shli %bitcast3A, %shift_left3A_701 : vector<16xi32>
      %bitcast3A_703 = vector.bitcast %shift_left3A_702 : vector<16xi32> to vector<16xf32>
      %and3A = arith.andi %bitcast3A, %broadcast_in_dim3A_147 : vector<16xi32>
      %bitcast3A_704 = vector.bitcast %and3A : vector<16xi32> to vector<16xf32>
      %bitcast3A_705 = vector.bitcast %get3A_700 : vector<16xf32> to vector<16xi32>
      %shift_left3A_706 = arith.constant 16 : i32
      %shift_left3A_707 = vector.broadcast %shift_left3A_706 : i32 to vector<16xi32>
      %shift_left3A_708 = arith.shli %bitcast3A_705, %shift_left3A_707 : vector<16xi32>
      %bitcast3A_709 = vector.bitcast %shift_left3A_708 : vector<16xi32> to vector<16xf32>
      %and3A_710 = arith.andi %bitcast3A_705, %broadcast_in_dim3A_147 : vector<16xi32>
      %bitcast3A_711 = vector.bitcast %and3A_710 : vector<16xi32> to vector<16xf32>
      %add3A_712 = arith.addf %bitcast3A_703, %get3A_149 : vector<16xf32>
      %add3A_713 = arith.addf %bitcast3A_709, %get3A_151 : vector<16xf32>
      %mul3A_714 = arith.mulf %add3A_712, %add3A_713 : vector<16xf32>
      %add3A_715 = arith.addf %scan3A_688, %mul3A_714 : vector<16xf32>
      %add3A_716 = arith.addf %bitcast3A_704, %get3A_149 : vector<16xf32>
      %add3A_717 = arith.addf %bitcast3A_711, %get3A_151 : vector<16xf32>
      %mul3A_718 = arith.mulf %add3A_716, %add3A_717 : vector<16xf32>
      %add3A_719 = arith.addf %add3A_715, %mul3A_718 : vector<16xf32>
      scf.yield %add3A_719 : vector<16xf32>
    }
    %scan3A_159 = arith.constant 32 : i32
    %add3A_160 = arith.addf %scan3A_158, %get3A_66 : vector<16xf32>
    %swap3A = arith.constant 0 : index
    %swap3A_161 = tpu.vector_load %arg18[%swap3A] {strides = array<i32>} : memref<512xf32, #tpu.memory_space<vmem>>, vector<16xf32>,
    tpu.vector_store %arg18[%swap3A], %add3A_160 {strides = array<i32>} : memref<512xf32, #tpu.memory_space<vmem>>, vector<16xf32>,
    %get3A_162 = arith.constant 16 : index
    %get3A_163 = tpu.vector_load %arg16[%get3A_162] {strides = array<i32>} : memref<512xf32, #tpu.memory_space<vmem>>, vector<16xf32>,
    %get3A_164 = arith.constant 16 : index
    %get3A_165 = tpu.vector_load %arg17[%get3A_164] {strides = array<i32>} : memref<512xf32, #tpu.memory_space<vmem>>, vector<16xf32>,
    %broadcast_in_dim3A_166 = arith.constant 0.000000e+00 : f32
    %broadcast_in_dim3A_167 = vector.broadcast %broadcast_in_dim3A_166 : f32 to vector<16xf32>
    %scan3A_168 = arith.constant 0 : i32
    %scan3A_169 = arith.constant 32 : i32
    %scan3A_170 = arith.addi %scan3A_168, %scan3A_169 : i32
    %scan3A_171 = arith.constant 1 : i32
    %scan3A_172 = scf.for %scan3A_687 = %scan3A_168 to %scan3A_170 step %scan3A_171 iter_args(%scan3A_688 = %broadcast_in_dim3A_167) -> (vector<16xf32>)  : i32 {
      %mul3A_689 = arith.constant 128 : i32
      %mul3A_690 = arith.muli %scan3A_687, %mul3A_689 : i32
      %add3A_691 = arith.constant 16 : i32
      %add3A_692 = arith.addi %mul3A_690, %add3A_691 : i32
      %get3A_693 = arith.index_cast %add3A_692 : i32 to index
      %get3A_694 = tpu.vector_load %arg14[%get3A_693] {strides = array<i32>} : memref<4096xf32, #tpu.memory_space<vmem>>, vector<16xf32>,
      %mul3A_695 = arith.constant 128 : i32
      %mul3A_696 = arith.muli %scan3A_687, %mul3A_695 : i32
      %add3A_697 = arith.constant 16 : i32
      %add3A_698 = arith.addi %mul3A_696, %add3A_697 : i32
      %get3A_699 = arith.index_cast %add3A_698 : i32 to index
      %get3A_700 = tpu.vector_load %arg15[%get3A_699] {strides = array<i32>} : memref<4096xf32, #tpu.memory_space<vmem>>, vector<16xf32>,
      %bitcast3A = vector.bitcast %get3A_694 : vector<16xf32> to vector<16xi32>
      %shift_left3A = arith.constant 16 : i32
      %shift_left3A_701 = vector.broadcast %shift_left3A : i32 to vector<16xi32>
      %shift_left3A_702 = arith.shli %bitcast3A, %shift_left3A_701 : vector<16xi32>
      %bitcast3A_703 = vector.bitcast %shift_left3A_702 : vector<16xi32> to vector<16xf32>
      %and3A = arith.andi %bitcast3A, %broadcast_in_dim3A_147 : vector<16xi32>
      %bitcast3A_704 = vector.bitcast %and3A : vector<16xi32> to vector<16xf32>
      %bitcast3A_705 = vector.bitcast %get3A_700 : vector<16xf32> to vector<16xi32>
      %shift_left3A_706 = arith.constant 16 : i32
      %shift_left3A_707 = vector.broadcast %shift_left3A_706 : i32 to vector<16xi32>
      %shift_left3A_708 = arith.shli %bitcast3A_705, %shift_left3A_707 : vector<16xi32>
      %bitcast3A_709 = vector.bitcast %shift_left3A_708 : vector<16xi32> to vector<16xf32>
      %and3A_710 = arith.andi %bitcast3A_705, %broadcast_in_dim3A_147 : vector<16xi32>
      %bitcast3A_711 = vector.bitcast %and3A_710 : vector<16xi32> to vector<16xf32>
      %add3A_712 = arith.addf %bitcast3A_703, %get3A_163 : vector<16xf32>
      %add3A_713 = arith.addf %bitcast3A_709, %get3A_165 : vector<16xf32>
      %mul3A_714 = arith.mulf %add3A_712, %add3A_713 : vector<16xf32>
      %add3A_715 = arith.addf %scan3A_688, %mul3A_714 : vector<16xf32>
      %add3A_716 = arith.addf %bitcast3A_704, %get3A_163 : vector<16xf32>
      %add3A_717 = arith.addf %bitcast3A_711, %get3A_165 : vector<16xf32>
      %mul3A_718 = arith.mulf %add3A_716, %add3A_717 : vector<16xf32>
      %add3A_719 = arith.addf %add3A_715, %mul3A_718 : vector<16xf32>
      scf.yield %add3A_719 : vector<16xf32>
    }
    %scan3A_173 = arith.constant 32 : i32
    %add3A_174 = arith.addf %scan3A_172, %get3A_66 : vector<16xf32>
    %swap3A_175 = arith.constant 16 : index
    %swap3A_176 = tpu.vector_load %arg18[%swap3A_175] {strides = array<i32>} : memref<512xf32, #tpu.memory_space<vmem>>, vector<16xf32>,
    tpu.vector_store %arg18[%swap3A_175], %add3A_174 {strides = array<i32>} : memref<512xf32, #tpu.memory_space<vmem>>, vector<16xf32>,
    %get3A_177 = arith.constant 32 : index
    %get3A_178 = tpu.vector_load %arg16[%get3A_177] {strides = array<i32>} : memref<512xf32, #tpu.memory_space<vmem>>, vector<16xf32>,
    %get3A_179 = arith.constant 32 : index
    %get3A_180 = tpu.vector_load %arg17[%get3A_179] {strides = array<i32>} : memref<512xf32, #tpu.memory_space<vmem>>, vector<16xf32>,
    %broadcast_in_dim3A_181 = arith.constant 0.000000e+00 : f32
    %broadcast_in_dim3A_182 = vector.broadcast %broadcast_in_dim3A_181 : f32 to vector<16xf32>
    %scan3A_183 = arith.constant 0 : i32
    %scan3A_184 = arith.constant 32 : i32
    %scan3A_185 = arith.addi %scan3A_183, %scan3A_184 : i32
    %scan3A_186 = arith.constant 1 : i32
    %scan3A_187 = scf.for %scan3A_687 = %scan3A_183 to %scan3A_185 step %scan3A_186 iter_args(%scan3A_688 = %broadcast_in_dim3A_182) -> (vector<16xf32>)  : i32 {
      %mul3A_689 = arith.constant 128 : i32
      %mul3A_690 = arith.muli %scan3A_687, %mul3A_689 : i32
      %add3A_691 = arith.constant 32 : i32
      %add3A_692 = arith.addi %mul3A_690, %add3A_691 : i32
      %get3A_693 = arith.index_cast %add3A_692 : i32 to index
      %get3A_694 = tpu.vector_load %arg14[%get3A_693] {strides = array<i32>} : memref<4096xf32, #tpu.memory_space<vmem>>, vector<16xf32>,
      %mul3A_695 = arith.constant 128 : i32
      %mul3A_696 = arith.muli %scan3A_687, %mul3A_695 : i32
      %add3A_697 = arith.constant 32 : i32
      %add3A_698 = arith.addi %mul3A_696, %add3A_697 : i32
      %get3A_699 = arith.index_cast %add3A_698 : i32 to index
      %get3A_700 = tpu.vector_load %arg15[%get3A_699] {strides = array<i32>} : memref<4096xf32, #tpu.memory_space<vmem>>, vector<16xf32>,
      %bitcast3A = vector.bitcast %get3A_694 : vector<16xf32> to vector<16xi32>
      %shift_left3A = arith.constant 16 : i32
      %shift_left3A_701 = vector.broadcast %shift_left3A : i32 to vector<16xi32>
      %shift_left3A_702 = arith.shli %bitcast3A, %shift_left3A_701 : vector<16xi32>
      %bitcast3A_703 = vector.bitcast %shift_left3A_702 : vector<16xi32> to vector<16xf32>
      %and3A = arith.andi %bitcast3A, %broadcast_in_dim3A_147 : vector<16xi32>
      %bitcast3A_704 = vector.bitcast %and3A : vector<16xi32> to vector<16xf32>
      %bitcast3A_705 = vector.bitcast %get3A_700 : vector<16xf32> to vector<16xi32>
      %shift_left3A_706 = arith.constant 16 : i32
      %shift_left3A_707 = vector.broadcast %shift_left3A_706 : i32 to vector<16xi32>
      %shift_left3A_708 = arith.shli %bitcast3A_705, %shift_left3A_707 : vector<16xi32>
      %bitcast3A_709 = vector.bitcast %shift_left3A_708 : vector<16xi32> to vector<16xf32>
      %and3A_710 = arith.andi %bitcast3A_705, %broadcast_in_dim3A_147 : vector<16xi32>
      %bitcast3A_711 = vector.bitcast %and3A_710 : vector<16xi32> to vector<16xf32>
      %add3A_712 = arith.addf %bitcast3A_703, %get3A_178 : vector<16xf32>
      %add3A_713 = arith.addf %bitcast3A_709, %get3A_180 : vector<16xf32>
      %mul3A_714 = arith.mulf %add3A_712, %add3A_713 : vector<16xf32>
      %add3A_715 = arith.addf %scan3A_688, %mul3A_714 : vector<16xf32>
      %add3A_716 = arith.addf %bitcast3A_704, %get3A_178 : vector<16xf32>
      %add3A_717 = arith.addf %bitcast3A_711, %get3A_180 : vector<16xf32>
      %mul3A_718 = arith.mulf %add3A_716, %add3A_717 : vector<16xf32>
      %add3A_719 = arith.addf %add3A_715, %mul3A_718 : vector<16xf32>
      scf.yield %add3A_719 : vector<16xf32>
    }
    %scan3A_188 = arith.constant 32 : i32
    %add3A_189 = arith.addf %scan3A_187, %get3A_66 : vector<16xf32>
    %swap3A_190 = arith.constant 32 : index
    %swap3A_191 = tpu.vector_load %arg18[%swap3A_190] {strides = array<i32>} : memref<512xf32, #tpu.memory_space<vmem>>, vector<16xf32>,
    tpu.vector_store %arg18[%swap3A_190], %add3A_189 {strides = array<i32>} : memref<512xf32, #tpu.memory_space<vmem>>, vector<16xf32>,
    %get3A_192 = arith.constant 48 : index
    %get3A_193 = tpu.vector_load %arg16[%get3A_192] {strides = array<i32>} : memref<512xf32, #tpu.memory_space<vmem>>, vector<16xf32>,
    %get3A_194 = arith.constant 48 : index
    %get3A_195 = tpu.vector_load %arg17[%get3A_194] {strides = array<i32>} : memref<512xf32, #tpu.memory_space<vmem>>, vector<16xf32>,
    %broadcast_in_dim3A_196 = arith.constant 0.000000e+00 : f32
    %broadcast_in_dim3A_197 = vector.broadcast %broadcast_in_dim3A_196 : f32 to vector<16xf32>
    %scan3A_198 = arith.constant 0 : i32
    %scan3A_199 = arith.constant 32 : i32
    %scan3A_200 = arith.addi %scan3A_198, %scan3A_199 : i32
    %scan3A_201 = arith.constant 1 : i32
    %scan3A_202 = scf.for %scan3A_687 = %scan3A_198 to %scan3A_200 step %scan3A_201 iter_args(%scan3A_688 = %broadcast_in_dim3A_197) -> (vector<16xf32>)  : i32 {
      %mul3A_689 = arith.constant 128 : i32
      %mul3A_690 = arith.muli %scan3A_687, %mul3A_689 : i32
      %add3A_691 = arith.constant 48 : i32
      %add3A_692 = arith.addi %mul3A_690, %add3A_691 : i32
      %get3A_693 = arith.index_cast %add3A_692 : i32 to index
      %get3A_694 = tpu.vector_load %arg14[%get3A_693] {strides = array<i32>} : memref<4096xf32, #tpu.memory_space<vmem>>, vector<16xf32>,
      %mul3A_695 = arith.constant 128 : i32
      %mul3A_696 = arith.muli %scan3A_687, %mul3A_695 : i32
      %add3A_697 = arith.constant 48 : i32
      %add3A_698 = arith.addi %mul3A_696, %add3A_697 : i32
      %get3A_699 = arith.index_cast %add3A_698 : i32 to index
      %get3A_700 = tpu.vector_load %arg15[%get3A_699] {strides = array<i32>} : memref<4096xf32, #tpu.memory_space<vmem>>, vector<16xf32>,
      %bitcast3A = vector.bitcast %get3A_694 : vector<16xf32> to vector<16xi32>
      %shift_left3A = arith.constant 16 : i32
      %shift_left3A_701 = vector.broadcast %shift_left3A : i32 to vector<16xi32>
      %shift_left3A_702 = arith.shli %bitcast3A, %shift_left3A_701 : vector<16xi32>
      %bitcast3A_703 = vector.bitcast %shift_left3A_702 : vector<16xi32> to vector<16xf32>
      %and3A = arith.andi %bitcast3A, %broadcast_in_dim3A_147 : vector<16xi32>
      %bitcast3A_704 = vector.bitcast %and3A : vector<16xi32> to vector<16xf32>
      %bitcast3A_705 = vector.bitcast %get3A_700 : vector<16xf32> to vector<16xi32>
      %shift_left3A_706 = arith.constant 16 : i32
      %shift_left3A_707 = vector.broadcast %shift_left3A_706 : i32 to vector<16xi32>
      %shift_left3A_708 = arith.shli %bitcast3A_705, %shift_left3A_707 : vector<16xi32>
      %bitcast3A_709 = vector.bitcast %shift_left3A_708 : vector<16xi32> to vector<16xf32>
      %and3A_710 = arith.andi %bitcast3A_705, %broadcast_in_dim3A_147 : vector<16xi32>
      %bitcast3A_711 = vector.bitcast %and3A_710 : vector<16xi32> to vector<16xf32>
      %add3A_712 = arith.addf %bitcast3A_703, %get3A_193 : vector<16xf32>
      %add3A_713 = arith.addf %bitcast3A_709, %get3A_195 : vector<16xf32>
      %mul3A_714 = arith.mulf %add3A_712, %add3A_713 : vector<16xf32>
      %add3A_715 = arith.addf %scan3A_688, %mul3A_714 : vector<16xf32>
      %add3A_716 = arith.addf %bitcast3A_704, %get3A_193 : vector<16xf32>
      %add3A_717 = arith.addf %bitcast3A_711, %get3A_195 : vector<16xf32>
      %mul3A_718 = arith.mulf %add3A_716, %add3A_717 : vector<16xf32>
      %add3A_719 = arith.addf %add3A_715, %mul3A_718 : vector<16xf32>
      scf.yield %add3A_719 : vector<16xf32>
    }
    %scan3A_203 = arith.constant 32 : i32
    %add3A_204 = arith.addf %scan3A_202, %get3A_66 : vector<16xf32>
    %swap3A_205 = arith.constant 48 : index
    %swap3A_206 = tpu.vector_load %arg18[%swap3A_205] {strides = array<i32>} : memref<512xf32, #tpu.memory_space<vmem>>, vector<16xf32>,
    tpu.vector_store %arg18[%swap3A_205], %add3A_204 {strides = array<i32>} : memref<512xf32, #tpu.memory_space<vmem>>, vector<16xf32>,
    %get3A_207 = arith.constant 64 : index
    %get3A_208 = tpu.vector_load %arg16[%get3A_207] {strides = array<i32>} : memref<512xf32, #tpu.memory_space<vmem>>, vector<16xf32>,
    %get3A_209 = arith.constant 64 : index
    %get3A_210 = tpu.vector_load %arg17[%get3A_209] {strides = array<i32>} : memref<512xf32, #tpu.memory_space<vmem>>, vector<16xf32>,
    %broadcast_in_dim3A_211 = arith.constant 0.000000e+00 : f32
    %broadcast_in_dim3A_212 = vector.broadcast %broadcast_in_dim3A_211 : f32 to vector<16xf32>
    %scan3A_213 = arith.constant 0 : i32
    %scan3A_214 = arith.constant 32 : i32
    %scan3A_215 = arith.addi %scan3A_213, %scan3A_214 : i32
    %scan3A_216 = arith.constant 1 : i32
    %scan3A_217 = scf.for %scan3A_687 = %scan3A_213 to %scan3A_215 step %scan3A_216 iter_args(%scan3A_688 = %broadcast_in_dim3A_212) -> (vector<16xf32>)  : i32 {
      %mul3A_689 = arith.constant 128 : i32
      %mul3A_690 = arith.muli %scan3A_687, %mul3A_689 : i32
      %add3A_691 = arith.constant 64 : i32
      %add3A_692 = arith.addi %mul3A_690, %add3A_691 : i32
      %get3A_693 = arith.index_cast %add3A_692 : i32 to index
      %get3A_694 = tpu.vector_load %arg14[%get3A_693] {strides = array<i32>} : memref<4096xf32, #tpu.memory_space<vmem>>, vector<16xf32>,
      %mul3A_695 = arith.constant 128 : i32
      %mul3A_696 = arith.muli %scan3A_687, %mul3A_695 : i32
      %add3A_697 = arith.constant 64 : i32
      %add3A_698 = arith.addi %mul3A_696, %add3A_697 : i32
      %get3A_699 = arith.index_cast %add3A_698 : i32 to index
      %get3A_700 = tpu.vector_load %arg15[%get3A_699] {strides = array<i32>} : memref<4096xf32, #tpu.memory_space<vmem>>, vector<16xf32>,
      %bitcast3A = vector.bitcast %get3A_694 : vector<16xf32> to vector<16xi32>
      %shift_left3A = arith.constant 16 : i32
      %shift_left3A_701 = vector.broadcast %shift_left3A : i32 to vector<16xi32>
      %shift_left3A_702 = arith.shli %bitcast3A, %shift_left3A_701 : vector<16xi32>
      %bitcast3A_703 = vector.bitcast %shift_left3A_702 : vector<16xi32> to vector<16xf32>
      %and3A = arith.andi %bitcast3A, %broadcast_in_dim3A_147 : vector<16xi32>
      %bitcast3A_704 = vector.bitcast %and3A : vector<16xi32> to vector<16xf32>
      %bitcast3A_705 = vector.bitcast %get3A_700 : vector<16xf32> to vector<16xi32>
      %shift_left3A_706 = arith.constant 16 : i32
      %shift_left3A_707 = vector.broadcast %shift_left3A_706 : i32 to vector<16xi32>
      %shift_left3A_708 = arith.shli %bitcast3A_705, %shift_left3A_707 : vector<16xi32>
      %bitcast3A_709 = vector.bitcast %shift_left3A_708 : vector<16xi32> to vector<16xf32>
      %and3A_710 = arith.andi %bitcast3A_705, %broadcast_in_dim3A_147 : vector<16xi32>
      %bitcast3A_711 = vector.bitcast %and3A_710 : vector<16xi32> to vector<16xf32>
      %add3A_712 = arith.addf %bitcast3A_703, %get3A_208 : vector<16xf32>
      %add3A_713 = arith.addf %bitcast3A_709, %get3A_210 : vector<16xf32>
      %mul3A_714 = arith.mulf %add3A_712, %add3A_713 : vector<16xf32>
      %add3A_715 = arith.addf %scan3A_688, %mul3A_714 : vector<16xf32>
      %add3A_716 = arith.addf %bitcast3A_704, %get3A_208 : vector<16xf32>
      %add3A_717 = arith.addf %bitcast3A_711, %get3A_210 : vector<16xf32>
      %mul3A_718 = arith.mulf %add3A_716, %add3A_717 : vector<16xf32>
      %add3A_719 = arith.addf %add3A_715, %mul3A_718 : vector<16xf32>
      scf.yield %add3A_719 : vector<16xf32>
    }
    %scan3A_218 = arith.constant 32 : i32
    %add3A_219 = arith.addf %scan3A_217, %get3A_66 : vector<16xf32>
    %swap3A_220 = arith.constant 64 : index
    %swap3A_221 = tpu.vector_load %arg18[%swap3A_220] {strides = array<i32>} : memref<512xf32, #tpu.memory_space<vmem>>, vector<16xf32>,
    tpu.vector_store %arg18[%swap3A_220], %add3A_219 {strides = array<i32>} : memref<512xf32, #tpu.memory_space<vmem>>, vector<16xf32>,
    %get3A_222 = arith.constant 80 : index
    %get3A_223 = tpu.vector_load %arg16[%get3A_222] {strides = array<i32>} : memref<512xf32, #tpu.memory_space<vmem>>, vector<16xf32>,
    %get3A_224 = arith.constant 80 : index
    %get3A_225 = tpu.vector_load %arg17[%get3A_224] {strides = array<i32>} : memref<512xf32, #tpu.memory_space<vmem>>, vector<16xf32>,
    %broadcast_in_dim3A_226 = arith.constant 0.000000e+00 : f32
    %broadcast_in_dim3A_227 = vector.broadcast %broadcast_in_dim3A_226 : f32 to vector<16xf32>
    %scan3A_228 = arith.constant 0 : i32
    %scan3A_229 = arith.constant 32 : i32
    %scan3A_230 = arith.addi %scan3A_228, %scan3A_229 : i32
    %scan3A_231 = arith.constant 1 : i32
    %scan3A_232 = scf.for %scan3A_687 = %scan3A_228 to %scan3A_230 step %scan3A_231 iter_args(%scan3A_688 = %broadcast_in_dim3A_227) -> (vector<16xf32>)  : i32 {
      %mul3A_689 = arith.constant 128 : i32
      %mul3A_690 = arith.muli %scan3A_687, %mul3A_689 : i32
      %add3A_691 = arith.constant 80 : i32
      %add3A_692 = arith.addi %mul3A_690, %add3A_691 : i32
      %get3A_693 = arith.index_cast %add3A_692 : i32 to index
      %get3A_694 = tpu.vector_load %arg14[%get3A_693] {strides = array<i32>} : memref<4096xf32, #tpu.memory_space<vmem>>, vector<16xf32>,
      %mul3A_695 = arith.constant 128 : i32
      %mul3A_696 = arith.muli %scan3A_687, %mul3A_695 : i32
      %add3A_697 = arith.constant 80 : i32
      %add3A_698 = arith.addi %mul3A_696, %add3A_697 : i32
      %get3A_699 = arith.index_cast %add3A_698 : i32 to index
      %get3A_700 = tpu.vector_load %arg15[%get3A_699] {strides = array<i32>} : memref<4096xf32, #tpu.memory_space<vmem>>, vector<16xf32>,
      %bitcast3A = vector.bitcast %get3A_694 : vector<16xf32> to vector<16xi32>
      %shift_left3A = arith.constant 16 : i32
      %shift_left3A_701 = vector.broadcast %shift_left3A : i32 to vector<16xi32>
      %shift_left3A_702 = arith.shli %bitcast3A, %shift_left3A_701 : vector<16xi32>
      %bitcast3A_703 = vector.bitcast %shift_left3A_702 : vector<16xi32> to vector<16xf32>
      %and3A = arith.andi %bitcast3A, %broadcast_in_dim3A_147 : vector<16xi32>
      %bitcast3A_704 = vector.bitcast %and3A : vector<16xi32> to vector<16xf32>
      %bitcast3A_705 = vector.bitcast %get3A_700 : vector<16xf32> to vector<16xi32>
      %shift_left3A_706 = arith.constant 16 : i32
      %shift_left3A_707 = vector.broadcast %shift_left3A_706 : i32 to vector<16xi32>
      %shift_left3A_708 = arith.shli %bitcast3A_705, %shift_left3A_707 : vector<16xi32>
      %bitcast3A_709 = vector.bitcast %shift_left3A_708 : vector<16xi32> to vector<16xf32>
      %and3A_710 = arith.andi %bitcast3A_705, %broadcast_in_dim3A_147 : vector<16xi32>
      %bitcast3A_711 = vector.bitcast %and3A_710 : vector<16xi32> to vector<16xf32>
      %add3A_712 = arith.addf %bitcast3A_703, %get3A_223 : vector<16xf32>
      %add3A_713 = arith.addf %bitcast3A_709, %get3A_225 : vector<16xf32>
      %mul3A_714 = arith.mulf %add3A_712, %add3A_713 : vector<16xf32>
      %add3A_715 = arith.addf %scan3A_688, %mul3A_714 : vector<16xf32>
      %add3A_716 = arith.addf %bitcast3A_704, %get3A_223 : vector<16xf32>
      %add3A_717 = arith.addf %bitcast3A_711, %get3A_225 : vector<16xf32>
      %mul3A_718 = arith.mulf %add3A_716, %add3A_717 : vector<16xf32>
      %add3A_719 = arith.addf %add3A_715, %mul3A_718 : vector<16xf32>
      scf.yield %add3A_719 : vector<16xf32>
    }
    %scan3A_233 = arith.constant 32 : i32
    %add3A_234 = arith.addf %scan3A_232, %get3A_66 : vector<16xf32>
    %swap3A_235 = arith.constant 80 : index
    %swap3A_236 = tpu.vector_load %arg18[%swap3A_235] {strides = array<i32>} : memref<512xf32, #tpu.memory_space<vmem>>, vector<16xf32>,
    tpu.vector_store %arg18[%swap3A_235], %add3A_234 {strides = array<i32>} : memref<512xf32, #tpu.memory_space<vmem>>, vector<16xf32>,
    %get3A_237 = arith.constant 96 : index
    %get3A_238 = tpu.vector_load %arg16[%get3A_237] {strides = array<i32>} : memref<512xf32, #tpu.memory_space<vmem>>, vector<16xf32>,
    %get3A_239 = arith.constant 96 : index
    %get3A_240 = tpu.vector_load %arg17[%get3A_239] {strides = array<i32>} : memref<512xf32, #tpu.memory_space<vmem>>, vector<16xf32>,
    %broadcast_in_dim3A_241 = arith.constant 0.000000e+00 : f32
    %broadcast_in_dim3A_242 = vector.broadcast %broadcast_in_dim3A_241 : f32 to vector<16xf32>
    %scan3A_243 = arith.constant 0 : i32
    %scan3A_244 = arith.constant 32 : i32
    %scan3A_245 = arith.addi %scan3A_243, %scan3A_244 : i32
    %scan3A_246 = arith.constant 1 : i32
    %scan3A_247 = scf.for %scan3A_687 = %scan3A_243 to %scan3A_245 step %scan3A_246 iter_args(%scan3A_688 = %broadcast_in_dim3A_242) -> (vector<16xf32>)  : i32 {
      %mul3A_689 = arith.constant 128 : i32
      %mul3A_690 = arith.muli %scan3A_687, %mul3A_689 : i32
      %add3A_691 = arith.constant 96 : i32
      %add3A_692 = arith.addi %mul3A_690, %add3A_691 : i32
      %get3A_693 = arith.index_cast %add3A_692 : i32 to index
      %get3A_694 = tpu.vector_load %arg14[%get3A_693] {strides = array<i32>} : memref<4096xf32, #tpu.memory_space<vmem>>, vector<16xf32>,
      %mul3A_695 = arith.constant 128 : i32
      %mul3A_696 = arith.muli %scan3A_687, %mul3A_695 : i32
      %add3A_697 = arith.constant 96 : i32
      %add3A_698 = arith.addi %mul3A_696, %add3A_697 : i32
      %get3A_699 = arith.index_cast %add3A_698 : i32 to index
      %get3A_700 = tpu.vector_load %arg15[%get3A_699] {strides = array<i32>} : memref<4096xf32, #tpu.memory_space<vmem>>, vector<16xf32>,
      %bitcast3A = vector.bitcast %get3A_694 : vector<16xf32> to vector<16xi32>
      %shift_left3A = arith.constant 16 : i32
      %shift_left3A_701 = vector.broadcast %shift_left3A : i32 to vector<16xi32>
      %shift_left3A_702 = arith.shli %bitcast3A, %shift_left3A_701 : vector<16xi32>
      %bitcast3A_703 = vector.bitcast %shift_left3A_702 : vector<16xi32> to vector<16xf32>
      %and3A = arith.andi %bitcast3A, %broadcast_in_dim3A_147 : vector<16xi32>
      %bitcast3A_704 = vector.bitcast %and3A : vector<16xi32> to vector<16xf32>
      %bitcast3A_705 = vector.bitcast %get3A_700 : vector<16xf32> to vector<16xi32>
      %shift_left3A_706 = arith.constant 16 : i32
      %shift_left3A_707 = vector.broadcast %shift_left3A_706 : i32 to vector<16xi32>
      %shift_left3A_708 = arith.shli %bitcast3A_705, %shift_left3A_707 : vector<16xi32>
      %bitcast3A_709 = vector.bitcast %shift_left3A_708 : vector<16xi32> to vector<16xf32>
      %and3A_710 = arith.andi %bitcast3A_705, %broadcast_in_dim3A_147 : vector<16xi32>
      %bitcast3A_711 = vector.bitcast %and3A_710 : vector<16xi32> to vector<16xf32>
      %add3A_712 = arith.addf %bitcast3A_703, %get3A_238 : vector<16xf32>
      %add3A_713 = arith.addf %bitcast3A_709, %get3A_240 : vector<16xf32>
      %mul3A_714 = arith.mulf %add3A_712, %add3A_713 : vector<16xf32>
      %add3A_715 = arith.addf %scan3A_688, %mul3A_714 : vector<16xf32>
      %add3A_716 = arith.addf %bitcast3A_704, %get3A_238 : vector<16xf32>
      %add3A_717 = arith.addf %bitcast3A_711, %get3A_240 : vector<16xf32>
      %mul3A_718 = arith.mulf %add3A_716, %add3A_717 : vector<16xf32>
      %add3A_719 = arith.addf %add3A_715, %mul3A_718 : vector<16xf32>
      scf.yield %add3A_719 : vector<16xf32>
    }
    %scan3A_248 = arith.constant 32 : i32
    %add3A_249 = arith.addf %scan3A_247, %get3A_66 : vector<16xf32>
    %swap3A_250 = arith.constant 96 : index
    %swap3A_251 = tpu.vector_load %arg18[%swap3A_250] {strides = array<i32>} : memref<512xf32, #tpu.memory_space<vmem>>, vector<16xf32>,
    tpu.vector_store %arg18[%swap3A_250], %add3A_249 {strides = array<i32>} : memref<512xf32, #tpu.memory_space<vmem>>, vector<16xf32>,
    %get3A_252 = arith.constant 112 : index
    %get3A_253 = tpu.vector_load %arg16[%get3A_252] {strides = array<i32>} : memref<512xf32, #tpu.memory_space<vmem>>, vector<16xf32>,
    %get3A_254 = arith.constant 112 : index
    %get3A_255 = tpu.vector_load %arg17[%get3A_254] {strides = array<i32>} : memref<512xf32, #tpu.memory_space<vmem>>, vector<16xf32>,
    %broadcast_in_dim3A_256 = arith.constant 0.000000e+00 : f32
    %broadcast_in_dim3A_257 = vector.broadcast %broadcast_in_dim3A_256 : f32 to vector<16xf32>
    %scan3A_258 = arith.constant 0 : i32
    %scan3A_259 = arith.constant 32 : i32
    %scan3A_260 = arith.addi %scan3A_258, %scan3A_259 : i32
    %scan3A_261 = arith.constant 1 : i32
    %scan3A_262 = scf.for %scan3A_687 = %scan3A_258 to %scan3A_260 step %scan3A_261 iter_args(%scan3A_688 = %broadcast_in_dim3A_257) -> (vector<16xf32>)  : i32 {
      %mul3A_689 = arith.constant 128 : i32
      %mul3A_690 = arith.muli %scan3A_687, %mul3A_689 : i32
      %add3A_691 = arith.constant 112 : i32
      %add3A_692 = arith.addi %mul3A_690, %add3A_691 : i32
      %get3A_693 = arith.index_cast %add3A_692 : i32 to index
      %get3A_694 = tpu.vector_load %arg14[%get3A_693] {strides = array<i32>} : memref<4096xf32, #tpu.memory_space<vmem>>, vector<16xf32>,
      %mul3A_695 = arith.constant 128 : i32
      %mul3A_696 = arith.muli %scan3A_687, %mul3A_695 : i32
      %add3A_697 = arith.constant 112 : i32
      %add3A_698 = arith.addi %mul3A_696, %add3A_697 : i32
      %get3A_699 = arith.index_cast %add3A_698 : i32 to index
      %get3A_700 = tpu.vector_load %arg15[%get3A_699] {strides = array<i32>} : memref<4096xf32, #tpu.memory_space<vmem>>, vector<16xf32>,
      %bitcast3A = vector.bitcast %get3A_694 : vector<16xf32> to vector<16xi32>
      %shift_left3A = arith.constant 16 : i32
      %shift_left3A_701 = vector.broadcast %shift_left3A : i32 to vector<16xi32>
      %shift_left3A_702 = arith.shli %bitcast3A, %shift_left3A_701 : vector<16xi32>
      %bitcast3A_703 = vector.bitcast %shift_left3A_702 : vector<16xi32> to vector<16xf32>
      %and3A = arith.andi %bitcast3A, %broadcast_in_dim3A_147 : vector<16xi32>
      %bitcast3A_704 = vector.bitcast %and3A : vector<16xi32> to vector<16xf32>
      %bitcast3A_705 = vector.bitcast %get3A_700 : vector<16xf32> to vector<16xi32>
      %shift_left3A_706 = arith.constant 16 : i32
      %shift_left3A_707 = vector.broadcast %shift_left3A_706 : i32 to vector<16xi32>
      %shift_left3A_708 = arith.shli %bitcast3A_705, %shift_left3A_707 : vector<16xi32>
      %bitcast3A_709 = vector.bitcast %shift_left3A_708 : vector<16xi32> to vector<16xf32>
      %and3A_710 = arith.andi %bitcast3A_705, %broadcast_in_dim3A_147 : vector<16xi32>
      %bitcast3A_711 = vector.bitcast %and3A_710 : vector<16xi32> to vector<16xf32>
      %add3A_712 = arith.addf %bitcast3A_703, %get3A_253 : vector<16xf32>
      %add3A_713 = arith.addf %bitcast3A_709, %get3A_255 : vector<16xf32>
      %mul3A_714 = arith.mulf %add3A_712, %add3A_713 : vector<16xf32>
      %add3A_715 = arith.addf %scan3A_688, %mul3A_714 : vector<16xf32>
      %add3A_716 = arith.addf %bitcast3A_704, %get3A_253 : vector<16xf32>
      %add3A_717 = arith.addf %bitcast3A_711, %get3A_255 : vector<16xf32>
      %mul3A_718 = arith.mulf %add3A_716, %add3A_717 : vector<16xf32>
      %add3A_719 = arith.addf %add3A_715, %mul3A_718 : vector<16xf32>
      scf.yield %add3A_719 : vector<16xf32>
    }
    %scan3A_263 = arith.constant 32 : i32
    %add3A_264 = arith.addf %scan3A_262, %get3A_66 : vector<16xf32>
    %swap3A_265 = arith.constant 112 : index
    %swap3A_266 = tpu.vector_load %arg18[%swap3A_265] {strides = array<i32>} : memref<512xf32, #tpu.memory_space<vmem>>, vector<16xf32>,
    tpu.vector_store %arg18[%swap3A_265], %add3A_264 {strides = array<i32>} : memref<512xf32, #tpu.memory_space<vmem>>, vector<16xf32>,
    %scan3A_267 = arith.constant 0 : i32
    %scan3A_268 = arith.constant 0 : i32
    %scan3A_269 = arith.constant 32 : i32
    %scan3A_270 = arith.addi %scan3A_268, %scan3A_269 : i32
    %scan3A_271 = arith.constant 1 : i32
    scf.for %scan3A_687 = %scan3A_268 to %scan3A_270 step %scan3A_271  : i32 {
      %shift_right_arithmetic3A = arith.constant 3 : i32
      %shift_right_arithmetic3A_688 = arith.shrsi %scan3A_687, %shift_right_arithmetic3A : i32
      %mul3A_689 = arith.constant 8388608 : i32
      %mul3A_690 = arith.muli %shift_right_arithmetic3A_688, %mul3A_689 : i32
      %and3A = arith.constant 7 : i32
      %and3A_691 = arith.andi %scan3A_687, %and3A : i32
      %mul3A_692 = arith.constant 131072 : i32
      %mul3A_693 = arith.muli %and3A_691, %mul3A_692 : i32
      %add3A_694 = arith.addi %mul3A_690, %mul3A_693 : i32
      %get3A_695 = arith.constant 1 : i32
      %get3A_696 = arith.index_cast %get3A_695 : i32 to index
      %get3A_697 = arith.constant 0 : index
      %get3A_698 = tpu.vector_load %arg10[%get3A_696, %get3A_697] {strides = array<i32>} : memref<4x128xi32, #tpu.memory_space<vmem>>, vector<16xi32>,
      %shift_right_arithmetic3A_699 = arith.constant 17 : i32
      %shift_right_arithmetic3A_700 = vector.broadcast %shift_right_arithmetic3A_699 : i32 to vector<16xi32>
      %shift_right_arithmetic3A_701 = arith.shrsi %get3A_698, %shift_right_arithmetic3A_700 : vector<16xi32>
      %mul3A_702 = arith.constant 1048576 : i32
      %mul3A_703 = vector.broadcast %mul3A_702 : i32 to vector<16xi32>
      %mul3A_704 = arith.muli %shift_right_arithmetic3A_701, %mul3A_703 : vector<16xi32>
      %and3A_705 = arith.constant 131071 : i32
      %and3A_706 = vector.broadcast %and3A_705 : i32 to vector<16xi32>
      %and3A_707 = arith.andi %get3A_698, %and3A_706 : vector<16xi32>
      %add3A_708 = arith.addi %mul3A_704, %and3A_707 : vector<16xi32>
      %add3A_709 = vector.broadcast %add3A_694 : i32 to vector<16xi32>
      %add3A_710 = arith.addi %add3A_708, %add3A_709 : vector<16xi32>
      %swap3A_711 = arith.index_cast %scan3A_687 : i32 to index
      %swap3A_712 = arith.constant 0 : index
      %swap3A_713 = tpu.vector_load %arg12[%swap3A_711, %swap3A_712] {strides = array<i32>} : memref<32x128xi32, #tpu.memory_space<vmem>>, vector<16xi32>,
      tpu.vector_store %arg12[%swap3A_711, %swap3A_712], %add3A_710 {strides = array<i32>} : memref<32x128xi32, #tpu.memory_space<vmem>>, vector<16xi32>,
      %get3A_714 = arith.constant 1 : i32
      %get3A_715 = arith.index_cast %get3A_714 : i32 to index
      %get3A_716 = arith.constant 0 : index
      %get3A_717 = tpu.vector_load %arg11[%get3A_715, %get3A_716] {strides = array<i32>} : memref<4x128xi32, #tpu.memory_space<vmem>>, vector<16xi32>,
      %shift_right_arithmetic3A_718 = arith.constant 17 : i32
      %shift_right_arithmetic3A_719 = vector.broadcast %shift_right_arithmetic3A_718 : i32 to vector<16xi32>
      %shift_right_arithmetic3A_720 = arith.shrsi %get3A_717, %shift_right_arithmetic3A_719 : vector<16xi32>
      %mul3A_721 = arith.constant 1048576 : i32
      %mul3A_722 = vector.broadcast %mul3A_721 : i32 to vector<16xi32>
      %mul3A_723 = arith.muli %shift_right_arithmetic3A_720, %mul3A_722 : vector<16xi32>
      %and3A_724 = arith.constant 131071 : i32
      %and3A_725 = vector.broadcast %and3A_724 : i32 to vector<16xi32>
      %and3A_726 = arith.andi %get3A_717, %and3A_725 : vector<16xi32>
      %add3A_727 = arith.addi %mul3A_723, %and3A_726 : vector<16xi32>
      %add3A_728 = vector.broadcast %add3A_694 : i32 to vector<16xi32>
      %add3A_729 = arith.addi %add3A_727, %add3A_728 : vector<16xi32>
      %swap3A_730 = arith.index_cast %scan3A_687 : i32 to index
      %swap3A_731 = arith.constant 0 : index
      %swap3A_732 = tpu.vector_load %arg13[%swap3A_730, %swap3A_731] {strides = array<i32>} : memref<32x128xi32, #tpu.memory_space<vmem>>, vector<16xi32>,
      tpu.vector_store %arg13[%swap3A_730, %swap3A_731], %add3A_729 {strides = array<i32>} : memref<32x128xi32, #tpu.memory_space<vmem>>, vector<16xi32>,
      %get3A_733 = arith.constant 1 : i32
      %get3A_734 = arith.index_cast %get3A_733 : i32 to index
      %get3A_735 = arith.constant 16 : index
      %get3A_736 = tpu.vector_load %arg10[%get3A_734, %get3A_735] {strides = array<i32>} : memref<4x128xi32, #tpu.memory_space<vmem>>, vector<16xi32>,
      %shift_right_arithmetic3A_737 = arith.constant 17 : i32
      %shift_right_arithmetic3A_738 = vector.broadcast %shift_right_arithmetic3A_737 : i32 to vector<16xi32>
      %shift_right_arithmetic3A_739 = arith.shrsi %get3A_736, %shift_right_arithmetic3A_738 : vector<16xi32>
      %mul3A_740 = arith.constant 1048576 : i32
      %mul3A_741 = vector.broadcast %mul3A_740 : i32 to vector<16xi32>
      %mul3A_742 = arith.muli %shift_right_arithmetic3A_739, %mul3A_741 : vector<16xi32>
      %and3A_743 = arith.constant 131071 : i32
      %and3A_744 = vector.broadcast %and3A_743 : i32 to vector<16xi32>
      %and3A_745 = arith.andi %get3A_736, %and3A_744 : vector<16xi32>
      %add3A_746 = arith.addi %mul3A_742, %and3A_745 : vector<16xi32>
      %add3A_747 = vector.broadcast %add3A_694 : i32 to vector<16xi32>
      %add3A_748 = arith.addi %add3A_746, %add3A_747 : vector<16xi32>
      %swap3A_749 = arith.index_cast %scan3A_687 : i32 to index
      %swap3A_750 = arith.constant 16 : index
      %swap3A_751 = tpu.vector_load %arg12[%swap3A_749, %swap3A_750] {strides = array<i32>} : memref<32x128xi32, #tpu.memory_space<vmem>>, vector<16xi32>,
      tpu.vector_store %arg12[%swap3A_749, %swap3A_750], %add3A_748 {strides = array<i32>} : memref<32x128xi32, #tpu.memory_space<vmem>>, vector<16xi32>,
      %get3A_752 = arith.constant 1 : i32
      %get3A_753 = arith.index_cast %get3A_752 : i32 to index
      %get3A_754 = arith.constant 16 : index
      %get3A_755 = tpu.vector_load %arg11[%get3A_753, %get3A_754] {strides = array<i32>} : memref<4x128xi32, #tpu.memory_space<vmem>>, vector<16xi32>,
      %shift_right_arithmetic3A_756 = arith.constant 17 : i32
      %shift_right_arithmetic3A_757 = vector.broadcast %shift_right_arithmetic3A_756 : i32 to vector<16xi32>
      %shift_right_arithmetic3A_758 = arith.shrsi %get3A_755, %shift_right_arithmetic3A_757 : vector<16xi32>
      %mul3A_759 = arith.constant 1048576 : i32
      %mul3A_760 = vector.broadcast %mul3A_759 : i32 to vector<16xi32>
      %mul3A_761 = arith.muli %shift_right_arithmetic3A_758, %mul3A_760 : vector<16xi32>
      %and3A_762 = arith.constant 131071 : i32
      %and3A_763 = vector.broadcast %and3A_762 : i32 to vector<16xi32>
      %and3A_764 = arith.andi %get3A_755, %and3A_763 : vector<16xi32>
      %add3A_765 = arith.addi %mul3A_761, %and3A_764 : vector<16xi32>
      %add3A_766 = vector.broadcast %add3A_694 : i32 to vector<16xi32>
      %add3A_767 = arith.addi %add3A_765, %add3A_766 : vector<16xi32>
      %swap3A_768 = arith.index_cast %scan3A_687 : i32 to index
      %swap3A_769 = arith.constant 16 : index
      %swap3A_770 = tpu.vector_load %arg13[%swap3A_768, %swap3A_769] {strides = array<i32>} : memref<32x128xi32, #tpu.memory_space<vmem>>, vector<16xi32>,
      tpu.vector_store %arg13[%swap3A_768, %swap3A_769], %add3A_767 {strides = array<i32>} : memref<32x128xi32, #tpu.memory_space<vmem>>, vector<16xi32>,
      %get3A_771 = arith.constant 1 : i32
      %get3A_772 = arith.index_cast %get3A_771 : i32 to index
      %get3A_773 = arith.constant 32 : index
      %get3A_774 = tpu.vector_load %arg10[%get3A_772, %get3A_773] {strides = array<i32>} : memref<4x128xi32, #tpu.memory_space<vmem>>, vector<16xi32>,
      %shift_right_arithmetic3A_775 = arith.constant 17 : i32
      %shift_right_arithmetic3A_776 = vector.broadcast %shift_right_arithmetic3A_775 : i32 to vector<16xi32>
      %shift_right_arithmetic3A_777 = arith.shrsi %get3A_774, %shift_right_arithmetic3A_776 : vector<16xi32>
      %mul3A_778 = arith.constant 1048576 : i32
      %mul3A_779 = vector.broadcast %mul3A_778 : i32 to vector<16xi32>
      %mul3A_780 = arith.muli %shift_right_arithmetic3A_777, %mul3A_779 : vector<16xi32>
      %and3A_781 = arith.constant 131071 : i32
      %and3A_782 = vector.broadcast %and3A_781 : i32 to vector<16xi32>
      %and3A_783 = arith.andi %get3A_774, %and3A_782 : vector<16xi32>
      %add3A_784 = arith.addi %mul3A_780, %and3A_783 : vector<16xi32>
      %add3A_785 = vector.broadcast %add3A_694 : i32 to vector<16xi32>
      %add3A_786 = arith.addi %add3A_784, %add3A_785 : vector<16xi32>
      %swap3A_787 = arith.index_cast %scan3A_687 : i32 to index
      %swap3A_788 = arith.constant 32 : index
      %swap3A_789 = tpu.vector_load %arg12[%swap3A_787, %swap3A_788] {strides = array<i32>} : memref<32x128xi32, #tpu.memory_space<vmem>>, vector<16xi32>,
      tpu.vector_store %arg12[%swap3A_787, %swap3A_788], %add3A_786 {strides = array<i32>} : memref<32x128xi32, #tpu.memory_space<vmem>>, vector<16xi32>,
      %get3A_790 = arith.constant 1 : i32
      %get3A_791 = arith.index_cast %get3A_790 : i32 to index
      %get3A_792 = arith.constant 32 : index
      %get3A_793 = tpu.vector_load %arg11[%get3A_791, %get3A_792] {strides = array<i32>} : memref<4x128xi32, #tpu.memory_space<vmem>>, vector<16xi32>,
      %shift_right_arithmetic3A_794 = arith.constant 17 : i32
      %shift_right_arithmetic3A_795 = vector.broadcast %shift_right_arithmetic3A_794 : i32 to vector<16xi32>
      %shift_right_arithmetic3A_796 = arith.shrsi %get3A_793, %shift_right_arithmetic3A_795 : vector<16xi32>
      %mul3A_797 = arith.constant 1048576 : i32
      %mul3A_798 = vector.broadcast %mul3A_797 : i32 to vector<16xi32>
      %mul3A_799 = arith.muli %shift_right_arithmetic3A_796, %mul3A_798 : vector<16xi32>
      %and3A_800 = arith.constant 131071 : i32
      %and3A_801 = vector.broadcast %and3A_800 : i32 to vector<16xi32>
      %and3A_802 = arith.andi %get3A_793, %and3A_801 : vector<16xi32>
      %add3A_803 = arith.addi %mul3A_799, %and3A_802 : vector<16xi32>
      %add3A_804 = vector.broadcast %add3A_694 : i32 to vector<16xi32>
      %add3A_805 = arith.addi %add3A_803, %add3A_804 : vector<16xi32>
      %swap3A_806 = arith.index_cast %scan3A_687 : i32 to index
      %swap3A_807 = arith.constant 32 : index
      %swap3A_808 = tpu.vector_load %arg13[%swap3A_806, %swap3A_807] {strides = array<i32>} : memref<32x128xi32, #tpu.memory_space<vmem>>, vector<16xi32>,
      tpu.vector_store %arg13[%swap3A_806, %swap3A_807], %add3A_805 {strides = array<i32>} : memref<32x128xi32, #tpu.memory_space<vmem>>, vector<16xi32>,
      %get3A_809 = arith.constant 1 : i32
      %get3A_810 = arith.index_cast %get3A_809 : i32 to index
      %get3A_811 = arith.constant 48 : index
      %get3A_812 = tpu.vector_load %arg10[%get3A_810, %get3A_811] {strides = array<i32>} : memref<4x128xi32, #tpu.memory_space<vmem>>, vector<16xi32>,
      %shift_right_arithmetic3A_813 = arith.constant 17 : i32
      %shift_right_arithmetic3A_814 = vector.broadcast %shift_right_arithmetic3A_813 : i32 to vector<16xi32>
      %shift_right_arithmetic3A_815 = arith.shrsi %get3A_812, %shift_right_arithmetic3A_814 : vector<16xi32>
      %mul3A_816 = arith.constant 1048576 : i32
      %mul3A_817 = vector.broadcast %mul3A_816 : i32 to vector<16xi32>
      %mul3A_818 = arith.muli %shift_right_arithmetic3A_815, %mul3A_817 : vector<16xi32>
      %and3A_819 = arith.constant 131071 : i32
      %and3A_820 = vector.broadcast %and3A_819 : i32 to vector<16xi32>
      %and3A_821 = arith.andi %get3A_812, %and3A_820 : vector<16xi32>
      %add3A_822 = arith.addi %mul3A_818, %and3A_821 : vector<16xi32>
      %add3A_823 = vector.broadcast %add3A_694 : i32 to vector<16xi32>
      %add3A_824 = arith.addi %add3A_822, %add3A_823 : vector<16xi32>
      %swap3A_825 = arith.index_cast %scan3A_687 : i32 to index
      %swap3A_826 = arith.constant 48 : index
      %swap3A_827 = tpu.vector_load %arg12[%swap3A_825, %swap3A_826] {strides = array<i32>} : memref<32x128xi32, #tpu.memory_space<vmem>>, vector<16xi32>,
      tpu.vector_store %arg12[%swap3A_825, %swap3A_826], %add3A_824 {strides = array<i32>} : memref<32x128xi32, #tpu.memory_space<vmem>>, vector<16xi32>,
      %get3A_828 = arith.constant 1 : i32
      %get3A_829 = arith.index_cast %get3A_828 : i32 to index
      %get3A_830 = arith.constant 48 : index
      %get3A_831 = tpu.vector_load %arg11[%get3A_829, %get3A_830] {strides = array<i32>} : memref<4x128xi32, #tpu.memory_space<vmem>>, vector<16xi32>,
      %shift_right_arithmetic3A_832 = arith.constant 17 : i32
      %shift_right_arithmetic3A_833 = vector.broadcast %shift_right_arithmetic3A_832 : i32 to vector<16xi32>
      %shift_right_arithmetic3A_834 = arith.shrsi %get3A_831, %shift_right_arithmetic3A_833 : vector<16xi32>
      %mul3A_835 = arith.constant 1048576 : i32
      %mul3A_836 = vector.broadcast %mul3A_835 : i32 to vector<16xi32>
      %mul3A_837 = arith.muli %shift_right_arithmetic3A_834, %mul3A_836 : vector<16xi32>
      %and3A_838 = arith.constant 131071 : i32
      %and3A_839 = vector.broadcast %and3A_838 : i32 to vector<16xi32>
      %and3A_840 = arith.andi %get3A_831, %and3A_839 : vector<16xi32>
      %add3A_841 = arith.addi %mul3A_837, %and3A_840 : vector<16xi32>
      %add3A_842 = vector.broadcast %add3A_694 : i32 to vector<16xi32>
      %add3A_843 = arith.addi %add3A_841, %add3A_842 : vector<16xi32>
      %swap3A_844 = arith.index_cast %scan3A_687 : i32 to index
      %swap3A_845 = arith.constant 48 : index
      %swap3A_846 = tpu.vector_load %arg13[%swap3A_844, %swap3A_845] {strides = array<i32>} : memref<32x128xi32, #tpu.memory_space<vmem>>, vector<16xi32>,
      tpu.vector_store %arg13[%swap3A_844, %swap3A_845], %add3A_843 {strides = array<i32>} : memref<32x128xi32, #tpu.memory_space<vmem>>, vector<16xi32>,
      %get3A_847 = arith.constant 1 : i32
      %get3A_848 = arith.index_cast %get3A_847 : i32 to index
      %get3A_849 = arith.constant 64 : index
      %get3A_850 = tpu.vector_load %arg10[%get3A_848, %get3A_849] {strides = array<i32>} : memref<4x128xi32, #tpu.memory_space<vmem>>, vector<16xi32>,
      %shift_right_arithmetic3A_851 = arith.constant 17 : i32
      %shift_right_arithmetic3A_852 = vector.broadcast %shift_right_arithmetic3A_851 : i32 to vector<16xi32>
      %shift_right_arithmetic3A_853 = arith.shrsi %get3A_850, %shift_right_arithmetic3A_852 : vector<16xi32>
      %mul3A_854 = arith.constant 1048576 : i32
      %mul3A_855 = vector.broadcast %mul3A_854 : i32 to vector<16xi32>
      %mul3A_856 = arith.muli %shift_right_arithmetic3A_853, %mul3A_855 : vector<16xi32>
      %and3A_857 = arith.constant 131071 : i32
      %and3A_858 = vector.broadcast %and3A_857 : i32 to vector<16xi32>
      %and3A_859 = arith.andi %get3A_850, %and3A_858 : vector<16xi32>
      %add3A_860 = arith.addi %mul3A_856, %and3A_859 : vector<16xi32>
      %add3A_861 = vector.broadcast %add3A_694 : i32 to vector<16xi32>
      %add3A_862 = arith.addi %add3A_860, %add3A_861 : vector<16xi32>
      %swap3A_863 = arith.index_cast %scan3A_687 : i32 to index
      %swap3A_864 = arith.constant 64 : index
      %swap3A_865 = tpu.vector_load %arg12[%swap3A_863, %swap3A_864] {strides = array<i32>} : memref<32x128xi32, #tpu.memory_space<vmem>>, vector<16xi32>,
      tpu.vector_store %arg12[%swap3A_863, %swap3A_864], %add3A_862 {strides = array<i32>} : memref<32x128xi32, #tpu.memory_space<vmem>>, vector<16xi32>,
      %get3A_866 = arith.constant 1 : i32
      %get3A_867 = arith.index_cast %get3A_866 : i32 to index
      %get3A_868 = arith.constant 64 : index
      %get3A_869 = tpu.vector_load %arg11[%get3A_867, %get3A_868] {strides = array<i32>} : memref<4x128xi32, #tpu.memory_space<vmem>>, vector<16xi32>,
      %shift_right_arithmetic3A_870 = arith.constant 17 : i32
      %shift_right_arithmetic3A_871 = vector.broadcast %shift_right_arithmetic3A_870 : i32 to vector<16xi32>
      %shift_right_arithmetic3A_872 = arith.shrsi %get3A_869, %shift_right_arithmetic3A_871 : vector<16xi32>
      %mul3A_873 = arith.constant 1048576 : i32
      %mul3A_874 = vector.broadcast %mul3A_873 : i32 to vector<16xi32>
      %mul3A_875 = arith.muli %shift_right_arithmetic3A_872, %mul3A_874 : vector<16xi32>
      %and3A_876 = arith.constant 131071 : i32
      %and3A_877 = vector.broadcast %and3A_876 : i32 to vector<16xi32>
      %and3A_878 = arith.andi %get3A_869, %and3A_877 : vector<16xi32>
      %add3A_879 = arith.addi %mul3A_875, %and3A_878 : vector<16xi32>
      %add3A_880 = vector.broadcast %add3A_694 : i32 to vector<16xi32>
      %add3A_881 = arith.addi %add3A_879, %add3A_880 : vector<16xi32>
      %swap3A_882 = arith.index_cast %scan3A_687 : i32 to index
      %swap3A_883 = arith.constant 64 : index
      %swap3A_884 = tpu.vector_load %arg13[%swap3A_882, %swap3A_883] {strides = array<i32>} : memref<32x128xi32, #tpu.memory_space<vmem>>, vector<16xi32>,
      tpu.vector_store %arg13[%swap3A_882, %swap3A_883], %add3A_881 {strides = array<i32>} : memref<32x128xi32, #tpu.memory_space<vmem>>, vector<16xi32>,
      %get3A_885 = arith.constant 1 : i32
      %get3A_886 = arith.index_cast %get3A_885 : i32 to index
      %get3A_887 = arith.constant 80 : index
      %get3A_888 = tpu.vector_load %arg10[%get3A_886, %get3A_887] {strides = array<i32>} : memref<4x128xi32, #tpu.memory_space<vmem>>, vector<16xi32>,
      %shift_right_arithmetic3A_889 = arith.constant 17 : i32
      %shift_right_arithmetic3A_890 = vector.broadcast %shift_right_arithmetic3A_889 : i32 to vector<16xi32>
      %shift_right_arithmetic3A_891 = arith.shrsi %get3A_888, %shift_right_arithmetic3A_890 : vector<16xi32>
      %mul3A_892 = arith.constant 1048576 : i32
      %mul3A_893 = vector.broadcast %mul3A_892 : i32 to vector<16xi32>
      %mul3A_894 = arith.muli %shift_right_arithmetic3A_891, %mul3A_893 : vector<16xi32>
      %and3A_895 = arith.constant 131071 : i32
      %and3A_896 = vector.broadcast %and3A_895 : i32 to vector<16xi32>
      %and3A_897 = arith.andi %get3A_888, %and3A_896 : vector<16xi32>
      %add3A_898 = arith.addi %mul3A_894, %and3A_897 : vector<16xi32>
      %add3A_899 = vector.broadcast %add3A_694 : i32 to vector<16xi32>
      %add3A_900 = arith.addi %add3A_898, %add3A_899 : vector<16xi32>
      %swap3A_901 = arith.index_cast %scan3A_687 : i32 to index
      %swap3A_902 = arith.constant 80 : index
      %swap3A_903 = tpu.vector_load %arg12[%swap3A_901, %swap3A_902] {strides = array<i32>} : memref<32x128xi32, #tpu.memory_space<vmem>>, vector<16xi32>,
      tpu.vector_store %arg12[%swap3A_901, %swap3A_902], %add3A_900 {strides = array<i32>} : memref<32x128xi32, #tpu.memory_space<vmem>>, vector<16xi32>,
      %get3A_904 = arith.constant 1 : i32
      %get3A_905 = arith.index_cast %get3A_904 : i32 to index
      %get3A_906 = arith.constant 80 : index
      %get3A_907 = tpu.vector_load %arg11[%get3A_905, %get3A_906] {strides = array<i32>} : memref<4x128xi32, #tpu.memory_space<vmem>>, vector<16xi32>,
      %shift_right_arithmetic3A_908 = arith.constant 17 : i32
      %shift_right_arithmetic3A_909 = vector.broadcast %shift_right_arithmetic3A_908 : i32 to vector<16xi32>
      %shift_right_arithmetic3A_910 = arith.shrsi %get3A_907, %shift_right_arithmetic3A_909 : vector<16xi32>
      %mul3A_911 = arith.constant 1048576 : i32
      %mul3A_912 = vector.broadcast %mul3A_911 : i32 to vector<16xi32>
      %mul3A_913 = arith.muli %shift_right_arithmetic3A_910, %mul3A_912 : vector<16xi32>
      %and3A_914 = arith.constant 131071 : i32
      %and3A_915 = vector.broadcast %and3A_914 : i32 to vector<16xi32>
      %and3A_916 = arith.andi %get3A_907, %and3A_915 : vector<16xi32>
      %add3A_917 = arith.addi %mul3A_913, %and3A_916 : vector<16xi32>
      %add3A_918 = vector.broadcast %add3A_694 : i32 to vector<16xi32>
      %add3A_919 = arith.addi %add3A_917, %add3A_918 : vector<16xi32>
      %swap3A_920 = arith.index_cast %scan3A_687 : i32 to index
      %swap3A_921 = arith.constant 80 : index
      %swap3A_922 = tpu.vector_load %arg13[%swap3A_920, %swap3A_921] {strides = array<i32>} : memref<32x128xi32, #tpu.memory_space<vmem>>, vector<16xi32>,
      tpu.vector_store %arg13[%swap3A_920, %swap3A_921], %add3A_919 {strides = array<i32>} : memref<32x128xi32, #tpu.memory_space<vmem>>, vector<16xi32>,
      %get3A_923 = arith.constant 1 : i32
      %get3A_924 = arith.index_cast %get3A_923 : i32 to index
      %get3A_925 = arith.constant 96 : index
      %get3A_926 = tpu.vector_load %arg10[%get3A_924, %get3A_925] {strides = array<i32>} : memref<4x128xi32, #tpu.memory_space<vmem>>, vector<16xi32>,
      %shift_right_arithmetic3A_927 = arith.constant 17 : i32
      %shift_right_arithmetic3A_928 = vector.broadcast %shift_right_arithmetic3A_927 : i32 to vector<16xi32>
      %shift_right_arithmetic3A_929 = arith.shrsi %get3A_926, %shift_right_arithmetic3A_928 : vector<16xi32>
      %mul3A_930 = arith.constant 1048576 : i32
      %mul3A_931 = vector.broadcast %mul3A_930 : i32 to vector<16xi32>
      %mul3A_932 = arith.muli %shift_right_arithmetic3A_929, %mul3A_931 : vector<16xi32>
      %and3A_933 = arith.constant 131071 : i32
      %and3A_934 = vector.broadcast %and3A_933 : i32 to vector<16xi32>
      %and3A_935 = arith.andi %get3A_926, %and3A_934 : vector<16xi32>
      %add3A_936 = arith.addi %mul3A_932, %and3A_935 : vector<16xi32>
      %add3A_937 = vector.broadcast %add3A_694 : i32 to vector<16xi32>
      %add3A_938 = arith.addi %add3A_936, %add3A_937 : vector<16xi32>
      %swap3A_939 = arith.index_cast %scan3A_687 : i32 to index
      %swap3A_940 = arith.constant 96 : index
      %swap3A_941 = tpu.vector_load %arg12[%swap3A_939, %swap3A_940] {strides = array<i32>} : memref<32x128xi32, #tpu.memory_space<vmem>>, vector<16xi32>,
      tpu.vector_store %arg12[%swap3A_939, %swap3A_940], %add3A_938 {strides = array<i32>} : memref<32x128xi32, #tpu.memory_space<vmem>>, vector<16xi32>,
      %get3A_942 = arith.constant 1 : i32
      %get3A_943 = arith.index_cast %get3A_942 : i32 to index
      %get3A_944 = arith.constant 96 : index
      %get3A_945 = tpu.vector_load %arg11[%get3A_943, %get3A_944] {strides = array<i32>} : memref<4x128xi32, #tpu.memory_space<vmem>>, vector<16xi32>,
      %shift_right_arithmetic3A_946 = arith.constant 17 : i32
      %shift_right_arithmetic3A_947 = vector.broadcast %shift_right_arithmetic3A_946 : i32 to vector<16xi32>
      %shift_right_arithmetic3A_948 = arith.shrsi %get3A_945, %shift_right_arithmetic3A_947 : vector<16xi32>
      %mul3A_949 = arith.constant 1048576 : i32
      %mul3A_950 = vector.broadcast %mul3A_949 : i32 to vector<16xi32>
      %mul3A_951 = arith.muli %shift_right_arithmetic3A_948, %mul3A_950 : vector<16xi32>
      %and3A_952 = arith.constant 131071 : i32
      %and3A_953 = vector.broadcast %and3A_952 : i32 to vector<16xi32>
      %and3A_954 = arith.andi %get3A_945, %and3A_953 : vector<16xi32>
      %add3A_955 = arith.addi %mul3A_951, %and3A_954 : vector<16xi32>
      %add3A_956 = vector.broadcast %add3A_694 : i32 to vector<16xi32>
      %add3A_957 = arith.addi %add3A_955, %add3A_956 : vector<16xi32>
      %swap3A_958 = arith.index_cast %scan3A_687 : i32 to index
      %swap3A_959 = arith.constant 96 : index
      %swap3A_960 = tpu.vector_load %arg13[%swap3A_958, %swap3A_959] {strides = array<i32>} : memref<32x128xi32, #tpu.memory_space<vmem>>, vector<16xi32>,
      tpu.vector_store %arg13[%swap3A_958, %swap3A_959], %add3A_957 {strides = array<i32>} : memref<32x128xi32, #tpu.memory_space<vmem>>, vector<16xi32>,
      %get3A_961 = arith.constant 1 : i32
      %get3A_962 = arith.index_cast %get3A_961 : i32 to index
      %get3A_963 = arith.constant 112 : index
      %get3A_964 = tpu.vector_load %arg10[%get3A_962, %get3A_963] {strides = array<i32>} : memref<4x128xi32, #tpu.memory_space<vmem>>, vector<16xi32>,
      %shift_right_arithmetic3A_965 = arith.constant 17 : i32
      %shift_right_arithmetic3A_966 = vector.broadcast %shift_right_arithmetic3A_965 : i32 to vector<16xi32>
      %shift_right_arithmetic3A_967 = arith.shrsi %get3A_964, %shift_right_arithmetic3A_966 : vector<16xi32>
      %mul3A_968 = arith.constant 1048576 : i32
      %mul3A_969 = vector.broadcast %mul3A_968 : i32 to vector<16xi32>
      %mul3A_970 = arith.muli %shift_right_arithmetic3A_967, %mul3A_969 : vector<16xi32>
      %and3A_971 = arith.constant 131071 : i32
      %and3A_972 = vector.broadcast %and3A_971 : i32 to vector<16xi32>
      %and3A_973 = arith.andi %get3A_964, %and3A_972 : vector<16xi32>
      %add3A_974 = arith.addi %mul3A_970, %and3A_973 : vector<16xi32>
      %add3A_975 = vector.broadcast %add3A_694 : i32 to vector<16xi32>
      %add3A_976 = arith.addi %add3A_974, %add3A_975 : vector<16xi32>
      %swap3A_977 = arith.index_cast %scan3A_687 : i32 to index
      %swap3A_978 = arith.constant 112 : index
      %swap3A_979 = tpu.vector_load %arg12[%swap3A_977, %swap3A_978] {strides = array<i32>} : memref<32x128xi32, #tpu.memory_space<vmem>>, vector<16xi32>,
      tpu.vector_store %arg12[%swap3A_977, %swap3A_978], %add3A_976 {strides = array<i32>} : memref<32x128xi32, #tpu.memory_space<vmem>>, vector<16xi32>,
      %get3A_980 = arith.constant 1 : i32
      %get3A_981 = arith.index_cast %get3A_980 : i32 to index
      %get3A_982 = arith.constant 112 : index
      %get3A_983 = tpu.vector_load %arg11[%get3A_981, %get3A_982] {strides = array<i32>} : memref<4x128xi32, #tpu.memory_space<vmem>>, vector<16xi32>,
      %shift_right_arithmetic3A_984 = arith.constant 17 : i32
      %shift_right_arithmetic3A_985 = vector.broadcast %shift_right_arithmetic3A_984 : i32 to vector<16xi32>
      %shift_right_arithmetic3A_986 = arith.shrsi %get3A_983, %shift_right_arithmetic3A_985 : vector<16xi32>
      %mul3A_987 = arith.constant 1048576 : i32
      %mul3A_988 = vector.broadcast %mul3A_987 : i32 to vector<16xi32>
      %mul3A_989 = arith.muli %shift_right_arithmetic3A_986, %mul3A_988 : vector<16xi32>
      %and3A_990 = arith.constant 131071 : i32
      %and3A_991 = vector.broadcast %and3A_990 : i32 to vector<16xi32>
      %and3A_992 = arith.andi %get3A_983, %and3A_991 : vector<16xi32>
      %add3A_993 = arith.addi %mul3A_989, %and3A_992 : vector<16xi32>
      %add3A_994 = vector.broadcast %add3A_694 : i32 to vector<16xi32>
      %add3A_995 = arith.addi %add3A_993, %add3A_994 : vector<16xi32>
      %swap3A_996 = arith.index_cast %scan3A_687 : i32 to index
      %swap3A_997 = arith.constant 112 : index
      %swap3A_998 = tpu.vector_load %arg13[%swap3A_996, %swap3A_997] {strides = array<i32>} : memref<32x128xi32, #tpu.memory_space<vmem>>, vector<16xi32>,
      tpu.vector_store %arg13[%swap3A_996, %swap3A_997], %add3A_995 {strides = array<i32>} : memref<32x128xi32, #tpu.memory_space<vmem>>, vector<16xi32>,
    }
    %scan3A_272 = arith.constant 32 : i32
    %scan3A_273 = arith.constant 0 : i32
    %scan3A_274 = arith.constant 0 : i32
    %scan3A_275 = arith.constant 32 : i32
    %scan3A_276 = arith.addi %scan3A_274, %scan3A_275 : i32
    %scan3A_277 = arith.constant 1 : i32
    scf.for %scan3A_687 = %scan3A_274 to %scan3A_276 step %scan3A_277  : i32 {
      %mul3A_688 = arith.constant 128 : i32
      %mul3A_689 = arith.muli %scan3A_687, %mul3A_688 : i32
      %dma_start3A_690 = tpu.memref_slice %arg14[%mul3A_689] : memref<4096xf32, #tpu.memory_space<vmem>> -> memref<128xf32, #tpu.memory_space<vmem>>
      %dma_start3A_691 = arith.constant 0 : i32
      %dma_start3A_692 = tpu.memref_slice %arg12[%scan3A_687, %dma_start3A_691] : memref<32x128xi32, #tpu.memory_space<vmem>> -> memref<1x128xi32, #tpu.memory_space<vmem>>
      %dma_start3A_693 = tpu.memref_squeeze %dma_start3A_692 : memref<1x128xi32, #tpu.memory_space<vmem>> -> memref<128xi32, #tpu.memory_space<vmem>>
      %dma_start3A_694 = arith.constant 0 : i32
      %dma_start3A_695 = tpu.memref_slice %arg4[%dma_start3A_694] : memref<33554432xf32, #tpu.memory_space<hbm>> -> memref<33554432xf32, #tpu.memory_space<hbm>>
      tpu.enqueue_indirect_dma source(%dma_start3A_695 : memref<33554432xf32, #tpu.memory_space<hbm>>) target(%dma_start3A_690 : memref<128xf32, #tpu.memory_space<vmem>>) offsets(%dma_start3A_693 : memref<128xi32, #tpu.memory_space<vmem>>) semaphore(%arg20 : memref<!tpu.dma_semaphore, #tpu.memory_space<semaphore_mem>>)
      %dma_start3A_696 = tpu.memref_slice %arg15[%mul3A_689] : memref<4096xf32, #tpu.memory_space<vmem>> -> memref<128xf32, #tpu.memory_space<vmem>>
      %dma_start3A_697 = arith.constant 0 : i32
      %dma_start3A_698 = tpu.memref_slice %arg13[%scan3A_687, %dma_start3A_697] : memref<32x128xi32, #tpu.memory_space<vmem>> -> memref<1x128xi32, #tpu.memory_space<vmem>>
      %dma_start3A_699 = tpu.memref_squeeze %dma_start3A_698 : memref<1x128xi32, #tpu.memory_space<vmem>> -> memref<128xi32, #tpu.memory_space<vmem>>
      %dma_start3A_700 = arith.constant 0 : i32
      %dma_start3A_701 = tpu.memref_slice %arg5[%dma_start3A_700] : memref<33554432xf32, #tpu.memory_space<hbm>> -> memref<33554432xf32, #tpu.memory_space<hbm>>
      tpu.enqueue_indirect_dma source(%dma_start3A_701 : memref<33554432xf32, #tpu.memory_space<hbm>>) target(%dma_start3A_696 : memref<128xf32, #tpu.memory_space<vmem>>) offsets(%dma_start3A_699 : memref<128xi32, #tpu.memory_space<vmem>>) semaphore(%arg20 : memref<!tpu.dma_semaphore, #tpu.memory_space<semaphore_mem>>)
      %ge3A = arith.constant 8 : i32
      %ge3A_702 = arith.cmpi sge, %scan3A_687, %ge3A : i32
      %convert_element_type3A = arith.extui %ge3A_702 : i1 to i32
      %cond3A = arith.constant 0 : i32
      %cond3A_703 = arith.cmpi ne, %convert_element_type3A, %cond3A : i32
      scf.if %cond3A_703 {
        %sub3A = arith.constant 8 : i32
        %sub3A_704 = arith.subi %scan3A_687, %sub3A : i32
        %mul3A_705 = arith.constant 128 : i32
        %mul3A_706 = arith.muli %sub3A_704, %mul3A_705 : i32
        %dma_wait3A_707 = tpu.memref_slice %arg14[%mul3A_706] : memref<4096xf32, #tpu.memory_space<vmem>> -> memref<128xf32, #tpu.memory_space<vmem>>
        %dma_wait3A_708 = arith.constant 0 : i32
        %dma_wait3A_709 = tpu.memref_slice %arg12[%sub3A_704, %dma_wait3A_708] : memref<32x128xi32, #tpu.memory_space<vmem>> -> memref<1x128xi32, #tpu.memory_space<vmem>>
        %dma_wait3A_710 = tpu.memref_squeeze %dma_wait3A_709 : memref<1x128xi32, #tpu.memory_space<vmem>> -> memref<128xi32, #tpu.memory_space<vmem>>
        %dma_wait3A_711 = arith.constant 0 : i32
        %dma_wait3A_712 = tpu.memref_slice %arg4[%dma_wait3A_711] : memref<33554432xf32, #tpu.memory_space<hbm>> -> memref<33554432xf32, #tpu.memory_space<hbm>>
        tpu.wait_indirect_dma semaphore(%arg20 : memref<!tpu.dma_semaphore, #tpu.memory_space<semaphore_mem>>) src(%dma_wait3A_712 : memref<33554432xf32, #tpu.memory_space<hbm>>) dst(%dma_wait3A_707 : memref<128xf32, #tpu.memory_space<vmem>>)
        %dma_wait3A_713 = tpu.memref_slice %arg15[%mul3A_706] : memref<4096xf32, #tpu.memory_space<vmem>> -> memref<128xf32, #tpu.memory_space<vmem>>
        %dma_wait3A_714 = arith.constant 0 : i32
        %dma_wait3A_715 = tpu.memref_slice %arg13[%sub3A_704, %dma_wait3A_714] : memref<32x128xi32, #tpu.memory_space<vmem>> -> memref<1x128xi32, #tpu.memory_space<vmem>>
        %dma_wait3A_716 = tpu.memref_squeeze %dma_wait3A_715 : memref<1x128xi32, #tpu.memory_space<vmem>> -> memref<128xi32, #tpu.memory_space<vmem>>
        %dma_wait3A_717 = arith.constant 0 : i32
        %dma_wait3A_718 = tpu.memref_slice %arg5[%dma_wait3A_717] : memref<33554432xf32, #tpu.memory_space<hbm>> -> memref<33554432xf32, #tpu.memory_space<hbm>>
        tpu.wait_indirect_dma semaphore(%arg20 : memref<!tpu.dma_semaphore, #tpu.memory_space<semaphore_mem>>) src(%dma_wait3A_718 : memref<33554432xf32, #tpu.memory_space<hbm>>) dst(%dma_wait3A_713 : memref<128xf32, #tpu.memory_space<vmem>>)
      } else {
      }
    }
    %scan3A_278 = arith.constant 32 : i32
    %scan3A_279 = arith.constant 0 : i32
    %scan3A_280 = arith.constant 24 : i32
    %scan3A_281 = arith.constant 8 : i32
    %scan3A_282 = arith.addi %scan3A_280, %scan3A_281 : i32
    %scan3A_283 = arith.constant 1 : i32
    scf.for %scan3A_687 = %scan3A_280 to %scan3A_282 step %scan3A_283  : i32 {
      %mul3A_688 = arith.constant 128 : i32
      %mul3A_689 = arith.muli %scan3A_687, %mul3A_688 : i32
      %dma_wait3A_690 = tpu.memref_slice %arg14[%mul3A_689] : memref<4096xf32, #tpu.memory_space<vmem>> -> memref<128xf32, #tpu.memory_space<vmem>>
      %dma_wait3A_691 = arith.constant 0 : i32
      %dma_wait3A_692 = tpu.memref_slice %arg12[%scan3A_687, %dma_wait3A_691] : memref<32x128xi32, #tpu.memory_space<vmem>> -> memref<1x128xi32, #tpu.memory_space<vmem>>
      %dma_wait3A_693 = tpu.memref_squeeze %dma_wait3A_692 : memref<1x128xi32, #tpu.memory_space<vmem>> -> memref<128xi32, #tpu.memory_space<vmem>>
      %dma_wait3A_694 = arith.constant 0 : i32
      %dma_wait3A_695 = tpu.memref_slice %arg4[%dma_wait3A_694] : memref<33554432xf32, #tpu.memory_space<hbm>> -> memref<33554432xf32, #tpu.memory_space<hbm>>
      tpu.wait_indirect_dma semaphore(%arg20 : memref<!tpu.dma_semaphore, #tpu.memory_space<semaphore_mem>>) src(%dma_wait3A_695 : memref<33554432xf32, #tpu.memory_space<hbm>>) dst(%dma_wait3A_690 : memref<128xf32, #tpu.memory_space<vmem>>)
      %dma_wait3A_696 = tpu.memref_slice %arg15[%mul3A_689] : memref<4096xf32, #tpu.memory_space<vmem>> -> memref<128xf32, #tpu.memory_space<vmem>>
      %dma_wait3A_697 = arith.constant 0 : i32
      %dma_wait3A_698 = tpu.memref_slice %arg13[%scan3A_687, %dma_wait3A_697] : memref<32x128xi32, #tpu.memory_space<vmem>> -> memref<1x128xi32, #tpu.memory_space<vmem>>
      %dma_wait3A_699 = tpu.memref_squeeze %dma_wait3A_698 : memref<1x128xi32, #tpu.memory_space<vmem>> -> memref<128xi32, #tpu.memory_space<vmem>>
      %dma_wait3A_700 = arith.constant 0 : i32
      %dma_wait3A_701 = tpu.memref_slice %arg5[%dma_wait3A_700] : memref<33554432xf32, #tpu.memory_space<hbm>> -> memref<33554432xf32, #tpu.memory_space<hbm>>
      tpu.wait_indirect_dma semaphore(%arg20 : memref<!tpu.dma_semaphore, #tpu.memory_space<semaphore_mem>>) src(%dma_wait3A_701 : memref<33554432xf32, #tpu.memory_space<hbm>>) dst(%dma_wait3A_696 : memref<128xf32, #tpu.memory_space<vmem>>)
    }
    %scan3A_284 = arith.constant 8 : i32
    %broadcast_in_dim3A_285 = arith.constant -65536 : i32
    %broadcast_in_dim3A_286 = vector.broadcast %broadcast_in_dim3A_285 : i32 to vector<16xi32>
    %get3A_287 = arith.constant 128 : index
    %get3A_288 = tpu.vector_load %arg16[%get3A_287] {strides = array<i32>} : memref<512xf32, #tpu.memory_space<vmem>>, vector<16xf32>,
    %get3A_289 = arith.constant 128 : index
    %get3A_290 = tpu.vector_load %arg17[%get3A_289] {strides = array<i32>} : memref<512xf32, #tpu.memory_space<vmem>>, vector<16xf32>,
    %broadcast_in_dim3A_291 = arith.constant 0.000000e+00 : f32
    %broadcast_in_dim3A_292 = vector.broadcast %broadcast_in_dim3A_291 : f32 to vector<16xf32>
    %scan3A_293 = arith.constant 0 : i32
    %scan3A_294 = arith.constant 32 : i32
    %scan3A_295 = arith.addi %scan3A_293, %scan3A_294 : i32
    %scan3A_296 = arith.constant 1 : i32
    %scan3A_297 = scf.for %scan3A_687 = %scan3A_293 to %scan3A_295 step %scan3A_296 iter_args(%scan3A_688 = %broadcast_in_dim3A_292) -> (vector<16xf32>)  : i32 {
      %mul3A_689 = arith.constant 128 : i32
      %mul3A_690 = arith.muli %scan3A_687, %mul3A_689 : i32
      %add3A_691 = arith.constant 0 : i32
      %add3A_692 = arith.addi %mul3A_690, %add3A_691 : i32
      %get3A_693 = arith.index_cast %add3A_692 : i32 to index
      %get3A_694 = tpu.vector_load %arg14[%get3A_693] {strides = array<i32>} : memref<4096xf32, #tpu.memory_space<vmem>>, vector<16xf32>,
      %mul3A_695 = arith.constant 128 : i32
      %mul3A_696 = arith.muli %scan3A_687, %mul3A_695 : i32
      %add3A_697 = arith.constant 0 : i32
      %add3A_698 = arith.addi %mul3A_696, %add3A_697 : i32
      %get3A_699 = arith.index_cast %add3A_698 : i32 to index
      %get3A_700 = tpu.vector_load %arg15[%get3A_699] {strides = array<i32>} : memref<4096xf32, #tpu.memory_space<vmem>>, vector<16xf32>,
      %bitcast3A = vector.bitcast %get3A_694 : vector<16xf32> to vector<16xi32>
      %shift_left3A = arith.constant 16 : i32
      %shift_left3A_701 = vector.broadcast %shift_left3A : i32 to vector<16xi32>
      %shift_left3A_702 = arith.shli %bitcast3A, %shift_left3A_701 : vector<16xi32>
      %bitcast3A_703 = vector.bitcast %shift_left3A_702 : vector<16xi32> to vector<16xf32>
      %and3A = arith.andi %bitcast3A, %broadcast_in_dim3A_286 : vector<16xi32>
      %bitcast3A_704 = vector.bitcast %and3A : vector<16xi32> to vector<16xf32>
      %bitcast3A_705 = vector.bitcast %get3A_700 : vector<16xf32> to vector<16xi32>
      %shift_left3A_706 = arith.constant 16 : i32
      %shift_left3A_707 = vector.broadcast %shift_left3A_706 : i32 to vector<16xi32>
      %shift_left3A_708 = arith.shli %bitcast3A_705, %shift_left3A_707 : vector<16xi32>
      %bitcast3A_709 = vector.bitcast %shift_left3A_708 : vector<16xi32> to vector<16xf32>
      %and3A_710 = arith.andi %bitcast3A_705, %broadcast_in_dim3A_286 : vector<16xi32>
      %bitcast3A_711 = vector.bitcast %and3A_710 : vector<16xi32> to vector<16xf32>
      %add3A_712 = arith.addf %bitcast3A_703, %get3A_288 : vector<16xf32>
      %add3A_713 = arith.addf %bitcast3A_709, %get3A_290 : vector<16xf32>
      %mul3A_714 = arith.mulf %add3A_712, %add3A_713 : vector<16xf32>
      %add3A_715 = arith.addf %scan3A_688, %mul3A_714 : vector<16xf32>
      %add3A_716 = arith.addf %bitcast3A_704, %get3A_288 : vector<16xf32>
      %add3A_717 = arith.addf %bitcast3A_711, %get3A_290 : vector<16xf32>
      %mul3A_718 = arith.mulf %add3A_716, %add3A_717 : vector<16xf32>
      %add3A_719 = arith.addf %add3A_715, %mul3A_718 : vector<16xf32>
      scf.yield %add3A_719 : vector<16xf32>
    }
    %scan3A_298 = arith.constant 32 : i32
    %add3A_299 = arith.addf %scan3A_297, %get3A_66 : vector<16xf32>
    %swap3A_300 = arith.constant 128 : index
    %swap3A_301 = tpu.vector_load %arg18[%swap3A_300] {strides = array<i32>} : memref<512xf32, #tpu.memory_space<vmem>>, vector<16xf32>,
    tpu.vector_store %arg18[%swap3A_300], %add3A_299 {strides = array<i32>} : memref<512xf32, #tpu.memory_space<vmem>>, vector<16xf32>,
    %get3A_302 = arith.constant 144 : index
    %get3A_303 = tpu.vector_load %arg16[%get3A_302] {strides = array<i32>} : memref<512xf32, #tpu.memory_space<vmem>>, vector<16xf32>,
    %get3A_304 = arith.constant 144 : index
    %get3A_305 = tpu.vector_load %arg17[%get3A_304] {strides = array<i32>} : memref<512xf32, #tpu.memory_space<vmem>>, vector<16xf32>,
    %broadcast_in_dim3A_306 = arith.constant 0.000000e+00 : f32
    %broadcast_in_dim3A_307 = vector.broadcast %broadcast_in_dim3A_306 : f32 to vector<16xf32>
    %scan3A_308 = arith.constant 0 : i32
    %scan3A_309 = arith.constant 32 : i32
    %scan3A_310 = arith.addi %scan3A_308, %scan3A_309 : i32
    %scan3A_311 = arith.constant 1 : i32
    %scan3A_312 = scf.for %scan3A_687 = %scan3A_308 to %scan3A_310 step %scan3A_311 iter_args(%scan3A_688 = %broadcast_in_dim3A_307) -> (vector<16xf32>)  : i32 {
      %mul3A_689 = arith.constant 128 : i32
      %mul3A_690 = arith.muli %scan3A_687, %mul3A_689 : i32
      %add3A_691 = arith.constant 16 : i32
      %add3A_692 = arith.addi %mul3A_690, %add3A_691 : i32
      %get3A_693 = arith.index_cast %add3A_692 : i32 to index
      %get3A_694 = tpu.vector_load %arg14[%get3A_693] {strides = array<i32>} : memref<4096xf32, #tpu.memory_space<vmem>>, vector<16xf32>,
      %mul3A_695 = arith.constant 128 : i32
      %mul3A_696 = arith.muli %scan3A_687, %mul3A_695 : i32
      %add3A_697 = arith.constant 16 : i32
      %add3A_698 = arith.addi %mul3A_696, %add3A_697 : i32
      %get3A_699 = arith.index_cast %add3A_698 : i32 to index
      %get3A_700 = tpu.vector_load %arg15[%get3A_699] {strides = array<i32>} : memref<4096xf32, #tpu.memory_space<vmem>>, vector<16xf32>,
      %bitcast3A = vector.bitcast %get3A_694 : vector<16xf32> to vector<16xi32>
      %shift_left3A = arith.constant 16 : i32
      %shift_left3A_701 = vector.broadcast %shift_left3A : i32 to vector<16xi32>
      %shift_left3A_702 = arith.shli %bitcast3A, %shift_left3A_701 : vector<16xi32>
      %bitcast3A_703 = vector.bitcast %shift_left3A_702 : vector<16xi32> to vector<16xf32>
      %and3A = arith.andi %bitcast3A, %broadcast_in_dim3A_286 : vector<16xi32>
      %bitcast3A_704 = vector.bitcast %and3A : vector<16xi32> to vector<16xf32>
      %bitcast3A_705 = vector.bitcast %get3A_700 : vector<16xf32> to vector<16xi32>
      %shift_left3A_706 = arith.constant 16 : i32
      %shift_left3A_707 = vector.broadcast %shift_left3A_706 : i32 to vector<16xi32>
      %shift_left3A_708 = arith.shli %bitcast3A_705, %shift_left3A_707 : vector<16xi32>
      %bitcast3A_709 = vector.bitcast %shift_left3A_708 : vector<16xi32> to vector<16xf32>
      %and3A_710 = arith.andi %bitcast3A_705, %broadcast_in_dim3A_286 : vector<16xi32>
      %bitcast3A_711 = vector.bitcast %and3A_710 : vector<16xi32> to vector<16xf32>
      %add3A_712 = arith.addf %bitcast3A_703, %get3A_303 : vector<16xf32>
      %add3A_713 = arith.addf %bitcast3A_709, %get3A_305 : vector<16xf32>
      %mul3A_714 = arith.mulf %add3A_712, %add3A_713 : vector<16xf32>
      %add3A_715 = arith.addf %scan3A_688, %mul3A_714 : vector<16xf32>
      %add3A_716 = arith.addf %bitcast3A_704, %get3A_303 : vector<16xf32>
      %add3A_717 = arith.addf %bitcast3A_711, %get3A_305 : vector<16xf32>
      %mul3A_718 = arith.mulf %add3A_716, %add3A_717 : vector<16xf32>
      %add3A_719 = arith.addf %add3A_715, %mul3A_718 : vector<16xf32>
      scf.yield %add3A_719 : vector<16xf32>
    }
    %scan3A_313 = arith.constant 32 : i32
    %add3A_314 = arith.addf %scan3A_312, %get3A_66 : vector<16xf32>
    %swap3A_315 = arith.constant 144 : index
    %swap3A_316 = tpu.vector_load %arg18[%swap3A_315] {strides = array<i32>} : memref<512xf32, #tpu.memory_space<vmem>>, vector<16xf32>,
    tpu.vector_store %arg18[%swap3A_315], %add3A_314 {strides = array<i32>} : memref<512xf32, #tpu.memory_space<vmem>>, vector<16xf32>,
    %get3A_317 = arith.constant 160 : index
    %get3A_318 = tpu.vector_load %arg16[%get3A_317] {strides = array<i32>} : memref<512xf32, #tpu.memory_space<vmem>>, vector<16xf32>,
    %get3A_319 = arith.constant 160 : index
    %get3A_320 = tpu.vector_load %arg17[%get3A_319] {strides = array<i32>} : memref<512xf32, #tpu.memory_space<vmem>>, vector<16xf32>,
    %broadcast_in_dim3A_321 = arith.constant 0.000000e+00 : f32
    %broadcast_in_dim3A_322 = vector.broadcast %broadcast_in_dim3A_321 : f32 to vector<16xf32>
    %scan3A_323 = arith.constant 0 : i32
    %scan3A_324 = arith.constant 32 : i32
    %scan3A_325 = arith.addi %scan3A_323, %scan3A_324 : i32
    %scan3A_326 = arith.constant 1 : i32
    %scan3A_327 = scf.for %scan3A_687 = %scan3A_323 to %scan3A_325 step %scan3A_326 iter_args(%scan3A_688 = %broadcast_in_dim3A_322) -> (vector<16xf32>)  : i32 {
      %mul3A_689 = arith.constant 128 : i32
      %mul3A_690 = arith.muli %scan3A_687, %mul3A_689 : i32
      %add3A_691 = arith.constant 32 : i32
      %add3A_692 = arith.addi %mul3A_690, %add3A_691 : i32
      %get3A_693 = arith.index_cast %add3A_692 : i32 to index
      %get3A_694 = tpu.vector_load %arg14[%get3A_693] {strides = array<i32>} : memref<4096xf32, #tpu.memory_space<vmem>>, vector<16xf32>,
      %mul3A_695 = arith.constant 128 : i32
      %mul3A_696 = arith.muli %scan3A_687, %mul3A_695 : i32
      %add3A_697 = arith.constant 32 : i32
      %add3A_698 = arith.addi %mul3A_696, %add3A_697 : i32
      %get3A_699 = arith.index_cast %add3A_698 : i32 to index
      %get3A_700 = tpu.vector_load %arg15[%get3A_699] {strides = array<i32>} : memref<4096xf32, #tpu.memory_space<vmem>>, vector<16xf32>,
      %bitcast3A = vector.bitcast %get3A_694 : vector<16xf32> to vector<16xi32>
      %shift_left3A = arith.constant 16 : i32
      %shift_left3A_701 = vector.broadcast %shift_left3A : i32 to vector<16xi32>
      %shift_left3A_702 = arith.shli %bitcast3A, %shift_left3A_701 : vector<16xi32>
      %bitcast3A_703 = vector.bitcast %shift_left3A_702 : vector<16xi32> to vector<16xf32>
      %and3A = arith.andi %bitcast3A, %broadcast_in_dim3A_286 : vector<16xi32>
      %bitcast3A_704 = vector.bitcast %and3A : vector<16xi32> to vector<16xf32>
      %bitcast3A_705 = vector.bitcast %get3A_700 : vector<16xf32> to vector<16xi32>
      %shift_left3A_706 = arith.constant 16 : i32
      %shift_left3A_707 = vector.broadcast %shift_left3A_706 : i32 to vector<16xi32>
      %shift_left3A_708 = arith.shli %bitcast3A_705, %shift_left3A_707 : vector<16xi32>
      %bitcast3A_709 = vector.bitcast %shift_left3A_708 : vector<16xi32> to vector<16xf32>
      %and3A_710 = arith.andi %bitcast3A_705, %broadcast_in_dim3A_286 : vector<16xi32>
      %bitcast3A_711 = vector.bitcast %and3A_710 : vector<16xi32> to vector<16xf32>
      %add3A_712 = arith.addf %bitcast3A_703, %get3A_318 : vector<16xf32>
      %add3A_713 = arith.addf %bitcast3A_709, %get3A_320 : vector<16xf32>
      %mul3A_714 = arith.mulf %add3A_712, %add3A_713 : vector<16xf32>
      %add3A_715 = arith.addf %scan3A_688, %mul3A_714 : vector<16xf32>
      %add3A_716 = arith.addf %bitcast3A_704, %get3A_318 : vector<16xf32>
      %add3A_717 = arith.addf %bitcast3A_711, %get3A_320 : vector<16xf32>
      %mul3A_718 = arith.mulf %add3A_716, %add3A_717 : vector<16xf32>
      %add3A_719 = arith.addf %add3A_715, %mul3A_718 : vector<16xf32>
      scf.yield %add3A_719 : vector<16xf32>
    }
    %scan3A_328 = arith.constant 32 : i32
    %add3A_329 = arith.addf %scan3A_327, %get3A_66 : vector<16xf32>
    %swap3A_330 = arith.constant 160 : index
    %swap3A_331 = tpu.vector_load %arg18[%swap3A_330] {strides = array<i32>} : memref<512xf32, #tpu.memory_space<vmem>>, vector<16xf32>,
    tpu.vector_store %arg18[%swap3A_330], %add3A_329 {strides = array<i32>} : memref<512xf32, #tpu.memory_space<vmem>>, vector<16xf32>,
    %get3A_332 = arith.constant 176 : index
    %get3A_333 = tpu.vector_load %arg16[%get3A_332] {strides = array<i32>} : memref<512xf32, #tpu.memory_space<vmem>>, vector<16xf32>,
    %get3A_334 = arith.constant 176 : index
    %get3A_335 = tpu.vector_load %arg17[%get3A_334] {strides = array<i32>} : memref<512xf32, #tpu.memory_space<vmem>>, vector<16xf32>,
    %broadcast_in_dim3A_336 = arith.constant 0.000000e+00 : f32
    %broadcast_in_dim3A_337 = vector.broadcast %broadcast_in_dim3A_336 : f32 to vector<16xf32>
    %scan3A_338 = arith.constant 0 : i32
    %scan3A_339 = arith.constant 32 : i32
    %scan3A_340 = arith.addi %scan3A_338, %scan3A_339 : i32
    %scan3A_341 = arith.constant 1 : i32
    %scan3A_342 = scf.for %scan3A_687 = %scan3A_338 to %scan3A_340 step %scan3A_341 iter_args(%scan3A_688 = %broadcast_in_dim3A_337) -> (vector<16xf32>)  : i32 {
      %mul3A_689 = arith.constant 128 : i32
      %mul3A_690 = arith.muli %scan3A_687, %mul3A_689 : i32
      %add3A_691 = arith.constant 48 : i32
      %add3A_692 = arith.addi %mul3A_690, %add3A_691 : i32
      %get3A_693 = arith.index_cast %add3A_692 : i32 to index
      %get3A_694 = tpu.vector_load %arg14[%get3A_693] {strides = array<i32>} : memref<4096xf32, #tpu.memory_space<vmem>>, vector<16xf32>,
      %mul3A_695 = arith.constant 128 : i32
      %mul3A_696 = arith.muli %scan3A_687, %mul3A_695 : i32
      %add3A_697 = arith.constant 48 : i32
      %add3A_698 = arith.addi %mul3A_696, %add3A_697 : i32
      %get3A_699 = arith.index_cast %add3A_698 : i32 to index
      %get3A_700 = tpu.vector_load %arg15[%get3A_699] {strides = array<i32>} : memref<4096xf32, #tpu.memory_space<vmem>>, vector<16xf32>,
      %bitcast3A = vector.bitcast %get3A_694 : vector<16xf32> to vector<16xi32>
      %shift_left3A = arith.constant 16 : i32
      %shift_left3A_701 = vector.broadcast %shift_left3A : i32 to vector<16xi32>
      %shift_left3A_702 = arith.shli %bitcast3A, %shift_left3A_701 : vector<16xi32>
      %bitcast3A_703 = vector.bitcast %shift_left3A_702 : vector<16xi32> to vector<16xf32>
      %and3A = arith.andi %bitcast3A, %broadcast_in_dim3A_286 : vector<16xi32>
      %bitcast3A_704 = vector.bitcast %and3A : vector<16xi32> to vector<16xf32>
      %bitcast3A_705 = vector.bitcast %get3A_700 : vector<16xf32> to vector<16xi32>
      %shift_left3A_706 = arith.constant 16 : i32
      %shift_left3A_707 = vector.broadcast %shift_left3A_706 : i32 to vector<16xi32>
      %shift_left3A_708 = arith.shli %bitcast3A_705, %shift_left3A_707 : vector<16xi32>
      %bitcast3A_709 = vector.bitcast %shift_left3A_708 : vector<16xi32> to vector<16xf32>
      %and3A_710 = arith.andi %bitcast3A_705, %broadcast_in_dim3A_286 : vector<16xi32>
      %bitcast3A_711 = vector.bitcast %and3A_710 : vector<16xi32> to vector<16xf32>
      %add3A_712 = arith.addf %bitcast3A_703, %get3A_333 : vector<16xf32>
      %add3A_713 = arith.addf %bitcast3A_709, %get3A_335 : vector<16xf32>
      %mul3A_714 = arith.mulf %add3A_712, %add3A_713 : vector<16xf32>
      %add3A_715 = arith.addf %scan3A_688, %mul3A_714 : vector<16xf32>
      %add3A_716 = arith.addf %bitcast3A_704, %get3A_333 : vector<16xf32>
      %add3A_717 = arith.addf %bitcast3A_711, %get3A_335 : vector<16xf32>
      %mul3A_718 = arith.mulf %add3A_716, %add3A_717 : vector<16xf32>
      %add3A_719 = arith.addf %add3A_715, %mul3A_718 : vector<16xf32>
      scf.yield %add3A_719 : vector<16xf32>
    }
    %scan3A_343 = arith.constant 32 : i32
    %add3A_344 = arith.addf %scan3A_342, %get3A_66 : vector<16xf32>
    %swap3A_345 = arith.constant 176 : index
    %swap3A_346 = tpu.vector_load %arg18[%swap3A_345] {strides = array<i32>} : memref<512xf32, #tpu.memory_space<vmem>>, vector<16xf32>,
    tpu.vector_store %arg18[%swap3A_345], %add3A_344 {strides = array<i32>} : memref<512xf32, #tpu.memory_space<vmem>>, vector<16xf32>,
    %get3A_347 = arith.constant 192 : index
    %get3A_348 = tpu.vector_load %arg16[%get3A_347] {strides = array<i32>} : memref<512xf32, #tpu.memory_space<vmem>>, vector<16xf32>,
    %get3A_349 = arith.constant 192 : index
    %get3A_350 = tpu.vector_load %arg17[%get3A_349] {strides = array<i32>} : memref<512xf32, #tpu.memory_space<vmem>>, vector<16xf32>,
    %broadcast_in_dim3A_351 = arith.constant 0.000000e+00 : f32
    %broadcast_in_dim3A_352 = vector.broadcast %broadcast_in_dim3A_351 : f32 to vector<16xf32>
    %scan3A_353 = arith.constant 0 : i32
    %scan3A_354 = arith.constant 32 : i32
    %scan3A_355 = arith.addi %scan3A_353, %scan3A_354 : i32
    %scan3A_356 = arith.constant 1 : i32
    %scan3A_357 = scf.for %scan3A_687 = %scan3A_353 to %scan3A_355 step %scan3A_356 iter_args(%scan3A_688 = %broadcast_in_dim3A_352) -> (vector<16xf32>)  : i32 {
      %mul3A_689 = arith.constant 128 : i32
      %mul3A_690 = arith.muli %scan3A_687, %mul3A_689 : i32
      %add3A_691 = arith.constant 64 : i32
      %add3A_692 = arith.addi %mul3A_690, %add3A_691 : i32
      %get3A_693 = arith.index_cast %add3A_692 : i32 to index
      %get3A_694 = tpu.vector_load %arg14[%get3A_693] {strides = array<i32>} : memref<4096xf32, #tpu.memory_space<vmem>>, vector<16xf32>,
      %mul3A_695 = arith.constant 128 : i32
      %mul3A_696 = arith.muli %scan3A_687, %mul3A_695 : i32
      %add3A_697 = arith.constant 64 : i32
      %add3A_698 = arith.addi %mul3A_696, %add3A_697 : i32
      %get3A_699 = arith.index_cast %add3A_698 : i32 to index
      %get3A_700 = tpu.vector_load %arg15[%get3A_699] {strides = array<i32>} : memref<4096xf32, #tpu.memory_space<vmem>>, vector<16xf32>,
      %bitcast3A = vector.bitcast %get3A_694 : vector<16xf32> to vector<16xi32>
      %shift_left3A = arith.constant 16 : i32
      %shift_left3A_701 = vector.broadcast %shift_left3A : i32 to vector<16xi32>
      %shift_left3A_702 = arith.shli %bitcast3A, %shift_left3A_701 : vector<16xi32>
      %bitcast3A_703 = vector.bitcast %shift_left3A_702 : vector<16xi32> to vector<16xf32>
      %and3A = arith.andi %bitcast3A, %broadcast_in_dim3A_286 : vector<16xi32>
      %bitcast3A_704 = vector.bitcast %and3A : vector<16xi32> to vector<16xf32>
      %bitcast3A_705 = vector.bitcast %get3A_700 : vector<16xf32> to vector<16xi32>
      %shift_left3A_706 = arith.constant 16 : i32
      %shift_left3A_707 = vector.broadcast %shift_left3A_706 : i32 to vector<16xi32>
      %shift_left3A_708 = arith.shli %bitcast3A_705, %shift_left3A_707 : vector<16xi32>
      %bitcast3A_709 = vector.bitcast %shift_left3A_708 : vector<16xi32> to vector<16xf32>
      %and3A_710 = arith.andi %bitcast3A_705, %broadcast_in_dim3A_286 : vector<16xi32>
      %bitcast3A_711 = vector.bitcast %and3A_710 : vector<16xi32> to vector<16xf32>
      %add3A_712 = arith.addf %bitcast3A_703, %get3A_348 : vector<16xf32>
      %add3A_713 = arith.addf %bitcast3A_709, %get3A_350 : vector<16xf32>
      %mul3A_714 = arith.mulf %add3A_712, %add3A_713 : vector<16xf32>
      %add3A_715 = arith.addf %scan3A_688, %mul3A_714 : vector<16xf32>
      %add3A_716 = arith.addf %bitcast3A_704, %get3A_348 : vector<16xf32>
      %add3A_717 = arith.addf %bitcast3A_711, %get3A_350 : vector<16xf32>
      %mul3A_718 = arith.mulf %add3A_716, %add3A_717 : vector<16xf32>
      %add3A_719 = arith.addf %add3A_715, %mul3A_718 : vector<16xf32>
      scf.yield %add3A_719 : vector<16xf32>
    }
    %scan3A_358 = arith.constant 32 : i32
    %add3A_359 = arith.addf %scan3A_357, %get3A_66 : vector<16xf32>
    %swap3A_360 = arith.constant 192 : index
    %swap3A_361 = tpu.vector_load %arg18[%swap3A_360] {strides = array<i32>} : memref<512xf32, #tpu.memory_space<vmem>>, vector<16xf32>,
    tpu.vector_store %arg18[%swap3A_360], %add3A_359 {strides = array<i32>} : memref<512xf32, #tpu.memory_space<vmem>>, vector<16xf32>,
    %get3A_362 = arith.constant 208 : index
    %get3A_363 = tpu.vector_load %arg16[%get3A_362] {strides = array<i32>} : memref<512xf32, #tpu.memory_space<vmem>>, vector<16xf32>,
    %get3A_364 = arith.constant 208 : index
    %get3A_365 = tpu.vector_load %arg17[%get3A_364] {strides = array<i32>} : memref<512xf32, #tpu.memory_space<vmem>>, vector<16xf32>,
    %broadcast_in_dim3A_366 = arith.constant 0.000000e+00 : f32
    %broadcast_in_dim3A_367 = vector.broadcast %broadcast_in_dim3A_366 : f32 to vector<16xf32>
    %scan3A_368 = arith.constant 0 : i32
    %scan3A_369 = arith.constant 32 : i32
    %scan3A_370 = arith.addi %scan3A_368, %scan3A_369 : i32
    %scan3A_371 = arith.constant 1 : i32
    %scan3A_372 = scf.for %scan3A_687 = %scan3A_368 to %scan3A_370 step %scan3A_371 iter_args(%scan3A_688 = %broadcast_in_dim3A_367) -> (vector<16xf32>)  : i32 {
      %mul3A_689 = arith.constant 128 : i32
      %mul3A_690 = arith.muli %scan3A_687, %mul3A_689 : i32
      %add3A_691 = arith.constant 80 : i32
      %add3A_692 = arith.addi %mul3A_690, %add3A_691 : i32
      %get3A_693 = arith.index_cast %add3A_692 : i32 to index
      %get3A_694 = tpu.vector_load %arg14[%get3A_693] {strides = array<i32>} : memref<4096xf32, #tpu.memory_space<vmem>>, vector<16xf32>,
      %mul3A_695 = arith.constant 128 : i32
      %mul3A_696 = arith.muli %scan3A_687, %mul3A_695 : i32
      %add3A_697 = arith.constant 80 : i32
      %add3A_698 = arith.addi %mul3A_696, %add3A_697 : i32
      %get3A_699 = arith.index_cast %add3A_698 : i32 to index
      %get3A_700 = tpu.vector_load %arg15[%get3A_699] {strides = array<i32>} : memref<4096xf32, #tpu.memory_space<vmem>>, vector<16xf32>,
      %bitcast3A = vector.bitcast %get3A_694 : vector<16xf32> to vector<16xi32>
      %shift_left3A = arith.constant 16 : i32
      %shift_left3A_701 = vector.broadcast %shift_left3A : i32 to vector<16xi32>
      %shift_left3A_702 = arith.shli %bitcast3A, %shift_left3A_701 : vector<16xi32>
      %bitcast3A_703 = vector.bitcast %shift_left3A_702 : vector<16xi32> to vector<16xf32>
      %and3A = arith.andi %bitcast3A, %broadcast_in_dim3A_286 : vector<16xi32>
      %bitcast3A_704 = vector.bitcast %and3A : vector<16xi32> to vector<16xf32>
      %bitcast3A_705 = vector.bitcast %get3A_700 : vector<16xf32> to vector<16xi32>
      %shift_left3A_706 = arith.constant 16 : i32
      %shift_left3A_707 = vector.broadcast %shift_left3A_706 : i32 to vector<16xi32>
      %shift_left3A_708 = arith.shli %bitcast3A_705, %shift_left3A_707 : vector<16xi32>
      %bitcast3A_709 = vector.bitcast %shift_left3A_708 : vector<16xi32> to vector<16xf32>
      %and3A_710 = arith.andi %bitcast3A_705, %broadcast_in_dim3A_286 : vector<16xi32>
      %bitcast3A_711 = vector.bitcast %and3A_710 : vector<16xi32> to vector<16xf32>
      %add3A_712 = arith.addf %bitcast3A_703, %get3A_363 : vector<16xf32>
      %add3A_713 = arith.addf %bitcast3A_709, %get3A_365 : vector<16xf32>
      %mul3A_714 = arith.mulf %add3A_712, %add3A_713 : vector<16xf32>
      %add3A_715 = arith.addf %scan3A_688, %mul3A_714 : vector<16xf32>
      %add3A_716 = arith.addf %bitcast3A_704, %get3A_363 : vector<16xf32>
      %add3A_717 = arith.addf %bitcast3A_711, %get3A_365 : vector<16xf32>
      %mul3A_718 = arith.mulf %add3A_716, %add3A_717 : vector<16xf32>
      %add3A_719 = arith.addf %add3A_715, %mul3A_718 : vector<16xf32>
      scf.yield %add3A_719 : vector<16xf32>
    }
    %scan3A_373 = arith.constant 32 : i32
    %add3A_374 = arith.addf %scan3A_372, %get3A_66 : vector<16xf32>
    %swap3A_375 = arith.constant 208 : index
    %swap3A_376 = tpu.vector_load %arg18[%swap3A_375] {strides = array<i32>} : memref<512xf32, #tpu.memory_space<vmem>>, vector<16xf32>,
    tpu.vector_store %arg18[%swap3A_375], %add3A_374 {strides = array<i32>} : memref<512xf32, #tpu.memory_space<vmem>>, vector<16xf32>,
    %get3A_377 = arith.constant 224 : index
    %get3A_378 = tpu.vector_load %arg16[%get3A_377] {strides = array<i32>} : memref<512xf32, #tpu.memory_space<vmem>>, vector<16xf32>,
    %get3A_379 = arith.constant 224 : index
    %get3A_380 = tpu.vector_load %arg17[%get3A_379] {strides = array<i32>} : memref<512xf32, #tpu.memory_space<vmem>>, vector<16xf32>,
    %broadcast_in_dim3A_381 = arith.constant 0.000000e+00 : f32
    %broadcast_in_dim3A_382 = vector.broadcast %broadcast_in_dim3A_381 : f32 to vector<16xf32>
    %scan3A_383 = arith.constant 0 : i32
    %scan3A_384 = arith.constant 32 : i32
    %scan3A_385 = arith.addi %scan3A_383, %scan3A_384 : i32
    %scan3A_386 = arith.constant 1 : i32
    %scan3A_387 = scf.for %scan3A_687 = %scan3A_383 to %scan3A_385 step %scan3A_386 iter_args(%scan3A_688 = %broadcast_in_dim3A_382) -> (vector<16xf32>)  : i32 {
      %mul3A_689 = arith.constant 128 : i32
      %mul3A_690 = arith.muli %scan3A_687, %mul3A_689 : i32
      %add3A_691 = arith.constant 96 : i32
      %add3A_692 = arith.addi %mul3A_690, %add3A_691 : i32
      %get3A_693 = arith.index_cast %add3A_692 : i32 to index
      %get3A_694 = tpu.vector_load %arg14[%get3A_693] {strides = array<i32>} : memref<4096xf32, #tpu.memory_space<vmem>>, vector<16xf32>,
      %mul3A_695 = arith.constant 128 : i32
      %mul3A_696 = arith.muli %scan3A_687, %mul3A_695 : i32
      %add3A_697 = arith.constant 96 : i32
      %add3A_698 = arith.addi %mul3A_696, %add3A_697 : i32
      %get3A_699 = arith.index_cast %add3A_698 : i32 to index
      %get3A_700 = tpu.vector_load %arg15[%get3A_699] {strides = array<i32>} : memref<4096xf32, #tpu.memory_space<vmem>>, vector<16xf32>,
      %bitcast3A = vector.bitcast %get3A_694 : vector<16xf32> to vector<16xi32>
      %shift_left3A = arith.constant 16 : i32
      %shift_left3A_701 = vector.broadcast %shift_left3A : i32 to vector<16xi32>
      %shift_left3A_702 = arith.shli %bitcast3A, %shift_left3A_701 : vector<16xi32>
      %bitcast3A_703 = vector.bitcast %shift_left3A_702 : vector<16xi32> to vector<16xf32>
      %and3A = arith.andi %bitcast3A, %broadcast_in_dim3A_286 : vector<16xi32>
      %bitcast3A_704 = vector.bitcast %and3A : vector<16xi32> to vector<16xf32>
      %bitcast3A_705 = vector.bitcast %get3A_700 : vector<16xf32> to vector<16xi32>
      %shift_left3A_706 = arith.constant 16 : i32
      %shift_left3A_707 = vector.broadcast %shift_left3A_706 : i32 to vector<16xi32>
      %shift_left3A_708 = arith.shli %bitcast3A_705, %shift_left3A_707 : vector<16xi32>
      %bitcast3A_709 = vector.bitcast %shift_left3A_708 : vector<16xi32> to vector<16xf32>
      %and3A_710 = arith.andi %bitcast3A_705, %broadcast_in_dim3A_286 : vector<16xi32>
      %bitcast3A_711 = vector.bitcast %and3A_710 : vector<16xi32> to vector<16xf32>
      %add3A_712 = arith.addf %bitcast3A_703, %get3A_378 : vector<16xf32>
      %add3A_713 = arith.addf %bitcast3A_709, %get3A_380 : vector<16xf32>
      %mul3A_714 = arith.mulf %add3A_712, %add3A_713 : vector<16xf32>
      %add3A_715 = arith.addf %scan3A_688, %mul3A_714 : vector<16xf32>
      %add3A_716 = arith.addf %bitcast3A_704, %get3A_378 : vector<16xf32>
      %add3A_717 = arith.addf %bitcast3A_711, %get3A_380 : vector<16xf32>
      %mul3A_718 = arith.mulf %add3A_716, %add3A_717 : vector<16xf32>
      %add3A_719 = arith.addf %add3A_715, %mul3A_718 : vector<16xf32>
      scf.yield %add3A_719 : vector<16xf32>
    }
    %scan3A_388 = arith.constant 32 : i32
    %add3A_389 = arith.addf %scan3A_387, %get3A_66 : vector<16xf32>
    %swap3A_390 = arith.constant 224 : index
    %swap3A_391 = tpu.vector_load %arg18[%swap3A_390] {strides = array<i32>} : memref<512xf32, #tpu.memory_space<vmem>>, vector<16xf32>,
    tpu.vector_store %arg18[%swap3A_390], %add3A_389 {strides = array<i32>} : memref<512xf32, #tpu.memory_space<vmem>>, vector<16xf32>,
    %get3A_392 = arith.constant 240 : index
    %get3A_393 = tpu.vector_load %arg16[%get3A_392] {strides = array<i32>} : memref<512xf32, #tpu.memory_space<vmem>>, vector<16xf32>,
    %get3A_394 = arith.constant 240 : index
    %get3A_395 = tpu.vector_load %arg17[%get3A_394] {strides = array<i32>} : memref<512xf32, #tpu.memory_space<vmem>>, vector<16xf32>,
    %broadcast_in_dim3A_396 = arith.constant 0.000000e+00 : f32
    %broadcast_in_dim3A_397 = vector.broadcast %broadcast_in_dim3A_396 : f32 to vector<16xf32>
    %scan3A_398 = arith.constant 0 : i32
    %scan3A_399 = arith.constant 32 : i32
    %scan3A_400 = arith.addi %scan3A_398, %scan3A_399 : i32
    %scan3A_401 = arith.constant 1 : i32
    %scan3A_402 = scf.for %scan3A_687 = %scan3A_398 to %scan3A_400 step %scan3A_401 iter_args(%scan3A_688 = %broadcast_in_dim3A_397) -> (vector<16xf32>)  : i32 {
      %mul3A_689 = arith.constant 128 : i32
      %mul3A_690 = arith.muli %scan3A_687, %mul3A_689 : i32
      %add3A_691 = arith.constant 112 : i32
      %add3A_692 = arith.addi %mul3A_690, %add3A_691 : i32
      %get3A_693 = arith.index_cast %add3A_692 : i32 to index
      %get3A_694 = tpu.vector_load %arg14[%get3A_693] {strides = array<i32>} : memref<4096xf32, #tpu.memory_space<vmem>>, vector<16xf32>,
      %mul3A_695 = arith.constant 128 : i32
      %mul3A_696 = arith.muli %scan3A_687, %mul3A_695 : i32
      %add3A_697 = arith.constant 112 : i32
      %add3A_698 = arith.addi %mul3A_696, %add3A_697 : i32
      %get3A_699 = arith.index_cast %add3A_698 : i32 to index
      %get3A_700 = tpu.vector_load %arg15[%get3A_699] {strides = array<i32>} : memref<4096xf32, #tpu.memory_space<vmem>>, vector<16xf32>,
      %bitcast3A = vector.bitcast %get3A_694 : vector<16xf32> to vector<16xi32>
      %shift_left3A = arith.constant 16 : i32
      %shift_left3A_701 = vector.broadcast %shift_left3A : i32 to vector<16xi32>
      %shift_left3A_702 = arith.shli %bitcast3A, %shift_left3A_701 : vector<16xi32>
      %bitcast3A_703 = vector.bitcast %shift_left3A_702 : vector<16xi32> to vector<16xf32>
      %and3A = arith.andi %bitcast3A, %broadcast_in_dim3A_286 : vector<16xi32>
      %bitcast3A_704 = vector.bitcast %and3A : vector<16xi32> to vector<16xf32>
      %bitcast3A_705 = vector.bitcast %get3A_700 : vector<16xf32> to vector<16xi32>
      %shift_left3A_706 = arith.constant 16 : i32
      %shift_left3A_707 = vector.broadcast %shift_left3A_706 : i32 to vector<16xi32>
      %shift_left3A_708 = arith.shli %bitcast3A_705, %shift_left3A_707 : vector<16xi32>
      %bitcast3A_709 = vector.bitcast %shift_left3A_708 : vector<16xi32> to vector<16xf32>
      %and3A_710 = arith.andi %bitcast3A_705, %broadcast_in_dim3A_286 : vector<16xi32>
      %bitcast3A_711 = vector.bitcast %and3A_710 : vector<16xi32> to vector<16xf32>
      %add3A_712 = arith.addf %bitcast3A_703, %get3A_393 : vector<16xf32>
      %add3A_713 = arith.addf %bitcast3A_709, %get3A_395 : vector<16xf32>
      %mul3A_714 = arith.mulf %add3A_712, %add3A_713 : vector<16xf32>
      %add3A_715 = arith.addf %scan3A_688, %mul3A_714 : vector<16xf32>
      %add3A_716 = arith.addf %bitcast3A_704, %get3A_393 : vector<16xf32>
      %add3A_717 = arith.addf %bitcast3A_711, %get3A_395 : vector<16xf32>
      %mul3A_718 = arith.mulf %add3A_716, %add3A_717 : vector<16xf32>
      %add3A_719 = arith.addf %add3A_715, %mul3A_718 : vector<16xf32>
      scf.yield %add3A_719 : vector<16xf32>
    }
    %scan3A_403 = arith.constant 32 : i32
    %add3A_404 = arith.addf %scan3A_402, %get3A_66 : vector<16xf32>
    %swap3A_405 = arith.constant 240 : index
    %swap3A_406 = tpu.vector_load %arg18[%swap3A_405] {strides = array<i32>} : memref<512xf32, #tpu.memory_space<vmem>>, vector<16xf32>,
    tpu.vector_store %arg18[%swap3A_405], %add3A_404 {strides = array<i32>} : memref<512xf32, #tpu.memory_space<vmem>>, vector<16xf32>,
    %scan3A_407 = arith.constant 0 : i32
    %scan3A_408 = arith.constant 0 : i32
    %scan3A_409 = arith.constant 32 : i32
    %scan3A_410 = arith.addi %scan3A_408, %scan3A_409 : i32
    %scan3A_411 = arith.constant 1 : i32
    scf.for %scan3A_687 = %scan3A_408 to %scan3A_410 step %scan3A_411  : i32 {
      %shift_right_arithmetic3A = arith.constant 3 : i32
      %shift_right_arithmetic3A_688 = arith.shrsi %scan3A_687, %shift_right_arithmetic3A : i32
      %mul3A_689 = arith.constant 8388608 : i32
      %mul3A_690 = arith.muli %shift_right_arithmetic3A_688, %mul3A_689 : i32
      %and3A = arith.constant 7 : i32
      %and3A_691 = arith.andi %scan3A_687, %and3A : i32
      %mul3A_692 = arith.constant 131072 : i32
      %mul3A_693 = arith.muli %and3A_691, %mul3A_692 : i32
      %add3A_694 = arith.addi %mul3A_690, %mul3A_693 : i32
      %get3A_695 = arith.constant 2 : i32
      %get3A_696 = arith.index_cast %get3A_695 : i32 to index
      %get3A_697 = arith.constant 0 : index
      %get3A_698 = tpu.vector_load %arg10[%get3A_696, %get3A_697] {strides = array<i32>} : memref<4x128xi32, #tpu.memory_space<vmem>>, vector<16xi32>,
      %shift_right_arithmetic3A_699 = arith.constant 17 : i32
      %shift_right_arithmetic3A_700 = vector.broadcast %shift_right_arithmetic3A_699 : i32 to vector<16xi32>
      %shift_right_arithmetic3A_701 = arith.shrsi %get3A_698, %shift_right_arithmetic3A_700 : vector<16xi32>
      %mul3A_702 = arith.constant 1048576 : i32
      %mul3A_703 = vector.broadcast %mul3A_702 : i32 to vector<16xi32>
      %mul3A_704 = arith.muli %shift_right_arithmetic3A_701, %mul3A_703 : vector<16xi32>
      %and3A_705 = arith.constant 131071 : i32
      %and3A_706 = vector.broadcast %and3A_705 : i32 to vector<16xi32>
      %and3A_707 = arith.andi %get3A_698, %and3A_706 : vector<16xi32>
      %add3A_708 = arith.addi %mul3A_704, %and3A_707 : vector<16xi32>
      %add3A_709 = vector.broadcast %add3A_694 : i32 to vector<16xi32>
      %add3A_710 = arith.addi %add3A_708, %add3A_709 : vector<16xi32>
      %swap3A_711 = arith.index_cast %scan3A_687 : i32 to index
      %swap3A_712 = arith.constant 0 : index
      %swap3A_713 = tpu.vector_load %arg12[%swap3A_711, %swap3A_712] {strides = array<i32>} : memref<32x128xi32, #tpu.memory_space<vmem>>, vector<16xi32>,
      tpu.vector_store %arg12[%swap3A_711, %swap3A_712], %add3A_710 {strides = array<i32>} : memref<32x128xi32, #tpu.memory_space<vmem>>, vector<16xi32>,
      %get3A_714 = arith.constant 2 : i32
      %get3A_715 = arith.index_cast %get3A_714 : i32 to index
      %get3A_716 = arith.constant 0 : index
      %get3A_717 = tpu.vector_load %arg11[%get3A_715, %get3A_716] {strides = array<i32>} : memref<4x128xi32, #tpu.memory_space<vmem>>, vector<16xi32>,
      %shift_right_arithmetic3A_718 = arith.constant 17 : i32
      %shift_right_arithmetic3A_719 = vector.broadcast %shift_right_arithmetic3A_718 : i32 to vector<16xi32>
      %shift_right_arithmetic3A_720 = arith.shrsi %get3A_717, %shift_right_arithmetic3A_719 : vector<16xi32>
      %mul3A_721 = arith.constant 1048576 : i32
      %mul3A_722 = vector.broadcast %mul3A_721 : i32 to vector<16xi32>
      %mul3A_723 = arith.muli %shift_right_arithmetic3A_720, %mul3A_722 : vector<16xi32>
      %and3A_724 = arith.constant 131071 : i32
      %and3A_725 = vector.broadcast %and3A_724 : i32 to vector<16xi32>
      %and3A_726 = arith.andi %get3A_717, %and3A_725 : vector<16xi32>
      %add3A_727 = arith.addi %mul3A_723, %and3A_726 : vector<16xi32>
      %add3A_728 = vector.broadcast %add3A_694 : i32 to vector<16xi32>
      %add3A_729 = arith.addi %add3A_727, %add3A_728 : vector<16xi32>
      %swap3A_730 = arith.index_cast %scan3A_687 : i32 to index
      %swap3A_731 = arith.constant 0 : index
      %swap3A_732 = tpu.vector_load %arg13[%swap3A_730, %swap3A_731] {strides = array<i32>} : memref<32x128xi32, #tpu.memory_space<vmem>>, vector<16xi32>,
      tpu.vector_store %arg13[%swap3A_730, %swap3A_731], %add3A_729 {strides = array<i32>} : memref<32x128xi32, #tpu.memory_space<vmem>>, vector<16xi32>,
      %get3A_733 = arith.constant 2 : i32
      %get3A_734 = arith.index_cast %get3A_733 : i32 to index
      %get3A_735 = arith.constant 16 : index
      %get3A_736 = tpu.vector_load %arg10[%get3A_734, %get3A_735] {strides = array<i32>} : memref<4x128xi32, #tpu.memory_space<vmem>>, vector<16xi32>,
      %shift_right_arithmetic3A_737 = arith.constant 17 : i32
      %shift_right_arithmetic3A_738 = vector.broadcast %shift_right_arithmetic3A_737 : i32 to vector<16xi32>
      %shift_right_arithmetic3A_739 = arith.shrsi %get3A_736, %shift_right_arithmetic3A_738 : vector<16xi32>
      %mul3A_740 = arith.constant 1048576 : i32
      %mul3A_741 = vector.broadcast %mul3A_740 : i32 to vector<16xi32>
      %mul3A_742 = arith.muli %shift_right_arithmetic3A_739, %mul3A_741 : vector<16xi32>
      %and3A_743 = arith.constant 131071 : i32
      %and3A_744 = vector.broadcast %and3A_743 : i32 to vector<16xi32>
      %and3A_745 = arith.andi %get3A_736, %and3A_744 : vector<16xi32>
      %add3A_746 = arith.addi %mul3A_742, %and3A_745 : vector<16xi32>
      %add3A_747 = vector.broadcast %add3A_694 : i32 to vector<16xi32>
      %add3A_748 = arith.addi %add3A_746, %add3A_747 : vector<16xi32>
      %swap3A_749 = arith.index_cast %scan3A_687 : i32 to index
      %swap3A_750 = arith.constant 16 : index
      %swap3A_751 = tpu.vector_load %arg12[%swap3A_749, %swap3A_750] {strides = array<i32>} : memref<32x128xi32, #tpu.memory_space<vmem>>, vector<16xi32>,
      tpu.vector_store %arg12[%swap3A_749, %swap3A_750], %add3A_748 {strides = array<i32>} : memref<32x128xi32, #tpu.memory_space<vmem>>, vector<16xi32>,
      %get3A_752 = arith.constant 2 : i32
      %get3A_753 = arith.index_cast %get3A_752 : i32 to index
      %get3A_754 = arith.constant 16 : index
      %get3A_755 = tpu.vector_load %arg11[%get3A_753, %get3A_754] {strides = array<i32>} : memref<4x128xi32, #tpu.memory_space<vmem>>, vector<16xi32>,
      %shift_right_arithmetic3A_756 = arith.constant 17 : i32
      %shift_right_arithmetic3A_757 = vector.broadcast %shift_right_arithmetic3A_756 : i32 to vector<16xi32>
      %shift_right_arithmetic3A_758 = arith.shrsi %get3A_755, %shift_right_arithmetic3A_757 : vector<16xi32>
      %mul3A_759 = arith.constant 1048576 : i32
      %mul3A_760 = vector.broadcast %mul3A_759 : i32 to vector<16xi32>
      %mul3A_761 = arith.muli %shift_right_arithmetic3A_758, %mul3A_760 : vector<16xi32>
      %and3A_762 = arith.constant 131071 : i32
      %and3A_763 = vector.broadcast %and3A_762 : i32 to vector<16xi32>
      %and3A_764 = arith.andi %get3A_755, %and3A_763 : vector<16xi32>
      %add3A_765 = arith.addi %mul3A_761, %and3A_764 : vector<16xi32>
      %add3A_766 = vector.broadcast %add3A_694 : i32 to vector<16xi32>
      %add3A_767 = arith.addi %add3A_765, %add3A_766 : vector<16xi32>
      %swap3A_768 = arith.index_cast %scan3A_687 : i32 to index
      %swap3A_769 = arith.constant 16 : index
      %swap3A_770 = tpu.vector_load %arg13[%swap3A_768, %swap3A_769] {strides = array<i32>} : memref<32x128xi32, #tpu.memory_space<vmem>>, vector<16xi32>,
      tpu.vector_store %arg13[%swap3A_768, %swap3A_769], %add3A_767 {strides = array<i32>} : memref<32x128xi32, #tpu.memory_space<vmem>>, vector<16xi32>,
      %get3A_771 = arith.constant 2 : i32
      %get3A_772 = arith.index_cast %get3A_771 : i32 to index
      %get3A_773 = arith.constant 32 : index
      %get3A_774 = tpu.vector_load %arg10[%get3A_772, %get3A_773] {strides = array<i32>} : memref<4x128xi32, #tpu.memory_space<vmem>>, vector<16xi32>,
      %shift_right_arithmetic3A_775 = arith.constant 17 : i32
      %shift_right_arithmetic3A_776 = vector.broadcast %shift_right_arithmetic3A_775 : i32 to vector<16xi32>
      %shift_right_arithmetic3A_777 = arith.shrsi %get3A_774, %shift_right_arithmetic3A_776 : vector<16xi32>
      %mul3A_778 = arith.constant 1048576 : i32
      %mul3A_779 = vector.broadcast %mul3A_778 : i32 to vector<16xi32>
      %mul3A_780 = arith.muli %shift_right_arithmetic3A_777, %mul3A_779 : vector<16xi32>
      %and3A_781 = arith.constant 131071 : i32
      %and3A_782 = vector.broadcast %and3A_781 : i32 to vector<16xi32>
      %and3A_783 = arith.andi %get3A_774, %and3A_782 : vector<16xi32>
      %add3A_784 = arith.addi %mul3A_780, %and3A_783 : vector<16xi32>
      %add3A_785 = vector.broadcast %add3A_694 : i32 to vector<16xi32>
      %add3A_786 = arith.addi %add3A_784, %add3A_785 : vector<16xi32>
      %swap3A_787 = arith.index_cast %scan3A_687 : i32 to index
      %swap3A_788 = arith.constant 32 : index
      %swap3A_789 = tpu.vector_load %arg12[%swap3A_787, %swap3A_788] {strides = array<i32>} : memref<32x128xi32, #tpu.memory_space<vmem>>, vector<16xi32>,
      tpu.vector_store %arg12[%swap3A_787, %swap3A_788], %add3A_786 {strides = array<i32>} : memref<32x128xi32, #tpu.memory_space<vmem>>, vector<16xi32>,
      %get3A_790 = arith.constant 2 : i32
      %get3A_791 = arith.index_cast %get3A_790 : i32 to index
      %get3A_792 = arith.constant 32 : index
      %get3A_793 = tpu.vector_load %arg11[%get3A_791, %get3A_792] {strides = array<i32>} : memref<4x128xi32, #tpu.memory_space<vmem>>, vector<16xi32>,
      %shift_right_arithmetic3A_794 = arith.constant 17 : i32
      %shift_right_arithmetic3A_795 = vector.broadcast %shift_right_arithmetic3A_794 : i32 to vector<16xi32>
      %shift_right_arithmetic3A_796 = arith.shrsi %get3A_793, %shift_right_arithmetic3A_795 : vector<16xi32>
      %mul3A_797 = arith.constant 1048576 : i32
      %mul3A_798 = vector.broadcast %mul3A_797 : i32 to vector<16xi32>
      %mul3A_799 = arith.muli %shift_right_arithmetic3A_796, %mul3A_798 : vector<16xi32>
      %and3A_800 = arith.constant 131071 : i32
      %and3A_801 = vector.broadcast %and3A_800 : i32 to vector<16xi32>
      %and3A_802 = arith.andi %get3A_793, %and3A_801 : vector<16xi32>
      %add3A_803 = arith.addi %mul3A_799, %and3A_802 : vector<16xi32>
      %add3A_804 = vector.broadcast %add3A_694 : i32 to vector<16xi32>
      %add3A_805 = arith.addi %add3A_803, %add3A_804 : vector<16xi32>
      %swap3A_806 = arith.index_cast %scan3A_687 : i32 to index
      %swap3A_807 = arith.constant 32 : index
      %swap3A_808 = tpu.vector_load %arg13[%swap3A_806, %swap3A_807] {strides = array<i32>} : memref<32x128xi32, #tpu.memory_space<vmem>>, vector<16xi32>,
      tpu.vector_store %arg13[%swap3A_806, %swap3A_807], %add3A_805 {strides = array<i32>} : memref<32x128xi32, #tpu.memory_space<vmem>>, vector<16xi32>,
      %get3A_809 = arith.constant 2 : i32
      %get3A_810 = arith.index_cast %get3A_809 : i32 to index
      %get3A_811 = arith.constant 48 : index
      %get3A_812 = tpu.vector_load %arg10[%get3A_810, %get3A_811] {strides = array<i32>} : memref<4x128xi32, #tpu.memory_space<vmem>>, vector<16xi32>,
      %shift_right_arithmetic3A_813 = arith.constant 17 : i32
      %shift_right_arithmetic3A_814 = vector.broadcast %shift_right_arithmetic3A_813 : i32 to vector<16xi32>
      %shift_right_arithmetic3A_815 = arith.shrsi %get3A_812, %shift_right_arithmetic3A_814 : vector<16xi32>
      %mul3A_816 = arith.constant 1048576 : i32
      %mul3A_817 = vector.broadcast %mul3A_816 : i32 to vector<16xi32>
      %mul3A_818 = arith.muli %shift_right_arithmetic3A_815, %mul3A_817 : vector<16xi32>
      %and3A_819 = arith.constant 131071 : i32
      %and3A_820 = vector.broadcast %and3A_819 : i32 to vector<16xi32>
      %and3A_821 = arith.andi %get3A_812, %and3A_820 : vector<16xi32>
      %add3A_822 = arith.addi %mul3A_818, %and3A_821 : vector<16xi32>
      %add3A_823 = vector.broadcast %add3A_694 : i32 to vector<16xi32>
      %add3A_824 = arith.addi %add3A_822, %add3A_823 : vector<16xi32>
      %swap3A_825 = arith.index_cast %scan3A_687 : i32 to index
      %swap3A_826 = arith.constant 48 : index
      %swap3A_827 = tpu.vector_load %arg12[%swap3A_825, %swap3A_826] {strides = array<i32>} : memref<32x128xi32, #tpu.memory_space<vmem>>, vector<16xi32>,
      tpu.vector_store %arg12[%swap3A_825, %swap3A_826], %add3A_824 {strides = array<i32>} : memref<32x128xi32, #tpu.memory_space<vmem>>, vector<16xi32>,
      %get3A_828 = arith.constant 2 : i32
      %get3A_829 = arith.index_cast %get3A_828 : i32 to index
      %get3A_830 = arith.constant 48 : index
      %get3A_831 = tpu.vector_load %arg11[%get3A_829, %get3A_830] {strides = array<i32>} : memref<4x128xi32, #tpu.memory_space<vmem>>, vector<16xi32>,
      %shift_right_arithmetic3A_832 = arith.constant 17 : i32
      %shift_right_arithmetic3A_833 = vector.broadcast %shift_right_arithmetic3A_832 : i32 to vector<16xi32>
      %shift_right_arithmetic3A_834 = arith.shrsi %get3A_831, %shift_right_arithmetic3A_833 : vector<16xi32>
      %mul3A_835 = arith.constant 1048576 : i32
      %mul3A_836 = vector.broadcast %mul3A_835 : i32 to vector<16xi32>
      %mul3A_837 = arith.muli %shift_right_arithmetic3A_834, %mul3A_836 : vector<16xi32>
      %and3A_838 = arith.constant 131071 : i32
      %and3A_839 = vector.broadcast %and3A_838 : i32 to vector<16xi32>
      %and3A_840 = arith.andi %get3A_831, %and3A_839 : vector<16xi32>
      %add3A_841 = arith.addi %mul3A_837, %and3A_840 : vector<16xi32>
      %add3A_842 = vector.broadcast %add3A_694 : i32 to vector<16xi32>
      %add3A_843 = arith.addi %add3A_841, %add3A_842 : vector<16xi32>
      %swap3A_844 = arith.index_cast %scan3A_687 : i32 to index
      %swap3A_845 = arith.constant 48 : index
      %swap3A_846 = tpu.vector_load %arg13[%swap3A_844, %swap3A_845] {strides = array<i32>} : memref<32x128xi32, #tpu.memory_space<vmem>>, vector<16xi32>,
      tpu.vector_store %arg13[%swap3A_844, %swap3A_845], %add3A_843 {strides = array<i32>} : memref<32x128xi32, #tpu.memory_space<vmem>>, vector<16xi32>,
      %get3A_847 = arith.constant 2 : i32
      %get3A_848 = arith.index_cast %get3A_847 : i32 to index
      %get3A_849 = arith.constant 64 : index
      %get3A_850 = tpu.vector_load %arg10[%get3A_848, %get3A_849] {strides = array<i32>} : memref<4x128xi32, #tpu.memory_space<vmem>>, vector<16xi32>,
      %shift_right_arithmetic3A_851 = arith.constant 17 : i32
      %shift_right_arithmetic3A_852 = vector.broadcast %shift_right_arithmetic3A_851 : i32 to vector<16xi32>
      %shift_right_arithmetic3A_853 = arith.shrsi %get3A_850, %shift_right_arithmetic3A_852 : vector<16xi32>
      %mul3A_854 = arith.constant 1048576 : i32
      %mul3A_855 = vector.broadcast %mul3A_854 : i32 to vector<16xi32>
      %mul3A_856 = arith.muli %shift_right_arithmetic3A_853, %mul3A_855 : vector<16xi32>
      %and3A_857 = arith.constant 131071 : i32
      %and3A_858 = vector.broadcast %and3A_857 : i32 to vector<16xi32>
      %and3A_859 = arith.andi %get3A_850, %and3A_858 : vector<16xi32>
      %add3A_860 = arith.addi %mul3A_856, %and3A_859 : vector<16xi32>
      %add3A_861 = vector.broadcast %add3A_694 : i32 to vector<16xi32>
      %add3A_862 = arith.addi %add3A_860, %add3A_861 : vector<16xi32>
      %swap3A_863 = arith.index_cast %scan3A_687 : i32 to index
      %swap3A_864 = arith.constant 64 : index
      %swap3A_865 = tpu.vector_load %arg12[%swap3A_863, %swap3A_864] {strides = array<i32>} : memref<32x128xi32, #tpu.memory_space<vmem>>, vector<16xi32>,
      tpu.vector_store %arg12[%swap3A_863, %swap3A_864], %add3A_862 {strides = array<i32>} : memref<32x128xi32, #tpu.memory_space<vmem>>, vector<16xi32>,
      %get3A_866 = arith.constant 2 : i32
      %get3A_867 = arith.index_cast %get3A_866 : i32 to index
      %get3A_868 = arith.constant 64 : index
      %get3A_869 = tpu.vector_load %arg11[%get3A_867, %get3A_868] {strides = array<i32>} : memref<4x128xi32, #tpu.memory_space<vmem>>, vector<16xi32>,
      %shift_right_arithmetic3A_870 = arith.constant 17 : i32
      %shift_right_arithmetic3A_871 = vector.broadcast %shift_right_arithmetic3A_870 : i32 to vector<16xi32>
      %shift_right_arithmetic3A_872 = arith.shrsi %get3A_869, %shift_right_arithmetic3A_871 : vector<16xi32>
      %mul3A_873 = arith.constant 1048576 : i32
      %mul3A_874 = vector.broadcast %mul3A_873 : i32 to vector<16xi32>
      %mul3A_875 = arith.muli %shift_right_arithmetic3A_872, %mul3A_874 : vector<16xi32>
      %and3A_876 = arith.constant 131071 : i32
      %and3A_877 = vector.broadcast %and3A_876 : i32 to vector<16xi32>
      %and3A_878 = arith.andi %get3A_869, %and3A_877 : vector<16xi32>
      %add3A_879 = arith.addi %mul3A_875, %and3A_878 : vector<16xi32>
      %add3A_880 = vector.broadcast %add3A_694 : i32 to vector<16xi32>
      %add3A_881 = arith.addi %add3A_879, %add3A_880 : vector<16xi32>
      %swap3A_882 = arith.index_cast %scan3A_687 : i32 to index
      %swap3A_883 = arith.constant 64 : index
      %swap3A_884 = tpu.vector_load %arg13[%swap3A_882, %swap3A_883] {strides = array<i32>} : memref<32x128xi32, #tpu.memory_space<vmem>>, vector<16xi32>,
      tpu.vector_store %arg13[%swap3A_882, %swap3A_883], %add3A_881 {strides = array<i32>} : memref<32x128xi32, #tpu.memory_space<vmem>>, vector<16xi32>,
      %get3A_885 = arith.constant 2 : i32
      %get3A_886 = arith.index_cast %get3A_885 : i32 to index
      %get3A_887 = arith.constant 80 : index
      %get3A_888 = tpu.vector_load %arg10[%get3A_886, %get3A_887] {strides = array<i32>} : memref<4x128xi32, #tpu.memory_space<vmem>>, vector<16xi32>,
      %shift_right_arithmetic3A_889 = arith.constant 17 : i32
      %shift_right_arithmetic3A_890 = vector.broadcast %shift_right_arithmetic3A_889 : i32 to vector<16xi32>
      %shift_right_arithmetic3A_891 = arith.shrsi %get3A_888, %shift_right_arithmetic3A_890 : vector<16xi32>
      %mul3A_892 = arith.constant 1048576 : i32
      %mul3A_893 = vector.broadcast %mul3A_892 : i32 to vector<16xi32>
      %mul3A_894 = arith.muli %shift_right_arithmetic3A_891, %mul3A_893 : vector<16xi32>
      %and3A_895 = arith.constant 131071 : i32
      %and3A_896 = vector.broadcast %and3A_895 : i32 to vector<16xi32>
      %and3A_897 = arith.andi %get3A_888, %and3A_896 : vector<16xi32>
      %add3A_898 = arith.addi %mul3A_894, %and3A_897 : vector<16xi32>
      %add3A_899 = vector.broadcast %add3A_694 : i32 to vector<16xi32>
      %add3A_900 = arith.addi %add3A_898, %add3A_899 : vector<16xi32>
      %swap3A_901 = arith.index_cast %scan3A_687 : i32 to index
      %swap3A_902 = arith.constant 80 : index
      %swap3A_903 = tpu.vector_load %arg12[%swap3A_901, %swap3A_902] {strides = array<i32>} : memref<32x128xi32, #tpu.memory_space<vmem>>, vector<16xi32>,
      tpu.vector_store %arg12[%swap3A_901, %swap3A_902], %add3A_900 {strides = array<i32>} : memref<32x128xi32, #tpu.memory_space<vmem>>, vector<16xi32>,
      %get3A_904 = arith.constant 2 : i32
      %get3A_905 = arith.index_cast %get3A_904 : i32 to index
      %get3A_906 = arith.constant 80 : index
      %get3A_907 = tpu.vector_load %arg11[%get3A_905, %get3A_906] {strides = array<i32>} : memref<4x128xi32, #tpu.memory_space<vmem>>, vector<16xi32>,
      %shift_right_arithmetic3A_908 = arith.constant 17 : i32
      %shift_right_arithmetic3A_909 = vector.broadcast %shift_right_arithmetic3A_908 : i32 to vector<16xi32>
      %shift_right_arithmetic3A_910 = arith.shrsi %get3A_907, %shift_right_arithmetic3A_909 : vector<16xi32>
      %mul3A_911 = arith.constant 1048576 : i32
      %mul3A_912 = vector.broadcast %mul3A_911 : i32 to vector<16xi32>
      %mul3A_913 = arith.muli %shift_right_arithmetic3A_910, %mul3A_912 : vector<16xi32>
      %and3A_914 = arith.constant 131071 : i32
      %and3A_915 = vector.broadcast %and3A_914 : i32 to vector<16xi32>
      %and3A_916 = arith.andi %get3A_907, %and3A_915 : vector<16xi32>
      %add3A_917 = arith.addi %mul3A_913, %and3A_916 : vector<16xi32>
      %add3A_918 = vector.broadcast %add3A_694 : i32 to vector<16xi32>
      %add3A_919 = arith.addi %add3A_917, %add3A_918 : vector<16xi32>
      %swap3A_920 = arith.index_cast %scan3A_687 : i32 to index
      %swap3A_921 = arith.constant 80 : index
      %swap3A_922 = tpu.vector_load %arg13[%swap3A_920, %swap3A_921] {strides = array<i32>} : memref<32x128xi32, #tpu.memory_space<vmem>>, vector<16xi32>,
      tpu.vector_store %arg13[%swap3A_920, %swap3A_921], %add3A_919 {strides = array<i32>} : memref<32x128xi32, #tpu.memory_space<vmem>>, vector<16xi32>,
      %get3A_923 = arith.constant 2 : i32
      %get3A_924 = arith.index_cast %get3A_923 : i32 to index
      %get3A_925 = arith.constant 96 : index
      %get3A_926 = tpu.vector_load %arg10[%get3A_924, %get3A_925] {strides = array<i32>} : memref<4x128xi32, #tpu.memory_space<vmem>>, vector<16xi32>,
      %shift_right_arithmetic3A_927 = arith.constant 17 : i32
      %shift_right_arithmetic3A_928 = vector.broadcast %shift_right_arithmetic3A_927 : i32 to vector<16xi32>
      %shift_right_arithmetic3A_929 = arith.shrsi %get3A_926, %shift_right_arithmetic3A_928 : vector<16xi32>
      %mul3A_930 = arith.constant 1048576 : i32
      %mul3A_931 = vector.broadcast %mul3A_930 : i32 to vector<16xi32>
      %mul3A_932 = arith.muli %shift_right_arithmetic3A_929, %mul3A_931 : vector<16xi32>
      %and3A_933 = arith.constant 131071 : i32
      %and3A_934 = vector.broadcast %and3A_933 : i32 to vector<16xi32>
      %and3A_935 = arith.andi %get3A_926, %and3A_934 : vector<16xi32>
      %add3A_936 = arith.addi %mul3A_932, %and3A_935 : vector<16xi32>
      %add3A_937 = vector.broadcast %add3A_694 : i32 to vector<16xi32>
      %add3A_938 = arith.addi %add3A_936, %add3A_937 : vector<16xi32>
      %swap3A_939 = arith.index_cast %scan3A_687 : i32 to index
      %swap3A_940 = arith.constant 96 : index
      %swap3A_941 = tpu.vector_load %arg12[%swap3A_939, %swap3A_940] {strides = array<i32>} : memref<32x128xi32, #tpu.memory_space<vmem>>, vector<16xi32>,
      tpu.vector_store %arg12[%swap3A_939, %swap3A_940], %add3A_938 {strides = array<i32>} : memref<32x128xi32, #tpu.memory_space<vmem>>, vector<16xi32>,
      %get3A_942 = arith.constant 2 : i32
      %get3A_943 = arith.index_cast %get3A_942 : i32 to index
      %get3A_944 = arith.constant 96 : index
      %get3A_945 = tpu.vector_load %arg11[%get3A_943, %get3A_944] {strides = array<i32>} : memref<4x128xi32, #tpu.memory_space<vmem>>, vector<16xi32>,
      %shift_right_arithmetic3A_946 = arith.constant 17 : i32
      %shift_right_arithmetic3A_947 = vector.broadcast %shift_right_arithmetic3A_946 : i32 to vector<16xi32>
      %shift_right_arithmetic3A_948 = arith.shrsi %get3A_945, %shift_right_arithmetic3A_947 : vector<16xi32>
      %mul3A_949 = arith.constant 1048576 : i32
      %mul3A_950 = vector.broadcast %mul3A_949 : i32 to vector<16xi32>
      %mul3A_951 = arith.muli %shift_right_arithmetic3A_948, %mul3A_950 : vector<16xi32>
      %and3A_952 = arith.constant 131071 : i32
      %and3A_953 = vector.broadcast %and3A_952 : i32 to vector<16xi32>
      %and3A_954 = arith.andi %get3A_945, %and3A_953 : vector<16xi32>
      %add3A_955 = arith.addi %mul3A_951, %and3A_954 : vector<16xi32>
      %add3A_956 = vector.broadcast %add3A_694 : i32 to vector<16xi32>
      %add3A_957 = arith.addi %add3A_955, %add3A_956 : vector<16xi32>
      %swap3A_958 = arith.index_cast %scan3A_687 : i32 to index
      %swap3A_959 = arith.constant 96 : index
      %swap3A_960 = tpu.vector_load %arg13[%swap3A_958, %swap3A_959] {strides = array<i32>} : memref<32x128xi32, #tpu.memory_space<vmem>>, vector<16xi32>,
      tpu.vector_store %arg13[%swap3A_958, %swap3A_959], %add3A_957 {strides = array<i32>} : memref<32x128xi32, #tpu.memory_space<vmem>>, vector<16xi32>,
      %get3A_961 = arith.constant 2 : i32
      %get3A_962 = arith.index_cast %get3A_961 : i32 to index
      %get3A_963 = arith.constant 112 : index
      %get3A_964 = tpu.vector_load %arg10[%get3A_962, %get3A_963] {strides = array<i32>} : memref<4x128xi32, #tpu.memory_space<vmem>>, vector<16xi32>,
      %shift_right_arithmetic3A_965 = arith.constant 17 : i32
      %shift_right_arithmetic3A_966 = vector.broadcast %shift_right_arithmetic3A_965 : i32 to vector<16xi32>
      %shift_right_arithmetic3A_967 = arith.shrsi %get3A_964, %shift_right_arithmetic3A_966 : vector<16xi32>
      %mul3A_968 = arith.constant 1048576 : i32
      %mul3A_969 = vector.broadcast %mul3A_968 : i32 to vector<16xi32>
      %mul3A_970 = arith.muli %shift_right_arithmetic3A_967, %mul3A_969 : vector<16xi32>
      %and3A_971 = arith.constant 131071 : i32
      %and3A_972 = vector.broadcast %and3A_971 : i32 to vector<16xi32>
      %and3A_973 = arith.andi %get3A_964, %and3A_972 : vector<16xi32>
      %add3A_974 = arith.addi %mul3A_970, %and3A_973 : vector<16xi32>
      %add3A_975 = vector.broadcast %add3A_694 : i32 to vector<16xi32>
      %add3A_976 = arith.addi %add3A_974, %add3A_975 : vector<16xi32>
      %swap3A_977 = arith.index_cast %scan3A_687 : i32 to index
      %swap3A_978 = arith.constant 112 : index
      %swap3A_979 = tpu.vector_load %arg12[%swap3A_977, %swap3A_978] {strides = array<i32>} : memref<32x128xi32, #tpu.memory_space<vmem>>, vector<16xi32>,
      tpu.vector_store %arg12[%swap3A_977, %swap3A_978], %add3A_976 {strides = array<i32>} : memref<32x128xi32, #tpu.memory_space<vmem>>, vector<16xi32>,
      %get3A_980 = arith.constant 2 : i32
      %get3A_981 = arith.index_cast %get3A_980 : i32 to index
      %get3A_982 = arith.constant 112 : index
      %get3A_983 = tpu.vector_load %arg11[%get3A_981, %get3A_982] {strides = array<i32>} : memref<4x128xi32, #tpu.memory_space<vmem>>, vector<16xi32>,
      %shift_right_arithmetic3A_984 = arith.constant 17 : i32
      %shift_right_arithmetic3A_985 = vector.broadcast %shift_right_arithmetic3A_984 : i32 to vector<16xi32>
      %shift_right_arithmetic3A_986 = arith.shrsi %get3A_983, %shift_right_arithmetic3A_985 : vector<16xi32>
      %mul3A_987 = arith.constant 1048576 : i32
      %mul3A_988 = vector.broadcast %mul3A_987 : i32 to vector<16xi32>
      %mul3A_989 = arith.muli %shift_right_arithmetic3A_986, %mul3A_988 : vector<16xi32>
      %and3A_990 = arith.constant 131071 : i32
      %and3A_991 = vector.broadcast %and3A_990 : i32 to vector<16xi32>
      %and3A_992 = arith.andi %get3A_983, %and3A_991 : vector<16xi32>
      %add3A_993 = arith.addi %mul3A_989, %and3A_992 : vector<16xi32>
      %add3A_994 = vector.broadcast %add3A_694 : i32 to vector<16xi32>
      %add3A_995 = arith.addi %add3A_993, %add3A_994 : vector<16xi32>
      %swap3A_996 = arith.index_cast %scan3A_687 : i32 to index
      %swap3A_997 = arith.constant 112 : index
      %swap3A_998 = tpu.vector_load %arg13[%swap3A_996, %swap3A_997] {strides = array<i32>} : memref<32x128xi32, #tpu.memory_space<vmem>>, vector<16xi32>,
      tpu.vector_store %arg13[%swap3A_996, %swap3A_997], %add3A_995 {strides = array<i32>} : memref<32x128xi32, #tpu.memory_space<vmem>>, vector<16xi32>,
    }
    %scan3A_412 = arith.constant 32 : i32
    %scan3A_413 = arith.constant 0 : i32
    %scan3A_414 = arith.constant 0 : i32
    %scan3A_415 = arith.constant 32 : i32
    %scan3A_416 = arith.addi %scan3A_414, %scan3A_415 : i32
    %scan3A_417 = arith.constant 1 : i32
    scf.for %scan3A_687 = %scan3A_414 to %scan3A_416 step %scan3A_417  : i32 {
      %mul3A_688 = arith.constant 128 : i32
      %mul3A_689 = arith.muli %scan3A_687, %mul3A_688 : i32
      %dma_start3A_690 = tpu.memref_slice %arg14[%mul3A_689] : memref<4096xf32, #tpu.memory_space<vmem>> -> memref<128xf32, #tpu.memory_space<vmem>>
      %dma_start3A_691 = arith.constant 0 : i32
      %dma_start3A_692 = tpu.memref_slice %arg12[%scan3A_687, %dma_start3A_691] : memref<32x128xi32, #tpu.memory_space<vmem>> -> memref<1x128xi32, #tpu.memory_space<vmem>>
      %dma_start3A_693 = tpu.memref_squeeze %dma_start3A_692 : memref<1x128xi32, #tpu.memory_space<vmem>> -> memref<128xi32, #tpu.memory_space<vmem>>
      %dma_start3A_694 = arith.constant 0 : i32
      %dma_start3A_695 = tpu.memref_slice %arg4[%dma_start3A_694] : memref<33554432xf32, #tpu.memory_space<hbm>> -> memref<33554432xf32, #tpu.memory_space<hbm>>
      tpu.enqueue_indirect_dma source(%dma_start3A_695 : memref<33554432xf32, #tpu.memory_space<hbm>>) target(%dma_start3A_690 : memref<128xf32, #tpu.memory_space<vmem>>) offsets(%dma_start3A_693 : memref<128xi32, #tpu.memory_space<vmem>>) semaphore(%arg20 : memref<!tpu.dma_semaphore, #tpu.memory_space<semaphore_mem>>)
      %dma_start3A_696 = tpu.memref_slice %arg15[%mul3A_689] : memref<4096xf32, #tpu.memory_space<vmem>> -> memref<128xf32, #tpu.memory_space<vmem>>
      %dma_start3A_697 = arith.constant 0 : i32
      %dma_start3A_698 = tpu.memref_slice %arg13[%scan3A_687, %dma_start3A_697] : memref<32x128xi32, #tpu.memory_space<vmem>> -> memref<1x128xi32, #tpu.memory_space<vmem>>
      %dma_start3A_699 = tpu.memref_squeeze %dma_start3A_698 : memref<1x128xi32, #tpu.memory_space<vmem>> -> memref<128xi32, #tpu.memory_space<vmem>>
      %dma_start3A_700 = arith.constant 0 : i32
      %dma_start3A_701 = tpu.memref_slice %arg5[%dma_start3A_700] : memref<33554432xf32, #tpu.memory_space<hbm>> -> memref<33554432xf32, #tpu.memory_space<hbm>>
      tpu.enqueue_indirect_dma source(%dma_start3A_701 : memref<33554432xf32, #tpu.memory_space<hbm>>) target(%dma_start3A_696 : memref<128xf32, #tpu.memory_space<vmem>>) offsets(%dma_start3A_699 : memref<128xi32, #tpu.memory_space<vmem>>) semaphore(%arg20 : memref<!tpu.dma_semaphore, #tpu.memory_space<semaphore_mem>>)
      %ge3A = arith.constant 8 : i32
      %ge3A_702 = arith.cmpi sge, %scan3A_687, %ge3A : i32
      %convert_element_type3A = arith.extui %ge3A_702 : i1 to i32
      %cond3A = arith.constant 0 : i32
      %cond3A_703 = arith.cmpi ne, %convert_element_type3A, %cond3A : i32
      scf.if %cond3A_703 {
        %sub3A = arith.constant 8 : i32
        %sub3A_704 = arith.subi %scan3A_687, %sub3A : i32
        %mul3A_705 = arith.constant 128 : i32
        %mul3A_706 = arith.muli %sub3A_704, %mul3A_705 : i32
        %dma_wait3A_707 = tpu.memref_slice %arg14[%mul3A_706] : memref<4096xf32, #tpu.memory_space<vmem>> -> memref<128xf32, #tpu.memory_space<vmem>>
        %dma_wait3A_708 = arith.constant 0 : i32
        %dma_wait3A_709 = tpu.memref_slice %arg12[%sub3A_704, %dma_wait3A_708] : memref<32x128xi32, #tpu.memory_space<vmem>> -> memref<1x128xi32, #tpu.memory_space<vmem>>
        %dma_wait3A_710 = tpu.memref_squeeze %dma_wait3A_709 : memref<1x128xi32, #tpu.memory_space<vmem>> -> memref<128xi32, #tpu.memory_space<vmem>>
        %dma_wait3A_711 = arith.constant 0 : i32
        %dma_wait3A_712 = tpu.memref_slice %arg4[%dma_wait3A_711] : memref<33554432xf32, #tpu.memory_space<hbm>> -> memref<33554432xf32, #tpu.memory_space<hbm>>
        tpu.wait_indirect_dma semaphore(%arg20 : memref<!tpu.dma_semaphore, #tpu.memory_space<semaphore_mem>>) src(%dma_wait3A_712 : memref<33554432xf32, #tpu.memory_space<hbm>>) dst(%dma_wait3A_707 : memref<128xf32, #tpu.memory_space<vmem>>)
        %dma_wait3A_713 = tpu.memref_slice %arg15[%mul3A_706] : memref<4096xf32, #tpu.memory_space<vmem>> -> memref<128xf32, #tpu.memory_space<vmem>>
        %dma_wait3A_714 = arith.constant 0 : i32
        %dma_wait3A_715 = tpu.memref_slice %arg13[%sub3A_704, %dma_wait3A_714] : memref<32x128xi32, #tpu.memory_space<vmem>> -> memref<1x128xi32, #tpu.memory_space<vmem>>
        %dma_wait3A_716 = tpu.memref_squeeze %dma_wait3A_715 : memref<1x128xi32, #tpu.memory_space<vmem>> -> memref<128xi32, #tpu.memory_space<vmem>>
        %dma_wait3A_717 = arith.constant 0 : i32
        %dma_wait3A_718 = tpu.memref_slice %arg5[%dma_wait3A_717] : memref<33554432xf32, #tpu.memory_space<hbm>> -> memref<33554432xf32, #tpu.memory_space<hbm>>
        tpu.wait_indirect_dma semaphore(%arg20 : memref<!tpu.dma_semaphore, #tpu.memory_space<semaphore_mem>>) src(%dma_wait3A_718 : memref<33554432xf32, #tpu.memory_space<hbm>>) dst(%dma_wait3A_713 : memref<128xf32, #tpu.memory_space<vmem>>)
      } else {
      }
    }
    %scan3A_418 = arith.constant 32 : i32
    %scan3A_419 = arith.constant 0 : i32
    %scan3A_420 = arith.constant 24 : i32
    %scan3A_421 = arith.constant 8 : i32
    %scan3A_422 = arith.addi %scan3A_420, %scan3A_421 : i32
    %scan3A_423 = arith.constant 1 : i32
    scf.for %scan3A_687 = %scan3A_420 to %scan3A_422 step %scan3A_423  : i32 {
      %mul3A_688 = arith.constant 128 : i32
      %mul3A_689 = arith.muli %scan3A_687, %mul3A_688 : i32
      %dma_wait3A_690 = tpu.memref_slice %arg14[%mul3A_689] : memref<4096xf32, #tpu.memory_space<vmem>> -> memref<128xf32, #tpu.memory_space<vmem>>
      %dma_wait3A_691 = arith.constant 0 : i32
      %dma_wait3A_692 = tpu.memref_slice %arg12[%scan3A_687, %dma_wait3A_691] : memref<32x128xi32, #tpu.memory_space<vmem>> -> memref<1x128xi32, #tpu.memory_space<vmem>>
      %dma_wait3A_693 = tpu.memref_squeeze %dma_wait3A_692 : memref<1x128xi32, #tpu.memory_space<vmem>> -> memref<128xi32, #tpu.memory_space<vmem>>
      %dma_wait3A_694 = arith.constant 0 : i32
      %dma_wait3A_695 = tpu.memref_slice %arg4[%dma_wait3A_694] : memref<33554432xf32, #tpu.memory_space<hbm>> -> memref<33554432xf32, #tpu.memory_space<hbm>>
      tpu.wait_indirect_dma semaphore(%arg20 : memref<!tpu.dma_semaphore, #tpu.memory_space<semaphore_mem>>) src(%dma_wait3A_695 : memref<33554432xf32, #tpu.memory_space<hbm>>) dst(%dma_wait3A_690 : memref<128xf32, #tpu.memory_space<vmem>>)
      %dma_wait3A_696 = tpu.memref_slice %arg15[%mul3A_689] : memref<4096xf32, #tpu.memory_space<vmem>> -> memref<128xf32, #tpu.memory_space<vmem>>
      %dma_wait3A_697 = arith.constant 0 : i32
      %dma_wait3A_698 = tpu.memref_slice %arg13[%scan3A_687, %dma_wait3A_697] : memref<32x128xi32, #tpu.memory_space<vmem>> -> memref<1x128xi32, #tpu.memory_space<vmem>>
      %dma_wait3A_699 = tpu.memref_squeeze %dma_wait3A_698 : memref<1x128xi32, #tpu.memory_space<vmem>> -> memref<128xi32, #tpu.memory_space<vmem>>
      %dma_wait3A_700 = arith.constant 0 : i32
      %dma_wait3A_701 = tpu.memref_slice %arg5[%dma_wait3A_700] : memref<33554432xf32, #tpu.memory_space<hbm>> -> memref<33554432xf32, #tpu.memory_space<hbm>>
      tpu.wait_indirect_dma semaphore(%arg20 : memref<!tpu.dma_semaphore, #tpu.memory_space<semaphore_mem>>) src(%dma_wait3A_701 : memref<33554432xf32, #tpu.memory_space<hbm>>) dst(%dma_wait3A_696 : memref<128xf32, #tpu.memory_space<vmem>>)
    }
    %scan3A_424 = arith.constant 8 : i32
    %broadcast_in_dim3A_425 = arith.constant -65536 : i32
    %broadcast_in_dim3A_426 = vector.broadcast %broadcast_in_dim3A_425 : i32 to vector<16xi32>
    %get3A_427 = arith.constant 256 : index
    %get3A_428 = tpu.vector_load %arg16[%get3A_427] {strides = array<i32>} : memref<512xf32, #tpu.memory_space<vmem>>, vector<16xf32>,
    %get3A_429 = arith.constant 256 : index
    %get3A_430 = tpu.vector_load %arg17[%get3A_429] {strides = array<i32>} : memref<512xf32, #tpu.memory_space<vmem>>, vector<16xf32>,
    %broadcast_in_dim3A_431 = arith.constant 0.000000e+00 : f32
    %broadcast_in_dim3A_432 = vector.broadcast %broadcast_in_dim3A_431 : f32 to vector<16xf32>
    %scan3A_433 = arith.constant 0 : i32
    %scan3A_434 = arith.constant 32 : i32
    %scan3A_435 = arith.addi %scan3A_433, %scan3A_434 : i32
    %scan3A_436 = arith.constant 1 : i32
    %scan3A_437 = scf.for %scan3A_687 = %scan3A_433 to %scan3A_435 step %scan3A_436 iter_args(%scan3A_688 = %broadcast_in_dim3A_432) -> (vector<16xf32>)  : i32 {
      %mul3A_689 = arith.constant 128 : i32
      %mul3A_690 = arith.muli %scan3A_687, %mul3A_689 : i32
      %add3A_691 = arith.constant 0 : i32
      %add3A_692 = arith.addi %mul3A_690, %add3A_691 : i32
      %get3A_693 = arith.index_cast %add3A_692 : i32 to index
      %get3A_694 = tpu.vector_load %arg14[%get3A_693] {strides = array<i32>} : memref<4096xf32, #tpu.memory_space<vmem>>, vector<16xf32>,
      %mul3A_695 = arith.constant 128 : i32
      %mul3A_696 = arith.muli %scan3A_687, %mul3A_695 : i32
      %add3A_697 = arith.constant 0 : i32
      %add3A_698 = arith.addi %mul3A_696, %add3A_697 : i32
      %get3A_699 = arith.index_cast %add3A_698 : i32 to index
      %get3A_700 = tpu.vector_load %arg15[%get3A_699] {strides = array<i32>} : memref<4096xf32, #tpu.memory_space<vmem>>, vector<16xf32>,
      %bitcast3A = vector.bitcast %get3A_694 : vector<16xf32> to vector<16xi32>
      %shift_left3A = arith.constant 16 : i32
      %shift_left3A_701 = vector.broadcast %shift_left3A : i32 to vector<16xi32>
      %shift_left3A_702 = arith.shli %bitcast3A, %shift_left3A_701 : vector<16xi32>
      %bitcast3A_703 = vector.bitcast %shift_left3A_702 : vector<16xi32> to vector<16xf32>
      %and3A = arith.andi %bitcast3A, %broadcast_in_dim3A_426 : vector<16xi32>
      %bitcast3A_704 = vector.bitcast %and3A : vector<16xi32> to vector<16xf32>
      %bitcast3A_705 = vector.bitcast %get3A_700 : vector<16xf32> to vector<16xi32>
      %shift_left3A_706 = arith.constant 16 : i32
      %shift_left3A_707 = vector.broadcast %shift_left3A_706 : i32 to vector<16xi32>
      %shift_left3A_708 = arith.shli %bitcast3A_705, %shift_left3A_707 : vector<16xi32>
      %bitcast3A_709 = vector.bitcast %shift_left3A_708 : vector<16xi32> to vector<16xf32>
      %and3A_710 = arith.andi %bitcast3A_705, %broadcast_in_dim3A_426 : vector<16xi32>
      %bitcast3A_711 = vector.bitcast %and3A_710 : vector<16xi32> to vector<16xf32>
      %add3A_712 = arith.addf %bitcast3A_703, %get3A_428 : vector<16xf32>
      %add3A_713 = arith.addf %bitcast3A_709, %get3A_430 : vector<16xf32>
      %mul3A_714 = arith.mulf %add3A_712, %add3A_713 : vector<16xf32>
      %add3A_715 = arith.addf %scan3A_688, %mul3A_714 : vector<16xf32>
      %add3A_716 = arith.addf %bitcast3A_704, %get3A_428 : vector<16xf32>
      %add3A_717 = arith.addf %bitcast3A_711, %get3A_430 : vector<16xf32>
      %mul3A_718 = arith.mulf %add3A_716, %add3A_717 : vector<16xf32>
      %add3A_719 = arith.addf %add3A_715, %mul3A_718 : vector<16xf32>
      scf.yield %add3A_719 : vector<16xf32>
    }
    %scan3A_438 = arith.constant 32 : i32
    %add3A_439 = arith.addf %scan3A_437, %get3A_66 : vector<16xf32>
    %swap3A_440 = arith.constant 256 : index
    %swap3A_441 = tpu.vector_load %arg18[%swap3A_440] {strides = array<i32>} : memref<512xf32, #tpu.memory_space<vmem>>, vector<16xf32>,
    tpu.vector_store %arg18[%swap3A_440], %add3A_439 {strides = array<i32>} : memref<512xf32, #tpu.memory_space<vmem>>, vector<16xf32>,
    %get3A_442 = arith.constant 272 : index
    %get3A_443 = tpu.vector_load %arg16[%get3A_442] {strides = array<i32>} : memref<512xf32, #tpu.memory_space<vmem>>, vector<16xf32>,
    %get3A_444 = arith.constant 272 : index
    %get3A_445 = tpu.vector_load %arg17[%get3A_444] {strides = array<i32>} : memref<512xf32, #tpu.memory_space<vmem>>, vector<16xf32>,
    %broadcast_in_dim3A_446 = arith.constant 0.000000e+00 : f32
    %broadcast_in_dim3A_447 = vector.broadcast %broadcast_in_dim3A_446 : f32 to vector<16xf32>
    %scan3A_448 = arith.constant 0 : i32
    %scan3A_449 = arith.constant 32 : i32
    %scan3A_450 = arith.addi %scan3A_448, %scan3A_449 : i32
    %scan3A_451 = arith.constant 1 : i32
    %scan3A_452 = scf.for %scan3A_687 = %scan3A_448 to %scan3A_450 step %scan3A_451 iter_args(%scan3A_688 = %broadcast_in_dim3A_447) -> (vector<16xf32>)  : i32 {
      %mul3A_689 = arith.constant 128 : i32
      %mul3A_690 = arith.muli %scan3A_687, %mul3A_689 : i32
      %add3A_691 = arith.constant 16 : i32
      %add3A_692 = arith.addi %mul3A_690, %add3A_691 : i32
      %get3A_693 = arith.index_cast %add3A_692 : i32 to index
      %get3A_694 = tpu.vector_load %arg14[%get3A_693] {strides = array<i32>} : memref<4096xf32, #tpu.memory_space<vmem>>, vector<16xf32>,
      %mul3A_695 = arith.constant 128 : i32
      %mul3A_696 = arith.muli %scan3A_687, %mul3A_695 : i32
      %add3A_697 = arith.constant 16 : i32
      %add3A_698 = arith.addi %mul3A_696, %add3A_697 : i32
      %get3A_699 = arith.index_cast %add3A_698 : i32 to index
      %get3A_700 = tpu.vector_load %arg15[%get3A_699] {strides = array<i32>} : memref<4096xf32, #tpu.memory_space<vmem>>, vector<16xf32>,
      %bitcast3A = vector.bitcast %get3A_694 : vector<16xf32> to vector<16xi32>
      %shift_left3A = arith.constant 16 : i32
      %shift_left3A_701 = vector.broadcast %shift_left3A : i32 to vector<16xi32>
      %shift_left3A_702 = arith.shli %bitcast3A, %shift_left3A_701 : vector<16xi32>
      %bitcast3A_703 = vector.bitcast %shift_left3A_702 : vector<16xi32> to vector<16xf32>
      %and3A = arith.andi %bitcast3A, %broadcast_in_dim3A_426 : vector<16xi32>
      %bitcast3A_704 = vector.bitcast %and3A : vector<16xi32> to vector<16xf32>
      %bitcast3A_705 = vector.bitcast %get3A_700 : vector<16xf32> to vector<16xi32>
      %shift_left3A_706 = arith.constant 16 : i32
      %shift_left3A_707 = vector.broadcast %shift_left3A_706 : i32 to vector<16xi32>
      %shift_left3A_708 = arith.shli %bitcast3A_705, %shift_left3A_707 : vector<16xi32>
      %bitcast3A_709 = vector.bitcast %shift_left3A_708 : vector<16xi32> to vector<16xf32>
      %and3A_710 = arith.andi %bitcast3A_705, %broadcast_in_dim3A_426 : vector<16xi32>
      %bitcast3A_711 = vector.bitcast %and3A_710 : vector<16xi32> to vector<16xf32>
      %add3A_712 = arith.addf %bitcast3A_703, %get3A_443 : vector<16xf32>
      %add3A_713 = arith.addf %bitcast3A_709, %get3A_445 : vector<16xf32>
      %mul3A_714 = arith.mulf %add3A_712, %add3A_713 : vector<16xf32>
      %add3A_715 = arith.addf %scan3A_688, %mul3A_714 : vector<16xf32>
      %add3A_716 = arith.addf %bitcast3A_704, %get3A_443 : vector<16xf32>
      %add3A_717 = arith.addf %bitcast3A_711, %get3A_445 : vector<16xf32>
      %mul3A_718 = arith.mulf %add3A_716, %add3A_717 : vector<16xf32>
      %add3A_719 = arith.addf %add3A_715, %mul3A_718 : vector<16xf32>
      scf.yield %add3A_719 : vector<16xf32>
    }
    %scan3A_453 = arith.constant 32 : i32
    %add3A_454 = arith.addf %scan3A_452, %get3A_66 : vector<16xf32>
    %swap3A_455 = arith.constant 272 : index
    %swap3A_456 = tpu.vector_load %arg18[%swap3A_455] {strides = array<i32>} : memref<512xf32, #tpu.memory_space<vmem>>, vector<16xf32>,
    tpu.vector_store %arg18[%swap3A_455], %add3A_454 {strides = array<i32>} : memref<512xf32, #tpu.memory_space<vmem>>, vector<16xf32>,
    %get3A_457 = arith.constant 288 : index
    %get3A_458 = tpu.vector_load %arg16[%get3A_457] {strides = array<i32>} : memref<512xf32, #tpu.memory_space<vmem>>, vector<16xf32>,
    %get3A_459 = arith.constant 288 : index
    %get3A_460 = tpu.vector_load %arg17[%get3A_459] {strides = array<i32>} : memref<512xf32, #tpu.memory_space<vmem>>, vector<16xf32>,
    %broadcast_in_dim3A_461 = arith.constant 0.000000e+00 : f32
    %broadcast_in_dim3A_462 = vector.broadcast %broadcast_in_dim3A_461 : f32 to vector<16xf32>
    %scan3A_463 = arith.constant 0 : i32
    %scan3A_464 = arith.constant 32 : i32
    %scan3A_465 = arith.addi %scan3A_463, %scan3A_464 : i32
    %scan3A_466 = arith.constant 1 : i32
    %scan3A_467 = scf.for %scan3A_687 = %scan3A_463 to %scan3A_465 step %scan3A_466 iter_args(%scan3A_688 = %broadcast_in_dim3A_462) -> (vector<16xf32>)  : i32 {
      %mul3A_689 = arith.constant 128 : i32
      %mul3A_690 = arith.muli %scan3A_687, %mul3A_689 : i32
      %add3A_691 = arith.constant 32 : i32
      %add3A_692 = arith.addi %mul3A_690, %add3A_691 : i32
      %get3A_693 = arith.index_cast %add3A_692 : i32 to index
      %get3A_694 = tpu.vector_load %arg14[%get3A_693] {strides = array<i32>} : memref<4096xf32, #tpu.memory_space<vmem>>, vector<16xf32>,
      %mul3A_695 = arith.constant 128 : i32
      %mul3A_696 = arith.muli %scan3A_687, %mul3A_695 : i32
      %add3A_697 = arith.constant 32 : i32
      %add3A_698 = arith.addi %mul3A_696, %add3A_697 : i32
      %get3A_699 = arith.index_cast %add3A_698 : i32 to index
      %get3A_700 = tpu.vector_load %arg15[%get3A_699] {strides = array<i32>} : memref<4096xf32, #tpu.memory_space<vmem>>, vector<16xf32>,
      %bitcast3A = vector.bitcast %get3A_694 : vector<16xf32> to vector<16xi32>
      %shift_left3A = arith.constant 16 : i32
      %shift_left3A_701 = vector.broadcast %shift_left3A : i32 to vector<16xi32>
      %shift_left3A_702 = arith.shli %bitcast3A, %shift_left3A_701 : vector<16xi32>
      %bitcast3A_703 = vector.bitcast %shift_left3A_702 : vector<16xi32> to vector<16xf32>
      %and3A = arith.andi %bitcast3A, %broadcast_in_dim3A_426 : vector<16xi32>
      %bitcast3A_704 = vector.bitcast %and3A : vector<16xi32> to vector<16xf32>
      %bitcast3A_705 = vector.bitcast %get3A_700 : vector<16xf32> to vector<16xi32>
      %shift_left3A_706 = arith.constant 16 : i32
      %shift_left3A_707 = vector.broadcast %shift_left3A_706 : i32 to vector<16xi32>
      %shift_left3A_708 = arith.shli %bitcast3A_705, %shift_left3A_707 : vector<16xi32>
      %bitcast3A_709 = vector.bitcast %shift_left3A_708 : vector<16xi32> to vector<16xf32>
      %and3A_710 = arith.andi %bitcast3A_705, %broadcast_in_dim3A_426 : vector<16xi32>
      %bitcast3A_711 = vector.bitcast %and3A_710 : vector<16xi32> to vector<16xf32>
      %add3A_712 = arith.addf %bitcast3A_703, %get3A_458 : vector<16xf32>
      %add3A_713 = arith.addf %bitcast3A_709, %get3A_460 : vector<16xf32>
      %mul3A_714 = arith.mulf %add3A_712, %add3A_713 : vector<16xf32>
      %add3A_715 = arith.addf %scan3A_688, %mul3A_714 : vector<16xf32>
      %add3A_716 = arith.addf %bitcast3A_704, %get3A_458 : vector<16xf32>
      %add3A_717 = arith.addf %bitcast3A_711, %get3A_460 : vector<16xf32>
      %mul3A_718 = arith.mulf %add3A_716, %add3A_717 : vector<16xf32>
      %add3A_719 = arith.addf %add3A_715, %mul3A_718 : vector<16xf32>
      scf.yield %add3A_719 : vector<16xf32>
    }
    %scan3A_468 = arith.constant 32 : i32
    %add3A_469 = arith.addf %scan3A_467, %get3A_66 : vector<16xf32>
    %swap3A_470 = arith.constant 288 : index
    %swap3A_471 = tpu.vector_load %arg18[%swap3A_470] {strides = array<i32>} : memref<512xf32, #tpu.memory_space<vmem>>, vector<16xf32>,
    tpu.vector_store %arg18[%swap3A_470], %add3A_469 {strides = array<i32>} : memref<512xf32, #tpu.memory_space<vmem>>, vector<16xf32>,
    %get3A_472 = arith.constant 304 : index
    %get3A_473 = tpu.vector_load %arg16[%get3A_472] {strides = array<i32>} : memref<512xf32, #tpu.memory_space<vmem>>, vector<16xf32>,
    %get3A_474 = arith.constant 304 : index
    %get3A_475 = tpu.vector_load %arg17[%get3A_474] {strides = array<i32>} : memref<512xf32, #tpu.memory_space<vmem>>, vector<16xf32>,
    %broadcast_in_dim3A_476 = arith.constant 0.000000e+00 : f32
    %broadcast_in_dim3A_477 = vector.broadcast %broadcast_in_dim3A_476 : f32 to vector<16xf32>
    %scan3A_478 = arith.constant 0 : i32
    %scan3A_479 = arith.constant 32 : i32
    %scan3A_480 = arith.addi %scan3A_478, %scan3A_479 : i32
    %scan3A_481 = arith.constant 1 : i32
    %scan3A_482 = scf.for %scan3A_687 = %scan3A_478 to %scan3A_480 step %scan3A_481 iter_args(%scan3A_688 = %broadcast_in_dim3A_477) -> (vector<16xf32>)  : i32 {
      %mul3A_689 = arith.constant 128 : i32
      %mul3A_690 = arith.muli %scan3A_687, %mul3A_689 : i32
      %add3A_691 = arith.constant 48 : i32
      %add3A_692 = arith.addi %mul3A_690, %add3A_691 : i32
      %get3A_693 = arith.index_cast %add3A_692 : i32 to index
      %get3A_694 = tpu.vector_load %arg14[%get3A_693] {strides = array<i32>} : memref<4096xf32, #tpu.memory_space<vmem>>, vector<16xf32>,
      %mul3A_695 = arith.constant 128 : i32
      %mul3A_696 = arith.muli %scan3A_687, %mul3A_695 : i32
      %add3A_697 = arith.constant 48 : i32
      %add3A_698 = arith.addi %mul3A_696, %add3A_697 : i32
      %get3A_699 = arith.index_cast %add3A_698 : i32 to index
      %get3A_700 = tpu.vector_load %arg15[%get3A_699] {strides = array<i32>} : memref<4096xf32, #tpu.memory_space<vmem>>, vector<16xf32>,
      %bitcast3A = vector.bitcast %get3A_694 : vector<16xf32> to vector<16xi32>
      %shift_left3A = arith.constant 16 : i32
      %shift_left3A_701 = vector.broadcast %shift_left3A : i32 to vector<16xi32>
      %shift_left3A_702 = arith.shli %bitcast3A, %shift_left3A_701 : vector<16xi32>
      %bitcast3A_703 = vector.bitcast %shift_left3A_702 : vector<16xi32> to vector<16xf32>
      %and3A = arith.andi %bitcast3A, %broadcast_in_dim3A_426 : vector<16xi32>
      %bitcast3A_704 = vector.bitcast %and3A : vector<16xi32> to vector<16xf32>
      %bitcast3A_705 = vector.bitcast %get3A_700 : vector<16xf32> to vector<16xi32>
      %shift_left3A_706 = arith.constant 16 : i32
      %shift_left3A_707 = vector.broadcast %shift_left3A_706 : i32 to vector<16xi32>
      %shift_left3A_708 = arith.shli %bitcast3A_705, %shift_left3A_707 : vector<16xi32>
      %bitcast3A_709 = vector.bitcast %shift_left3A_708 : vector<16xi32> to vector<16xf32>
      %and3A_710 = arith.andi %bitcast3A_705, %broadcast_in_dim3A_426 : vector<16xi32>
      %bitcast3A_711 = vector.bitcast %and3A_710 : vector<16xi32> to vector<16xf32>
      %add3A_712 = arith.addf %bitcast3A_703, %get3A_473 : vector<16xf32>
      %add3A_713 = arith.addf %bitcast3A_709, %get3A_475 : vector<16xf32>
      %mul3A_714 = arith.mulf %add3A_712, %add3A_713 : vector<16xf32>
      %add3A_715 = arith.addf %scan3A_688, %mul3A_714 : vector<16xf32>
      %add3A_716 = arith.addf %bitcast3A_704, %get3A_473 : vector<16xf32>
      %add3A_717 = arith.addf %bitcast3A_711, %get3A_475 : vector<16xf32>
      %mul3A_718 = arith.mulf %add3A_716, %add3A_717 : vector<16xf32>
      %add3A_719 = arith.addf %add3A_715, %mul3A_718 : vector<16xf32>
      scf.yield %add3A_719 : vector<16xf32>
    }
    %scan3A_483 = arith.constant 32 : i32
    %add3A_484 = arith.addf %scan3A_482, %get3A_66 : vector<16xf32>
    %swap3A_485 = arith.constant 304 : index
    %swap3A_486 = tpu.vector_load %arg18[%swap3A_485] {strides = array<i32>} : memref<512xf32, #tpu.memory_space<vmem>>, vector<16xf32>,
    tpu.vector_store %arg18[%swap3A_485], %add3A_484 {strides = array<i32>} : memref<512xf32, #tpu.memory_space<vmem>>, vector<16xf32>,
    %get3A_487 = arith.constant 320 : index
    %get3A_488 = tpu.vector_load %arg16[%get3A_487] {strides = array<i32>} : memref<512xf32, #tpu.memory_space<vmem>>, vector<16xf32>,
    %get3A_489 = arith.constant 320 : index
    %get3A_490 = tpu.vector_load %arg17[%get3A_489] {strides = array<i32>} : memref<512xf32, #tpu.memory_space<vmem>>, vector<16xf32>,
    %broadcast_in_dim3A_491 = arith.constant 0.000000e+00 : f32
    %broadcast_in_dim3A_492 = vector.broadcast %broadcast_in_dim3A_491 : f32 to vector<16xf32>
    %scan3A_493 = arith.constant 0 : i32
    %scan3A_494 = arith.constant 32 : i32
    %scan3A_495 = arith.addi %scan3A_493, %scan3A_494 : i32
    %scan3A_496 = arith.constant 1 : i32
    %scan3A_497 = scf.for %scan3A_687 = %scan3A_493 to %scan3A_495 step %scan3A_496 iter_args(%scan3A_688 = %broadcast_in_dim3A_492) -> (vector<16xf32>)  : i32 {
      %mul3A_689 = arith.constant 128 : i32
      %mul3A_690 = arith.muli %scan3A_687, %mul3A_689 : i32
      %add3A_691 = arith.constant 64 : i32
      %add3A_692 = arith.addi %mul3A_690, %add3A_691 : i32
      %get3A_693 = arith.index_cast %add3A_692 : i32 to index
      %get3A_694 = tpu.vector_load %arg14[%get3A_693] {strides = array<i32>} : memref<4096xf32, #tpu.memory_space<vmem>>, vector<16xf32>,
      %mul3A_695 = arith.constant 128 : i32
      %mul3A_696 = arith.muli %scan3A_687, %mul3A_695 : i32
      %add3A_697 = arith.constant 64 : i32
      %add3A_698 = arith.addi %mul3A_696, %add3A_697 : i32
      %get3A_699 = arith.index_cast %add3A_698 : i32 to index
      %get3A_700 = tpu.vector_load %arg15[%get3A_699] {strides = array<i32>} : memref<4096xf32, #tpu.memory_space<vmem>>, vector<16xf32>,
      %bitcast3A = vector.bitcast %get3A_694 : vector<16xf32> to vector<16xi32>
      %shift_left3A = arith.constant 16 : i32
      %shift_left3A_701 = vector.broadcast %shift_left3A : i32 to vector<16xi32>
      %shift_left3A_702 = arith.shli %bitcast3A, %shift_left3A_701 : vector<16xi32>
      %bitcast3A_703 = vector.bitcast %shift_left3A_702 : vector<16xi32> to vector<16xf32>
      %and3A = arith.andi %bitcast3A, %broadcast_in_dim3A_426 : vector<16xi32>
      %bitcast3A_704 = vector.bitcast %and3A : vector<16xi32> to vector<16xf32>
      %bitcast3A_705 = vector.bitcast %get3A_700 : vector<16xf32> to vector<16xi32>
      %shift_left3A_706 = arith.constant 16 : i32
      %shift_left3A_707 = vector.broadcast %shift_left3A_706 : i32 to vector<16xi32>
      %shift_left3A_708 = arith.shli %bitcast3A_705, %shift_left3A_707 : vector<16xi32>
      %bitcast3A_709 = vector.bitcast %shift_left3A_708 : vector<16xi32> to vector<16xf32>
      %and3A_710 = arith.andi %bitcast3A_705, %broadcast_in_dim3A_426 : vector<16xi32>
      %bitcast3A_711 = vector.bitcast %and3A_710 : vector<16xi32> to vector<16xf32>
      %add3A_712 = arith.addf %bitcast3A_703, %get3A_488 : vector<16xf32>
      %add3A_713 = arith.addf %bitcast3A_709, %get3A_490 : vector<16xf32>
      %mul3A_714 = arith.mulf %add3A_712, %add3A_713 : vector<16xf32>
      %add3A_715 = arith.addf %scan3A_688, %mul3A_714 : vector<16xf32>
      %add3A_716 = arith.addf %bitcast3A_704, %get3A_488 : vector<16xf32>
      %add3A_717 = arith.addf %bitcast3A_711, %get3A_490 : vector<16xf32>
      %mul3A_718 = arith.mulf %add3A_716, %add3A_717 : vector<16xf32>
      %add3A_719 = arith.addf %add3A_715, %mul3A_718 : vector<16xf32>
      scf.yield %add3A_719 : vector<16xf32>
    }
    %scan3A_498 = arith.constant 32 : i32
    %add3A_499 = arith.addf %scan3A_497, %get3A_66 : vector<16xf32>
    %swap3A_500 = arith.constant 320 : index
    %swap3A_501 = tpu.vector_load %arg18[%swap3A_500] {strides = array<i32>} : memref<512xf32, #tpu.memory_space<vmem>>, vector<16xf32>,
    tpu.vector_store %arg18[%swap3A_500], %add3A_499 {strides = array<i32>} : memref<512xf32, #tpu.memory_space<vmem>>, vector<16xf32>,
    %get3A_502 = arith.constant 336 : index
    %get3A_503 = tpu.vector_load %arg16[%get3A_502] {strides = array<i32>} : memref<512xf32, #tpu.memory_space<vmem>>, vector<16xf32>,
    %get3A_504 = arith.constant 336 : index
    %get3A_505 = tpu.vector_load %arg17[%get3A_504] {strides = array<i32>} : memref<512xf32, #tpu.memory_space<vmem>>, vector<16xf32>,
    %broadcast_in_dim3A_506 = arith.constant 0.000000e+00 : f32
    %broadcast_in_dim3A_507 = vector.broadcast %broadcast_in_dim3A_506 : f32 to vector<16xf32>
    %scan3A_508 = arith.constant 0 : i32
    %scan3A_509 = arith.constant 32 : i32
    %scan3A_510 = arith.addi %scan3A_508, %scan3A_509 : i32
    %scan3A_511 = arith.constant 1 : i32
    %scan3A_512 = scf.for %scan3A_687 = %scan3A_508 to %scan3A_510 step %scan3A_511 iter_args(%scan3A_688 = %broadcast_in_dim3A_507) -> (vector<16xf32>)  : i32 {
      %mul3A_689 = arith.constant 128 : i32
      %mul3A_690 = arith.muli %scan3A_687, %mul3A_689 : i32
      %add3A_691 = arith.constant 80 : i32
      %add3A_692 = arith.addi %mul3A_690, %add3A_691 : i32
      %get3A_693 = arith.index_cast %add3A_692 : i32 to index
      %get3A_694 = tpu.vector_load %arg14[%get3A_693] {strides = array<i32>} : memref<4096xf32, #tpu.memory_space<vmem>>, vector<16xf32>,
      %mul3A_695 = arith.constant 128 : i32
      %mul3A_696 = arith.muli %scan3A_687, %mul3A_695 : i32
      %add3A_697 = arith.constant 80 : i32
      %add3A_698 = arith.addi %mul3A_696, %add3A_697 : i32
      %get3A_699 = arith.index_cast %add3A_698 : i32 to index
      %get3A_700 = tpu.vector_load %arg15[%get3A_699] {strides = array<i32>} : memref<4096xf32, #tpu.memory_space<vmem>>, vector<16xf32>,
      %bitcast3A = vector.bitcast %get3A_694 : vector<16xf32> to vector<16xi32>
      %shift_left3A = arith.constant 16 : i32
      %shift_left3A_701 = vector.broadcast %shift_left3A : i32 to vector<16xi32>
      %shift_left3A_702 = arith.shli %bitcast3A, %shift_left3A_701 : vector<16xi32>
      %bitcast3A_703 = vector.bitcast %shift_left3A_702 : vector<16xi32> to vector<16xf32>
      %and3A = arith.andi %bitcast3A, %broadcast_in_dim3A_426 : vector<16xi32>
      %bitcast3A_704 = vector.bitcast %and3A : vector<16xi32> to vector<16xf32>
      %bitcast3A_705 = vector.bitcast %get3A_700 : vector<16xf32> to vector<16xi32>
      %shift_left3A_706 = arith.constant 16 : i32
      %shift_left3A_707 = vector.broadcast %shift_left3A_706 : i32 to vector<16xi32>
      %shift_left3A_708 = arith.shli %bitcast3A_705, %shift_left3A_707 : vector<16xi32>
      %bitcast3A_709 = vector.bitcast %shift_left3A_708 : vector<16xi32> to vector<16xf32>
      %and3A_710 = arith.andi %bitcast3A_705, %broadcast_in_dim3A_426 : vector<16xi32>
      %bitcast3A_711 = vector.bitcast %and3A_710 : vector<16xi32> to vector<16xf32>
      %add3A_712 = arith.addf %bitcast3A_703, %get3A_503 : vector<16xf32>
      %add3A_713 = arith.addf %bitcast3A_709, %get3A_505 : vector<16xf32>
      %mul3A_714 = arith.mulf %add3A_712, %add3A_713 : vector<16xf32>
      %add3A_715 = arith.addf %scan3A_688, %mul3A_714 : vector<16xf32>
      %add3A_716 = arith.addf %bitcast3A_704, %get3A_503 : vector<16xf32>
      %add3A_717 = arith.addf %bitcast3A_711, %get3A_505 : vector<16xf32>
      %mul3A_718 = arith.mulf %add3A_716, %add3A_717 : vector<16xf32>
      %add3A_719 = arith.addf %add3A_715, %mul3A_718 : vector<16xf32>
      scf.yield %add3A_719 : vector<16xf32>
    }
    %scan3A_513 = arith.constant 32 : i32
    %add3A_514 = arith.addf %scan3A_512, %get3A_66 : vector<16xf32>
    %swap3A_515 = arith.constant 336 : index
    %swap3A_516 = tpu.vector_load %arg18[%swap3A_515] {strides = array<i32>} : memref<512xf32, #tpu.memory_space<vmem>>, vector<16xf32>,
    tpu.vector_store %arg18[%swap3A_515], %add3A_514 {strides = array<i32>} : memref<512xf32, #tpu.memory_space<vmem>>, vector<16xf32>,
    %get3A_517 = arith.constant 352 : index
    %get3A_518 = tpu.vector_load %arg16[%get3A_517] {strides = array<i32>} : memref<512xf32, #tpu.memory_space<vmem>>, vector<16xf32>,
    %get3A_519 = arith.constant 352 : index
    %get3A_520 = tpu.vector_load %arg17[%get3A_519] {strides = array<i32>} : memref<512xf32, #tpu.memory_space<vmem>>, vector<16xf32>,
    %broadcast_in_dim3A_521 = arith.constant 0.000000e+00 : f32
    %broadcast_in_dim3A_522 = vector.broadcast %broadcast_in_dim3A_521 : f32 to vector<16xf32>
    %scan3A_523 = arith.constant 0 : i32
    %scan3A_524 = arith.constant 32 : i32
    %scan3A_525 = arith.addi %scan3A_523, %scan3A_524 : i32
    %scan3A_526 = arith.constant 1 : i32
    %scan3A_527 = scf.for %scan3A_687 = %scan3A_523 to %scan3A_525 step %scan3A_526 iter_args(%scan3A_688 = %broadcast_in_dim3A_522) -> (vector<16xf32>)  : i32 {
      %mul3A_689 = arith.constant 128 : i32
      %mul3A_690 = arith.muli %scan3A_687, %mul3A_689 : i32
      %add3A_691 = arith.constant 96 : i32
      %add3A_692 = arith.addi %mul3A_690, %add3A_691 : i32
      %get3A_693 = arith.index_cast %add3A_692 : i32 to index
      %get3A_694 = tpu.vector_load %arg14[%get3A_693] {strides = array<i32>} : memref<4096xf32, #tpu.memory_space<vmem>>, vector<16xf32>,
      %mul3A_695 = arith.constant 128 : i32
      %mul3A_696 = arith.muli %scan3A_687, %mul3A_695 : i32
      %add3A_697 = arith.constant 96 : i32
      %add3A_698 = arith.addi %mul3A_696, %add3A_697 : i32
      %get3A_699 = arith.index_cast %add3A_698 : i32 to index
      %get3A_700 = tpu.vector_load %arg15[%get3A_699] {strides = array<i32>} : memref<4096xf32, #tpu.memory_space<vmem>>, vector<16xf32>,
      %bitcast3A = vector.bitcast %get3A_694 : vector<16xf32> to vector<16xi32>
      %shift_left3A = arith.constant 16 : i32
      %shift_left3A_701 = vector.broadcast %shift_left3A : i32 to vector<16xi32>
      %shift_left3A_702 = arith.shli %bitcast3A, %shift_left3A_701 : vector<16xi32>
      %bitcast3A_703 = vector.bitcast %shift_left3A_702 : vector<16xi32> to vector<16xf32>
      %and3A = arith.andi %bitcast3A, %broadcast_in_dim3A_426 : vector<16xi32>
      %bitcast3A_704 = vector.bitcast %and3A : vector<16xi32> to vector<16xf32>
      %bitcast3A_705 = vector.bitcast %get3A_700 : vector<16xf32> to vector<16xi32>
      %shift_left3A_706 = arith.constant 16 : i32
      %shift_left3A_707 = vector.broadcast %shift_left3A_706 : i32 to vector<16xi32>
      %shift_left3A_708 = arith.shli %bitcast3A_705, %shift_left3A_707 : vector<16xi32>
      %bitcast3A_709 = vector.bitcast %shift_left3A_708 : vector<16xi32> to vector<16xf32>
      %and3A_710 = arith.andi %bitcast3A_705, %broadcast_in_dim3A_426 : vector<16xi32>
      %bitcast3A_711 = vector.bitcast %and3A_710 : vector<16xi32> to vector<16xf32>
      %add3A_712 = arith.addf %bitcast3A_703, %get3A_518 : vector<16xf32>
      %add3A_713 = arith.addf %bitcast3A_709, %get3A_520 : vector<16xf32>
      %mul3A_714 = arith.mulf %add3A_712, %add3A_713 : vector<16xf32>
      %add3A_715 = arith.addf %scan3A_688, %mul3A_714 : vector<16xf32>
      %add3A_716 = arith.addf %bitcast3A_704, %get3A_518 : vector<16xf32>
      %add3A_717 = arith.addf %bitcast3A_711, %get3A_520 : vector<16xf32>
      %mul3A_718 = arith.mulf %add3A_716, %add3A_717 : vector<16xf32>
      %add3A_719 = arith.addf %add3A_715, %mul3A_718 : vector<16xf32>
      scf.yield %add3A_719 : vector<16xf32>
    }
    %scan3A_528 = arith.constant 32 : i32
    %add3A_529 = arith.addf %scan3A_527, %get3A_66 : vector<16xf32>
    %swap3A_530 = arith.constant 352 : index
    %swap3A_531 = tpu.vector_load %arg18[%swap3A_530] {strides = array<i32>} : memref<512xf32, #tpu.memory_space<vmem>>, vector<16xf32>,
    tpu.vector_store %arg18[%swap3A_530], %add3A_529 {strides = array<i32>} : memref<512xf32, #tpu.memory_space<vmem>>, vector<16xf32>,
    %get3A_532 = arith.constant 368 : index
    %get3A_533 = tpu.vector_load %arg16[%get3A_532] {strides = array<i32>} : memref<512xf32, #tpu.memory_space<vmem>>, vector<16xf32>,
    %get3A_534 = arith.constant 368 : index
    %get3A_535 = tpu.vector_load %arg17[%get3A_534] {strides = array<i32>} : memref<512xf32, #tpu.memory_space<vmem>>, vector<16xf32>,
    %broadcast_in_dim3A_536 = arith.constant 0.000000e+00 : f32
    %broadcast_in_dim3A_537 = vector.broadcast %broadcast_in_dim3A_536 : f32 to vector<16xf32>
    %scan3A_538 = arith.constant 0 : i32
    %scan3A_539 = arith.constant 32 : i32
    %scan3A_540 = arith.addi %scan3A_538, %scan3A_539 : i32
    %scan3A_541 = arith.constant 1 : i32
    %scan3A_542 = scf.for %scan3A_687 = %scan3A_538 to %scan3A_540 step %scan3A_541 iter_args(%scan3A_688 = %broadcast_in_dim3A_537) -> (vector<16xf32>)  : i32 {
      %mul3A_689 = arith.constant 128 : i32
      %mul3A_690 = arith.muli %scan3A_687, %mul3A_689 : i32
      %add3A_691 = arith.constant 112 : i32
      %add3A_692 = arith.addi %mul3A_690, %add3A_691 : i32
      %get3A_693 = arith.index_cast %add3A_692 : i32 to index
      %get3A_694 = tpu.vector_load %arg14[%get3A_693] {strides = array<i32>} : memref<4096xf32, #tpu.memory_space<vmem>>, vector<16xf32>,
      %mul3A_695 = arith.constant 128 : i32
      %mul3A_696 = arith.muli %scan3A_687, %mul3A_695 : i32
      %add3A_697 = arith.constant 112 : i32
      %add3A_698 = arith.addi %mul3A_696, %add3A_697 : i32
      %get3A_699 = arith.index_cast %add3A_698 : i32 to index
      %get3A_700 = tpu.vector_load %arg15[%get3A_699] {strides = array<i32>} : memref<4096xf32, #tpu.memory_space<vmem>>, vector<16xf32>,
      %bitcast3A = vector.bitcast %get3A_694 : vector<16xf32> to vector<16xi32>
      %shift_left3A = arith.constant 16 : i32
      %shift_left3A_701 = vector.broadcast %shift_left3A : i32 to vector<16xi32>
      %shift_left3A_702 = arith.shli %bitcast3A, %shift_left3A_701 : vector<16xi32>
      %bitcast3A_703 = vector.bitcast %shift_left3A_702 : vector<16xi32> to vector<16xf32>
      %and3A = arith.andi %bitcast3A, %broadcast_in_dim3A_426 : vector<16xi32>
      %bitcast3A_704 = vector.bitcast %and3A : vector<16xi32> to vector<16xf32>
      %bitcast3A_705 = vector.bitcast %get3A_700 : vector<16xf32> to vector<16xi32>
      %shift_left3A_706 = arith.constant 16 : i32
      %shift_left3A_707 = vector.broadcast %shift_left3A_706 : i32 to vector<16xi32>
      %shift_left3A_708 = arith.shli %bitcast3A_705, %shift_left3A_707 : vector<16xi32>
      %bitcast3A_709 = vector.bitcast %shift_left3A_708 : vector<16xi32> to vector<16xf32>
      %and3A_710 = arith.andi %bitcast3A_705, %broadcast_in_dim3A_426 : vector<16xi32>
      %bitcast3A_711 = vector.bitcast %and3A_710 : vector<16xi32> to vector<16xf32>
      %add3A_712 = arith.addf %bitcast3A_703, %get3A_533 : vector<16xf32>
      %add3A_713 = arith.addf %bitcast3A_709, %get3A_535 : vector<16xf32>
      %mul3A_714 = arith.mulf %add3A_712, %add3A_713 : vector<16xf32>
      %add3A_715 = arith.addf %scan3A_688, %mul3A_714 : vector<16xf32>
      %add3A_716 = arith.addf %bitcast3A_704, %get3A_533 : vector<16xf32>
      %add3A_717 = arith.addf %bitcast3A_711, %get3A_535 : vector<16xf32>
      %mul3A_718 = arith.mulf %add3A_716, %add3A_717 : vector<16xf32>
      %add3A_719 = arith.addf %add3A_715, %mul3A_718 : vector<16xf32>
      scf.yield %add3A_719 : vector<16xf32>
    }
    %scan3A_543 = arith.constant 32 : i32
    %add3A_544 = arith.addf %scan3A_542, %get3A_66 : vector<16xf32>
    %swap3A_545 = arith.constant 368 : index
    %swap3A_546 = tpu.vector_load %arg18[%swap3A_545] {strides = array<i32>} : memref<512xf32, #tpu.memory_space<vmem>>, vector<16xf32>,
    tpu.vector_store %arg18[%swap3A_545], %add3A_544 {strides = array<i32>} : memref<512xf32, #tpu.memory_space<vmem>>, vector<16xf32>,
    %scan3A_547 = arith.constant 0 : i32
    %scan3A_548 = arith.constant 0 : i32
    %scan3A_549 = arith.constant 32 : i32
    %scan3A_550 = arith.addi %scan3A_548, %scan3A_549 : i32
    %scan3A_551 = arith.constant 1 : i32
    scf.for %scan3A_687 = %scan3A_548 to %scan3A_550 step %scan3A_551  : i32 {
      %shift_right_arithmetic3A = arith.constant 3 : i32
      %shift_right_arithmetic3A_688 = arith.shrsi %scan3A_687, %shift_right_arithmetic3A : i32
      %mul3A_689 = arith.constant 8388608 : i32
      %mul3A_690 = arith.muli %shift_right_arithmetic3A_688, %mul3A_689 : i32
      %and3A = arith.constant 7 : i32
      %and3A_691 = arith.andi %scan3A_687, %and3A : i32
      %mul3A_692 = arith.constant 131072 : i32
      %mul3A_693 = arith.muli %and3A_691, %mul3A_692 : i32
      %add3A_694 = arith.addi %mul3A_690, %mul3A_693 : i32
      %get3A_695 = arith.constant 3 : i32
      %get3A_696 = arith.index_cast %get3A_695 : i32 to index
      %get3A_697 = arith.constant 0 : index
      %get3A_698 = tpu.vector_load %arg10[%get3A_696, %get3A_697] {strides = array<i32>} : memref<4x128xi32, #tpu.memory_space<vmem>>, vector<16xi32>,
      %shift_right_arithmetic3A_699 = arith.constant 17 : i32
      %shift_right_arithmetic3A_700 = vector.broadcast %shift_right_arithmetic3A_699 : i32 to vector<16xi32>
      %shift_right_arithmetic3A_701 = arith.shrsi %get3A_698, %shift_right_arithmetic3A_700 : vector<16xi32>
      %mul3A_702 = arith.constant 1048576 : i32
      %mul3A_703 = vector.broadcast %mul3A_702 : i32 to vector<16xi32>
      %mul3A_704 = arith.muli %shift_right_arithmetic3A_701, %mul3A_703 : vector<16xi32>
      %and3A_705 = arith.constant 131071 : i32
      %and3A_706 = vector.broadcast %and3A_705 : i32 to vector<16xi32>
      %and3A_707 = arith.andi %get3A_698, %and3A_706 : vector<16xi32>
      %add3A_708 = arith.addi %mul3A_704, %and3A_707 : vector<16xi32>
      %add3A_709 = vector.broadcast %add3A_694 : i32 to vector<16xi32>
      %add3A_710 = arith.addi %add3A_708, %add3A_709 : vector<16xi32>
      %swap3A_711 = arith.index_cast %scan3A_687 : i32 to index
      %swap3A_712 = arith.constant 0 : index
      %swap3A_713 = tpu.vector_load %arg12[%swap3A_711, %swap3A_712] {strides = array<i32>} : memref<32x128xi32, #tpu.memory_space<vmem>>, vector<16xi32>,
      tpu.vector_store %arg12[%swap3A_711, %swap3A_712], %add3A_710 {strides = array<i32>} : memref<32x128xi32, #tpu.memory_space<vmem>>, vector<16xi32>,
      %get3A_714 = arith.constant 3 : i32
      %get3A_715 = arith.index_cast %get3A_714 : i32 to index
      %get3A_716 = arith.constant 0 : index
      %get3A_717 = tpu.vector_load %arg11[%get3A_715, %get3A_716] {strides = array<i32>} : memref<4x128xi32, #tpu.memory_space<vmem>>, vector<16xi32>,
      %shift_right_arithmetic3A_718 = arith.constant 17 : i32
      %shift_right_arithmetic3A_719 = vector.broadcast %shift_right_arithmetic3A_718 : i32 to vector<16xi32>
      %shift_right_arithmetic3A_720 = arith.shrsi %get3A_717, %shift_right_arithmetic3A_719 : vector<16xi32>
      %mul3A_721 = arith.constant 1048576 : i32
      %mul3A_722 = vector.broadcast %mul3A_721 : i32 to vector<16xi32>
      %mul3A_723 = arith.muli %shift_right_arithmetic3A_720, %mul3A_722 : vector<16xi32>
      %and3A_724 = arith.constant 131071 : i32
      %and3A_725 = vector.broadcast %and3A_724 : i32 to vector<16xi32>
      %and3A_726 = arith.andi %get3A_717, %and3A_725 : vector<16xi32>
      %add3A_727 = arith.addi %mul3A_723, %and3A_726 : vector<16xi32>
      %add3A_728 = vector.broadcast %add3A_694 : i32 to vector<16xi32>
      %add3A_729 = arith.addi %add3A_727, %add3A_728 : vector<16xi32>
      %swap3A_730 = arith.index_cast %scan3A_687 : i32 to index
      %swap3A_731 = arith.constant 0 : index
      %swap3A_732 = tpu.vector_load %arg13[%swap3A_730, %swap3A_731] {strides = array<i32>} : memref<32x128xi32, #tpu.memory_space<vmem>>, vector<16xi32>,
      tpu.vector_store %arg13[%swap3A_730, %swap3A_731], %add3A_729 {strides = array<i32>} : memref<32x128xi32, #tpu.memory_space<vmem>>, vector<16xi32>,
      %get3A_733 = arith.constant 3 : i32
      %get3A_734 = arith.index_cast %get3A_733 : i32 to index
      %get3A_735 = arith.constant 16 : index
      %get3A_736 = tpu.vector_load %arg10[%get3A_734, %get3A_735] {strides = array<i32>} : memref<4x128xi32, #tpu.memory_space<vmem>>, vector<16xi32>,
      %shift_right_arithmetic3A_737 = arith.constant 17 : i32
      %shift_right_arithmetic3A_738 = vector.broadcast %shift_right_arithmetic3A_737 : i32 to vector<16xi32>
      %shift_right_arithmetic3A_739 = arith.shrsi %get3A_736, %shift_right_arithmetic3A_738 : vector<16xi32>
      %mul3A_740 = arith.constant 1048576 : i32
      %mul3A_741 = vector.broadcast %mul3A_740 : i32 to vector<16xi32>
      %mul3A_742 = arith.muli %shift_right_arithmetic3A_739, %mul3A_741 : vector<16xi32>
      %and3A_743 = arith.constant 131071 : i32
      %and3A_744 = vector.broadcast %and3A_743 : i32 to vector<16xi32>
      %and3A_745 = arith.andi %get3A_736, %and3A_744 : vector<16xi32>
      %add3A_746 = arith.addi %mul3A_742, %and3A_745 : vector<16xi32>
      %add3A_747 = vector.broadcast %add3A_694 : i32 to vector<16xi32>
      %add3A_748 = arith.addi %add3A_746, %add3A_747 : vector<16xi32>
      %swap3A_749 = arith.index_cast %scan3A_687 : i32 to index
      %swap3A_750 = arith.constant 16 : index
      %swap3A_751 = tpu.vector_load %arg12[%swap3A_749, %swap3A_750] {strides = array<i32>} : memref<32x128xi32, #tpu.memory_space<vmem>>, vector<16xi32>,
      tpu.vector_store %arg12[%swap3A_749, %swap3A_750], %add3A_748 {strides = array<i32>} : memref<32x128xi32, #tpu.memory_space<vmem>>, vector<16xi32>,
      %get3A_752 = arith.constant 3 : i32
      %get3A_753 = arith.index_cast %get3A_752 : i32 to index
      %get3A_754 = arith.constant 16 : index
      %get3A_755 = tpu.vector_load %arg11[%get3A_753, %get3A_754] {strides = array<i32>} : memref<4x128xi32, #tpu.memory_space<vmem>>, vector<16xi32>,
      %shift_right_arithmetic3A_756 = arith.constant 17 : i32
      %shift_right_arithmetic3A_757 = vector.broadcast %shift_right_arithmetic3A_756 : i32 to vector<16xi32>
      %shift_right_arithmetic3A_758 = arith.shrsi %get3A_755, %shift_right_arithmetic3A_757 : vector<16xi32>
      %mul3A_759 = arith.constant 1048576 : i32
      %mul3A_760 = vector.broadcast %mul3A_759 : i32 to vector<16xi32>
      %mul3A_761 = arith.muli %shift_right_arithmetic3A_758, %mul3A_760 : vector<16xi32>
      %and3A_762 = arith.constant 131071 : i32
      %and3A_763 = vector.broadcast %and3A_762 : i32 to vector<16xi32>
      %and3A_764 = arith.andi %get3A_755, %and3A_763 : vector<16xi32>
      %add3A_765 = arith.addi %mul3A_761, %and3A_764 : vector<16xi32>
      %add3A_766 = vector.broadcast %add3A_694 : i32 to vector<16xi32>
      %add3A_767 = arith.addi %add3A_765, %add3A_766 : vector<16xi32>
      %swap3A_768 = arith.index_cast %scan3A_687 : i32 to index
      %swap3A_769 = arith.constant 16 : index
      %swap3A_770 = tpu.vector_load %arg13[%swap3A_768, %swap3A_769] {strides = array<i32>} : memref<32x128xi32, #tpu.memory_space<vmem>>, vector<16xi32>,
      tpu.vector_store %arg13[%swap3A_768, %swap3A_769], %add3A_767 {strides = array<i32>} : memref<32x128xi32, #tpu.memory_space<vmem>>, vector<16xi32>,
      %get3A_771 = arith.constant 3 : i32
      %get3A_772 = arith.index_cast %get3A_771 : i32 to index
      %get3A_773 = arith.constant 32 : index
      %get3A_774 = tpu.vector_load %arg10[%get3A_772, %get3A_773] {strides = array<i32>} : memref<4x128xi32, #tpu.memory_space<vmem>>, vector<16xi32>,
      %shift_right_arithmetic3A_775 = arith.constant 17 : i32
      %shift_right_arithmetic3A_776 = vector.broadcast %shift_right_arithmetic3A_775 : i32 to vector<16xi32>
      %shift_right_arithmetic3A_777 = arith.shrsi %get3A_774, %shift_right_arithmetic3A_776 : vector<16xi32>
      %mul3A_778 = arith.constant 1048576 : i32
      %mul3A_779 = vector.broadcast %mul3A_778 : i32 to vector<16xi32>
      %mul3A_780 = arith.muli %shift_right_arithmetic3A_777, %mul3A_779 : vector<16xi32>
      %and3A_781 = arith.constant 131071 : i32
      %and3A_782 = vector.broadcast %and3A_781 : i32 to vector<16xi32>
      %and3A_783 = arith.andi %get3A_774, %and3A_782 : vector<16xi32>
      %add3A_784 = arith.addi %mul3A_780, %and3A_783 : vector<16xi32>
      %add3A_785 = vector.broadcast %add3A_694 : i32 to vector<16xi32>
      %add3A_786 = arith.addi %add3A_784, %add3A_785 : vector<16xi32>
      %swap3A_787 = arith.index_cast %scan3A_687 : i32 to index
      %swap3A_788 = arith.constant 32 : index
      %swap3A_789 = tpu.vector_load %arg12[%swap3A_787, %swap3A_788] {strides = array<i32>} : memref<32x128xi32, #tpu.memory_space<vmem>>, vector<16xi32>,
      tpu.vector_store %arg12[%swap3A_787, %swap3A_788], %add3A_786 {strides = array<i32>} : memref<32x128xi32, #tpu.memory_space<vmem>>, vector<16xi32>,
      %get3A_790 = arith.constant 3 : i32
      %get3A_791 = arith.index_cast %get3A_790 : i32 to index
      %get3A_792 = arith.constant 32 : index
      %get3A_793 = tpu.vector_load %arg11[%get3A_791, %get3A_792] {strides = array<i32>} : memref<4x128xi32, #tpu.memory_space<vmem>>, vector<16xi32>,
      %shift_right_arithmetic3A_794 = arith.constant 17 : i32
      %shift_right_arithmetic3A_795 = vector.broadcast %shift_right_arithmetic3A_794 : i32 to vector<16xi32>
      %shift_right_arithmetic3A_796 = arith.shrsi %get3A_793, %shift_right_arithmetic3A_795 : vector<16xi32>
      %mul3A_797 = arith.constant 1048576 : i32
      %mul3A_798 = vector.broadcast %mul3A_797 : i32 to vector<16xi32>
      %mul3A_799 = arith.muli %shift_right_arithmetic3A_796, %mul3A_798 : vector<16xi32>
      %and3A_800 = arith.constant 131071 : i32
      %and3A_801 = vector.broadcast %and3A_800 : i32 to vector<16xi32>
      %and3A_802 = arith.andi %get3A_793, %and3A_801 : vector<16xi32>
      %add3A_803 = arith.addi %mul3A_799, %and3A_802 : vector<16xi32>
      %add3A_804 = vector.broadcast %add3A_694 : i32 to vector<16xi32>
      %add3A_805 = arith.addi %add3A_803, %add3A_804 : vector<16xi32>
      %swap3A_806 = arith.index_cast %scan3A_687 : i32 to index
      %swap3A_807 = arith.constant 32 : index
      %swap3A_808 = tpu.vector_load %arg13[%swap3A_806, %swap3A_807] {strides = array<i32>} : memref<32x128xi32, #tpu.memory_space<vmem>>, vector<16xi32>,
      tpu.vector_store %arg13[%swap3A_806, %swap3A_807], %add3A_805 {strides = array<i32>} : memref<32x128xi32, #tpu.memory_space<vmem>>, vector<16xi32>,
      %get3A_809 = arith.constant 3 : i32
      %get3A_810 = arith.index_cast %get3A_809 : i32 to index
      %get3A_811 = arith.constant 48 : index
      %get3A_812 = tpu.vector_load %arg10[%get3A_810, %get3A_811] {strides = array<i32>} : memref<4x128xi32, #tpu.memory_space<vmem>>, vector<16xi32>,
      %shift_right_arithmetic3A_813 = arith.constant 17 : i32
      %shift_right_arithmetic3A_814 = vector.broadcast %shift_right_arithmetic3A_813 : i32 to vector<16xi32>
      %shift_right_arithmetic3A_815 = arith.shrsi %get3A_812, %shift_right_arithmetic3A_814 : vector<16xi32>
      %mul3A_816 = arith.constant 1048576 : i32
      %mul3A_817 = vector.broadcast %mul3A_816 : i32 to vector<16xi32>
      %mul3A_818 = arith.muli %shift_right_arithmetic3A_815, %mul3A_817 : vector<16xi32>
      %and3A_819 = arith.constant 131071 : i32
      %and3A_820 = vector.broadcast %and3A_819 : i32 to vector<16xi32>
      %and3A_821 = arith.andi %get3A_812, %and3A_820 : vector<16xi32>
      %add3A_822 = arith.addi %mul3A_818, %and3A_821 : vector<16xi32>
      %add3A_823 = vector.broadcast %add3A_694 : i32 to vector<16xi32>
      %add3A_824 = arith.addi %add3A_822, %add3A_823 : vector<16xi32>
      %swap3A_825 = arith.index_cast %scan3A_687 : i32 to index
      %swap3A_826 = arith.constant 48 : index
      %swap3A_827 = tpu.vector_load %arg12[%swap3A_825, %swap3A_826] {strides = array<i32>} : memref<32x128xi32, #tpu.memory_space<vmem>>, vector<16xi32>,
      tpu.vector_store %arg12[%swap3A_825, %swap3A_826], %add3A_824 {strides = array<i32>} : memref<32x128xi32, #tpu.memory_space<vmem>>, vector<16xi32>,
      %get3A_828 = arith.constant 3 : i32
      %get3A_829 = arith.index_cast %get3A_828 : i32 to index
      %get3A_830 = arith.constant 48 : index
      %get3A_831 = tpu.vector_load %arg11[%get3A_829, %get3A_830] {strides = array<i32>} : memref<4x128xi32, #tpu.memory_space<vmem>>, vector<16xi32>,
      %shift_right_arithmetic3A_832 = arith.constant 17 : i32
      %shift_right_arithmetic3A_833 = vector.broadcast %shift_right_arithmetic3A_832 : i32 to vector<16xi32>
      %shift_right_arithmetic3A_834 = arith.shrsi %get3A_831, %shift_right_arithmetic3A_833 : vector<16xi32>
      %mul3A_835 = arith.constant 1048576 : i32
      %mul3A_836 = vector.broadcast %mul3A_835 : i32 to vector<16xi32>
      %mul3A_837 = arith.muli %shift_right_arithmetic3A_834, %mul3A_836 : vector<16xi32>
      %and3A_838 = arith.constant 131071 : i32
      %and3A_839 = vector.broadcast %and3A_838 : i32 to vector<16xi32>
      %and3A_840 = arith.andi %get3A_831, %and3A_839 : vector<16xi32>
      %add3A_841 = arith.addi %mul3A_837, %and3A_840 : vector<16xi32>
      %add3A_842 = vector.broadcast %add3A_694 : i32 to vector<16xi32>
      %add3A_843 = arith.addi %add3A_841, %add3A_842 : vector<16xi32>
      %swap3A_844 = arith.index_cast %scan3A_687 : i32 to index
      %swap3A_845 = arith.constant 48 : index
      %swap3A_846 = tpu.vector_load %arg13[%swap3A_844, %swap3A_845] {strides = array<i32>} : memref<32x128xi32, #tpu.memory_space<vmem>>, vector<16xi32>,
      tpu.vector_store %arg13[%swap3A_844, %swap3A_845], %add3A_843 {strides = array<i32>} : memref<32x128xi32, #tpu.memory_space<vmem>>, vector<16xi32>,
      %get3A_847 = arith.constant 3 : i32
      %get3A_848 = arith.index_cast %get3A_847 : i32 to index
      %get3A_849 = arith.constant 64 : index
      %get3A_850 = tpu.vector_load %arg10[%get3A_848, %get3A_849] {strides = array<i32>} : memref<4x128xi32, #tpu.memory_space<vmem>>, vector<16xi32>,
      %shift_right_arithmetic3A_851 = arith.constant 17 : i32
      %shift_right_arithmetic3A_852 = vector.broadcast %shift_right_arithmetic3A_851 : i32 to vector<16xi32>
      %shift_right_arithmetic3A_853 = arith.shrsi %get3A_850, %shift_right_arithmetic3A_852 : vector<16xi32>
      %mul3A_854 = arith.constant 1048576 : i32
      %mul3A_855 = vector.broadcast %mul3A_854 : i32 to vector<16xi32>
      %mul3A_856 = arith.muli %shift_right_arithmetic3A_853, %mul3A_855 : vector<16xi32>
      %and3A_857 = arith.constant 131071 : i32
      %and3A_858 = vector.broadcast %and3A_857 : i32 to vector<16xi32>
      %and3A_859 = arith.andi %get3A_850, %and3A_858 : vector<16xi32>
      %add3A_860 = arith.addi %mul3A_856, %and3A_859 : vector<16xi32>
      %add3A_861 = vector.broadcast %add3A_694 : i32 to vector<16xi32>
      %add3A_862 = arith.addi %add3A_860, %add3A_861 : vector<16xi32>
      %swap3A_863 = arith.index_cast %scan3A_687 : i32 to index
      %swap3A_864 = arith.constant 64 : index
      %swap3A_865 = tpu.vector_load %arg12[%swap3A_863, %swap3A_864] {strides = array<i32>} : memref<32x128xi32, #tpu.memory_space<vmem>>, vector<16xi32>,
      tpu.vector_store %arg12[%swap3A_863, %swap3A_864], %add3A_862 {strides = array<i32>} : memref<32x128xi32, #tpu.memory_space<vmem>>, vector<16xi32>,
      %get3A_866 = arith.constant 3 : i32
      %get3A_867 = arith.index_cast %get3A_866 : i32 to index
      %get3A_868 = arith.constant 64 : index
      %get3A_869 = tpu.vector_load %arg11[%get3A_867, %get3A_868] {strides = array<i32>} : memref<4x128xi32, #tpu.memory_space<vmem>>, vector<16xi32>,
      %shift_right_arithmetic3A_870 = arith.constant 17 : i32
      %shift_right_arithmetic3A_871 = vector.broadcast %shift_right_arithmetic3A_870 : i32 to vector<16xi32>
      %shift_right_arithmetic3A_872 = arith.shrsi %get3A_869, %shift_right_arithmetic3A_871 : vector<16xi32>
      %mul3A_873 = arith.constant 1048576 : i32
      %mul3A_874 = vector.broadcast %mul3A_873 : i32 to vector<16xi32>
      %mul3A_875 = arith.muli %shift_right_arithmetic3A_872, %mul3A_874 : vector<16xi32>
      %and3A_876 = arith.constant 131071 : i32
      %and3A_877 = vector.broadcast %and3A_876 : i32 to vector<16xi32>
      %and3A_878 = arith.andi %get3A_869, %and3A_877 : vector<16xi32>
      %add3A_879 = arith.addi %mul3A_875, %and3A_878 : vector<16xi32>
      %add3A_880 = vector.broadcast %add3A_694 : i32 to vector<16xi32>
      %add3A_881 = arith.addi %add3A_879, %add3A_880 : vector<16xi32>
      %swap3A_882 = arith.index_cast %scan3A_687 : i32 to index
      %swap3A_883 = arith.constant 64 : index
      %swap3A_884 = tpu.vector_load %arg13[%swap3A_882, %swap3A_883] {strides = array<i32>} : memref<32x128xi32, #tpu.memory_space<vmem>>, vector<16xi32>,
      tpu.vector_store %arg13[%swap3A_882, %swap3A_883], %add3A_881 {strides = array<i32>} : memref<32x128xi32, #tpu.memory_space<vmem>>, vector<16xi32>,
      %get3A_885 = arith.constant 3 : i32
      %get3A_886 = arith.index_cast %get3A_885 : i32 to index
      %get3A_887 = arith.constant 80 : index
      %get3A_888 = tpu.vector_load %arg10[%get3A_886, %get3A_887] {strides = array<i32>} : memref<4x128xi32, #tpu.memory_space<vmem>>, vector<16xi32>,
      %shift_right_arithmetic3A_889 = arith.constant 17 : i32
      %shift_right_arithmetic3A_890 = vector.broadcast %shift_right_arithmetic3A_889 : i32 to vector<16xi32>
      %shift_right_arithmetic3A_891 = arith.shrsi %get3A_888, %shift_right_arithmetic3A_890 : vector<16xi32>
      %mul3A_892 = arith.constant 1048576 : i32
      %mul3A_893 = vector.broadcast %mul3A_892 : i32 to vector<16xi32>
      %mul3A_894 = arith.muli %shift_right_arithmetic3A_891, %mul3A_893 : vector<16xi32>
      %and3A_895 = arith.constant 131071 : i32
      %and3A_896 = vector.broadcast %and3A_895 : i32 to vector<16xi32>
      %and3A_897 = arith.andi %get3A_888, %and3A_896 : vector<16xi32>
      %add3A_898 = arith.addi %mul3A_894, %and3A_897 : vector<16xi32>
      %add3A_899 = vector.broadcast %add3A_694 : i32 to vector<16xi32>
      %add3A_900 = arith.addi %add3A_898, %add3A_899 : vector<16xi32>
      %swap3A_901 = arith.index_cast %scan3A_687 : i32 to index
      %swap3A_902 = arith.constant 80 : index
      %swap3A_903 = tpu.vector_load %arg12[%swap3A_901, %swap3A_902] {strides = array<i32>} : memref<32x128xi32, #tpu.memory_space<vmem>>, vector<16xi32>,
      tpu.vector_store %arg12[%swap3A_901, %swap3A_902], %add3A_900 {strides = array<i32>} : memref<32x128xi32, #tpu.memory_space<vmem>>, vector<16xi32>,
      %get3A_904 = arith.constant 3 : i32
      %get3A_905 = arith.index_cast %get3A_904 : i32 to index
      %get3A_906 = arith.constant 80 : index
      %get3A_907 = tpu.vector_load %arg11[%get3A_905, %get3A_906] {strides = array<i32>} : memref<4x128xi32, #tpu.memory_space<vmem>>, vector<16xi32>,
      %shift_right_arithmetic3A_908 = arith.constant 17 : i32
      %shift_right_arithmetic3A_909 = vector.broadcast %shift_right_arithmetic3A_908 : i32 to vector<16xi32>
      %shift_right_arithmetic3A_910 = arith.shrsi %get3A_907, %shift_right_arithmetic3A_909 : vector<16xi32>
      %mul3A_911 = arith.constant 1048576 : i32
      %mul3A_912 = vector.broadcast %mul3A_911 : i32 to vector<16xi32>
      %mul3A_913 = arith.muli %shift_right_arithmetic3A_910, %mul3A_912 : vector<16xi32>
      %and3A_914 = arith.constant 131071 : i32
      %and3A_915 = vector.broadcast %and3A_914 : i32 to vector<16xi32>
      %and3A_916 = arith.andi %get3A_907, %and3A_915 : vector<16xi32>
      %add3A_917 = arith.addi %mul3A_913, %and3A_916 : vector<16xi32>
      %add3A_918 = vector.broadcast %add3A_694 : i32 to vector<16xi32>
      %add3A_919 = arith.addi %add3A_917, %add3A_918 : vector<16xi32>
      %swap3A_920 = arith.index_cast %scan3A_687 : i32 to index
      %swap3A_921 = arith.constant 80 : index
      %swap3A_922 = tpu.vector_load %arg13[%swap3A_920, %swap3A_921] {strides = array<i32>} : memref<32x128xi32, #tpu.memory_space<vmem>>, vector<16xi32>,
      tpu.vector_store %arg13[%swap3A_920, %swap3A_921], %add3A_919 {strides = array<i32>} : memref<32x128xi32, #tpu.memory_space<vmem>>, vector<16xi32>,
      %get3A_923 = arith.constant 3 : i32
      %get3A_924 = arith.index_cast %get3A_923 : i32 to index
      %get3A_925 = arith.constant 96 : index
      %get3A_926 = tpu.vector_load %arg10[%get3A_924, %get3A_925] {strides = array<i32>} : memref<4x128xi32, #tpu.memory_space<vmem>>, vector<16xi32>,
      %shift_right_arithmetic3A_927 = arith.constant 17 : i32
      %shift_right_arithmetic3A_928 = vector.broadcast %shift_right_arithmetic3A_927 : i32 to vector<16xi32>
      %shift_right_arithmetic3A_929 = arith.shrsi %get3A_926, %shift_right_arithmetic3A_928 : vector<16xi32>
      %mul3A_930 = arith.constant 1048576 : i32
      %mul3A_931 = vector.broadcast %mul3A_930 : i32 to vector<16xi32>
      %mul3A_932 = arith.muli %shift_right_arithmetic3A_929, %mul3A_931 : vector<16xi32>
      %and3A_933 = arith.constant 131071 : i32
      %and3A_934 = vector.broadcast %and3A_933 : i32 to vector<16xi32>
      %and3A_935 = arith.andi %get3A_926, %and3A_934 : vector<16xi32>
      %add3A_936 = arith.addi %mul3A_932, %and3A_935 : vector<16xi32>
      %add3A_937 = vector.broadcast %add3A_694 : i32 to vector<16xi32>
      %add3A_938 = arith.addi %add3A_936, %add3A_937 : vector<16xi32>
      %swap3A_939 = arith.index_cast %scan3A_687 : i32 to index
      %swap3A_940 = arith.constant 96 : index
      %swap3A_941 = tpu.vector_load %arg12[%swap3A_939, %swap3A_940] {strides = array<i32>} : memref<32x128xi32, #tpu.memory_space<vmem>>, vector<16xi32>,
      tpu.vector_store %arg12[%swap3A_939, %swap3A_940], %add3A_938 {strides = array<i32>} : memref<32x128xi32, #tpu.memory_space<vmem>>, vector<16xi32>,
      %get3A_942 = arith.constant 3 : i32
      %get3A_943 = arith.index_cast %get3A_942 : i32 to index
      %get3A_944 = arith.constant 96 : index
      %get3A_945 = tpu.vector_load %arg11[%get3A_943, %get3A_944] {strides = array<i32>} : memref<4x128xi32, #tpu.memory_space<vmem>>, vector<16xi32>,
      %shift_right_arithmetic3A_946 = arith.constant 17 : i32
      %shift_right_arithmetic3A_947 = vector.broadcast %shift_right_arithmetic3A_946 : i32 to vector<16xi32>
      %shift_right_arithmetic3A_948 = arith.shrsi %get3A_945, %shift_right_arithmetic3A_947 : vector<16xi32>
      %mul3A_949 = arith.constant 1048576 : i32
      %mul3A_950 = vector.broadcast %mul3A_949 : i32 to vector<16xi32>
      %mul3A_951 = arith.muli %shift_right_arithmetic3A_948, %mul3A_950 : vector<16xi32>
      %and3A_952 = arith.constant 131071 : i32
      %and3A_953 = vector.broadcast %and3A_952 : i32 to vector<16xi32>
      %and3A_954 = arith.andi %get3A_945, %and3A_953 : vector<16xi32>
      %add3A_955 = arith.addi %mul3A_951, %and3A_954 : vector<16xi32>
      %add3A_956 = vector.broadcast %add3A_694 : i32 to vector<16xi32>
      %add3A_957 = arith.addi %add3A_955, %add3A_956 : vector<16xi32>
      %swap3A_958 = arith.index_cast %scan3A_687 : i32 to index
      %swap3A_959 = arith.constant 96 : index
      %swap3A_960 = tpu.vector_load %arg13[%swap3A_958, %swap3A_959] {strides = array<i32>} : memref<32x128xi32, #tpu.memory_space<vmem>>, vector<16xi32>,
      tpu.vector_store %arg13[%swap3A_958, %swap3A_959], %add3A_957 {strides = array<i32>} : memref<32x128xi32, #tpu.memory_space<vmem>>, vector<16xi32>,
      %get3A_961 = arith.constant 3 : i32
      %get3A_962 = arith.index_cast %get3A_961 : i32 to index
      %get3A_963 = arith.constant 112 : index
      %get3A_964 = tpu.vector_load %arg10[%get3A_962, %get3A_963] {strides = array<i32>} : memref<4x128xi32, #tpu.memory_space<vmem>>, vector<16xi32>,
      %shift_right_arithmetic3A_965 = arith.constant 17 : i32
      %shift_right_arithmetic3A_966 = vector.broadcast %shift_right_arithmetic3A_965 : i32 to vector<16xi32>
      %shift_right_arithmetic3A_967 = arith.shrsi %get3A_964, %shift_right_arithmetic3A_966 : vector<16xi32>
      %mul3A_968 = arith.constant 1048576 : i32
      %mul3A_969 = vector.broadcast %mul3A_968 : i32 to vector<16xi32>
      %mul3A_970 = arith.muli %shift_right_arithmetic3A_967, %mul3A_969 : vector<16xi32>
      %and3A_971 = arith.constant 131071 : i32
      %and3A_972 = vector.broadcast %and3A_971 : i32 to vector<16xi32>
      %and3A_973 = arith.andi %get3A_964, %and3A_972 : vector<16xi32>
      %add3A_974 = arith.addi %mul3A_970, %and3A_973 : vector<16xi32>
      %add3A_975 = vector.broadcast %add3A_694 : i32 to vector<16xi32>
      %add3A_976 = arith.addi %add3A_974, %add3A_975 : vector<16xi32>
      %swap3A_977 = arith.index_cast %scan3A_687 : i32 to index
      %swap3A_978 = arith.constant 112 : index
      %swap3A_979 = tpu.vector_load %arg12[%swap3A_977, %swap3A_978] {strides = array<i32>} : memref<32x128xi32, #tpu.memory_space<vmem>>, vector<16xi32>,
      tpu.vector_store %arg12[%swap3A_977, %swap3A_978], %add3A_976 {strides = array<i32>} : memref<32x128xi32, #tpu.memory_space<vmem>>, vector<16xi32>,
      %get3A_980 = arith.constant 3 : i32
      %get3A_981 = arith.index_cast %get3A_980 : i32 to index
      %get3A_982 = arith.constant 112 : index
      %get3A_983 = tpu.vector_load %arg11[%get3A_981, %get3A_982] {strides = array<i32>} : memref<4x128xi32, #tpu.memory_space<vmem>>, vector<16xi32>,
      %shift_right_arithmetic3A_984 = arith.constant 17 : i32
      %shift_right_arithmetic3A_985 = vector.broadcast %shift_right_arithmetic3A_984 : i32 to vector<16xi32>
      %shift_right_arithmetic3A_986 = arith.shrsi %get3A_983, %shift_right_arithmetic3A_985 : vector<16xi32>
      %mul3A_987 = arith.constant 1048576 : i32
      %mul3A_988 = vector.broadcast %mul3A_987 : i32 to vector<16xi32>
      %mul3A_989 = arith.muli %shift_right_arithmetic3A_986, %mul3A_988 : vector<16xi32>
      %and3A_990 = arith.constant 131071 : i32
      %and3A_991 = vector.broadcast %and3A_990 : i32 to vector<16xi32>
      %and3A_992 = arith.andi %get3A_983, %and3A_991 : vector<16xi32>
      %add3A_993 = arith.addi %mul3A_989, %and3A_992 : vector<16xi32>
      %add3A_994 = vector.broadcast %add3A_694 : i32 to vector<16xi32>
      %add3A_995 = arith.addi %add3A_993, %add3A_994 : vector<16xi32>
      %swap3A_996 = arith.index_cast %scan3A_687 : i32 to index
      %swap3A_997 = arith.constant 112 : index
      %swap3A_998 = tpu.vector_load %arg13[%swap3A_996, %swap3A_997] {strides = array<i32>} : memref<32x128xi32, #tpu.memory_space<vmem>>, vector<16xi32>,
      tpu.vector_store %arg13[%swap3A_996, %swap3A_997], %add3A_995 {strides = array<i32>} : memref<32x128xi32, #tpu.memory_space<vmem>>, vector<16xi32>,
    }
    %scan3A_552 = arith.constant 32 : i32
    %scan3A_553 = arith.constant 0 : i32
    %scan3A_554 = arith.constant 0 : i32
    %scan3A_555 = arith.constant 32 : i32
    %scan3A_556 = arith.addi %scan3A_554, %scan3A_555 : i32
    %scan3A_557 = arith.constant 1 : i32
    scf.for %scan3A_687 = %scan3A_554 to %scan3A_556 step %scan3A_557  : i32 {
      %mul3A_688 = arith.constant 128 : i32
      %mul3A_689 = arith.muli %scan3A_687, %mul3A_688 : i32
      %dma_start3A_690 = tpu.memref_slice %arg14[%mul3A_689] : memref<4096xf32, #tpu.memory_space<vmem>> -> memref<128xf32, #tpu.memory_space<vmem>>
      %dma_start3A_691 = arith.constant 0 : i32
      %dma_start3A_692 = tpu.memref_slice %arg12[%scan3A_687, %dma_start3A_691] : memref<32x128xi32, #tpu.memory_space<vmem>> -> memref<1x128xi32, #tpu.memory_space<vmem>>
      %dma_start3A_693 = tpu.memref_squeeze %dma_start3A_692 : memref<1x128xi32, #tpu.memory_space<vmem>> -> memref<128xi32, #tpu.memory_space<vmem>>
      %dma_start3A_694 = arith.constant 0 : i32
      %dma_start3A_695 = tpu.memref_slice %arg4[%dma_start3A_694] : memref<33554432xf32, #tpu.memory_space<hbm>> -> memref<33554432xf32, #tpu.memory_space<hbm>>
      tpu.enqueue_indirect_dma source(%dma_start3A_695 : memref<33554432xf32, #tpu.memory_space<hbm>>) target(%dma_start3A_690 : memref<128xf32, #tpu.memory_space<vmem>>) offsets(%dma_start3A_693 : memref<128xi32, #tpu.memory_space<vmem>>) semaphore(%arg20 : memref<!tpu.dma_semaphore, #tpu.memory_space<semaphore_mem>>)
      %dma_start3A_696 = tpu.memref_slice %arg15[%mul3A_689] : memref<4096xf32, #tpu.memory_space<vmem>> -> memref<128xf32, #tpu.memory_space<vmem>>
      %dma_start3A_697 = arith.constant 0 : i32
      %dma_start3A_698 = tpu.memref_slice %arg13[%scan3A_687, %dma_start3A_697] : memref<32x128xi32, #tpu.memory_space<vmem>> -> memref<1x128xi32, #tpu.memory_space<vmem>>
      %dma_start3A_699 = tpu.memref_squeeze %dma_start3A_698 : memref<1x128xi32, #tpu.memory_space<vmem>> -> memref<128xi32, #tpu.memory_space<vmem>>
      %dma_start3A_700 = arith.constant 0 : i32
      %dma_start3A_701 = tpu.memref_slice %arg5[%dma_start3A_700] : memref<33554432xf32, #tpu.memory_space<hbm>> -> memref<33554432xf32, #tpu.memory_space<hbm>>
      tpu.enqueue_indirect_dma source(%dma_start3A_701 : memref<33554432xf32, #tpu.memory_space<hbm>>) target(%dma_start3A_696 : memref<128xf32, #tpu.memory_space<vmem>>) offsets(%dma_start3A_699 : memref<128xi32, #tpu.memory_space<vmem>>) semaphore(%arg20 : memref<!tpu.dma_semaphore, #tpu.memory_space<semaphore_mem>>)
      %ge3A = arith.constant 8 : i32
      %ge3A_702 = arith.cmpi sge, %scan3A_687, %ge3A : i32
      %convert_element_type3A = arith.extui %ge3A_702 : i1 to i32
      %cond3A = arith.constant 0 : i32
      %cond3A_703 = arith.cmpi ne, %convert_element_type3A, %cond3A : i32
      scf.if %cond3A_703 {
        %sub3A = arith.constant 8 : i32
        %sub3A_704 = arith.subi %scan3A_687, %sub3A : i32
        %mul3A_705 = arith.constant 128 : i32
        %mul3A_706 = arith.muli %sub3A_704, %mul3A_705 : i32
        %dma_wait3A_707 = tpu.memref_slice %arg14[%mul3A_706] : memref<4096xf32, #tpu.memory_space<vmem>> -> memref<128xf32, #tpu.memory_space<vmem>>
        %dma_wait3A_708 = arith.constant 0 : i32
        %dma_wait3A_709 = tpu.memref_slice %arg12[%sub3A_704, %dma_wait3A_708] : memref<32x128xi32, #tpu.memory_space<vmem>> -> memref<1x128xi32, #tpu.memory_space<vmem>>
        %dma_wait3A_710 = tpu.memref_squeeze %dma_wait3A_709 : memref<1x128xi32, #tpu.memory_space<vmem>> -> memref<128xi32, #tpu.memory_space<vmem>>
        %dma_wait3A_711 = arith.constant 0 : i32
        %dma_wait3A_712 = tpu.memref_slice %arg4[%dma_wait3A_711] : memref<33554432xf32, #tpu.memory_space<hbm>> -> memref<33554432xf32, #tpu.memory_space<hbm>>
        tpu.wait_indirect_dma semaphore(%arg20 : memref<!tpu.dma_semaphore, #tpu.memory_space<semaphore_mem>>) src(%dma_wait3A_712 : memref<33554432xf32, #tpu.memory_space<hbm>>) dst(%dma_wait3A_707 : memref<128xf32, #tpu.memory_space<vmem>>)
        %dma_wait3A_713 = tpu.memref_slice %arg15[%mul3A_706] : memref<4096xf32, #tpu.memory_space<vmem>> -> memref<128xf32, #tpu.memory_space<vmem>>
        %dma_wait3A_714 = arith.constant 0 : i32
        %dma_wait3A_715 = tpu.memref_slice %arg13[%sub3A_704, %dma_wait3A_714] : memref<32x128xi32, #tpu.memory_space<vmem>> -> memref<1x128xi32, #tpu.memory_space<vmem>>
        %dma_wait3A_716 = tpu.memref_squeeze %dma_wait3A_715 : memref<1x128xi32, #tpu.memory_space<vmem>> -> memref<128xi32, #tpu.memory_space<vmem>>
        %dma_wait3A_717 = arith.constant 0 : i32
        %dma_wait3A_718 = tpu.memref_slice %arg5[%dma_wait3A_717] : memref<33554432xf32, #tpu.memory_space<hbm>> -> memref<33554432xf32, #tpu.memory_space<hbm>>
        tpu.wait_indirect_dma semaphore(%arg20 : memref<!tpu.dma_semaphore, #tpu.memory_space<semaphore_mem>>) src(%dma_wait3A_718 : memref<33554432xf32, #tpu.memory_space<hbm>>) dst(%dma_wait3A_713 : memref<128xf32, #tpu.memory_space<vmem>>)
      } else {
      }
    }
    %scan3A_558 = arith.constant 32 : i32
    %scan3A_559 = arith.constant 0 : i32
    %scan3A_560 = arith.constant 24 : i32
    %scan3A_561 = arith.constant 8 : i32
    %scan3A_562 = arith.addi %scan3A_560, %scan3A_561 : i32
    %scan3A_563 = arith.constant 1 : i32
    scf.for %scan3A_687 = %scan3A_560 to %scan3A_562 step %scan3A_563  : i32 {
      %mul3A_688 = arith.constant 128 : i32
      %mul3A_689 = arith.muli %scan3A_687, %mul3A_688 : i32
      %dma_wait3A_690 = tpu.memref_slice %arg14[%mul3A_689] : memref<4096xf32, #tpu.memory_space<vmem>> -> memref<128xf32, #tpu.memory_space<vmem>>
      %dma_wait3A_691 = arith.constant 0 : i32
      %dma_wait3A_692 = tpu.memref_slice %arg12[%scan3A_687, %dma_wait3A_691] : memref<32x128xi32, #tpu.memory_space<vmem>> -> memref<1x128xi32, #tpu.memory_space<vmem>>
      %dma_wait3A_693 = tpu.memref_squeeze %dma_wait3A_692 : memref<1x128xi32, #tpu.memory_space<vmem>> -> memref<128xi32, #tpu.memory_space<vmem>>
      %dma_wait3A_694 = arith.constant 0 : i32
      %dma_wait3A_695 = tpu.memref_slice %arg4[%dma_wait3A_694] : memref<33554432xf32, #tpu.memory_space<hbm>> -> memref<33554432xf32, #tpu.memory_space<hbm>>
      tpu.wait_indirect_dma semaphore(%arg20 : memref<!tpu.dma_semaphore, #tpu.memory_space<semaphore_mem>>) src(%dma_wait3A_695 : memref<33554432xf32, #tpu.memory_space<hbm>>) dst(%dma_wait3A_690 : memref<128xf32, #tpu.memory_space<vmem>>)
      %dma_wait3A_696 = tpu.memref_slice %arg15[%mul3A_689] : memref<4096xf32, #tpu.memory_space<vmem>> -> memref<128xf32, #tpu.memory_space<vmem>>
      %dma_wait3A_697 = arith.constant 0 : i32
      %dma_wait3A_698 = tpu.memref_slice %arg13[%scan3A_687, %dma_wait3A_697] : memref<32x128xi32, #tpu.memory_space<vmem>> -> memref<1x128xi32, #tpu.memory_space<vmem>>
      %dma_wait3A_699 = tpu.memref_squeeze %dma_wait3A_698 : memref<1x128xi32, #tpu.memory_space<vmem>> -> memref<128xi32, #tpu.memory_space<vmem>>
      %dma_wait3A_700 = arith.constant 0 : i32
      %dma_wait3A_701 = tpu.memref_slice %arg5[%dma_wait3A_700] : memref<33554432xf32, #tpu.memory_space<hbm>> -> memref<33554432xf32, #tpu.memory_space<hbm>>
      tpu.wait_indirect_dma semaphore(%arg20 : memref<!tpu.dma_semaphore, #tpu.memory_space<semaphore_mem>>) src(%dma_wait3A_701 : memref<33554432xf32, #tpu.memory_space<hbm>>) dst(%dma_wait3A_696 : memref<128xf32, #tpu.memory_space<vmem>>)
    }
    %scan3A_564 = arith.constant 8 : i32
    %broadcast_in_dim3A_565 = arith.constant -65536 : i32
    %broadcast_in_dim3A_566 = vector.broadcast %broadcast_in_dim3A_565 : i32 to vector<16xi32>
    %get3A_567 = arith.constant 384 : index
    %get3A_568 = tpu.vector_load %arg16[%get3A_567] {strides = array<i32>} : memref<512xf32, #tpu.memory_space<vmem>>, vector<16xf32>,
    %get3A_569 = arith.constant 384 : index
    %get3A_570 = tpu.vector_load %arg17[%get3A_569] {strides = array<i32>} : memref<512xf32, #tpu.memory_space<vmem>>, vector<16xf32>,
    %broadcast_in_dim3A_571 = arith.constant 0.000000e+00 : f32
    %broadcast_in_dim3A_572 = vector.broadcast %broadcast_in_dim3A_571 : f32 to vector<16xf32>
    %scan3A_573 = arith.constant 0 : i32
    %scan3A_574 = arith.constant 32 : i32
    %scan3A_575 = arith.addi %scan3A_573, %scan3A_574 : i32
    %scan3A_576 = arith.constant 1 : i32
    %scan3A_577 = scf.for %scan3A_687 = %scan3A_573 to %scan3A_575 step %scan3A_576 iter_args(%scan3A_688 = %broadcast_in_dim3A_572) -> (vector<16xf32>)  : i32 {
      %mul3A_689 = arith.constant 128 : i32
      %mul3A_690 = arith.muli %scan3A_687, %mul3A_689 : i32
      %add3A_691 = arith.constant 0 : i32
      %add3A_692 = arith.addi %mul3A_690, %add3A_691 : i32
      %get3A_693 = arith.index_cast %add3A_692 : i32 to index
      %get3A_694 = tpu.vector_load %arg14[%get3A_693] {strides = array<i32>} : memref<4096xf32, #tpu.memory_space<vmem>>, vector<16xf32>,
      %mul3A_695 = arith.constant 128 : i32
      %mul3A_696 = arith.muli %scan3A_687, %mul3A_695 : i32
      %add3A_697 = arith.constant 0 : i32
      %add3A_698 = arith.addi %mul3A_696, %add3A_697 : i32
      %get3A_699 = arith.index_cast %add3A_698 : i32 to index
      %get3A_700 = tpu.vector_load %arg15[%get3A_699] {strides = array<i32>} : memref<4096xf32, #tpu.memory_space<vmem>>, vector<16xf32>,
      %bitcast3A = vector.bitcast %get3A_694 : vector<16xf32> to vector<16xi32>
      %shift_left3A = arith.constant 16 : i32
      %shift_left3A_701 = vector.broadcast %shift_left3A : i32 to vector<16xi32>
      %shift_left3A_702 = arith.shli %bitcast3A, %shift_left3A_701 : vector<16xi32>
      %bitcast3A_703 = vector.bitcast %shift_left3A_702 : vector<16xi32> to vector<16xf32>
      %and3A = arith.andi %bitcast3A, %broadcast_in_dim3A_566 : vector<16xi32>
      %bitcast3A_704 = vector.bitcast %and3A : vector<16xi32> to vector<16xf32>
      %bitcast3A_705 = vector.bitcast %get3A_700 : vector<16xf32> to vector<16xi32>
      %shift_left3A_706 = arith.constant 16 : i32
      %shift_left3A_707 = vector.broadcast %shift_left3A_706 : i32 to vector<16xi32>
      %shift_left3A_708 = arith.shli %bitcast3A_705, %shift_left3A_707 : vector<16xi32>
      %bitcast3A_709 = vector.bitcast %shift_left3A_708 : vector<16xi32> to vector<16xf32>
      %and3A_710 = arith.andi %bitcast3A_705, %broadcast_in_dim3A_566 : vector<16xi32>
      %bitcast3A_711 = vector.bitcast %and3A_710 : vector<16xi32> to vector<16xf32>
      %add3A_712 = arith.addf %bitcast3A_703, %get3A_568 : vector<16xf32>
      %add3A_713 = arith.addf %bitcast3A_709, %get3A_570 : vector<16xf32>
      %mul3A_714 = arith.mulf %add3A_712, %add3A_713 : vector<16xf32>
      %add3A_715 = arith.addf %scan3A_688, %mul3A_714 : vector<16xf32>
      %add3A_716 = arith.addf %bitcast3A_704, %get3A_568 : vector<16xf32>
      %add3A_717 = arith.addf %bitcast3A_711, %get3A_570 : vector<16xf32>
      %mul3A_718 = arith.mulf %add3A_716, %add3A_717 : vector<16xf32>
      %add3A_719 = arith.addf %add3A_715, %mul3A_718 : vector<16xf32>
      scf.yield %add3A_719 : vector<16xf32>
    }
    %scan3A_578 = arith.constant 32 : i32
    %add3A_579 = arith.addf %scan3A_577, %get3A_66 : vector<16xf32>
    %swap3A_580 = arith.constant 384 : index
    %swap3A_581 = tpu.vector_load %arg18[%swap3A_580] {strides = array<i32>} : memref<512xf32, #tpu.memory_space<vmem>>, vector<16xf32>,
    tpu.vector_store %arg18[%swap3A_580], %add3A_579 {strides = array<i32>} : memref<512xf32, #tpu.memory_space<vmem>>, vector<16xf32>,
    %get3A_582 = arith.constant 400 : index
    %get3A_583 = tpu.vector_load %arg16[%get3A_582] {strides = array<i32>} : memref<512xf32, #tpu.memory_space<vmem>>, vector<16xf32>,
    %get3A_584 = arith.constant 400 : index
    %get3A_585 = tpu.vector_load %arg17[%get3A_584] {strides = array<i32>} : memref<512xf32, #tpu.memory_space<vmem>>, vector<16xf32>,
    %broadcast_in_dim3A_586 = arith.constant 0.000000e+00 : f32
    %broadcast_in_dim3A_587 = vector.broadcast %broadcast_in_dim3A_586 : f32 to vector<16xf32>
    %scan3A_588 = arith.constant 0 : i32
    %scan3A_589 = arith.constant 32 : i32
    %scan3A_590 = arith.addi %scan3A_588, %scan3A_589 : i32
    %scan3A_591 = arith.constant 1 : i32
    %scan3A_592 = scf.for %scan3A_687 = %scan3A_588 to %scan3A_590 step %scan3A_591 iter_args(%scan3A_688 = %broadcast_in_dim3A_587) -> (vector<16xf32>)  : i32 {
      %mul3A_689 = arith.constant 128 : i32
      %mul3A_690 = arith.muli %scan3A_687, %mul3A_689 : i32
      %add3A_691 = arith.constant 16 : i32
      %add3A_692 = arith.addi %mul3A_690, %add3A_691 : i32
      %get3A_693 = arith.index_cast %add3A_692 : i32 to index
      %get3A_694 = tpu.vector_load %arg14[%get3A_693] {strides = array<i32>} : memref<4096xf32, #tpu.memory_space<vmem>>, vector<16xf32>,
      %mul3A_695 = arith.constant 128 : i32
      %mul3A_696 = arith.muli %scan3A_687, %mul3A_695 : i32
      %add3A_697 = arith.constant 16 : i32
      %add3A_698 = arith.addi %mul3A_696, %add3A_697 : i32
      %get3A_699 = arith.index_cast %add3A_698 : i32 to index
      %get3A_700 = tpu.vector_load %arg15[%get3A_699] {strides = array<i32>} : memref<4096xf32, #tpu.memory_space<vmem>>, vector<16xf32>,
      %bitcast3A = vector.bitcast %get3A_694 : vector<16xf32> to vector<16xi32>
      %shift_left3A = arith.constant 16 : i32
      %shift_left3A_701 = vector.broadcast %shift_left3A : i32 to vector<16xi32>
      %shift_left3A_702 = arith.shli %bitcast3A, %shift_left3A_701 : vector<16xi32>
      %bitcast3A_703 = vector.bitcast %shift_left3A_702 : vector<16xi32> to vector<16xf32>
      %and3A = arith.andi %bitcast3A, %broadcast_in_dim3A_566 : vector<16xi32>
      %bitcast3A_704 = vector.bitcast %and3A : vector<16xi32> to vector<16xf32>
      %bitcast3A_705 = vector.bitcast %get3A_700 : vector<16xf32> to vector<16xi32>
      %shift_left3A_706 = arith.constant 16 : i32
      %shift_left3A_707 = vector.broadcast %shift_left3A_706 : i32 to vector<16xi32>
      %shift_left3A_708 = arith.shli %bitcast3A_705, %shift_left3A_707 : vector<16xi32>
      %bitcast3A_709 = vector.bitcast %shift_left3A_708 : vector<16xi32> to vector<16xf32>
      %and3A_710 = arith.andi %bitcast3A_705, %broadcast_in_dim3A_566 : vector<16xi32>
      %bitcast3A_711 = vector.bitcast %and3A_710 : vector<16xi32> to vector<16xf32>
      %add3A_712 = arith.addf %bitcast3A_703, %get3A_583 : vector<16xf32>
      %add3A_713 = arith.addf %bitcast3A_709, %get3A_585 : vector<16xf32>
      %mul3A_714 = arith.mulf %add3A_712, %add3A_713 : vector<16xf32>
      %add3A_715 = arith.addf %scan3A_688, %mul3A_714 : vector<16xf32>
      %add3A_716 = arith.addf %bitcast3A_704, %get3A_583 : vector<16xf32>
      %add3A_717 = arith.addf %bitcast3A_711, %get3A_585 : vector<16xf32>
      %mul3A_718 = arith.mulf %add3A_716, %add3A_717 : vector<16xf32>
      %add3A_719 = arith.addf %add3A_715, %mul3A_718 : vector<16xf32>
      scf.yield %add3A_719 : vector<16xf32>
    }
    %scan3A_593 = arith.constant 32 : i32
    %add3A_594 = arith.addf %scan3A_592, %get3A_66 : vector<16xf32>
    %swap3A_595 = arith.constant 400 : index
    %swap3A_596 = tpu.vector_load %arg18[%swap3A_595] {strides = array<i32>} : memref<512xf32, #tpu.memory_space<vmem>>, vector<16xf32>,
    tpu.vector_store %arg18[%swap3A_595], %add3A_594 {strides = array<i32>} : memref<512xf32, #tpu.memory_space<vmem>>, vector<16xf32>,
    %get3A_597 = arith.constant 416 : index
    %get3A_598 = tpu.vector_load %arg16[%get3A_597] {strides = array<i32>} : memref<512xf32, #tpu.memory_space<vmem>>, vector<16xf32>,
    %get3A_599 = arith.constant 416 : index
    %get3A_600 = tpu.vector_load %arg17[%get3A_599] {strides = array<i32>} : memref<512xf32, #tpu.memory_space<vmem>>, vector<16xf32>,
    %broadcast_in_dim3A_601 = arith.constant 0.000000e+00 : f32
    %broadcast_in_dim3A_602 = vector.broadcast %broadcast_in_dim3A_601 : f32 to vector<16xf32>
    %scan3A_603 = arith.constant 0 : i32
    %scan3A_604 = arith.constant 32 : i32
    %scan3A_605 = arith.addi %scan3A_603, %scan3A_604 : i32
    %scan3A_606 = arith.constant 1 : i32
    %scan3A_607 = scf.for %scan3A_687 = %scan3A_603 to %scan3A_605 step %scan3A_606 iter_args(%scan3A_688 = %broadcast_in_dim3A_602) -> (vector<16xf32>)  : i32 {
      %mul3A_689 = arith.constant 128 : i32
      %mul3A_690 = arith.muli %scan3A_687, %mul3A_689 : i32
      %add3A_691 = arith.constant 32 : i32
      %add3A_692 = arith.addi %mul3A_690, %add3A_691 : i32
      %get3A_693 = arith.index_cast %add3A_692 : i32 to index
      %get3A_694 = tpu.vector_load %arg14[%get3A_693] {strides = array<i32>} : memref<4096xf32, #tpu.memory_space<vmem>>, vector<16xf32>,
      %mul3A_695 = arith.constant 128 : i32
      %mul3A_696 = arith.muli %scan3A_687, %mul3A_695 : i32
      %add3A_697 = arith.constant 32 : i32
      %add3A_698 = arith.addi %mul3A_696, %add3A_697 : i32
      %get3A_699 = arith.index_cast %add3A_698 : i32 to index
      %get3A_700 = tpu.vector_load %arg15[%get3A_699] {strides = array<i32>} : memref<4096xf32, #tpu.memory_space<vmem>>, vector<16xf32>,
      %bitcast3A = vector.bitcast %get3A_694 : vector<16xf32> to vector<16xi32>
      %shift_left3A = arith.constant 16 : i32
      %shift_left3A_701 = vector.broadcast %shift_left3A : i32 to vector<16xi32>
      %shift_left3A_702 = arith.shli %bitcast3A, %shift_left3A_701 : vector<16xi32>
      %bitcast3A_703 = vector.bitcast %shift_left3A_702 : vector<16xi32> to vector<16xf32>
      %and3A = arith.andi %bitcast3A, %broadcast_in_dim3A_566 : vector<16xi32>
      %bitcast3A_704 = vector.bitcast %and3A : vector<16xi32> to vector<16xf32>
      %bitcast3A_705 = vector.bitcast %get3A_700 : vector<16xf32> to vector<16xi32>
      %shift_left3A_706 = arith.constant 16 : i32
      %shift_left3A_707 = vector.broadcast %shift_left3A_706 : i32 to vector<16xi32>
      %shift_left3A_708 = arith.shli %bitcast3A_705, %shift_left3A_707 : vector<16xi32>
      %bitcast3A_709 = vector.bitcast %shift_left3A_708 : vector<16xi32> to vector<16xf32>
      %and3A_710 = arith.andi %bitcast3A_705, %broadcast_in_dim3A_566 : vector<16xi32>
      %bitcast3A_711 = vector.bitcast %and3A_710 : vector<16xi32> to vector<16xf32>
      %add3A_712 = arith.addf %bitcast3A_703, %get3A_598 : vector<16xf32>
      %add3A_713 = arith.addf %bitcast3A_709, %get3A_600 : vector<16xf32>
      %mul3A_714 = arith.mulf %add3A_712, %add3A_713 : vector<16xf32>
      %add3A_715 = arith.addf %scan3A_688, %mul3A_714 : vector<16xf32>
      %add3A_716 = arith.addf %bitcast3A_704, %get3A_598 : vector<16xf32>
      %add3A_717 = arith.addf %bitcast3A_711, %get3A_600 : vector<16xf32>
      %mul3A_718 = arith.mulf %add3A_716, %add3A_717 : vector<16xf32>
      %add3A_719 = arith.addf %add3A_715, %mul3A_718 : vector<16xf32>
      scf.yield %add3A_719 : vector<16xf32>
    }
    %scan3A_608 = arith.constant 32 : i32
    %add3A_609 = arith.addf %scan3A_607, %get3A_66 : vector<16xf32>
    %swap3A_610 = arith.constant 416 : index
    %swap3A_611 = tpu.vector_load %arg18[%swap3A_610] {strides = array<i32>} : memref<512xf32, #tpu.memory_space<vmem>>, vector<16xf32>,
    tpu.vector_store %arg18[%swap3A_610], %add3A_609 {strides = array<i32>} : memref<512xf32, #tpu.memory_space<vmem>>, vector<16xf32>,
    %get3A_612 = arith.constant 432 : index
    %get3A_613 = tpu.vector_load %arg16[%get3A_612] {strides = array<i32>} : memref<512xf32, #tpu.memory_space<vmem>>, vector<16xf32>,
    %get3A_614 = arith.constant 432 : index
    %get3A_615 = tpu.vector_load %arg17[%get3A_614] {strides = array<i32>} : memref<512xf32, #tpu.memory_space<vmem>>, vector<16xf32>,
    %broadcast_in_dim3A_616 = arith.constant 0.000000e+00 : f32
    %broadcast_in_dim3A_617 = vector.broadcast %broadcast_in_dim3A_616 : f32 to vector<16xf32>
    %scan3A_618 = arith.constant 0 : i32
    %scan3A_619 = arith.constant 32 : i32
    %scan3A_620 = arith.addi %scan3A_618, %scan3A_619 : i32
    %scan3A_621 = arith.constant 1 : i32
    %scan3A_622 = scf.for %scan3A_687 = %scan3A_618 to %scan3A_620 step %scan3A_621 iter_args(%scan3A_688 = %broadcast_in_dim3A_617) -> (vector<16xf32>)  : i32 {
      %mul3A_689 = arith.constant 128 : i32
      %mul3A_690 = arith.muli %scan3A_687, %mul3A_689 : i32
      %add3A_691 = arith.constant 48 : i32
      %add3A_692 = arith.addi %mul3A_690, %add3A_691 : i32
      %get3A_693 = arith.index_cast %add3A_692 : i32 to index
      %get3A_694 = tpu.vector_load %arg14[%get3A_693] {strides = array<i32>} : memref<4096xf32, #tpu.memory_space<vmem>>, vector<16xf32>,
      %mul3A_695 = arith.constant 128 : i32
      %mul3A_696 = arith.muli %scan3A_687, %mul3A_695 : i32
      %add3A_697 = arith.constant 48 : i32
      %add3A_698 = arith.addi %mul3A_696, %add3A_697 : i32
      %get3A_699 = arith.index_cast %add3A_698 : i32 to index
      %get3A_700 = tpu.vector_load %arg15[%get3A_699] {strides = array<i32>} : memref<4096xf32, #tpu.memory_space<vmem>>, vector<16xf32>,
      %bitcast3A = vector.bitcast %get3A_694 : vector<16xf32> to vector<16xi32>
      %shift_left3A = arith.constant 16 : i32
      %shift_left3A_701 = vector.broadcast %shift_left3A : i32 to vector<16xi32>
      %shift_left3A_702 = arith.shli %bitcast3A, %shift_left3A_701 : vector<16xi32>
      %bitcast3A_703 = vector.bitcast %shift_left3A_702 : vector<16xi32> to vector<16xf32>
      %and3A = arith.andi %bitcast3A, %broadcast_in_dim3A_566 : vector<16xi32>
      %bitcast3A_704 = vector.bitcast %and3A : vector<16xi32> to vector<16xf32>
      %bitcast3A_705 = vector.bitcast %get3A_700 : vector<16xf32> to vector<16xi32>
      %shift_left3A_706 = arith.constant 16 : i32
      %shift_left3A_707 = vector.broadcast %shift_left3A_706 : i32 to vector<16xi32>
      %shift_left3A_708 = arith.shli %bitcast3A_705, %shift_left3A_707 : vector<16xi32>
      %bitcast3A_709 = vector.bitcast %shift_left3A_708 : vector<16xi32> to vector<16xf32>
      %and3A_710 = arith.andi %bitcast3A_705, %broadcast_in_dim3A_566 : vector<16xi32>
      %bitcast3A_711 = vector.bitcast %and3A_710 : vector<16xi32> to vector<16xf32>
      %add3A_712 = arith.addf %bitcast3A_703, %get3A_613 : vector<16xf32>
      %add3A_713 = arith.addf %bitcast3A_709, %get3A_615 : vector<16xf32>
      %mul3A_714 = arith.mulf %add3A_712, %add3A_713 : vector<16xf32>
      %add3A_715 = arith.addf %scan3A_688, %mul3A_714 : vector<16xf32>
      %add3A_716 = arith.addf %bitcast3A_704, %get3A_613 : vector<16xf32>
      %add3A_717 = arith.addf %bitcast3A_711, %get3A_615 : vector<16xf32>
      %mul3A_718 = arith.mulf %add3A_716, %add3A_717 : vector<16xf32>
      %add3A_719 = arith.addf %add3A_715, %mul3A_718 : vector<16xf32>
      scf.yield %add3A_719 : vector<16xf32>
    }
    %scan3A_623 = arith.constant 32 : i32
    %add3A_624 = arith.addf %scan3A_622, %get3A_66 : vector<16xf32>
    %swap3A_625 = arith.constant 432 : index
    %swap3A_626 = tpu.vector_load %arg18[%swap3A_625] {strides = array<i32>} : memref<512xf32, #tpu.memory_space<vmem>>, vector<16xf32>,
    tpu.vector_store %arg18[%swap3A_625], %add3A_624 {strides = array<i32>} : memref<512xf32, #tpu.memory_space<vmem>>, vector<16xf32>,
    %get3A_627 = arith.constant 448 : index
    %get3A_628 = tpu.vector_load %arg16[%get3A_627] {strides = array<i32>} : memref<512xf32, #tpu.memory_space<vmem>>, vector<16xf32>,
    %get3A_629 = arith.constant 448 : index
    %get3A_630 = tpu.vector_load %arg17[%get3A_629] {strides = array<i32>} : memref<512xf32, #tpu.memory_space<vmem>>, vector<16xf32>,
    %broadcast_in_dim3A_631 = arith.constant 0.000000e+00 : f32
    %broadcast_in_dim3A_632 = vector.broadcast %broadcast_in_dim3A_631 : f32 to vector<16xf32>
    %scan3A_633 = arith.constant 0 : i32
    %scan3A_634 = arith.constant 32 : i32
    %scan3A_635 = arith.addi %scan3A_633, %scan3A_634 : i32
    %scan3A_636 = arith.constant 1 : i32
    %scan3A_637 = scf.for %scan3A_687 = %scan3A_633 to %scan3A_635 step %scan3A_636 iter_args(%scan3A_688 = %broadcast_in_dim3A_632) -> (vector<16xf32>)  : i32 {
      %mul3A_689 = arith.constant 128 : i32
      %mul3A_690 = arith.muli %scan3A_687, %mul3A_689 : i32
      %add3A_691 = arith.constant 64 : i32
      %add3A_692 = arith.addi %mul3A_690, %add3A_691 : i32
      %get3A_693 = arith.index_cast %add3A_692 : i32 to index
      %get3A_694 = tpu.vector_load %arg14[%get3A_693] {strides = array<i32>} : memref<4096xf32, #tpu.memory_space<vmem>>, vector<16xf32>,
      %mul3A_695 = arith.constant 128 : i32
      %mul3A_696 = arith.muli %scan3A_687, %mul3A_695 : i32
      %add3A_697 = arith.constant 64 : i32
      %add3A_698 = arith.addi %mul3A_696, %add3A_697 : i32
      %get3A_699 = arith.index_cast %add3A_698 : i32 to index
      %get3A_700 = tpu.vector_load %arg15[%get3A_699] {strides = array<i32>} : memref<4096xf32, #tpu.memory_space<vmem>>, vector<16xf32>,
      %bitcast3A = vector.bitcast %get3A_694 : vector<16xf32> to vector<16xi32>
      %shift_left3A = arith.constant 16 : i32
      %shift_left3A_701 = vector.broadcast %shift_left3A : i32 to vector<16xi32>
      %shift_left3A_702 = arith.shli %bitcast3A, %shift_left3A_701 : vector<16xi32>
      %bitcast3A_703 = vector.bitcast %shift_left3A_702 : vector<16xi32> to vector<16xf32>
      %and3A = arith.andi %bitcast3A, %broadcast_in_dim3A_566 : vector<16xi32>
      %bitcast3A_704 = vector.bitcast %and3A : vector<16xi32> to vector<16xf32>
      %bitcast3A_705 = vector.bitcast %get3A_700 : vector<16xf32> to vector<16xi32>
      %shift_left3A_706 = arith.constant 16 : i32
      %shift_left3A_707 = vector.broadcast %shift_left3A_706 : i32 to vector<16xi32>
      %shift_left3A_708 = arith.shli %bitcast3A_705, %shift_left3A_707 : vector<16xi32>
      %bitcast3A_709 = vector.bitcast %shift_left3A_708 : vector<16xi32> to vector<16xf32>
      %and3A_710 = arith.andi %bitcast3A_705, %broadcast_in_dim3A_566 : vector<16xi32>
      %bitcast3A_711 = vector.bitcast %and3A_710 : vector<16xi32> to vector<16xf32>
      %add3A_712 = arith.addf %bitcast3A_703, %get3A_628 : vector<16xf32>
      %add3A_713 = arith.addf %bitcast3A_709, %get3A_630 : vector<16xf32>
      %mul3A_714 = arith.mulf %add3A_712, %add3A_713 : vector<16xf32>
      %add3A_715 = arith.addf %scan3A_688, %mul3A_714 : vector<16xf32>
      %add3A_716 = arith.addf %bitcast3A_704, %get3A_628 : vector<16xf32>
      %add3A_717 = arith.addf %bitcast3A_711, %get3A_630 : vector<16xf32>
      %mul3A_718 = arith.mulf %add3A_716, %add3A_717 : vector<16xf32>
      %add3A_719 = arith.addf %add3A_715, %mul3A_718 : vector<16xf32>
      scf.yield %add3A_719 : vector<16xf32>
    }
    %scan3A_638 = arith.constant 32 : i32
    %add3A_639 = arith.addf %scan3A_637, %get3A_66 : vector<16xf32>
    %swap3A_640 = arith.constant 448 : index
    %swap3A_641 = tpu.vector_load %arg18[%swap3A_640] {strides = array<i32>} : memref<512xf32, #tpu.memory_space<vmem>>, vector<16xf32>,
    tpu.vector_store %arg18[%swap3A_640], %add3A_639 {strides = array<i32>} : memref<512xf32, #tpu.memory_space<vmem>>, vector<16xf32>,
    %get3A_642 = arith.constant 464 : index
    %get3A_643 = tpu.vector_load %arg16[%get3A_642] {strides = array<i32>} : memref<512xf32, #tpu.memory_space<vmem>>, vector<16xf32>,
    %get3A_644 = arith.constant 464 : index
    %get3A_645 = tpu.vector_load %arg17[%get3A_644] {strides = array<i32>} : memref<512xf32, #tpu.memory_space<vmem>>, vector<16xf32>,
    %broadcast_in_dim3A_646 = arith.constant 0.000000e+00 : f32
    %broadcast_in_dim3A_647 = vector.broadcast %broadcast_in_dim3A_646 : f32 to vector<16xf32>
    %scan3A_648 = arith.constant 0 : i32
    %scan3A_649 = arith.constant 32 : i32
    %scan3A_650 = arith.addi %scan3A_648, %scan3A_649 : i32
    %scan3A_651 = arith.constant 1 : i32
    %scan3A_652 = scf.for %scan3A_687 = %scan3A_648 to %scan3A_650 step %scan3A_651 iter_args(%scan3A_688 = %broadcast_in_dim3A_647) -> (vector<16xf32>)  : i32 {
      %mul3A_689 = arith.constant 128 : i32
      %mul3A_690 = arith.muli %scan3A_687, %mul3A_689 : i32
      %add3A_691 = arith.constant 80 : i32
      %add3A_692 = arith.addi %mul3A_690, %add3A_691 : i32
      %get3A_693 = arith.index_cast %add3A_692 : i32 to index
      %get3A_694 = tpu.vector_load %arg14[%get3A_693] {strides = array<i32>} : memref<4096xf32, #tpu.memory_space<vmem>>, vector<16xf32>,
      %mul3A_695 = arith.constant 128 : i32
      %mul3A_696 = arith.muli %scan3A_687, %mul3A_695 : i32
      %add3A_697 = arith.constant 80 : i32
      %add3A_698 = arith.addi %mul3A_696, %add3A_697 : i32
      %get3A_699 = arith.index_cast %add3A_698 : i32 to index
      %get3A_700 = tpu.vector_load %arg15[%get3A_699] {strides = array<i32>} : memref<4096xf32, #tpu.memory_space<vmem>>, vector<16xf32>,
      %bitcast3A = vector.bitcast %get3A_694 : vector<16xf32> to vector<16xi32>
      %shift_left3A = arith.constant 16 : i32
      %shift_left3A_701 = vector.broadcast %shift_left3A : i32 to vector<16xi32>
      %shift_left3A_702 = arith.shli %bitcast3A, %shift_left3A_701 : vector<16xi32>
      %bitcast3A_703 = vector.bitcast %shift_left3A_702 : vector<16xi32> to vector<16xf32>
      %and3A = arith.andi %bitcast3A, %broadcast_in_dim3A_566 : vector<16xi32>
      %bitcast3A_704 = vector.bitcast %and3A : vector<16xi32> to vector<16xf32>
      %bitcast3A_705 = vector.bitcast %get3A_700 : vector<16xf32> to vector<16xi32>
      %shift_left3A_706 = arith.constant 16 : i32
      %shift_left3A_707 = vector.broadcast %shift_left3A_706 : i32 to vector<16xi32>
      %shift_left3A_708 = arith.shli %bitcast3A_705, %shift_left3A_707 : vector<16xi32>
      %bitcast3A_709 = vector.bitcast %shift_left3A_708 : vector<16xi32> to vector<16xf32>
      %and3A_710 = arith.andi %bitcast3A_705, %broadcast_in_dim3A_566 : vector<16xi32>
      %bitcast3A_711 = vector.bitcast %and3A_710 : vector<16xi32> to vector<16xf32>
      %add3A_712 = arith.addf %bitcast3A_703, %get3A_643 : vector<16xf32>
      %add3A_713 = arith.addf %bitcast3A_709, %get3A_645 : vector<16xf32>
      %mul3A_714 = arith.mulf %add3A_712, %add3A_713 : vector<16xf32>
      %add3A_715 = arith.addf %scan3A_688, %mul3A_714 : vector<16xf32>
      %add3A_716 = arith.addf %bitcast3A_704, %get3A_643 : vector<16xf32>
      %add3A_717 = arith.addf %bitcast3A_711, %get3A_645 : vector<16xf32>
      %mul3A_718 = arith.mulf %add3A_716, %add3A_717 : vector<16xf32>
      %add3A_719 = arith.addf %add3A_715, %mul3A_718 : vector<16xf32>
      scf.yield %add3A_719 : vector<16xf32>
    }
    %scan3A_653 = arith.constant 32 : i32
    %add3A_654 = arith.addf %scan3A_652, %get3A_66 : vector<16xf32>
    %swap3A_655 = arith.constant 464 : index
    %swap3A_656 = tpu.vector_load %arg18[%swap3A_655] {strides = array<i32>} : memref<512xf32, #tpu.memory_space<vmem>>, vector<16xf32>,
    tpu.vector_store %arg18[%swap3A_655], %add3A_654 {strides = array<i32>} : memref<512xf32, #tpu.memory_space<vmem>>, vector<16xf32>,
    %get3A_657 = arith.constant 480 : index
    %get3A_658 = tpu.vector_load %arg16[%get3A_657] {strides = array<i32>} : memref<512xf32, #tpu.memory_space<vmem>>, vector<16xf32>,
    %get3A_659 = arith.constant 480 : index
    %get3A_660 = tpu.vector_load %arg17[%get3A_659] {strides = array<i32>} : memref<512xf32, #tpu.memory_space<vmem>>, vector<16xf32>,
    %broadcast_in_dim3A_661 = arith.constant 0.000000e+00 : f32
    %broadcast_in_dim3A_662 = vector.broadcast %broadcast_in_dim3A_661 : f32 to vector<16xf32>
    %scan3A_663 = arith.constant 0 : i32
    %scan3A_664 = arith.constant 32 : i32
    %scan3A_665 = arith.addi %scan3A_663, %scan3A_664 : i32
    %scan3A_666 = arith.constant 1 : i32
    %scan3A_667 = scf.for %scan3A_687 = %scan3A_663 to %scan3A_665 step %scan3A_666 iter_args(%scan3A_688 = %broadcast_in_dim3A_662) -> (vector<16xf32>)  : i32 {
      %mul3A_689 = arith.constant 128 : i32
      %mul3A_690 = arith.muli %scan3A_687, %mul3A_689 : i32
      %add3A_691 = arith.constant 96 : i32
      %add3A_692 = arith.addi %mul3A_690, %add3A_691 : i32
      %get3A_693 = arith.index_cast %add3A_692 : i32 to index
      %get3A_694 = tpu.vector_load %arg14[%get3A_693] {strides = array<i32>} : memref<4096xf32, #tpu.memory_space<vmem>>, vector<16xf32>,
      %mul3A_695 = arith.constant 128 : i32
      %mul3A_696 = arith.muli %scan3A_687, %mul3A_695 : i32
      %add3A_697 = arith.constant 96 : i32
      %add3A_698 = arith.addi %mul3A_696, %add3A_697 : i32
      %get3A_699 = arith.index_cast %add3A_698 : i32 to index
      %get3A_700 = tpu.vector_load %arg15[%get3A_699] {strides = array<i32>} : memref<4096xf32, #tpu.memory_space<vmem>>, vector<16xf32>,
      %bitcast3A = vector.bitcast %get3A_694 : vector<16xf32> to vector<16xi32>
      %shift_left3A = arith.constant 16 : i32
      %shift_left3A_701 = vector.broadcast %shift_left3A : i32 to vector<16xi32>
      %shift_left3A_702 = arith.shli %bitcast3A, %shift_left3A_701 : vector<16xi32>
      %bitcast3A_703 = vector.bitcast %shift_left3A_702 : vector<16xi32> to vector<16xf32>
      %and3A = arith.andi %bitcast3A, %broadcast_in_dim3A_566 : vector<16xi32>
      %bitcast3A_704 = vector.bitcast %and3A : vector<16xi32> to vector<16xf32>
      %bitcast3A_705 = vector.bitcast %get3A_700 : vector<16xf32> to vector<16xi32>
      %shift_left3A_706 = arith.constant 16 : i32
      %shift_left3A_707 = vector.broadcast %shift_left3A_706 : i32 to vector<16xi32>
      %shift_left3A_708 = arith.shli %bitcast3A_705, %shift_left3A_707 : vector<16xi32>
      %bitcast3A_709 = vector.bitcast %shift_left3A_708 : vector<16xi32> to vector<16xf32>
      %and3A_710 = arith.andi %bitcast3A_705, %broadcast_in_dim3A_566 : vector<16xi32>
      %bitcast3A_711 = vector.bitcast %and3A_710 : vector<16xi32> to vector<16xf32>
      %add3A_712 = arith.addf %bitcast3A_703, %get3A_658 : vector<16xf32>
      %add3A_713 = arith.addf %bitcast3A_709, %get3A_660 : vector<16xf32>
      %mul3A_714 = arith.mulf %add3A_712, %add3A_713 : vector<16xf32>
      %add3A_715 = arith.addf %scan3A_688, %mul3A_714 : vector<16xf32>
      %add3A_716 = arith.addf %bitcast3A_704, %get3A_658 : vector<16xf32>
      %add3A_717 = arith.addf %bitcast3A_711, %get3A_660 : vector<16xf32>
      %mul3A_718 = arith.mulf %add3A_716, %add3A_717 : vector<16xf32>
      %add3A_719 = arith.addf %add3A_715, %mul3A_718 : vector<16xf32>
      scf.yield %add3A_719 : vector<16xf32>
    }
    %scan3A_668 = arith.constant 32 : i32
    %add3A_669 = arith.addf %scan3A_667, %get3A_66 : vector<16xf32>
    %swap3A_670 = arith.constant 480 : index
    %swap3A_671 = tpu.vector_load %arg18[%swap3A_670] {strides = array<i32>} : memref<512xf32, #tpu.memory_space<vmem>>, vector<16xf32>,
    tpu.vector_store %arg18[%swap3A_670], %add3A_669 {strides = array<i32>} : memref<512xf32, #tpu.memory_space<vmem>>, vector<16xf32>,
    %get3A_672 = arith.constant 496 : index
    %get3A_673 = tpu.vector_load %arg16[%get3A_672] {strides = array<i32>} : memref<512xf32, #tpu.memory_space<vmem>>, vector<16xf32>,
    %get3A_674 = arith.constant 496 : index
    %get3A_675 = tpu.vector_load %arg17[%get3A_674] {strides = array<i32>} : memref<512xf32, #tpu.memory_space<vmem>>, vector<16xf32>,
    %broadcast_in_dim3A_676 = arith.constant 0.000000e+00 : f32
    %broadcast_in_dim3A_677 = vector.broadcast %broadcast_in_dim3A_676 : f32 to vector<16xf32>
    %scan3A_678 = arith.constant 0 : i32
    %scan3A_679 = arith.constant 32 : i32
    %scan3A_680 = arith.addi %scan3A_678, %scan3A_679 : i32
    %scan3A_681 = arith.constant 1 : i32
    %scan3A_682 = scf.for %scan3A_687 = %scan3A_678 to %scan3A_680 step %scan3A_681 iter_args(%scan3A_688 = %broadcast_in_dim3A_677) -> (vector<16xf32>)  : i32 {
      %mul3A_689 = arith.constant 128 : i32
      %mul3A_690 = arith.muli %scan3A_687, %mul3A_689 : i32
      %add3A_691 = arith.constant 112 : i32
      %add3A_692 = arith.addi %mul3A_690, %add3A_691 : i32
      %get3A_693 = arith.index_cast %add3A_692 : i32 to index
      %get3A_694 = tpu.vector_load %arg14[%get3A_693] {strides = array<i32>} : memref<4096xf32, #tpu.memory_space<vmem>>, vector<16xf32>,
      %mul3A_695 = arith.constant 128 : i32
      %mul3A_696 = arith.muli %scan3A_687, %mul3A_695 : i32
      %add3A_697 = arith.constant 112 : i32
      %add3A_698 = arith.addi %mul3A_696, %add3A_697 : i32
      %get3A_699 = arith.index_cast %add3A_698 : i32 to index
      %get3A_700 = tpu.vector_load %arg15[%get3A_699] {strides = array<i32>} : memref<4096xf32, #tpu.memory_space<vmem>>, vector<16xf32>,
      %bitcast3A = vector.bitcast %get3A_694 : vector<16xf32> to vector<16xi32>
      %shift_left3A = arith.constant 16 : i32
      %shift_left3A_701 = vector.broadcast %shift_left3A : i32 to vector<16xi32>
      %shift_left3A_702 = arith.shli %bitcast3A, %shift_left3A_701 : vector<16xi32>
      %bitcast3A_703 = vector.bitcast %shift_left3A_702 : vector<16xi32> to vector<16xf32>
      %and3A = arith.andi %bitcast3A, %broadcast_in_dim3A_566 : vector<16xi32>
      %bitcast3A_704 = vector.bitcast %and3A : vector<16xi32> to vector<16xf32>
      %bitcast3A_705 = vector.bitcast %get3A_700 : vector<16xf32> to vector<16xi32>
      %shift_left3A_706 = arith.constant 16 : i32
      %shift_left3A_707 = vector.broadcast %shift_left3A_706 : i32 to vector<16xi32>
      %shift_left3A_708 = arith.shli %bitcast3A_705, %shift_left3A_707 : vector<16xi32>
      %bitcast3A_709 = vector.bitcast %shift_left3A_708 : vector<16xi32> to vector<16xf32>
      %and3A_710 = arith.andi %bitcast3A_705, %broadcast_in_dim3A_566 : vector<16xi32>
      %bitcast3A_711 = vector.bitcast %and3A_710 : vector<16xi32> to vector<16xf32>
      %add3A_712 = arith.addf %bitcast3A_703, %get3A_673 : vector<16xf32>
      %add3A_713 = arith.addf %bitcast3A_709, %get3A_675 : vector<16xf32>
      %mul3A_714 = arith.mulf %add3A_712, %add3A_713 : vector<16xf32>
      %add3A_715 = arith.addf %scan3A_688, %mul3A_714 : vector<16xf32>
      %add3A_716 = arith.addf %bitcast3A_704, %get3A_673 : vector<16xf32>
      %add3A_717 = arith.addf %bitcast3A_711, %get3A_675 : vector<16xf32>
      %mul3A_718 = arith.mulf %add3A_716, %add3A_717 : vector<16xf32>
      %add3A_719 = arith.addf %add3A_715, %mul3A_718 : vector<16xf32>
      scf.yield %add3A_719 : vector<16xf32>
    }
    %scan3A_683 = arith.constant 32 : i32
    %add3A_684 = arith.addf %scan3A_682, %get3A_66 : vector<16xf32>
    %swap3A_685 = arith.constant 496 : index
    %swap3A_686 = tpu.vector_load %arg18[%swap3A_685] {strides = array<i32>} : memref<512xf32, #tpu.memory_space<vmem>>, vector<16xf32>,
    tpu.vector_store %arg18[%swap3A_685], %add3A_684 {strides = array<i32>} : memref<512xf32, #tpu.memory_space<vmem>>, vector<16xf32>,
    "tpu.region"() ({
      %run_scoped3A = tpu.sem_alloc : memref<!tpu.dma_semaphore, #tpu.memory_space<semaphore_mem>>
      %dma_start3A_687 = tpu.memref_slice %arg9[%mul3A_2] : memref<16384xf32, #tpu.memory_space<hbm>> -> memref<512xf32, #tpu.memory_space<hbm>>
      %dma_start3A_688 = tpu.memref_slice %arg9[%mul3A_2] : memref<16384xf32, #tpu.memory_space<hbm>> -> memref<512xf32, #tpu.memory_space<hbm>>
      tpu.enqueue_dma source(%arg18 : memref<512xf32, #tpu.memory_space<vmem>>) target(%dma_start3A_688 : memref<512xf32, #tpu.memory_space<hbm>>) target_semaphore(%run_scoped3A : memref<!tpu.dma_semaphore, #tpu.memory_space<semaphore_mem>>)
      %dma_wait3A_689 = tpu.memref_slice %arg9[%mul3A_2] : memref<16384xf32, #tpu.memory_space<hbm>> -> memref<512xf32, #tpu.memory_space<hbm>>
      %dma_wait3A_690 = tpu.memref_slice %arg9[%mul3A_2] : memref<16384xf32, #tpu.memory_space<hbm>> -> memref<512xf32, #tpu.memory_space<hbm>>
      tpu.wait_dma2 semaphore(%run_scoped3A : memref<!tpu.dma_semaphore, #tpu.memory_space<semaphore_mem>>) src(%arg18 : memref<512xf32, #tpu.memory_space<vmem>>) dst(%dma_wait3A_690 : memref<512xf32, #tpu.memory_space<hbm>>)
      tpu.yield
    }) : () -> ()
    return
  }
}

module attributes {stable_mosaic.version = 14 : i64} {
  func.func @body(%arg0: i32, %arg1: i32, %arg2: memref<1x8x131072xf32, #tpu.memory_space<vmem>>, %arg3: memref<1x8x131072xf32, #tpu.memory_space<vmem>>, %arg4: memref<8192x128xf32, #tpu.memory_space<vmem>>) attributes {dimension_semantics = [#tpu.dimension_semantics<arbitrary>, #tpu.dimension_semantics<arbitrary>], iteration_bounds = array<i64: 4, 8>, scalar_prefetch = 0 : i64, scratch_operands = 0 : i64, tpu.core_type = #tpu.core_type<tc>, window_params = [{transform_indices = @transform_0, window_bounds = array<i64: 1, 8, 131072>}, {transform_indices = @transform_1, window_bounds = array<i64: 1, 8, 131072>}, {transform_indices = @transform_2, window_bounds = array<i64: 8192, 128>}]} {
    %get3A = arith.constant 0 : index
    %get3A_0 = arith.constant 0 : index
    %get3A_1 = arith.constant 0 : index
    %get3A_2 = vector.load %arg2[%get3A, %get3A_0, %get3A_1] : memref<1x8x131072xf32, #tpu.memory_space<vmem>>, vector<1x8x131072xf32>
    %get3A_3 = vector.shape_cast %get3A_2 : vector<1x8x131072xf32> to vector<8x131072xf32>
    %bitcast_convert_type3A = tpu.bitcast %get3A_3 : vector<8x131072xf32> -> vector<8x131072xi32>
    %get3A_4 = arith.constant 0 : index
    %get3A_5 = arith.constant 0 : index
    %get3A_6 = arith.constant 0 : index
    %get3A_7 = vector.load %arg3[%get3A_4, %get3A_5, %get3A_6] : memref<1x8x131072xf32, #tpu.memory_space<vmem>>, vector<1x8x131072xf32>
    %get3A_8 = vector.shape_cast %get3A_7 : vector<1x8x131072xf32> to vector<8x131072xf32>
    %bitcast_convert_type3A_9 = tpu.bitcast %get3A_8 : vector<8x131072xf32> -> vector<8x131072xi32>
    %shift_right_logical3A = arith.constant 16 : i32
    %shift_right_logical3A_10 = vector.broadcast %shift_right_logical3A : i32 to vector<8x131072xi32>
    %shift_right_logical3A_11 = arith.shrui %bitcast_convert_type3A, %shift_right_logical3A_10 : vector<8x131072xi32>
    %and3A = arith.constant -65536 : i32
    %and3A_12 = vector.broadcast %and3A : i32 to vector<8x131072xi32>
    %and3A_13 = arith.andi %bitcast_convert_type3A_9, %and3A_12 : vector<8x131072xi32>
    %or3A = arith.ori %shift_right_logical3A_11, %and3A_13 : vector<8x131072xi32>
    %bitcast_convert_type3A_14 = tpu.bitcast %or3A : vector<8x131072xi32> -> vector<8x131072xf32>
    %reshape3A = vector.shape_cast %bitcast_convert_type3A_14 : vector<8x131072xf32> to vector<8192x128xf32>
    %swap3A = arith.constant 0 : index
    %swap3A_15 = arith.constant 0 : index
    %swap3A_16 = vector.load %arg4[%swap3A, %swap3A_15] : memref<8192x128xf32, #tpu.memory_space<vmem>>, vector<8192x128xf32>
    tpu.vector_store %arg4[%swap3A, %swap3A_15], %reshape3A {strides = array<i32>} : memref<8192x128xf32, #tpu.memory_space<vmem>>, vector<8192x128xf32>,
    return
  }
  func.func @transform_0(%arg0: i32, %arg1: i32) -> (i32, i32, i32) {
    %c0_i32 = arith.constant 0 : i32
    %c0_i32_0 = arith.constant 0 : i32
    return %arg0, %c0_i32, %arg1 : i32, i32, i32
  }
  func.func @transform_1(%arg0: i32, %arg1: i32) -> (i32, i32, i32) {
    %add3A = arith.constant 4 : i32
    %add3A_0 = arith.addi %arg0, %add3A : i32
    %c0_i32 = arith.constant 0 : i32
    %c0_i32_1 = arith.constant 0 : i32
    return %add3A_0, %c0_i32, %arg1 : i32, i32, i32
  }
  func.func @transform_2(%arg0: i32, %arg1: i32) -> (i32, i32) {
    %mul3A = arith.constant 8 : i32
    %mul3A_0 = arith.muli %arg0, %mul3A : i32
    %add3A = arith.addi %mul3A_0, %arg1 : i32
    %c0_i32 = arith.constant 0 : i32
    %c0_i32_1 = arith.constant 0 : i32
    return %add3A, %c0_i32 : i32, i32
  }
}

</mosaic_0001>

<sc_bundles>
// kernel: kernel.5.cloned.1.call-start
scs
__scs_entry_jumppad:
0x0: {  	(pc) =	sbr.rel $0x88, $3  }
0x1: {  	(tag) =	ssettag $0x0;
	lr =	simm.s32 $0x1  }
0x2: {  	[smem:$0x3F9A] =	sst lr;
	_ =	strace $0xD0000000  }
0x3: {  	_ = 	snop  }
0x4: {  	_ = 	snop  }
0x5: {  	_ = 	snop  }
0x6: {  	_ = 	snop  }
0x7: {  	_ = 	snop  }
__scs_overlays_trampoline_lowered:
0x8: {  	[smem:$0x3FA9] =	sst s0  }
0x9: {  	[smem:$0x3FAA] =	sst s1  }
0xa: {  	[smem:$0x3FAB] =	sst s2  }
0xb: {  	[smem:$0x3FAC] =	sst s3  }
0xc: {  	[smem:$0x3FAD] =	sst s4  }
0xd: {  	[smem:$0x3FAE] =	sst s5  }
0xe: {  	[smem:$0x3FAF] =	sst s6  }
0xf: {  	[smem:$0x3FB0] =	sst s7  }
0x10: {  	[smem:$0x3FB1] =	sst s8  }
0x11: {  	[smem:$0x3FB2] =	sst s9;
	s0 =	simm.s32 @!p0 $0x0  }
0x12: {  	s1 =	sld [smem:$0x3F98];
	s0 =	simm.s32 @p0 $0x1  }
0x13: {  	[smem:$0x3FB3] =	sst s0;
	s0 =	simm.s32 @!p1 $0x0  }
0x14: {  	s2 =	sld [smem:$0x3F97];
	s0 =	simm.s32 @p1 $0x1  }
0x15: {  	[smem:$0x3FB4] =	sst s0;
	s0 =	simm.s32 @!p2 $0x0  }
0x16: {  	s3 =	sld [smem:$0x3FDB];
	s0 =	simm.s32 @p2 $0x1  }
0x17: {  	s4 =	simm.s32 $0x1BF5;
	[smem:$0x3FB6] =	sst s0  }
0x18: {  	s0 =	sld [smem:$0x3F99];
	_ =	swait.ge [sflag:s4], $0x0  }
0x19: {  	s7 =	sld [smem:$0x3F9A]  }
0x1a: {  	s8 =	sadd.s32 $0xFFFFE003, lr  }
0x1b: {  	s9 =	sadd.s32 $0xFFFFFEF7, lr;
	s5 =	simm.s32 $0xFFFFFFFF;
	p2 =	slt.u32 s8, $0xFFFFF086  }
0x1c: {  	p1 =	slt.u32 s9, $0xF7A;
	s5 =	simm.s32 @!p2 $0x0  }
0x1d: {  	s5 =	simm.s32 @p1 $0x1;
	p0 =	seq.s32 s7, s2  }
0x1e: {  	s7 =	smul.u32 @!p0 $0xF7A, s2;
	p2 =	seq.s32 @!p0 s5, $0x0  }
0x1f: {  	s9 =	smul.u32 $0xF7A, s1;
	s8 =	simm.s32 @!p0 $0x1BF5;
	p2 =	por !p2, p0  }
0x20: {  	[sflag:s8] =	ssyncset.s32 @!p0 $0xFFFFF086;
	s6 =	sadd.s32 @!p0 s3, s7;
	s7 =	simm.s32 @!p0 $0x108  }
0x21: {  	s3 =	sadd.s32 s3, s9;
	s6 =	sadd.s32 @!p0 $0x88, s6;
	s7 =	simm.s32 @p2 $0x1082  }
0x22: {  	[simem:s7], [sflag:s8] =	dma.local @!p0 [hbm:s6], $0xF7A  }
0x23: {  	s9 =	sor.u32 $0xD0000000, s2;
	s6 =	simm.s32 $0x108;
	_ =	swait.ge @!p0 [sflag:s8], $0x0  }
0x24: {  	s3 =	sadd.s32 $0x88, s3;
	s6 =	simm.s32 @!p1 $0x1082;
	[sflag:s4] =	ssyncset.s32 $0xFFFFF086  }
0x25: {  	[simem:s6], [sflag:s4] =	dma.local [hbm:s3], $0xF7A  }
0x26: {  	[smem:$0x3F9A] =	sst s1;
	(tag) =	ssettag s2;
	_ =	strace s9  }
0x27: {  	s1 =	sld [smem:$0x3FAA]  }
0x28: {  	s2 =	sld [smem:$0x3FAB]  }
0x29: {  	s4 =	sld [smem:$0x3FAD]  }
0x2a: {  	p0 =	seq.s32 s5, $0x0;
	s5 =	sld [smem:$0x3FAE]  }
0x2b: {  	s6 =	sld [smem:$0x3FAF]  }
0x2c: {  	s7 =	sld [smem:$0x3FB0]  }
0x2d: {  	s3 =	simm.s32 $0x108;
	s8 =	sld [smem:$0x3FB1]  }
0x2e: {  	s3 =	simm.s32 @!p0 $0x1082;
	s9 =	sld [smem:$0x3FB2]  }
0x2f: {  	lr =	sadd.s32 s0, s3;
	s0 =	sld [smem:$0x3FA9]  }
0x30: {  	s3 =	sld [smem:$0x3FAC]  }
0x31: {  	[smem:$0x3FB5] =	sst s10  }
0x32: {  	s10 =	sld [smem:$0x3FB3];
	_ =	sdelay $0x3  }
0x33: {  	p0 =	seq.s32 s10, $0x1;
	s10 =	sld [smem:$0x3FB5];
	_ =	sdelay $0x3  }
0x34: {  	[smem:$0x3FB5] =	sst s10  }
0x35: {  	s10 =	sld [smem:$0x3FB4];
	_ =	sdelay $0x3  }
0x36: {  	p1 =	seq.s32 s10, $0x1;
	s10 =	sld [smem:$0x3FB5];
	_ =	sdelay $0x3  }
0x37: {  	[smem:$0x3FB5] =	sst s10  }
0x38: {  	s10 =	sld [smem:$0x3FB6]  }
0x39: {  	_ = 	snop;
	(pc) =	sbr.ind lr, $3  }
0x3a: {  	_ = 	snop  }
0x3b: {  	_ = 	snop  }
0x3c: {  	p2 =	seq.s32 s10, $0x1;
	s10 =	sld [smem:$0x3FB5]  }
0x3d: {  	_ =	shalt  }
0x3e: {  	_ =	shalt  }
0x3f: {  	_ =	shalt  }
0x40: {  	_ =	shalt  }
0x41: {  	_ =	shalt  }
0x42: {  	_ =	shalt  }
0x43: {  	_ =	shalt  }
0x44: {  	_ =	shalt  }
0x45: {  	_ =	shalt  }
0x46: {  	_ =	shalt  }
0x47: {  	_ =	shalt  }
0x48: {  	_ =	shalt  }
0x49: {  	_ =	shalt  }
0x4a: {  	_ =	shalt  }
0x4b: {  	_ =	shalt  }
0x4c: {  	_ =	shalt  }
0x4d: {  	_ =	shalt  }
0x4e: {  	_ =	shalt  }
0x4f: {  	_ =	shalt  }
0x50: {  	_ =	shalt  }
0x51: {  	_ =	shalt  }
0x52: {  	_ =	shalt  }
0x53: {  	_ =	shalt  }
0x54: {  	_ =	shalt  }
0x55: {  	_ =	shalt  }
0x56: {  	_ =	shalt  }
0x57: {  	_ =	shalt  }
0x58: {  	_ =	shalt  }
0x59: {  	_ =	shalt  }
0x5a: {  	_ =	shalt  }
0x5b: {  	_ =	shalt  }
0x5c: {  	_ =	shalt  }
0x5d: {  	_ =	shalt  }
0x5e: {  	_ =	shalt  }
0x5f: {  	_ =	shalt  }
0x60: {  	_ =	shalt  }
0x61: {  	_ =	shalt  }
0x62: {  	_ =	shalt  }
0x63: {  	_ =	shalt  }
0x64: {  	_ =	shalt  }
0x65: {  	_ =	shalt  }
0x66: {  	_ =	shalt  }
0x67: {  	_ =	shalt  }
0x68: {  	_ =	shalt  }
0x69: {  	_ =	shalt  }
0x6a: {  	_ =	shalt  }
0x6b: {  	_ =	shalt  }
0x6c: {  	_ =	shalt  }
0x6d: {  	_ =	shalt  }
0x6e: {  	_ =	shalt  }
0x6f: {  	_ =	shalt  }
0x70: {  	_ =	shalt  }
0x71: {  	_ =	shalt  }
0x72: {  	_ =	shalt  }
0x73: {  	_ =	shalt  }
0x74: {  	_ =	shalt  }
0x75: {  	_ =	shalt  }
0x76: {  	_ =	shalt  }
0x77: {  	_ =	shalt  }
0x78: {  	_ =	shalt  }
0x79: {  	_ =	shalt  }
0x7a: {  	_ =	shalt  }
0x7b: {  	_ =	shalt  }
0x7c: {  	_ =	shalt  }
0x7d: {  	_ =	shalt  }
0x7e: {  	_ =	shalt  }
0x7f: {  	_ =	shalt  }
0x80: {  	_ =	shalt  }
0x81: {  	_ =	shalt  }
0x82: {  	_ =	shalt  }
0x83: {  	_ =	shalt  }
0x84: {  	_ =	shalt  }
0x85: {  	_ =	shalt  }
0x86: {  	_ =	shalt  }
0x87: {  	_ =	shalt  }
.Lfunc_end0:
.L_simem_size_0:
called_computation_lowered:
.L_overlay_start_0:
0x88: {  	s2 =	sld [smem:$0x3FD9]  }
0x89: {  	s3 =	sld [smem:$0x3FFE];
	_ =	sdelay $0x1  }
0x8a: {  	s1 =	srdreg.scid  }
0x8b: {  	s0 =	sand.u32 $0x1, s1  }
0x8c: {  	s17 =	sshll.u32 s0, $0xA;
	s2 =	sadd.s32 s3, s2  }
0x8d: {  	s2 =	sadd.s32 s2, s17  }
0x8e: {  	[smem:$0x3FC1] =	sst s2  }
0x8f: {  	_ = 	snop  }
0x90: {  	s2 =	sld [smem:$0x3FC9]  }
0x91: {  	s18 =	sld [smem:$0x3FC8]  }
0x92: {  	s4 =	sld [smem:$0x3FD0];
	(tm) =	ssettm $0x1  }
0x93: {  	s5 =	sld [smem:$0x3FFB];
	_ =	sdelay $0x3  }
0x94: {  	_ =	strace s5  }
0x95: {  	s5 =	sld [smem:$0x3FFC];
	_ =	sdelay $0x3  }
0x96: {  	_ =	strace s5  }
0x97: {  	s5 =	sld [smem:$0x3FFD];
	_ =	sdelay $0x3  }
0x98: {  	_ =	strace s5  }
0x99: {  	_ =	strace $0x8FFFFFFF  }
0x9a: {  	s19 =	sld [smem:$0x3FDB];
	_ =	sdelay $0x1  }
0x9b: {  	s6 =	simm.s32 $_scs_section_size  }
0x9c: {  	s7 =	simm.s32 $_size__tile_overlayer_lowered;
	s8 =	simm.s32 $_tile_overlayer_lowered  }
0x9d: {  	s22 =	simm.s32 $0x1BFF;
	s21 =	sshll.u32 s8, $0x1;
	s5 =	sadd.s32 s6, s19  }
0x9e: {  	s9 =	simm.s32 $0x0;
	s20 =	sshll.u32 s7, $0x1;
	s7 =	sadd.s32 s21, s5  }
0x9f: {  	[timem:s9], [sflag:s22] =	dma.local [hbm:s7], s20  }
0xa0: {  	_ =	swait.ge [sflag:s22], s20  }
0xa1: {  	s6 =	ssub.s32 $0x0, s20;
	[sflag:s22] =	ssyncset.done $0x0  }
0xa2: {  	[sflag:s22] =	ssyncadd.s32 s6;
	_ =	sdelay $0x1  }
0xa3: {  	s23 =	simm.s32 $0x1B8B  }
0xa4: {  	_ =	swait.ge [sflag:s23], $0x1  }
0xa5: {  	[sflag:s23] =	ssyncset.done $0x0  }
0xa6: {  	s25 =	simm.s32 $0x1B8E;
	s24 =	sld [smem:$0x3FFE];
	[sflag:s23] =	ssyncadd.s32 $0xFFFFFFFF  }
0xa7: {  	s26 =	simm.s32 $execute0_lowered;
	[smem:$0x3FD2] =	sst s25  }
0xa8: {  	s7 =	sshll.u32 s26, $0x1;
	_ =	strace $0x80000046;
	[dreg:$0x1] =	wrdreg $0xFFFFFFFF  }
0xa9: {  	s28 =	simm.s32 $_size_execute0_lowered;
	s5 =	sadd.s32 s5, s7;
	[dreg:$0x0] =	wrdreg $0x0  }
0xaa: {  	s7 =	sshll.u32 s28, $0x1;
	[dreg:$0x2] =	wrdreg s5  }
0xab: {  	[dreg:$0x3] =	wrdreg s7  }
0xac: {  	[dreg:$0x4] =	wrdreg $0xC0  }
0xad: {  	_ =	task [dreg:s9], $0x5FFFF  }
0xae: {  	[dreg:$0x1] =	wrdreg $0xFFFFFFFF  }
0xaf: {  	[dreg:$0x0] =	wrdreg $0x60  }
0xb0: {  	[dreg:$0x2] =	wrdreg s2  }
0xb1: {  	[dreg:$0x3] =	wrdreg s18  }
0xb2: {  	[dreg:$0x4] =	wrdreg s24  }
0xb3: {  	[dreg:$0x5] =	wrdreg s4  }
0xb4: {  	[dreg:$0x6] =	wrdreg $0x9  }
0xb5: {  	_ =	task.clear_ibuf [dreg:s9], $0x7FFFF;
	_ =	strace $0x90000046  }
0xb6: {  	s29 =	simm.s32 $0x9;
	_ =	strace $0x80000048  }
0xb7: {  	_ =	swait.ge [sflag:s29], $0x1  }
0xb8: {  	[sflag:s29] =	ssyncadd.s32 $0xFFFFFFFF  }
0xb9: {  	_ =	strace $0x90000048  }
0xba: {  	_ =	sfence  }
0xbb: {  	s30 =	sld [smem:$0x0];
	_ =	sdelay $0x2  }
0xbc: {  	s31 =	sshll.u32 s1, $0xD;
	s1 =	sshrl.u32 s1, $0x2  }
0xbd: {  	s3 =	sand.u32 $0x4000, s31;
	s1 =	sadd.s32 s1, s30  }
0xbe: {  	s0 =	sor.u32 s3, s0;
	s1 =	sshll.u32 s1, $0x11  }
0xbf: {  	s0 =	sor.u32 s1, s0  }
0xc0: {  	s0 =	sadd.s32 $0x8F2B, s0  }
0xc1: {  	[sflag:s0] =	ssyncadd.remote.s32 $0x1  }
0xc2: {  	_ =	sfence.sel $0xFFFF  }
0xc3: {  	[dreg:$0x0] =	wrdreg $0xFFFFFFFF;
	(pc) =	sbr.abs _section_cstart, $3  }
0xc4: {  	[dreg:$0x1] =	wrdreg $0xFFFFFFFF  }
0xc5: {  	_ =	task.clear_ibuf [dreg:s9], $0x2FFFF;
	_ =	strace $0x9FFFFFFF  }
0xc6: {  	(tm) =	ssettm $0x7FFFFFFF  }
0xc7: {  	_ =	shalt  }
tec
execute0_lowered:
.L_overlay_start_1:
0x0: {  	(tag) =	ssettag $0x1  }
0x1: {  	s0 =	rddreg [dreg:$0x0]  }
0x2: {  	s3 =	rddreg [dreg:$0x1]  }
0x3: {  	s1 =	rddreg [dreg:$0x2]  }
0x4: {  	s10 =	rddreg [dreg:$0x3];
	s2 =	simm.s32 $0x0  }
0x5: {  	s6 =	srdreg.scid;
	s11 =	stileid.u32;
	s15 =	simm.s32 $0x80  }
0x6: {  	s21 =	simm.s32 $0x100;
	s22 =	simm.s32 $0x4500;
	s23 =	simm.s32 $0x300  }
0x7: {  	s24 =	simm.s32 $0x4700;
	s25 =	simm.s32 $0x180;
	s26 =	simm.s32 $0x4580  }
0x8: {  	s28 =	simm.s32 $0x380;
	s29 =	simm.s32 $0x4780;
	s30 =	simm.s32 $0x1  }
0x9: {  	s31 =	simm.s32 $0x4800;
	[smem:$0x7FF] =	sst s2;
	s4 =	sadd.s32 $0x3D400, s1  }
0xa: {  	s5 =	sadd.s32 $0x43D400, s1;
	s7 =	sand.u32 $0x1, s6;
	s6 =	sadd.s32 $0x1EA00, s1  }
0xb: {  	s11 =	sshll.u32 s11, $0x7;
	_ =	strace $0x80000047;
	s8 =	ssub.s32 $0x2, s7  }
0xc: {  	s12 =	sshll.u32 s7, $0x6;
	s7 =	sadd.s32 $0x83D400, s1;
	s9 =	sshrl.u32 s8, $0x1  }
0xd: {  	s11 =	sor.u32 s12, s11;
	s12 =	simm.s32 $0x2;
	s13 =	ssub.s32 s8, s9  }
0xe: {  	s8 =	sadd.s32 s0, s11;
	s9 =	sadd.s32 s3, s11;
	s10 =	sadd.s32 s10, s11  }
0xf: {  	s0 =	simm.s32 $0x0;
	s11 =	smax.u32 s13, $0x1;
	s13 =	simm.s32 $0x200  }
.LBB2_1:
0x10: {  	[tilespmem:s2], [sflag:$0x2] =	stream.linear.gather [hbm4b:s8+s2], $0x200, $0x38;
	[tilespmem:$0x4A10] =	vst v63  }
0x11: {  	_ =	swait.ge [sflag:s12], $0x200  }
0x12: {  	[sflag:s12] =	ssyncset.done $0x0  }
0x13: {  	[sflag:s12] =	ssyncadd.s32 $0xFFFFFE00  }
0x14: {  	[tilespmem:s13], [sflag:$0x2] =	stream.linear.gather [hbm4b:s9+s2], $0x200, $0x38;
	[tilespmem:$0x4A10] =	vst v63  }
0x15: {  	_ =	swait.ge [sflag:s12], $0x200  }
0x16: {  	[sflag:s12] =	ssyncset.done $0x0  }
0x17: {  	s3 =	simm.s32 $0x4A00;
	[sflag:s12] =	ssyncadd.s32 $0xFFFFFE00  }
0x18: {  	[tilespmem:s3], [sflag:$0x2] =	stream.linear.gather [hbm4b:s7+s2], $0x10, $0x38;
	[tilespmem:$0x4A10] =	vst v63  }
0x19: {  	_ =	swait.ge [sflag:s12], $0x10  }
0x1a: {  	[sflag:s12] =	ssyncset.done $0x0  }
0x1b: {  	s14 =	simm.s32 $0x4400;
	[sflag:s12] =	ssyncadd.s32 $0xFFFFFFF0  }
0x1c: {  	[tilespmem:s14], [sflag:$0x1] =	stream.indirect.gather [hbm4b:s1+s15], $0x1, s2, s15, $0xb8;
	[tilespmem:$0x4A10] =	vst v63  }
0x1d: {  	s16 =	simm.s32 $0x4600  }
0x1e: {  	[tilespmem:s16], [sflag:$0x1] =	stream.indirect.gather [hbm4b:s6+s15], $0x1, s13, s15, $0xb8;
	[tilespmem:$0x4A10] =	vst v63  }
0x1f: {  	s17 =	simm.s32 $0x4480  }
0x20: {  	[tilespmem:s17], [sflag:$0x1] =	stream.indirect.gather [hbm4b:s1+s15], $0x1, s15, s15, $0xb8;
	[tilespmem:$0x4A10] =	vst v63  }
0x21: {  	s18 =	simm.s32 $0x280;
	s14 =	simm.s32 $0x4680  }
0x22: {  	[tilespmem:s14], [sflag:$0x1] =	stream.indirect.gather [hbm4b:s6+s15], $0x1, s18, s15, $0xb8;
	[tilespmem:$0x4A10] =	vst v63  }
0x23: {  	_ = 	snop  }
0x24: {  	[tilespmem:s22], [sflag:$0x1] =	stream.indirect.gather [hbm4b:s1+s15], $0x1, s21, s15, $0xb8;
	[tilespmem:$0x4A10] =	vst v63  }
0x25: {  	_ = 	snop  }
0x26: {  	[tilespmem:s24], [sflag:$0x1] =	stream.indirect.gather [hbm4b:s6+s15], $0x1, s23, s15, $0xb8;
	[tilespmem:$0x4A10] =	vst v63  }
0x27: {  	_ = 	snop  }
0x28: {  	[tilespmem:s26], [sflag:$0x1] =	stream.indirect.gather [hbm4b:s1+s15], $0x1, s25, s15, $0xb8;
	[tilespmem:$0x4A10] =	vst v63  }
0x29: {  	_ = 	snop  }
0x2a: {  	[tilespmem:s29], [sflag:$0x1] =	stream.indirect.gather [hbm4b:s6+s15], $0x1, s28, s15, $0xb8;
	[tilespmem:$0x4A10] =	vst v63  }
0x2b: {  	v0 =	vld [tilespmem:$0x0];
	_ =	sdelay $0x3  }
0x2c: {  	s19 =	sand.u32 $0x1800000, s2;
	s20 =	sand.u32 $0xE0000, s2  }
0x2d: {  	s16 =	sor.u32 s20, s19;
	v1 =	vshll.u32 v0, $0x3;
	v0 =	vand.u32 $0x1FFFF, v0  }
0x2e: {  	v1 =	vand.u32 $0xFFF00000, v1;
	v2 =	vor.u32 s16, v0  }
0x2f: {  	s3 =	simm.s32 $0x440;
	v1 =	vadd.s32 v1, v2  }
0x30: {  	v0 =	vld [tilespmem:$0x4A00];
	[tilespmem:s3+$0xFFFFFFC0] =	vst v1  }
0x31: {  	v1 =	vld [tilespmem:$0x200];
	_ =	sdelay $0x4  }
0x32: {  	v2 =	vshll.u32 v1, $0x3;
	v1 =	vand.u32 $0x1FFFF, v1  }
0x33: {  	v2 =	vand.u32 $0xFFF00000, v2;
	v1 =	vor.u32 s16, v1  }
0x34: {  	s14 =	simm.s32 $0x1440;
	v1 =	vadd.s32 v2, v1  }
0x35: {  	[tilespmem:s14+$0xFFFFFFC0] =	vst v1  }
0x36: {  	v1 =	vld [tilespmem:$0x10];
	_ =	sdelay $0x4  }
0x37: {  	v2 =	vshll.u32 v1, $0x3;
	v1 =	vand.u32 $0x1FFFF, v1  }
0x38: {  	v2 =	vand.u32 $0xFFF00000, v2;
	v1 =	vor.u32 s16, v1  }
0x39: {  	v1 =	vadd.s32 v2, v1  }
0x3a: {  	[tilespmem:s3+$0xFFFFFFD0] =	vst v1  }
0x3b: {  	v1 =	vld [tilespmem:$0x210];
	_ =	sdelay $0x4  }
0x3c: {  	v2 =	vshll.u32 v1, $0x3;
	v1 =	vand.u32 $0x1FFFF, v1  }
0x3d: {  	v2 =	vand.u32 $0xFFF00000, v2;
	v1 =	vor.u32 s16, v1  }
0x3e: {  	v1 =	vadd.s32 v2, v1  }
0x3f: {  	[tilespmem:s14+$0xFFFFFFD0] =	vst v1  }
0x40: {  	v1 =	vld [tilespmem:$0x20];
	_ =	sdelay $0x4  }
0x41: {  	v2 =	vshll.u32 v1, $0x3;
	v1 =	vand.u32 $0x1FFFF, v1  }
0x42: {  	v2 =	vand.u32 $0xFFF00000, v2;
	v1 =	vor.u32 s16, v1  }
0x43: {  	v1 =	vadd.s32 v2, v1  }
0x44: {  	[tilespmem:s3+$0xFFFFFFE0] =	vst v1  }
0x45: {  	v1 =	vld [tilespmem:$0x220];
	_ =	sdelay $0x4  }
0x46: {  	v2 =	vshll.u32 v1, $0x3;
	v1 =	vand.u32 $0x1FFFF, v1  }
0x47: {  	v2 =	vand.u32 $0xFFF00000, v2;
	v1 =	vor.u32 s16, v1  }
0x48: {  	v1 =	vadd.s32 v2, v1  }
0x49: {  	[tilespmem:s14+$0xFFFFFFE0] =	vst v1  }
0x4a: {  	v1 =	vld [tilespmem:$0x30];
	_ =	sdelay $0x4  }
0x4b: {  	v2 =	vshll.u32 v1, $0x3;
	v1 =	vand.u32 $0x1FFFF, v1  }
0x4c: {  	v2 =	vand.u32 $0xFFF00000, v2;
	v1 =	vor.u32 s16, v1  }
0x4d: {  	v1 =	vadd.s32 v2, v1  }
0x4e: {  	[tilespmem:s3+$0xFFFFFFF0] =	vst v1  }
0x4f: {  	v1 =	vld [tilespmem:$0x230];
	_ =	sdelay $0x4  }
0x50: {  	v2 =	vshll.u32 v1, $0x3;
	v1 =	vand.u32 $0x1FFFF, v1  }
0x51: {  	v2 =	vand.u32 $0xFFF00000, v2;
	v1 =	vor.u32 s16, v1  }
0x52: {  	v1 =	vadd.s32 v2, v1  }
0x53: {  	[tilespmem:s14+$0xFFFFFFF0] =	vst v1  }
0x54: {  	v1 =	vld [tilespmem:$0x40];
	_ =	sdelay $0x4  }
0x55: {  	v2 =	vshll.u32 v1, $0x3;
	v1 =	vand.u32 $0x1FFFF, v1  }
0x56: {  	v2 =	vand.u32 $0xFFF00000, v2;
	v1 =	vor.u32 s16, v1  }
0x57: {  	v1 =	vadd.s32 v2, v1  }
0x58: {  	[tilespmem:s3+$0x0] =	vst v1  }
0x59: {  	v1 =	vld [tilespmem:$0x240];
	_ =	sdelay $0x4  }
0x5a: {  	v2 =	vshll.u32 v1, $0x3;
	v1 =	vand.u32 $0x1FFFF, v1  }
0x5b: {  	v2 =	vand.u32 $0xFFF00000, v2;
	v1 =	vor.u32 s16, v1  }
0x5c: {  	v1 =	vadd.s32 v2, v1  }
0x5d: {  	[tilespmem:s14+$0x0] =	vst v1  }
0x5e: {  	v1 =	vld [tilespmem:$0x50];
	_ =	sdelay $0x4  }
0x5f: {  	v2 =	vshll.u32 v1, $0x3;
	v1 =	vand.u32 $0x1FFFF, v1  }
0x60: {  	v2 =	vand.u32 $0xFFF00000, v2;
	v1 =	vor.u32 s16, v1  }
0x61: {  	v1 =	vadd.s32 v2, v1  }
0x62: {  	[tilespmem:s3+$0x10] =	vst v1  }
0x63: {  	v1 =	vld [tilespmem:$0x250];
	_ =	sdelay $0x4  }
0x64: {  	v2 =	vshll.u32 v1, $0x3;
	v1 =	vand.u32 $0x1FFFF, v1  }
0x65: {  	v2 =	vand.u32 $0xFFF00000, v2;
	v1 =	vor.u32 s16, v1  }
0x66: {  	v1 =	vadd.s32 v2, v1  }
0x67: {  	[tilespmem:s14+$0x10] =	vst v1  }
0x68: {  	v1 =	vld [tilespmem:$0x60];
	_ =	sdelay $0x4  }
0x69: {  	v2 =	vshll.u32 v1, $0x3;
	v1 =	vand.u32 $0x1FFFF, v1  }
0x6a: {  	v2 =	vand.u32 $0xFFF00000, v2;
	v1 =	vor.u32 s16, v1  }
0x6b: {  	v1 =	vadd.s32 v2, v1  }
0x6c: {  	[tilespmem:s3+$0x20] =	vst v1  }
0x6d: {  	v1 =	vld [tilespmem:$0x260];
	_ =	sdelay $0x4  }
0x6e: {  	v2 =	vshll.u32 v1, $0x3;
	v1 =	vand.u32 $0x1FFFF, v1  }
0x6f: {  	v2 =	vand.u32 $0xFFF00000, v2;
	v1 =	vor.u32 s16, v1  }
0x70: {  	v1 =	vadd.s32 v2, v1  }
0x71: {  	[tilespmem:s14+$0x20] =	vst v1  }
0x72: {  	v1 =	vld [tilespmem:$0x70];
	_ =	sdelay $0x4  }
0x73: {  	v2 =	vshll.u32 v1, $0x3;
	v1 =	vand.u32 $0x1FFFF, v1  }
0x74: {  	v2 =	vand.u32 $0xFFF00000, v2;
	v1 =	vor.u32 s16, v1  }
0x75: {  	v1 =	vadd.s32 v2, v1  }
0x76: {  	[tilespmem:s3+$0x30] =	vst v1  }
0x77: {  	v1 =	vld [tilespmem:$0x270];
	_ =	sdelay $0x4  }
0x78: {  	v2 =	vshll.u32 v1, $0x3;
	v1 =	vand.u32 $0x1FFFF, v1  }
0x79: {  	v2 =	vand.u32 $0xFFF00000, v2;
	v1 =	vor.u32 s16, v1  }
0x7a: {  	s17 =	simm.s32 $0x0;
	s16 =	simm.s32 $0x100000;
	v1 =	vadd.s32 v2, v1  }
.LBB2_2:
0x7b: {  	[tilespmem:s14+$0x30] =	vst v1;
	s17 =	sadd.s32 $0x20000, s17;
	s14 =	sadd.s32 $0x80, s14;
	s3 =	sadd.s32 $0x80, s3  }
0x7c: {  	p0 =	sne.s32 s16, $0x1F00000;
	s18 =	smov.u32 s16;
	s16 =	sadd.s32 $0x100000, s16;
	v1 =	vld [tilespmem:$0x0]  }
0x7d: {  	_ =	sdelay $0x2  }
0x7e: {  	s18 =	sand.u32 $0x1800000, s18;
	s19 =	sand.u32 $0xE0000, s17  }
0x7f: {  	s18 =	sor.u32 s19, s18;
	v2 =	vshll.u32 v1, $0x3;
	v1 =	vand.u32 $0x1FFFF, v1  }
0x80: {  	v2 =	vand.u32 $0xFFF00000, v2;
	v1 =	vor.u32 s18, v1  }
0x81: {  	v1 =	vadd.s32 v2, v1  }
0x82: {  	[tilespmem:s3+$0xFFFFFFC0] =	vst v1  }
0x83: {  	v1 =	vld [tilespmem:$0x200];
	_ =	sdelay $0x4  }
0x84: {  	v2 =	vshll.u32 v1, $0x3;
	v1 =	vand.u32 $0x1FFFF, v1  }
0x85: {  	v2 =	vand.u32 $0xFFF00000, v2;
	v1 =	vor.u32 s18, v1  }
0x86: {  	v1 =	vadd.s32 v2, v1  }
0x87: {  	[tilespmem:s14+$0xFFFFFFC0] =	vst v1  }
0x88: {  	v1 =	vld [tilespmem:$0x10];
	_ =	sdelay $0x4  }
0x89: {  	v2 =	vshll.u32 v1, $0x3;
	v1 =	vand.u32 $0x1FFFF, v1  }
0x8a: {  	v2 =	vand.u32 $0xFFF00000, v2;
	v1 =	vor.u32 s18, v1  }
0x8b: {  	v1 =	vadd.s32 v2, v1  }
0x8c: {  	[tilespmem:s3+$0xFFFFFFD0] =	vst v1  }
0x8d: {  	v1 =	vld [tilespmem:$0x210];
	_ =	sdelay $0x4  }
0x8e: {  	v2 =	vshll.u32 v1, $0x3;
	v1 =	vand.u32 $0x1FFFF, v1  }
0x8f: {  	v2 =	vand.u32 $0xFFF00000, v2;
	v1 =	vor.u32 s18, v1  }
0x90: {  	v1 =	vadd.s32 v2, v1  }
0x91: {  	[tilespmem:s14+$0xFFFFFFD0] =	vst v1  }
0x92: {  	v1 =	vld [tilespmem:$0x20];
	_ =	sdelay $0x4  }
0x93: {  	v2 =	vshll.u32 v1, $0x3;
	v1 =	vand.u32 $0x1FFFF, v1  }
0x94: {  	v2 =	vand.u32 $0xFFF00000, v2;
	v1 =	vor.u32 s18, v1  }
0x95: {  	v1 =	vadd.s32 v2, v1  }
0x96: {  	[tilespmem:s3+$0xFFFFFFE0] =	vst v1  }
0x97: {  	v1 =	vld [tilespmem:$0x220];
	_ =	sdelay $0x4  }
0x98: {  	v2 =	vshll.u32 v1, $0x3;
	v1 =	vand.u32 $0x1FFFF, v1  }
0x99: {  	v2 =	vand.u32 $0xFFF00000, v2;
	v1 =	vor.u32 s18, v1  }
0x9a: {  	v1 =	vadd.s32 v2, v1  }
0x9b: {  	[tilespmem:s14+$0xFFFFFFE0] =	vst v1  }
0x9c: {  	v1 =	vld [tilespmem:$0x30];
	_ =	sdelay $0x4  }
0x9d: {  	v2 =	vshll.u32 v1, $0x3;
	v1 =	vand.u32 $0x1FFFF, v1  }
0x9e: {  	v2 =	vand.u32 $0xFFF00000, v2;
	v1 =	vor.u32 s18, v1  }
0x9f: {  	v1 =	vadd.s32 v2, v1  }
0xa0: {  	[tilespmem:s3+$0xFFFFFFF0] =	vst v1  }
0xa1: {  	v1 =	vld [tilespmem:$0x230];
	_ =	sdelay $0x4  }
0xa2: {  	v2 =	vshll.u32 v1, $0x3;
	v1 =	vand.u32 $0x1FFFF, v1  }
0xa3: {  	v2 =	vand.u32 $0xFFF00000, v2;
	v1 =	vor.u32 s18, v1  }
0xa4: {  	v1 =	vadd.s32 v2, v1  }
0xa5: {  	[tilespmem:s14+$0xFFFFFFF0] =	vst v1  }
0xa6: {  	v1 =	vld [tilespmem:$0x40];
	_ =	sdelay $0x4  }
0xa7: {  	v2 =	vshll.u32 v1, $0x3;
	v1 =	vand.u32 $0x1FFFF, v1  }
0xa8: {  	v2 =	vand.u32 $0xFFF00000, v2;
	v1 =	vor.u32 s18, v1  }
0xa9: {  	v1 =	vadd.s32 v2, v1  }
0xaa: {  	[tilespmem:s3+$0x0] =	vst v1  }
0xab: {  	v1 =	vld [tilespmem:$0x240];
	_ =	sdelay $0x4  }
0xac: {  	v2 =	vshll.u32 v1, $0x3;
	v1 =	vand.u32 $0x1FFFF, v1  }
0xad: {  	v2 =	vand.u32 $0xFFF00000, v2;
	v1 =	vor.u32 s18, v1  }
0xae: {  	v1 =	vadd.s32 v2, v1  }
0xaf: {  	[tilespmem:s14+$0x0] =	vst v1  }
0xb0: {  	v1 =	vld [tilespmem:$0x50];
	_ =	sdelay $0x4  }
0xb1: {  	v2 =	vshll.u32 v1, $0x3;
	v1 =	vand.u32 $0x1FFFF, v1  }
0xb2: {  	v2 =	vand.u32 $0xFFF00000, v2;
	v1 =	vor.u32 s18, v1  }
0xb3: {  	v1 =	vadd.s32 v2, v1  }
0xb4: {  	[tilespmem:s3+$0x10] =	vst v1  }
0xb5: {  	v1 =	vld [tilespmem:$0x250];
	_ =	sdelay $0x4  }
0xb6: {  	v2 =	vshll.u32 v1, $0x3;
	v1 =	vand.u32 $0x1FFFF, v1  }
0xb7: {  	v2 =	vand.u32 $0xFFF00000, v2;
	v1 =	vor.u32 s18, v1  }
0xb8: {  	v1 =	vadd.s32 v2, v1  }
0xb9: {  	[tilespmem:s14+$0x10] =	vst v1  }
0xba: {  	v1 =	vld [tilespmem:$0x60];
	_ =	sdelay $0x4  }
0xbb: {  	v2 =	vshll.u32 v1, $0x3;
	v1 =	vand.u32 $0x1FFFF, v1  }
0xbc: {  	v2 =	vand.u32 $0xFFF00000, v2;
	v1 =	vor.u32 s18, v1  }
0xbd: {  	v1 =	vadd.s32 v2, v1  }
0xbe: {  	[tilespmem:s3+$0x20] =	vst v1  }
0xbf: {  	v1 =	vld [tilespmem:$0x260];
	_ =	sdelay $0x4  }
0xc0: {  	v2 =	vshll.u32 v1, $0x3;
	v1 =	vand.u32 $0x1FFFF, v1  }
0xc1: {  	v2 =	vand.u32 $0xFFF00000, v2;
	v1 =	vor.u32 s18, v1  }
0xc2: {  	v1 =	vadd.s32 v2, v1  }
0xc3: {  	[tilespmem:s14+$0x20] =	vst v1  }
0xc4: {  	v1 =	vld [tilespmem:$0x70];
	_ =	sdelay $0x4  }
0xc5: {  	v2 =	vshll.u32 v1, $0x3;
	v1 =	vand.u32 $0x1FFFF, v1  }
0xc6: {  	v2 =	vand.u32 $0xFFF00000, v2;
	v1 =	vor.u32 s18, v1  }
0xc7: {  	v1 =	vadd.s32 v2, v1  }
0xc8: {  	[tilespmem:s3+$0x30] =	vst v1  }
0xc9: {  	v1 =	vld [tilespmem:$0x270];
	_ =	sdelay $0x2  }
.Ltmp0:
0xca: {  	(pc) =	sbr.rel @p0 .LBB2_2-.Ltmp0, $4  }
0xcb: {  	_ = 	snop  }
0xcc: {  	v2 =	vshll.u32 v1, $0x3;
	v1 =	vand.u32 $0x1FFFF, v1  }
0xcd: {  	v2 =	vand.u32 $0xFFF00000, v2;
	v1 =	vor.u32 s18, v1  }
0xce: {  	v1 =	vadd.s32 v2, v1  }
0xcf: {  	[tilespmem:s14+$0x30] =	vst v1;
	s3 =	simm.s32 $0x2400;
	s19 =	simm.s32 $0x400;
	p0 =	por $0x1, $0x1  }
0xd0: {  	[tilespmem:s3], [sflag:$0x1] =	stream.indirect.gather [hbm4b:s4+s15], $0x1, s19, s15, $0xb8;
	[tilespmem:$0x4A10] =	vst v63  }
0xd1: {  	s20 =	simm.s32 $0x3400;
	s16 =	simm.s32 $0x1400;
	s17 =	simm.s32 @!p0 $0x1  }
0xd2: {  	[tilespmem:s20], [sflag:$0x1] =	stream.indirect.gather [hbm4b:s5+s15], $0x1, s16, s15, $0xb8;
	[tilespmem:$0x4A10] =	vst v63  }
0xd3: {  	_ =	swait.ge @!p0 [sflag:s17], $0x80  }
0xd4: {  	[sflag:s17] =	ssyncset.done @!p0 $0x0  }
0xd5: {  	s14 =	simm.s32 $0x1;
	s18 =	simm.s32 $0x3480;
	[sflag:s17] =	ssyncadd.s32 @!p0 $0xFFFFFF80  }
0xd6: {  	s19 =	simm.s32 $0x480;
	s16 =	simm.s32 $0x1480;
	_ =	swait.ge @!p0 [sflag:s17], $0x80  }
.LBB2_4:
0xd7: {  	[sflag:s17] =	ssyncset.done @!p0 $0x0  }
0xd8: {  	s3 =	sadd.s32 $0x80, s3;
	s20 =	smov.u32 s14;
	s14 =	sadd.s32 $0x1, s14  }
0xd9: {  	p1 =	sne.s32 s14, $0x20;
	[sflag:s17] =	ssyncadd.s32 @!p0 $0xFFFFFF80  }
0xda: {  	[tilespmem:s3], [sflag:$0x1] =	stream.indirect.gather [hbm4b:s4+s15], $0x1, s19, s15, $0xb8;
	[tilespmem:$0x4A10] =	vst v63  }
0xdb: {  	p0 =	slt.u32 s20, $0x8  }
0xdc: {  	[tilespmem:s18], [sflag:$0x1] =	stream.indirect.gather [hbm4b:s5+s15], $0x1, s16, s15, $0xb8;
	[tilespmem:$0x4A10] =	vst v63  }
.Ltmp1:
0xdd: {  	s17 =	simm.s32 @!p0 $0x1;
	(pc) =	sbr.rel @p1 .LBB2_4-.Ltmp1, $4  }
0xde: {  	_ =	swait.ge @!p0 [sflag:s17], $0x80  }
0xdf: {  	[sflag:s17] =	ssyncset.done @!p0 $0x0  }
0xe0: {  	s16 =	sadd.s32 $0x80, s16;
	[sflag:s17] =	ssyncadd.s32 @!p0 $0xFFFFFF80  }
0xe1: {  	s19 =	sadd.s32 $0x80, s19;
	s18 =	sadd.s32 $0x80, s18;
	_ =	swait.ge @!p0 [sflag:s17], $0x80  }
0xe2: {  	[sflag:s17] =	ssyncset.done @!p0 $0x0  }
0xe3: {  	[sflag:s17] =	ssyncadd.s32 @!p0 $0xFFFFFF80  }
0xe4: {  	_ =	swait.ge [sflag:s30], $0x80  }
0xe5: {  	[sflag:s30] =	ssyncset.done $0x0  }
0xe6: {  	[sflag:s30] =	ssyncadd.s32 $0xFFFFFF80  }
0xe7: {  	_ =	swait.ge [sflag:s30], $0x80  }
0xe8: {  	[sflag:s30] =	ssyncset.done $0x0  }
0xe9: {  	[sflag:s30] =	ssyncadd.s32 $0xFFFFFF80  }
0xea: {  	_ =	swait.ge [sflag:s30], $0x80  }
0xeb: {  	[sflag:s30] =	ssyncset.done $0x0  }
0xec: {  	[sflag:s30] =	ssyncadd.s32 $0xFFFFFF80  }
0xed: {  	_ =	swait.ge [sflag:s30], $0x80  }
0xee: {  	[sflag:s30] =	ssyncset.done $0x0  }
0xef: {  	[sflag:s30] =	ssyncadd.s32 $0xFFFFFF80  }
0xf0: {  	_ =	swait.ge [sflag:s30], $0x80  }
0xf1: {  	[sflag:s30] =	ssyncset.done $0x0  }
0xf2: {  	[sflag:s30] =	ssyncadd.s32 $0xFFFFFF80  }
0xf3: {  	_ =	swait.ge [sflag:s30], $0x80  }
0xf4: {  	[sflag:s30] =	ssyncset.done $0x0  }
0xf5: {  	[sflag:s30] =	ssyncadd.s32 $0xFFFFFF80  }
0xf6: {  	_ =	swait.ge [sflag:s30], $0x80  }
0xf7: {  	[sflag:s30] =	ssyncset.done $0x0  }
0xf8: {  	[sflag:s30] =	ssyncadd.s32 $0xFFFFFF80  }
0xf9: {  	_ =	swait.ge [sflag:s30], $0x80  }
0xfa: {  	[sflag:s30] =	ssyncset.done $0x0  }
0xfb: {  	[sflag:s30] =	ssyncadd.s32 $0xFFFFFF80  }
0xfc: {  	_ =	swait.ge [sflag:s30], $0x80  }
0xfd: {  	[sflag:s30] =	ssyncset.done $0x0  }
0xfe: {  	[sflag:s30] =	ssyncadd.s32 $0xFFFFFF80  }
0xff: {  	_ =	swait.ge [sflag:s30], $0x80  }
0x100: {  	[sflag:s30] =	ssyncset.done $0x0  }
0x101: {  	[sflag:s30] =	ssyncadd.s32 $0xFFFFFF80  }
0x102: {  	_ =	swait.ge [sflag:s30], $0x80  }
0x103: {  	[sflag:s30] =	ssyncset.done $0x0  }
0x104: {  	[sflag:s30] =	ssyncadd.s32 $0xFFFFFF80  }
0x105: {  	_ =	swait.ge [sflag:s30], $0x80  }
0x106: {  	[sflag:s30] =	ssyncset.done $0x0  }
0x107: {  	[sflag:s30] =	ssyncadd.s32 $0xFFFFFF80  }
0x108: {  	_ =	swait.ge [sflag:s30], $0x80  }
0x109: {  	[sflag:s30] =	ssyncset.done $0x0  }
0x10a: {  	[sflag:s30] =	ssyncadd.s32 $0xFFFFFF80  }
0x10b: {  	_ =	swait.ge [sflag:s30], $0x80  }
0x10c: {  	[sflag:s30] =	ssyncset.done $0x0  }
0x10d: {  	[sflag:s30] =	ssyncadd.s32 $0xFFFFFF80  }
0x10e: {  	_ =	swait.ge [sflag:s30], $0x80  }
0x10f: {  	[sflag:s30] =	ssyncset.done $0x0  }
0x110: {  	[sflag:s30] =	ssyncadd.s32 $0xFFFFFF80  }
0x111: {  	_ =	swait.ge [sflag:s30], $0x80  }
0x112: {  	[sflag:s30] =	ssyncset.done $0x0  }
0x113: {  	[sflag:s30] =	ssyncadd.s32 $0xFFFFFF80  }
0x114: {  	_ =	swait.ge [sflag:s30], $0x80  }
0x115: {  	[sflag:s30] =	ssyncset.done $0x0  }
0x116: {  	[sflag:s30] =	ssyncadd.s32 $0xFFFFFF80  }
0x117: {  	_ =	swait.ge [sflag:s30], $0x80  }
0x118: {  	[sflag:s30] =	ssyncset.done $0x0  }
0x119: {  	[sflag:s30] =	ssyncadd.s32 $0xFFFFFF80  }
0x11a: {  	_ =	swait.ge [sflag:s30], $0x80  }
0x11b: {  	[sflag:s30] =	ssyncset.done $0x0  }
0x11c: {  	[sflag:s30] =	ssyncadd.s32 $0xFFFFFF80  }
0x11d: {  	_ =	swait.ge [sflag:s30], $0x80  }
0x11e: {  	[sflag:s30] =	ssyncset.done $0x0  }
0x11f: {  	[sflag:s30] =	ssyncadd.s32 $0xFFFFFF80  }
0x120: {  	_ =	swait.ge [sflag:s30], $0x80  }
0x121: {  	[sflag:s30] =	ssyncset.done $0x0  }
0x122: {  	[sflag:s30] =	ssyncadd.s32 $0xFFFFFF80  }
0x123: {  	_ =	swait.ge [sflag:s30], $0x80  }
0x124: {  	[sflag:s30] =	ssyncset.done $0x0  }
0x125: {  	[sflag:s30] =	ssyncadd.s32 $0xFFFFFF80  }
0x126: {  	_ =	swait.ge [sflag:s30], $0x80  }
0x127: {  	[sflag:s30] =	ssyncset.done $0x0  }
0x128: {  	[sflag:s30] =	ssyncadd.s32 $0xFFFFFF80  }
0x129: {  	_ =	swait.ge [sflag:s30], $0x80  }
0x12a: {  	[sflag:s30] =	ssyncset.done $0x0  }
0x12b: {  	[sflag:s30] =	ssyncadd.s32 $0xFFFFFF80  }
0x12c: {  	s3 =	simm.s32 $0x0;
	v1 =	vld [tilespmem:$0x4400]  }
0x12d: {  	v4 =	vld [tilespmem:s3+$0x2400]  }
0x12e: {  	v6 =	vld [tilespmem:s3+$0x3400]  }
0x12f: {  	v2 =	vld [tilespmem:$0x4600];
	_ =	sdelay $0x2  }
0x130: {  	s14 =	simm.s32 $0x80;
	v3 =	vshll.u32 v4, $0x10  }
0x131: {  	v5 =	vshll.u32 v6, $0x10;
	v7 =	vadd.f32 v3, v1;
	v3 =	vld [tilespmem:s14+$0x2400]  }
0x132: {  	v9 =	vand.u32 $0xFFFF0000, v4;
	v4 =	vld [tilespmem:s14+$0x3400];
	v8 =	vadd.f32 v5, v2  }
0x133: {  	v10 =	vand.u32 $0xFFFF0000, v6;
	v5 =	vimm.f32 $0.0e+00  }
0x134: {  	s3 =	simm.s32 $0x400;
	v6 =	vmul.f32 v8, v7;
	v7 =	vadd.f32 v9, v1;
	v8 =	vadd.f32 v10, v2  }
.LBB2_6:
0x135: {  	p0 =	sne.s32 s3, $0x3E00  }
.Ltmp2:
0x136: {  	s14 =	sshra.s32 s3, $0x2;
	v9 =	vshll.u32 v3, $0x10;
	v5 =	vadd.f32 v6, v5;
	v6 =	vmul.f32 v8, v7;
	v7 =	vmovc v3;
	(pc) =	sbr.rel @p0 .LBB2_6-.Ltmp2, $4  }
0x137: {  	s3 =	sadd.s32 $0x200, s3;
	v3 =	vld [tilespmem:s14+$0x2400];
	v8 =	vshll.u32 v4, $0x10;
	v9 =	vadd.f32 v9, v1;
	v10 =	vmov v4  }
0x138: {  	v4 =	vld [tilespmem:s14+$0x3400];
	v8 =	vadd.f32 v8, v2;
	v5 =	vadd.f32 v5, v6  }
0x139: {  	v7 =	vand.u32 $0xFFFF0000, v7;
	v10 =	vand.u32 $0xFFFF0000, v10  }
0x13a: {  	v7 =	vadd.f32 v7, v1;
	v6 =	vmul.f32 v8, v9;
	v8 =	vadd.f32 v10, v2  }
0x13b: {  	_ = 	snop  }
0x13c: {  	v9 =	vshll.u32 v3, $0x10  }
0x13d: {  	v5 =	vadd.f32 v6, v5;
	v6 =	vmul.f32 v8, v7;
	v7 =	vshll.u32 v4, $0x10  }
0x13e: {  	v3 =	vand.u32 $0xFFFF0000, v3;
	v8 =	vadd.f32 v9, v1;
	v7 =	vadd.f32 v7, v2  }
0x13f: {  	v4 =	vand.u32 $0xFFFF0000, v4;
	v1 =	vadd.f32 v3, v1  }
0x140: {  	v5 =	vadd.f32 v5, v6;
	v2 =	vadd.f32 v4, v2;
	v6 =	vmul.f32 v7, v8;
	_ =	sdelay $0x1  }
0x141: {  	v1 =	vmul.f32 v2, v1;
	v3 =	vadd.f32 v6, v5;
	_ =	sdelay $0x1  }
0x142: {  	v1 =	vadd.f32 v3, v1;
	_ =	sdelay $0x1  }
0x143: {  	v1 =	vadd.f32 v1, v0;
	_ =	sdelay $0x1  }
0x144: {  	s3 =	simm.s32 $0x0;
	[tilespmem:$0x4800] =	vst v1;
	v1 =	vld [tilespmem:$0x4410]  }
0x145: {  	v4 =	vld [tilespmem:s3+$0x2410]  }
0x146: {  	v6 =	vld [tilespmem:s3+$0x3410]  }
0x147: {  	v2 =	vld [tilespmem:$0x4610];
	_ =	sdelay $0x2  }
0x148: {  	s14 =	simm.s32 $0x80;
	v3 =	vshll.u32 v4, $0x10  }
0x149: {  	v5 =	vshll.u32 v6, $0x10;
	v7 =	vadd.f32 v3, v1;
	v3 =	vld [tilespmem:s14+$0x2410]  }
0x14a: {  	v9 =	vand.u32 $0xFFFF0000, v4;
	v4 =	vld [tilespmem:s14+$0x3410];
	v8 =	vadd.f32 v5, v2  }
0x14b: {  	v10 =	vand.u32 $0xFFFF0000, v6;
	v5 =	vimm.f32 $0.0e+00  }
0x14c: {  	s3 =	simm.s32 $0x400;
	v6 =	vmul.f32 v8, v7;
	v7 =	vadd.f32 v9, v1;
	v8 =	vadd.f32 v10, v2  }
.LBB2_8:
0x14d: {  	p0 =	sne.s32 s3, $0x3E00  }
.Ltmp3:
0x14e: {  	s14 =	sshra.s32 s3, $0x2;
	v9 =	vshll.u32 v3, $0x10;
	v5 =	vadd.f32 v6, v5;
	v6 =	vmul.f32 v8, v7;
	v7 =	vmovc v3;
	(pc) =	sbr.rel @p0 .LBB2_8-.Ltmp3, $4  }
0x14f: {  	s3 =	sadd.s32 $0x200, s3;
	v3 =	vld [tilespmem:s14+$0x2410];
	v8 =	vshll.u32 v4, $0x10;
	v9 =	vadd.f32 v9, v1;
	v10 =	vmov v4  }
0x150: {  	v4 =	vld [tilespmem:s14+$0x3410];
	v8 =	vadd.f32 v8, v2;
	v5 =	vadd.f32 v5, v6  }
0x151: {  	v7 =	vand.u32 $0xFFFF0000, v7;
	v10 =	vand.u32 $0xFFFF0000, v10  }
0x152: {  	v7 =	vadd.f32 v7, v1;
	v6 =	vmul.f32 v8, v9;
	v8 =	vadd.f32 v10, v2  }
0x153: {  	_ = 	snop  }
0x154: {  	v9 =	vshll.u32 v3, $0x10  }
0x155: {  	v5 =	vadd.f32 v6, v5;
	v6 =	vmul.f32 v8, v7;
	v7 =	vshll.u32 v4, $0x10  }
0x156: {  	v3 =	vand.u32 $0xFFFF0000, v3;
	v8 =	vadd.f32 v9, v1;
	v7 =	vadd.f32 v7, v2  }
0x157: {  	v4 =	vand.u32 $0xFFFF0000, v4;
	v1 =	vadd.f32 v3, v1  }
0x158: {  	v5 =	vadd.f32 v5, v6;
	v2 =	vadd.f32 v4, v2;
	v6 =	vmul.f32 v7, v8;
	_ =	sdelay $0x1  }
0x159: {  	v1 =	vmul.f32 v2, v1;
	v3 =	vadd.f32 v6, v5;
	_ =	sdelay $0x1  }
0x15a: {  	v1 =	vadd.f32 v3, v1;
	_ =	sdelay $0x1  }
0x15b: {  	v1 =	vadd.f32 v1, v0;
	_ =	sdelay $0x1  }
0x15c: {  	s3 =	simm.s32 $0x0;
	[tilespmem:$0x4810] =	vst v1;
	v1 =	vld [tilespmem:$0x4420]  }
0x15d: {  	v4 =	vld [tilespmem:s3+$0x2420]  }
0x15e: {  	v6 =	vld [tilespmem:s3+$0x3420]  }
0x15f: {  	v2 =	vld [tilespmem:$0x4620];
	_ =	sdelay $0x2  }
0x160: {  	s14 =	simm.s32 $0x80;
	v3 =	vshll.u32 v4, $0x10  }
0x161: {  	v5 =	vshll.u32 v6, $0x10;
	v7 =	vadd.f32 v3, v1;
	v3 =	vld [tilespmem:s14+$0x2420]  }
0x162: {  	v9 =	vand.u32 $0xFFFF0000, v4;
	v4 =	vld [tilespmem:s14+$0x3420];
	v8 =	vadd.f32 v5, v2  }
0x163: {  	v10 =	vand.u32 $0xFFFF0000, v6;
	v5 =	vimm.f32 $0.0e+00  }
0x164: {  	s3 =	simm.s32 $0x400;
	v6 =	vmul.f32 v8, v7;
	v7 =	vadd.f32 v9, v1;
	v8 =	vadd.f32 v10, v2  }
.LBB2_10:
0x165: {  	p0 =	sne.s32 s3, $0x3E00  }
.Ltmp4:
0x166: {  	s14 =	sshra.s32 s3, $0x2;
	v9 =	vshll.u32 v3, $0x10;
	v5 =	vadd.f32 v6, v5;
	v6 =	vmul.f32 v8, v7;
	v7 =	vmovc v3;
	(pc) =	sbr.rel @p0 .LBB2_10-.Ltmp4, $4  }
0x167: {  	s3 =	sadd.s32 $0x200, s3;
	v3 =	vld [tilespmem:s14+$0x2420];
	v8 =	vshll.u32 v4, $0x10;
	v9 =	vadd.f32 v9, v1;
	v10 =	vmov v4  }
0x168: {  	v4 =	vld [tilespmem:s14+$0x3420];
	v8 =	vadd.f32 v8, v2;
	v5 =	vadd.f32 v5, v6  }
0x169: {  	v7 =	vand.u32 $0xFFFF0000, v7;
	v10 =	vand.u32 $0xFFFF0000, v10  }
0x16a: {  	v7 =	vadd.f32 v7, v1;
	v6 =	vmul.f32 v8, v9;
	v8 =	vadd.f32 v10, v2  }
0x16b: {  	_ = 	snop  }
0x16c: {  	v9 =	vshll.u32 v3, $0x10  }
0x16d: {  	v5 =	vadd.f32 v6, v5;
	v6 =	vmul.f32 v8, v7;
	v7 =	vshll.u32 v4, $0x10  }
0x16e: {  	v3 =	vand.u32 $0xFFFF0000, v3;
	v8 =	vadd.f32 v9, v1;
	v7 =	vadd.f32 v7, v2  }
0x16f: {  	v4 =	vand.u32 $0xFFFF0000, v4;
	v1 =	vadd.f32 v3, v1  }
0x170: {  	v5 =	vadd.f32 v5, v6;
	v2 =	vadd.f32 v4, v2;
	v6 =	vmul.f32 v7, v8;
	_ =	sdelay $0x1  }
0x171: {  	v1 =	vmul.f32 v2, v1;
	v3 =	vadd.f32 v6, v5;
	_ =	sdelay $0x1  }
0x172: {  	v1 =	vadd.f32 v3, v1;
	_ =	sdelay $0x1  }
0x173: {  	v1 =	vadd.f32 v1, v0;
	_ =	sdelay $0x1  }
0x174: {  	s3 =	simm.s32 $0x0;
	[tilespmem:$0x4820] =	vst v1;
	v1 =	vld [tilespmem:$0x4430]  }
0x175: {  	v4 =	vld [tilespmem:s3+$0x2430]  }
0x176: {  	v6 =	vld [tilespmem:s3+$0x3430]  }
0x177: {  	v2 =	vld [tilespmem:$0x4630];
	_ =	sdelay $0x2  }
0x178: {  	s14 =	simm.s32 $0x80;
	v3 =	vshll.u32 v4, $0x10  }
0x179: {  	v5 =	vshll.u32 v6, $0x10;
	v7 =	vadd.f32 v3, v1;
	v3 =	vld [tilespmem:s14+$0x2430]  }
0x17a: {  	v9 =	vand.u32 $0xFFFF0000, v4;
	v4 =	vld [tilespmem:s14+$0x3430];
	v8 =	vadd.f32 v5, v2  }
0x17b: {  	v10 =	vand.u32 $0xFFFF0000, v6;
	v5 =	vimm.f32 $0.0e+00  }
0x17c: {  	s3 =	simm.s32 $0x400;
	v6 =	vmul.f32 v8, v7;
	v7 =	vadd.f32 v9, v1;
	v8 =	vadd.f32 v10, v2  }
.LBB2_12:
0x17d: {  	p0 =	sne.s32 s3, $0x3E00  }
.Ltmp5:
0x17e: {  	s14 =	sshra.s32 s3, $0x2;
	v9 =	vshll.u32 v3, $0x10;
	v5 =	vadd.f32 v6, v5;
	v6 =	vmul.f32 v8, v7;
	v7 =	vmovc v3;
	(pc) =	sbr.rel @p0 .LBB2_12-.Ltmp5, $4  }
0x17f: {  	s3 =	sadd.s32 $0x200, s3;
	v3 =	vld [tilespmem:s14+$0x2430];
	v8 =	vshll.u32 v4, $0x10;
	v9 =	vadd.f32 v9, v1;
	v10 =	vmov v4  }
0x180: {  	v4 =	vld [tilespmem:s14+$0x3430];
	v8 =	vadd.f32 v8, v2;
	v5 =	vadd.f32 v5, v6  }
0x181: {  	v7 =	vand.u32 $0xFFFF0000, v7;
	v10 =	vand.u32 $0xFFFF0000, v10  }
0x182: {  	v7 =	vadd.f32 v7, v1;
	v6 =	vmul.f32 v8, v9;
	v8 =	vadd.f32 v10, v2  }
0x183: {  	_ = 	snop  }
0x184: {  	v9 =	vshll.u32 v3, $0x10  }
0x185: {  	v5 =	vadd.f32 v6, v5;
	v6 =	vmul.f32 v8, v7;
	v7 =	vshll.u32 v4, $0x10  }
0x186: {  	v3 =	vand.u32 $0xFFFF0000, v3;
	v8 =	vadd.f32 v9, v1;
	v7 =	vadd.f32 v7, v2  }
0x187: {  	v4 =	vand.u32 $0xFFFF0000, v4;
	v1 =	vadd.f32 v3, v1  }
0x188: {  	v5 =	vadd.f32 v5, v6;
	v2 =	vadd.f32 v4, v2;
	v6 =	vmul.f32 v7, v8;
	_ =	sdelay $0x1  }
0x189: {  	v1 =	vmul.f32 v2, v1;
	v3 =	vadd.f32 v6, v5;
	_ =	sdelay $0x1  }
0x18a: {  	v1 =	vadd.f32 v3, v1;
	_ =	sdelay $0x1  }
0x18b: {  	v1 =	vadd.f32 v1, v0;
	_ =	sdelay $0x1  }
0x18c: {  	s3 =	simm.s32 $0x0;
	[tilespmem:$0x4830] =	vst v1;
	v1 =	vld [tilespmem:$0x4440]  }
0x18d: {  	v4 =	vld [tilespmem:s3+$0x2440]  }
0x18e: {  	v6 =	vld [tilespmem:s3+$0x3440]  }
0x18f: {  	v2 =	vld [tilespmem:$0x4640];
	_ =	sdelay $0x2  }
0x190: {  	s14 =	simm.s32 $0x80;
	v3 =	vshll.u32 v4, $0x10  }
0x191: {  	v5 =	vshll.u32 v6, $0x10;
	v7 =	vadd.f32 v3, v1;
	v3 =	vld [tilespmem:s14+$0x2440]  }
0x192: {  	v9 =	vand.u32 $0xFFFF0000, v4;
	v4 =	vld [tilespmem:s14+$0x3440];
	v8 =	vadd.f32 v5, v2  }
0x193: {  	v10 =	vand.u32 $0xFFFF0000, v6;
	v5 =	vimm.f32 $0.0e+00  }
0x194: {  	s3 =	simm.s32 $0x400;
	v6 =	vmul.f32 v8, v7;
	v7 =	vadd.f32 v9, v1;
	v8 =	vadd.f32 v10, v2  }
.LBB2_14:
0x195: {  	p0 =	sne.s32 s3, $0x3E00  }
.Ltmp6:
0x196: {  	s14 =	sshra.s32 s3, $0x2;
	v9 =	vshll.u32 v3, $0x10;
	v5 =	vadd.f32 v6, v5;
	v6 =	vmul.f32 v8, v7;
	v7 =	vmovc v3;
	(pc) =	sbr.rel @p0 .LBB2_14-.Ltmp6, $4  }
0x197: {  	s3 =	sadd.s32 $0x200, s3;
	v3 =	vld [tilespmem:s14+$0x2440];
	v8 =	vshll.u32 v4, $0x10;
	v9 =	vadd.f32 v9, v1;
	v10 =	vmov v4  }
0x198: {  	v4 =	vld [tilespmem:s14+$0x3440];
	v8 =	vadd.f32 v8, v2;
	v5 =	vadd.f32 v5, v6  }
0x199: {  	v7 =	vand.u32 $0xFFFF0000, v7;
	v10 =	vand.u32 $0xFFFF0000, v10  }
0x19a: {  	v7 =	vadd.f32 v7, v1;
	v6 =	vmul.f32 v8, v9;
	v8 =	vadd.f32 v10, v2  }
0x19b: {  	_ = 	snop  }
0x19c: {  	v9 =	vshll.u32 v3, $0x10  }
0x19d: {  	v5 =	vadd.f32 v6, v5;
	v6 =	vmul.f32 v8, v7;
	v7 =	vshll.u32 v4, $0x10  }
0x19e: {  	v3 =	vand.u32 $0xFFFF0000, v3;
	v8 =	vadd.f32 v9, v1;
	v7 =	vadd.f32 v7, v2  }
0x19f: {  	v4 =	vand.u32 $0xFFFF0000, v4;
	v1 =	vadd.f32 v3, v1  }
0x1a0: {  	v5 =	vadd.f32 v5, v6;
	v2 =	vadd.f32 v4, v2;
	v6 =	vmul.f32 v7, v8;
	_ =	sdelay $0x1  }
0x1a1: {  	v1 =	vmul.f32 v2, v1;
	v3 =	vadd.f32 v6, v5;
	_ =	sdelay $0x1  }
0x1a2: {  	v1 =	vadd.f32 v3, v1;
	_ =	sdelay $0x1  }
0x1a3: {  	v1 =	vadd.f32 v1, v0;
	_ =	sdelay $0x1  }
0x1a4: {  	s3 =	simm.s32 $0x0;
	[tilespmem:$0x4840] =	vst v1;
	v1 =	vld [tilespmem:$0x4450]  }
0x1a5: {  	v4 =	vld [tilespmem:s3+$0x2450]  }
0x1a6: {  	v6 =	vld [tilespmem:s3+$0x3450]  }
0x1a7: {  	v2 =	vld [tilespmem:$0x4650];
	_ =	sdelay $0x2  }
0x1a8: {  	s14 =	simm.s32 $0x80;
	v3 =	vshll.u32 v4, $0x10  }
0x1a9: {  	v5 =	vshll.u32 v6, $0x10;
	v7 =	vadd.f32 v3, v1;
	v3 =	vld [tilespmem:s14+$0x2450]  }
0x1aa: {  	v9 =	vand.u32 $0xFFFF0000, v4;
	v4 =	vld [tilespmem:s14+$0x3450];
	v8 =	vadd.f32 v5, v2  }
0x1ab: {  	v10 =	vand.u32 $0xFFFF0000, v6;
	v5 =	vimm.f32 $0.0e+00  }
0x1ac: {  	s3 =	simm.s32 $0x400;
	v6 =	vmul.f32 v8, v7;
	v7 =	vadd.f32 v9, v1;
	v8 =	vadd.f32 v10, v2  }
.LBB2_16:
0x1ad: {  	p0 =	sne.s32 s3, $0x3E00  }
.Ltmp7:
0x1ae: {  	s14 =	sshra.s32 s3, $0x2;
	v9 =	vshll.u32 v3, $0x10;
	v5 =	vadd.f32 v6, v5;
	v6 =	vmul.f32 v8, v7;
	v7 =	vmovc v3;
	(pc) =	sbr.rel @p0 .LBB2_16-.Ltmp7, $4  }
0x1af: {  	s3 =	sadd.s32 $0x200, s3;
	v3 =	vld [tilespmem:s14+$0x2450];
	v8 =	vshll.u32 v4, $0x10;
	v9 =	vadd.f32 v9, v1;
	v10 =	vmov v4  }
0x1b0: {  	v4 =	vld [tilespmem:s14+$0x3450];
	v8 =	vadd.f32 v8, v2;
	v5 =	vadd.f32 v5, v6  }
0x1b1: {  	v7 =	vand.u32 $0xFFFF0000, v7;
	v10 =	vand.u32 $0xFFFF0000, v10  }
0x1b2: {  	v7 =	vadd.f32 v7, v1;
	v6 =	vmul.f32 v8, v9;
	v8 =	vadd.f32 v10, v2  }
0x1b3: {  	_ = 	snop  }
0x1b4: {  	v9 =	vshll.u32 v3, $0x10  }
0x1b5: {  	v5 =	vadd.f32 v6, v5;
	v6 =	vmul.f32 v8, v7;
	v7 =	vshll.u32 v4, $0x10  }
0x1b6: {  	v3 =	vand.u32 $0xFFFF0000, v3;
	v8 =	vadd.f32 v9, v1;
	v7 =	vadd.f32 v7, v2  }
0x1b7: {  	v4 =	vand.u32 $0xFFFF0000, v4;
	v1 =	vadd.f32 v3, v1  }
0x1b8: {  	v5 =	vadd.f32 v5, v6;
	v2 =	vadd.f32 v4, v2;
	v6 =	vmul.f32 v7, v8;
	_ =	sdelay $0x1  }
0x1b9: {  	v1 =	vmul.f32 v2, v1;
	v3 =	vadd.f32 v6, v5;
	_ =	sdelay $0x1  }
0x1ba: {  	v1 =	vadd.f32 v3, v1;
	_ =	sdelay $0x1  }
0x1bb: {  	v1 =	vadd.f32 v1, v0;
	_ =	sdelay $0x1  }
0x1bc: {  	s3 =	simm.s32 $0x0;
	[tilespmem:$0x4850] =	vst v1;
	v1 =	vld [tilespmem:$0x4460]  }
0x1bd: {  	v4 =	vld [tilespmem:s3+$0x2460]  }
0x1be: {  	v6 =	vld [tilespmem:s3+$0x3460]  }
0x1bf: {  	v2 =	vld [tilespmem:$0x4660];
	_ =	sdelay $0x2  }
0x1c0: {  	s14 =	simm.s32 $0x80;
	v3 =	vshll.u32 v4, $0x10  }
0x1c1: {  	v5 =	vshll.u32 v6, $0x10;
	v7 =	vadd.f32 v3, v1;
	v3 =	vld [tilespmem:s14+$0x2460]  }
0x1c2: {  	v9 =	vand.u32 $0xFFFF0000, v4;
	v4 =	vld [tilespmem:s14+$0x3460];
	v8 =	vadd.f32 v5, v2  }
0x1c3: {  	v10 =	vand.u32 $0xFFFF0000, v6;
	v5 =	vimm.f32 $0.0e+00  }
0x1c4: {  	s3 =	simm.s32 $0x400;
	v6 =	vmul.f32 v8, v7;
	v7 =	vadd.f32 v9, v1;
	v8 =	vadd.f32 v10, v2  }
.LBB2_18:
0x1c5: {  	p0 =	sne.s32 s3, $0x3E00  }
.Ltmp8:
0x1c6: {  	s14 =	sshra.s32 s3, $0x2;
	v9 =	vshll.u32 v3, $0x10;
	v5 =	vadd.f32 v6, v5;
	v6 =	vmul.f32 v8, v7;
	v7 =	vmovc v3;
	(pc) =	sbr.rel @p0 .LBB2_18-.Ltmp8, $4  }
0x1c7: {  	s3 =	sadd.s32 $0x200, s3;
	v3 =	vld [tilespmem:s14+$0x2460];
	v8 =	vshll.u32 v4, $0x10;
	v9 =	vadd.f32 v9, v1;
	v10 =	vmov v4  }
0x1c8: {  	v4 =	vld [tilespmem:s14+$0x3460];
	v8 =	vadd.f32 v8, v2;
	v5 =	vadd.f32 v5, v6  }
0x1c9: {  	v7 =	vand.u32 $0xFFFF0000, v7;
	v10 =	vand.u32 $0xFFFF0000, v10  }
0x1ca: {  	v7 =	vadd.f32 v7, v1;
	v6 =	vmul.f32 v8, v9;
	v8 =	vadd.f32 v10, v2  }
0x1cb: {  	_ = 	snop  }
0x1cc: {  	v9 =	vshll.u32 v3, $0x10  }
0x1cd: {  	v5 =	vadd.f32 v6, v5;
	v6 =	vmul.f32 v8, v7;
	v7 =	vshll.u32 v4, $0x10  }
0x1ce: {  	v3 =	vand.u32 $0xFFFF0000, v3;
	v8 =	vadd.f32 v9, v1;
	v7 =	vadd.f32 v7, v2  }
0x1cf: {  	v4 =	vand.u32 $0xFFFF0000, v4;
	v1 =	vadd.f32 v3, v1  }
0x1d0: {  	v5 =	vadd.f32 v5, v6;
	v2 =	vadd.f32 v4, v2;
	v6 =	vmul.f32 v7, v8;
	_ =	sdelay $0x1  }
0x1d1: {  	v1 =	vmul.f32 v2, v1;
	v3 =	vadd.f32 v6, v5;
	_ =	sdelay $0x1  }
0x1d2: {  	v1 =	vadd.f32 v3, v1;
	_ =	sdelay $0x1  }
0x1d3: {  	v1 =	vadd.f32 v1, v0;
	_ =	sdelay $0x1  }
0x1d4: {  	s3 =	simm.s32 $0x0;
	[tilespmem:$0x4860] =	vst v1;
	v1 =	vld [tilespmem:$0x4470]  }
0x1d5: {  	v4 =	vld [tilespmem:s3+$0x2470]  }
0x1d6: {  	v6 =	vld [tilespmem:s3+$0x3470]  }
0x1d7: {  	v2 =	vld [tilespmem:$0x4670];
	_ =	sdelay $0x2  }
0x1d8: {  	s14 =	simm.s32 $0x80;
	v3 =	vshll.u32 v4, $0x10  }
0x1d9: {  	v5 =	vshll.u32 v6, $0x10;
	v7 =	vadd.f32 v3, v1;
	v3 =	vld [tilespmem:s14+$0x2470]  }
0x1da: {  	v9 =	vand.u32 $0xFFFF0000, v4;
	v4 =	vld [tilespmem:s14+$0x3470];
	v8 =	vadd.f32 v5, v2  }
0x1db: {  	v10 =	vand.u32 $0xFFFF0000, v6;
	v5 =	vimm.f32 $0.0e+00  }
0x1dc: {  	s3 =	simm.s32 $0x400;
	v6 =	vmul.f32 v8, v7;
	v7 =	vadd.f32 v9, v1;
	v8 =	vadd.f32 v10, v2  }
.LBB2_20:
0x1dd: {  	p0 =	sne.s32 s3, $0x3E00  }
.Ltmp9:
0x1de: {  	s14 =	sshra.s32 s3, $0x2;
	v9 =	vshll.u32 v3, $0x10;
	v5 =	vadd.f32 v6, v5;
	v6 =	vmul.f32 v8, v7;
	v7 =	vmovc v3;
	(pc) =	sbr.rel @p0 .LBB2_20-.Ltmp9, $4  }
0x1df: {  	s3 =	sadd.s32 $0x200, s3;
	v3 =	vld [tilespmem:s14+$0x2470];
	v8 =	vshll.u32 v4, $0x10;
	v9 =	vadd.f32 v9, v1;
	v10 =	vmov v4  }
0x1e0: {  	v4 =	vld [tilespmem:s14+$0x3470];
	v8 =	vadd.f32 v8, v2;
	v5 =	vadd.f32 v5, v6  }
0x1e1: {  	v7 =	vand.u32 $0xFFFF0000, v7;
	v10 =	vand.u32 $0xFFFF0000, v10  }
0x1e2: {  	v7 =	vadd.f32 v7, v1;
	v6 =	vmul.f32 v8, v9;
	v8 =	vadd.f32 v10, v2  }
0x1e3: {  	_ = 	snop  }
0x1e4: {  	v9 =	vshll.u32 v3, $0x10  }
0x1e5: {  	v5 =	vadd.f32 v6, v5;
	v58 =	vmul.f32 v8, v7;
	v59 =	vshll.u32 v4, $0x10  }
0x1e6: {  	v3 =	vand.u32 $0xFFFF0000, v3;
	v60 =	vadd.f32 v9, v1;
	v7 =	vadd.f32 v59, v2  }
0x1e7: {  	v61 =	vand.u32 $0xFFFF0000, v4;
	v1 =	vadd.f32 v3, v1  }
0x1e8: {  	v5 =	vadd.f32 v5, v58;
	v2 =	vadd.f32 v61, v2;
	v62 =	vmul.f32 v7, v60  }
0x1e9: {  	v3 =	vld [tilespmem:$0x80]  }
0x1ea: {  	v1 =	vmul.f32 v2, v1;
	v63 =	vadd.f32 v62, v5;
	_ =	sdelay $0x1  }
0x1eb: {  	s3 =	simm.s32 $0x0;
	v1 =	vadd.f32 v63, v1  }
0x1ec: {  	s14 =	sand.u32 $0x1800000, s3;
	s16 =	sand.u32 $0xE0000, s3  }
0x1ed: {  	s17 =	sor.u32 s16, s14;
	v2 =	vshll.u32 v3, $0x3;
	v3 =	vand.u32 $0x1FFFF, v3;
	v1 =	vadd.f32 v1, v0  }
0x1ee: {  	v2 =	vand.u32 $0xFFF00000, v2;
	v3 =	vor.u32 s17, v3  }
0x1ef: {  	s14 =	simm.s32 $0x440;
	[tilespmem:$0x4870] =	vst v1;
	v1 =	vadd.s32 v2, v3  }
0x1f0: {  	[tilespmem:s14+$0xFFFFFFC0] =	vst v1  }
0x1f1: {  	v1 =	vld [tilespmem:$0x280];
	_ =	sdelay $0x4  }
0x1f2: {  	v2 =	vshll.u32 v1, $0x3;
	v1 =	vand.u32 $0x1FFFF, v1  }
0x1f3: {  	v2 =	vand.u32 $0xFFF00000, v2;
	v1 =	vor.u32 s17, v1  }
0x1f4: {  	s16 =	simm.s32 $0x1440;
	v1 =	vadd.s32 v2, v1  }
0x1f5: {  	[tilespmem:s16+$0xFFFFFFC0] =	vst v1  }
0x1f6: {  	v1 =	vld [tilespmem:$0x90];
	_ =	sdelay $0x4  }
0x1f7: {  	v2 =	vshll.u32 v1, $0x3;
	v1 =	vand.u32 $0x1FFFF, v1  }
0x1f8: {  	v2 =	vand.u32 $0xFFF00000, v2;
	v1 =	vor.u32 s17, v1  }
0x1f9: {  	v1 =	vadd.s32 v2, v1  }
0x1fa: {  	[tilespmem:s14+$0xFFFFFFD0] =	vst v1  }
0x1fb: {  	v1 =	vld [tilespmem:$0x290];
	_ =	sdelay $0x4  }
0x1fc: {  	v2 =	vshll.u32 v1, $0x3;
	v1 =	vand.u32 $0x1FFFF, v1  }
0x1fd: {  	v2 =	vand.u32 $0xFFF00000, v2;
	v1 =	vor.u32 s17, v1  }
0x1fe: {  	v1 =	vadd.s32 v2, v1  }
0x1ff: {  	[tilespmem:s16+$0xFFFFFFD0] =	vst v1  }
0x200: {  	v1 =	vld [tilespmem:$0xA0];
	_ =	sdelay $0x4  }
0x201: {  	v2 =	vshll.u32 v1, $0x3;
	v1 =	vand.u32 $0x1FFFF, v1  }
0x202: {  	v2 =	vand.u32 $0xFFF00000, v2;
	v1 =	vor.u32 s17, v1  }
0x203: {  	v1 =	vadd.s32 v2, v1  }
0x204: {  	[tilespmem:s14+$0xFFFFFFE0] =	vst v1  }
0x205: {  	v1 =	vld [tilespmem:$0x2A0];
	_ =	sdelay $0x4  }
0x206: {  	v2 =	vshll.u32 v1, $0x3;
	v1 =	vand.u32 $0x1FFFF, v1  }
0x207: {  	v2 =	vand.u32 $0xFFF00000, v2;
	v1 =	vor.u32 s17, v1  }
0x208: {  	v1 =	vadd.s32 v2, v1  }
0x209: {  	[tilespmem:s16+$0xFFFFFFE0] =	vst v1  }
0x20a: {  	v1 =	vld [tilespmem:$0xB0];
	_ =	sdelay $0x4  }
0x20b: {  	v2 =	vshll.u32 v1, $0x3;
	v1 =	vand.u32 $0x1FFFF, v1  }
0x20c: {  	v2 =	vand.u32 $0xFFF00000, v2;
	v1 =	vor.u32 s17, v1  }
0x20d: {  	v1 =	vadd.s32 v2, v1  }
0x20e: {  	[tilespmem:s14+$0xFFFFFFF0] =	vst v1  }
0x20f: {  	v1 =	vld [tilespmem:$0x2B0];
	_ =	sdelay $0x4  }
0x210: {  	v2 =	vshll.u32 v1, $0x3;
	v1 =	vand.u32 $0x1FFFF, v1  }
0x211: {  	v2 =	vand.u32 $0xFFF00000, v2;
	v1 =	vor.u32 s17, v1  }
0x212: {  	v1 =	vadd.s32 v2, v1  }
0x213: {  	[tilespmem:s16+$0xFFFFFFF0] =	vst v1  }
0x214: {  	v1 =	vld [tilespmem:$0xC0];
	_ =	sdelay $0x4  }
0x215: {  	v2 =	vshll.u32 v1, $0x3;
	v1 =	vand.u32 $0x1FFFF, v1  }
0x216: {  	v2 =	vand.u32 $0xFFF00000, v2;
	v1 =	vor.u32 s17, v1  }
0x217: {  	v1 =	vadd.s32 v2, v1  }
0x218: {  	[tilespmem:s14+$0x0] =	vst v1  }
0x219: {  	v1 =	vld [tilespmem:$0x2C0];
	_ =	sdelay $0x4  }
0x21a: {  	v2 =	vshll.u32 v1, $0x3;
	v1 =	vand.u32 $0x1FFFF, v1  }
0x21b: {  	v2 =	vand.u32 $0xFFF00000, v2;
	v1 =	vor.u32 s17, v1  }
0x21c: {  	v1 =	vadd.s32 v2, v1  }
0x21d: {  	[tilespmem:s16+$0x0] =	vst v1  }
0x21e: {  	v1 =	vld [tilespmem:$0xD0];
	_ =	sdelay $0x4  }
0x21f: {  	v2 =	vshll.u32 v1, $0x3;
	v1 =	vand.u32 $0x1FFFF, v1  }
0x220: {  	v2 =	vand.u32 $0xFFF00000, v2;
	v1 =	vor.u32 s17, v1  }
0x221: {  	v1 =	vadd.s32 v2, v1  }
0x222: {  	[tilespmem:s14+$0x10] =	vst v1  }
0x223: {  	v1 =	vld [tilespmem:$0x2D0];
	_ =	sdelay $0x4  }
0x224: {  	v2 =	vshll.u32 v1, $0x3;
	v1 =	vand.u32 $0x1FFFF, v1  }
0x225: {  	v2 =	vand.u32 $0xFFF00000, v2;
	v1 =	vor.u32 s17, v1  }
0x226: {  	v1 =	vadd.s32 v2, v1  }
0x227: {  	[tilespmem:s16+$0x10] =	vst v1  }
0x228: {  	v1 =	vld [tilespmem:$0xE0];
	_ =	sdelay $0x4  }
0x229: {  	v2 =	vshll.u32 v1, $0x3;
	v1 =	vand.u32 $0x1FFFF, v1  }
0x22a: {  	v2 =	vand.u32 $0xFFF00000, v2;
	v1 =	vor.u32 s17, v1  }
0x22b: {  	v1 =	vadd.s32 v2, v1  }
0x22c: {  	[tilespmem:s14+$0x20] =	vst v1  }
0x22d: {  	v1 =	vld [tilespmem:$0x2E0];
	_ =	sdelay $0x4  }
0x22e: {  	v2 =	vshll.u32 v1, $0x3;
	v1 =	vand.u32 $0x1FFFF, v1  }
0x22f: {  	v2 =	vand.u32 $0xFFF00000, v2;
	v1 =	vor.u32 s17, v1  }
0x230: {  	v1 =	vadd.s32 v2, v1  }
0x231: {  	[tilespmem:s16+$0x20] =	vst v1  }
0x232: {  	v1 =	vld [tilespmem:$0xF0];
	_ =	sdelay $0x4  }
0x233: {  	v2 =	vshll.u32 v1, $0x3;
	v1 =	vand.u32 $0x1FFFF, v1  }
0x234: {  	v2 =	vand.u32 $0xFFF00000, v2;
	v1 =	vor.u32 s17, v1  }
0x235: {  	v1 =	vadd.s32 v2, v1  }
0x236: {  	[tilespmem:s14+$0x30] =	vst v1  }
0x237: {  	v1 =	vld [tilespmem:$0x2F0];
	_ =	sdelay $0x4  }
0x238: {  	v2 =	vshll.u32 v1, $0x3;
	v1 =	vand.u32 $0x1FFFF, v1  }
0x239: {  	v2 =	vand.u32 $0xFFF00000, v2;
	v1 =	vor.u32 s17, v1  }
0x23a: {  	s17 =	simm.s32 $0x100000;
	v1 =	vadd.s32 v2, v1  }
.LBB2_22:
0x23b: {  	[tilespmem:s16+$0x30] =	vst v1;
	s3 =	sadd.s32 $0x20000, s3;
	s16 =	sadd.s32 $0x80, s16;
	s14 =	sadd.s32 $0x80, s14  }
0x23c: {  	p0 =	sne.s32 s17, $0x1F00000;
	s18 =	smov.u32 s17;
	s17 =	sadd.s32 $0x100000, s17;
	v1 =	vld [tilespmem:$0x80]  }
0x23d: {  	_ =	sdelay $0x2  }
0x23e: {  	s18 =	sand.u32 $0x1800000, s18;
	s19 =	sand.u32 $0xE0000, s3  }
0x23f: {  	s18 =	sor.u32 s19, s18;
	v2 =	vshll.u32 v1, $0x3;
	v1 =	vand.u32 $0x1FFFF, v1  }
0x240: {  	v2 =	vand.u32 $0xFFF00000, v2;
	v1 =	vor.u32 s18, v1  }
0x241: {  	v1 =	vadd.s32 v2, v1  }
0x242: {  	[tilespmem:s14+$0xFFFFFFC0] =	vst v1  }
0x243: {  	v1 =	vld [tilespmem:$0x280];
	_ =	sdelay $0x4  }
0x244: {  	v2 =	vshll.u32 v1, $0x3;
	v1 =	vand.u32 $0x1FFFF, v1  }
0x245: {  	v2 =	vand.u32 $0xFFF00000, v2;
	v1 =	vor.u32 s18, v1  }
0x246: {  	v1 =	vadd.s32 v2, v1  }
0x247: {  	[tilespmem:s16+$0xFFFFFFC0] =	vst v1  }
0x248: {  	v1 =	vld [tilespmem:$0x90];
	_ =	sdelay $0x4  }
0x249: {  	v2 =	vshll.u32 v1, $0x3;
	v1 =	vand.u32 $0x1FFFF, v1  }
0x24a: {  	v2 =	vand.u32 $0xFFF00000, v2;
	v1 =	vor.u32 s18, v1  }
0x24b: {  	v1 =	vadd.s32 v2, v1  }
0x24c: {  	[tilespmem:s14+$0xFFFFFFD0] =	vst v1  }
0x24d: {  	v1 =	vld [tilespmem:$0x290];
	_ =	sdelay $0x4  }
0x24e: {  	v2 =	vshll.u32 v1, $0x3;
	v1 =	vand.u32 $0x1FFFF, v1  }
0x24f: {  	v2 =	vand.u32 $0xFFF00000, v2;
	v1 =	vor.u32 s18, v1  }
0x250: {  	v1 =	vadd.s32 v2, v1  }
0x251: {  	[tilespmem:s16+$0xFFFFFFD0] =	vst v1  }
0x252: {  	v1 =	vld [tilespmem:$0xA0];
	_ =	sdelay $0x4  }
0x253: {  	v2 =	vshll.u32 v1, $0x3;
	v1 =	vand.u32 $0x1FFFF, v1  }
0x254: {  	v2 =	vand.u32 $0xFFF00000, v2;
	v1 =	vor.u32 s18, v1  }
0x255: {  	v1 =	vadd.s32 v2, v1  }
0x256: {  	[tilespmem:s14+$0xFFFFFFE0] =	vst v1  }
0x257: {  	v1 =	vld [tilespmem:$0x2A0];
	_ =	sdelay $0x4  }
0x258: {  	v2 =	vshll.u32 v1, $0x3;
	v1 =	vand.u32 $0x1FFFF, v1  }
0x259: {  	v2 =	vand.u32 $0xFFF00000, v2;
	v1 =	vor.u32 s18, v1  }
0x25a: {  	v1 =	vadd.s32 v2, v1  }
0x25b: {  	[tilespmem:s16+$0xFFFFFFE0] =	vst v1  }
0x25c: {  	v1 =	vld [tilespmem:$0xB0];
	_ =	sdelay $0x4  }
0x25d: {  	v2 =	vshll.u32 v1, $0x3;
	v1 =	vand.u32 $0x1FFFF, v1  }
0x25e: {  	v2 =	vand.u32 $0xFFF00000, v2;
	v1 =	vor.u32 s18, v1  }
0x25f: {  	v1 =	vadd.s32 v2, v1  }
0x260: {  	[tilespmem:s14+$0xFFFFFFF0] =	vst v1  }
0x261: {  	v1 =	vld [tilespmem:$0x2B0];
	_ =	sdelay $0x4  }
0x262: {  	v2 =	vshll.u32 v1, $0x3;
	v1 =	vand.u32 $0x1FFFF, v1  }
0x263: {  	v2 =	vand.u32 $0xFFF00000, v2;
	v1 =	vor.u32 s18, v1  }
0x264: {  	v1 =	vadd.s32 v2, v1  }
0x265: {  	[tilespmem:s16+$0xFFFFFFF0] =	vst v1  }
0x266: {  	v1 =	vld [tilespmem:$0xC0];
	_ =	sdelay $0x4  }
0x267: {  	v2 =	vshll.u32 v1, $0x3;
	v1 =	vand.u32 $0x1FFFF, v1  }
0x268: {  	v2 =	vand.u32 $0xFFF00000, v2;
	v1 =	vor.u32 s18, v1  }
0x269: {  	v1 =	vadd.s32 v2, v1  }
0x26a: {  	[tilespmem:s14+$0x0] =	vst v1  }
0x26b: {  	v1 =	vld [tilespmem:$0x2C0];
	_ =	sdelay $0x4  }
0x26c: {  	v2 =	vshll.u32 v1, $0x3;
	v1 =	vand.u32 $0x1FFFF, v1  }
0x26d: {  	v2 =	vand.u32 $0xFFF00000, v2;
	v1 =	vor.u32 s18, v1  }
0x26e: {  	v1 =	vadd.s32 v2, v1  }
0x26f: {  	[tilespmem:s16+$0x0] =	vst v1  }
0x270: {  	v1 =	vld [tilespmem:$0xD0];
	_ =	sdelay $0x4  }
0x271: {  	v2 =	vshll.u32 v1, $0x3;
	v1 =	vand.u32 $0x1FFFF, v1  }
0x272: {  	v2 =	vand.u32 $0xFFF00000, v2;
	v1 =	vor.u32 s18, v1  }
0x273: {  	v1 =	vadd.s32 v2, v1  }
0x274: {  	[tilespmem:s14+$0x10] =	vst v1  }
0x275: {  	v1 =	vld [tilespmem:$0x2D0];
	_ =	sdelay $0x4  }
0x276: {  	v2 =	vshll.u32 v1, $0x3;
	v1 =	vand.u32 $0x1FFFF, v1  }
0x277: {  	v2 =	vand.u32 $0xFFF00000, v2;
	v1 =	vor.u32 s18, v1  }
0x278: {  	v1 =	vadd.s32 v2, v1  }
0x279: {  	[tilespmem:s16+$0x10] =	vst v1  }
0x27a: {  	v1 =	vld [tilespmem:$0xE0];
	_ =	sdelay $0x4  }
0x27b: {  	v2 =	vshll.u32 v1, $0x3;
	v1 =	vand.u32 $0x1FFFF, v1  }
0x27c: {  	v2 =	vand.u32 $0xFFF00000, v2;
	v1 =	vor.u32 s18, v1  }
0x27d: {  	v1 =	vadd.s32 v2, v1  }
0x27e: {  	[tilespmem:s14+$0x20] =	vst v1  }
0x27f: {  	v1 =	vld [tilespmem:$0x2E0];
	_ =	sdelay $0x4  }
0x280: {  	v2 =	vshll.u32 v1, $0x3;
	v1 =	vand.u32 $0x1FFFF, v1  }
0x281: {  	v2 =	vand.u32 $0xFFF00000, v2;
	v1 =	vor.u32 s18, v1  }
0x282: {  	v1 =	vadd.s32 v2, v1  }
0x283: {  	[tilespmem:s16+$0x20] =	vst v1  }
0x284: {  	v1 =	vld [tilespmem:$0xF0];
	_ =	sdelay $0x4  }
0x285: {  	v2 =	vshll.u32 v1, $0x3;
	v1 =	vand.u32 $0x1FFFF, v1  }
0x286: {  	v2 =	vand.u32 $0xFFF00000, v2;
	v1 =	vor.u32 s18, v1  }
0x287: {  	v1 =	vadd.s32 v2, v1  }
0x288: {  	[tilespmem:s14+$0x30] =	vst v1  }
0x289: {  	v1 =	vld [tilespmem:$0x2F0];
	_ =	sdelay $0x2  }
.Ltmp10:
0x28a: {  	(pc) =	sbr.rel @p0 .LBB2_22-.Ltmp10, $4  }
0x28b: {  	_ = 	snop  }
0x28c: {  	v2 =	vshll.u32 v1, $0x3;
	v1 =	vand.u32 $0x1FFFF, v1  }
0x28d: {  	v2 =	vand.u32 $0xFFF00000, v2;
	v1 =	vor.u32 s18, v1  }
0x28e: {  	v1 =	vadd.s32 v2, v1  }
0x28f: {  	[tilespmem:s16+$0x30] =	vst v1;
	s3 =	simm.s32 $0x2400;
	s14 =	simm.s32 $0x400;
	p0 =	por $0x1, $0x1  }
0x290: {  	[tilespmem:s3], [sflag:$0x1] =	stream.indirect.gather [hbm4b:s4+s15], $0x1, s14, s15, $0xb8;
	[tilespmem:$0x4A10] =	vst v63  }
0x291: {  	s19 =	simm.s32 $0x3400;
	s20 =	simm.s32 $0x1400;
	s17 =	simm.s32 @!p0 $0x1  }
0x292: {  	[tilespmem:s19], [sflag:$0x1] =	stream.indirect.gather [hbm4b:s5+s15], $0x1, s20, s15, $0xb8;
	[tilespmem:$0x4A10] =	vst v63  }
0x293: {  	_ =	swait.ge @!p0 [sflag:s17], $0x80  }
0x294: {  	[sflag:s17] =	ssyncset.done @!p0 $0x0  }
0x295: {  	s16 =	simm.s32 $0x1480;
	s18 =	simm.s32 $0x3480;
	[sflag:s17] =	ssyncadd.s32 @!p0 $0xFFFFFF80  }
0x296: {  	s14 =	simm.s32 $0x1;
	s19 =	simm.s32 $0x480;
	_ =	swait.ge @!p0 [sflag:s17], $0x80  }
.LBB2_24:
0x297: {  	[sflag:s17] =	ssyncset.done @!p0 $0x0  }
0x298: {  	s3 =	sadd.s32 $0x80, s3;
	s20 =	smov.u32 s14;
	s14 =	sadd.s32 $0x1, s14  }
0x299: {  	p1 =	sne.s32 s14, $0x20;
	[sflag:s17] =	ssyncadd.s32 @!p0 $0xFFFFFF80  }
0x29a: {  	[tilespmem:s3], [sflag:$0x1] =	stream.indirect.gather [hbm4b:s4+s15], $0x1, s19, s15, $0xb8;
	[tilespmem:$0x4A10] =	vst v63  }
0x29b: {  	p0 =	slt.u32 s20, $0x8  }
0x29c: {  	[tilespmem:s18], [sflag:$0x1] =	stream.indirect.gather [hbm4b:s5+s15], $0x1, s16, s15, $0xb8;
	[tilespmem:$0x4A10] =	vst v63  }
.Ltmp11:
0x29d: {  	s17 =	simm.s32 @!p0 $0x1;
	(pc) =	sbr.rel @p1 .LBB2_24-.Ltmp11, $4  }
0x29e: {  	_ =	swait.ge @!p0 [sflag:s17], $0x80  }
0x29f: {  	[sflag:s17] =	ssyncset.done @!p0 $0x0  }
0x2a0: {  	s16 =	sadd.s32 $0x80, s16;
	[sflag:s17] =	ssyncadd.s32 @!p0 $0xFFFFFF80  }
0x2a1: {  	s19 =	sadd.s32 $0x80, s19;
	s18 =	sadd.s32 $0x80, s18;
	_ =	swait.ge @!p0 [sflag:s17], $0x80  }
0x2a2: {  	[sflag:s17] =	ssyncset.done @!p0 $0x0  }
0x2a3: {  	[sflag:s17] =	ssyncadd.s32 @!p0 $0xFFFFFF80  }
0x2a4: {  	_ =	swait.ge [sflag:s30], $0x80  }
0x2a5: {  	[sflag:s30] =	ssyncset.done $0x0  }
0x2a6: {  	[sflag:s30] =	ssyncadd.s32 $0xFFFFFF80  }
0x2a7: {  	_ =	swait.ge [sflag:s30], $0x80  }
0x2a8: {  	[sflag:s30] =	ssyncset.done $0x0  }
0x2a9: {  	[sflag:s30] =	ssyncadd.s32 $0xFFFFFF80  }
0x2aa: {  	_ =	swait.ge [sflag:s30], $0x80  }
0x2ab: {  	[sflag:s30] =	ssyncset.done $0x0  }
0x2ac: {  	[sflag:s30] =	ssyncadd.s32 $0xFFFFFF80  }
0x2ad: {  	_ =	swait.ge [sflag:s30], $0x80  }
0x2ae: {  	[sflag:s30] =	ssyncset.done $0x0  }
0x2af: {  	[sflag:s30] =	ssyncadd.s32 $0xFFFFFF80  }
0x2b0: {  	_ =	swait.ge [sflag:s30], $0x80  }
0x2b1: {  	[sflag:s30] =	ssyncset.done $0x0  }
0x2b2: {  	[sflag:s30] =	ssyncadd.s32 $0xFFFFFF80  }
0x2b3: {  	_ =	swait.ge [sflag:s30], $0x80  }
0x2b4: {  	[sflag:s30] =	ssyncset.done $0x0  }
0x2b5: {  	[sflag:s30] =	ssyncadd.s32 $0xFFFFFF80  }
0x2b6: {  	_ =	swait.ge [sflag:s30], $0x80  }
0x2b7: {  	[sflag:s30] =	ssyncset.done $0x0  }
0x2b8: {  	[sflag:s30] =	ssyncadd.s32 $0xFFFFFF80  }
0x2b9: {  	_ =	swait.ge [sflag:s30], $0x80  }
0x2ba: {  	[sflag:s30] =	ssyncset.done $0x0  }
0x2bb: {  	[sflag:s30] =	ssyncadd.s32 $0xFFFFFF80  }
0x2bc: {  	_ =	swait.ge [sflag:s30], $0x80  }
0x2bd: {  	[sflag:s30] =	ssyncset.done $0x0  }
0x2be: {  	[sflag:s30] =	ssyncadd.s32 $0xFFFFFF80  }
0x2bf: {  	_ =	swait.ge [sflag:s30], $0x80  }
0x2c0: {  	[sflag:s30] =	ssyncset.done $0x0  }
0x2c1: {  	[sflag:s30] =	ssyncadd.s32 $0xFFFFFF80  }
0x2c2: {  	_ =	swait.ge [sflag:s30], $0x80  }
0x2c3: {  	[sflag:s30] =	ssyncset.done $0x0  }
0x2c4: {  	[sflag:s30] =	ssyncadd.s32 $0xFFFFFF80  }
0x2c5: {  	_ =	swait.ge [sflag:s30], $0x80  }
0x2c6: {  	[sflag:s30] =	ssyncset.done $0x0  }
0x2c7: {  	[sflag:s30] =	ssyncadd.s32 $0xFFFFFF80  }
0x2c8: {  	_ =	swait.ge [sflag:s30], $0x80  }
0x2c9: {  	[sflag:s30] =	ssyncset.done $0x0  }
0x2ca: {  	[sflag:s30] =	ssyncadd.s32 $0xFFFFFF80  }
0x2cb: {  	_ =	swait.ge [sflag:s30], $0x80  }
0x2cc: {  	[sflag:s30] =	ssyncset.done $0x0  }
0x2cd: {  	[sflag:s30] =	ssyncadd.s32 $0xFFFFFF80  }
0x2ce: {  	_ =	swait.ge [sflag:s30], $0x80  }
0x2cf: {  	[sflag:s30] =	ssyncset.done $0x0  }
0x2d0: {  	[sflag:s30] =	ssyncadd.s32 $0xFFFFFF80  }
0x2d1: {  	_ =	swait.ge [sflag:s30], $0x80  }
0x2d2: {  	[sflag:s30] =	ssyncset.done $0x0  }
0x2d3: {  	[sflag:s30] =	ssyncadd.s32 $0xFFFFFF80  }
0x2d4: {  	s3 =	simm.s32 $0x0;
	v1 =	vld [tilespmem:$0x4480]  }
0x2d5: {  	v4 =	vld [tilespmem:s3+$0x2400]  }
0x2d6: {  	v6 =	vld [tilespmem:s3+$0x3400]  }
0x2d7: {  	v2 =	vld [tilespmem:$0x4680];
	_ =	sdelay $0x2  }
0x2d8: {  	s14 =	simm.s32 $0x80;
	v3 =	vshll.u32 v4, $0x10  }
0x2d9: {  	v5 =	vshll.u32 v6, $0x10;
	v7 =	vadd.f32 v3, v1;
	v3 =	vld [tilespmem:s14+$0x2400]  }
0x2da: {  	v9 =	vand.u32 $0xFFFF0000, v4;
	v4 =	vld [tilespmem:s14+$0x3400];
	v8 =	vadd.f32 v5, v2  }
0x2db: {  	v10 =	vand.u32 $0xFFFF0000, v6;
	v5 =	vimm.f32 $0.0e+00  }
0x2dc: {  	s3 =	simm.s32 $0x400;
	v6 =	vmul.f32 v8, v7;
	v7 =	vadd.f32 v9, v1;
	v8 =	vadd.f32 v10, v2  }
.LBB2_26:
0x2dd: {  	p0 =	sne.s32 s3, $0x3E00  }
.Ltmp12:
0x2de: {  	s14 =	sshra.s32 s3, $0x2;
	v9 =	vshll.u32 v3, $0x10;
	v5 =	vadd.f32 v6, v5;
	v6 =	vmul.f32 v8, v7;
	v7 =	vmovc v3;
	(pc) =	sbr.rel @p0 .LBB2_26-.Ltmp12, $4  }
0x2df: {  	s3 =	sadd.s32 $0x200, s3;
	v3 =	vld [tilespmem:s14+$0x2400];
	v8 =	vshll.u32 v4, $0x10;
	v9 =	vadd.f32 v9, v1;
	v10 =	vmov v4  }
0x2e0: {  	v4 =	vld [tilespmem:s14+$0x3400];
	v8 =	vadd.f32 v8, v2;
	v5 =	vadd.f32 v5, v6  }
0x2e1: {  	v7 =	vand.u32 $0xFFFF0000, v7;
	v10 =	vand.u32 $0xFFFF0000, v10  }
0x2e2: {  	v7 =	vadd.f32 v7, v1;
	v6 =	vmul.f32 v8, v9;
	v8 =	vadd.f32 v10, v2  }
0x2e3: {  	_ = 	snop  }
0x2e4: {  	v9 =	vshll.u32 v3, $0x10  }
0x2e5: {  	v5 =	vadd.f32 v6, v5;
	v6 =	vmul.f32 v8, v7;
	v7 =	vshll.u32 v4, $0x10  }
0x2e6: {  	v3 =	vand.u32 $0xFFFF0000, v3;
	v8 =	vadd.f32 v9, v1;
	v7 =	vadd.f32 v7, v2  }
0x2e7: {  	v4 =	vand.u32 $0xFFFF0000, v4;
	v1 =	vadd.f32 v3, v1  }
0x2e8: {  	v5 =	vadd.f32 v5, v6;
	v2 =	vadd.f32 v4, v2;
	v6 =	vmul.f32 v7, v8;
	_ =	sdelay $0x1  }
0x2e9: {  	v1 =	vmul.f32 v2, v1;
	v3 =	vadd.f32 v6, v5;
	_ =	sdelay $0x1  }
0x2ea: {  	v1 =	vadd.f32 v3, v1;
	_ =	sdelay $0x1  }
0x2eb: {  	v1 =	vadd.f32 v1, v0;
	_ =	sdelay $0x1  }
0x2ec: {  	s3 =	simm.s32 $0x0;
	[tilespmem:$0x4880] =	vst v1;
	v1 =	vld [tilespmem:$0x4490]  }
0x2ed: {  	v4 =	vld [tilespmem:s3+$0x2410]  }
0x2ee: {  	v6 =	vld [tilespmem:s3+$0x3410]  }
0x2ef: {  	v2 =	vld [tilespmem:$0x4690];
	_ =	sdelay $0x2  }
0x2f0: {  	s14 =	simm.s32 $0x80;
	v3 =	vshll.u32 v4, $0x10  }
0x2f1: {  	v5 =	vshll.u32 v6, $0x10;
	v7 =	vadd.f32 v3, v1;
	v3 =	vld [tilespmem:s14+$0x2410]  }
0x2f2: {  	v9 =	vand.u32 $0xFFFF0000, v4;
	v4 =	vld [tilespmem:s14+$0x3410];
	v8 =	vadd.f32 v5, v2  }
0x2f3: {  	v10 =	vand.u32 $0xFFFF0000, v6;
	v5 =	vimm.f32 $0.0e+00  }
0x2f4: {  	s3 =	simm.s32 $0x400;
	v6 =	vmul.f32 v8, v7;
	v7 =	vadd.f32 v9, v1;
	v8 =	vadd.f32 v10, v2  }
.LBB2_28:
0x2f5: {  	p0 =	sne.s32 s3, $0x3E00  }
.Ltmp13:
0x2f6: {  	s14 =	sshra.s32 s3, $0x2;
	v9 =	vshll.u32 v3, $0x10;
	v5 =	vadd.f32 v6, v5;
	v6 =	vmul.f32 v8, v7;
	v7 =	vmovc v3;
	(pc) =	sbr.rel @p0 .LBB2_28-.Ltmp13, $4  }
0x2f7: {  	s3 =	sadd.s32 $0x200, s3;
	v3 =	vld [tilespmem:s14+$0x2410];
	v8 =	vshll.u32 v4, $0x10;
	v9 =	vadd.f32 v9, v1;
	v10 =	vmov v4  }
0x2f8: {  	v4 =	vld [tilespmem:s14+$0x3410];
	v8 =	vadd.f32 v8, v2;
	v5 =	vadd.f32 v5, v6  }
0x2f9: {  	v7 =	vand.u32 $0xFFFF0000, v7;
	v10 =	vand.u32 $0xFFFF0000, v10  }
0x2fa: {  	v7 =	vadd.f32 v7, v1;
	v6 =	vmul.f32 v8, v9;
	v8 =	vadd.f32 v10, v2  }
0x2fb: {  	_ = 	snop  }
0x2fc: {  	v9 =	vshll.u32 v3, $0x10  }
0x2fd: {  	v5 =	vadd.f32 v6, v5;
	v6 =	vmul.f32 v8, v7;
	v7 =	vshll.u32 v4, $0x10  }
0x2fe: {  	v3 =	vand.u32 $0xFFFF0000, v3;
	v8 =	vadd.f32 v9, v1;
	v7 =	vadd.f32 v7, v2  }
0x2ff: {  	v4 =	vand.u32 $0xFFFF0000, v4;
	v1 =	vadd.f32 v3, v1  }
0x300: {  	v5 =	vadd.f32 v5, v6;
	v2 =	vadd.f32 v4, v2;
	v6 =	vmul.f32 v7, v8;
	_ =	sdelay $0x1  }
0x301: {  	v1 =	vmul.f32 v2, v1;
	v3 =	vadd.f32 v6, v5;
	_ =	sdelay $0x1  }
0x302: {  	v1 =	vadd.f32 v3, v1;
	_ =	sdelay $0x1  }
0x303: {  	v1 =	vadd.f32 v1, v0;
	_ =	sdelay $0x1  }
0x304: {  	s3 =	simm.s32 $0x0;
	[tilespmem:$0x4890] =	vst v1;
	v1 =	vld [tilespmem:$0x44A0]  }
0x305: {  	v4 =	vld [tilespmem:s3+$0x2420]  }
0x306: {  	v6 =	vld [tilespmem:s3+$0x3420]  }
0x307: {  	v2 =	vld [tilespmem:$0x46A0];
	_ =	sdelay $0x2  }
0x308: {  	s14 =	simm.s32 $0x80;
	v3 =	vshll.u32 v4, $0x10  }
0x309: {  	v5 =	vshll.u32 v6, $0x10;
	v7 =	vadd.f32 v3, v1;
	v3 =	vld [tilespmem:s14+$0x2420]  }
0x30a: {  	v9 =	vand.u32 $0xFFFF0000, v4;
	v4 =	vld [tilespmem:s14+$0x3420];
	v8 =	vadd.f32 v5, v2  }
0x30b: {  	v10 =	vand.u32 $0xFFFF0000, v6;
	v5 =	vimm.f32 $0.0e+00  }
0x30c: {  	s3 =	simm.s32 $0x400;
	v6 =	vmul.f32 v8, v7;
	v7 =	vadd.f32 v9, v1;
	v8 =	vadd.f32 v10, v2  }
.LBB2_30:
0x30d: {  	p0 =	sne.s32 s3, $0x3E00  }
.Ltmp14:
0x30e: {  	s14 =	sshra.s32 s3, $0x2;
	v9 =	vshll.u32 v3, $0x10;
	v5 =	vadd.f32 v6, v5;
	v6 =	vmul.f32 v8, v7;
	v7 =	vmovc v3;
	(pc) =	sbr.rel @p0 .LBB2_30-.Ltmp14, $4  }
0x30f: {  	s3 =	sadd.s32 $0x200, s3;
	v3 =	vld [tilespmem:s14+$0x2420];
	v8 =	vshll.u32 v4, $0x10;
	v9 =	vadd.f32 v9, v1;
	v10 =	vmov v4  }
0x310: {  	v4 =	vld [tilespmem:s14+$0x3420];
	v8 =	vadd.f32 v8, v2;
	v5 =	vadd.f32 v5, v6  }
0x311: {  	v7 =	vand.u32 $0xFFFF0000, v7;
	v10 =	vand.u32 $0xFFFF0000, v10  }
0x312: {  	v7 =	vadd.f32 v7, v1;
	v6 =	vmul.f32 v8, v9;
	v8 =	vadd.f32 v10, v2  }
0x313: {  	_ = 	snop  }
0x314: {  	v9 =	vshll.u32 v3, $0x10  }
0x315: {  	v5 =	vadd.f32 v6, v5;
	v6 =	vmul.f32 v8, v7;
	v7 =	vshll.u32 v4, $0x10  }
0x316: {  	v3 =	vand.u32 $0xFFFF0000, v3;
	v8 =	vadd.f32 v9, v1;
	v7 =	vadd.f32 v7, v2  }
0x317: {  	v4 =	vand.u32 $0xFFFF0000, v4;
	v1 =	vadd.f32 v3, v1  }
0x318: {  	v5 =	vadd.f32 v5, v6;
	v2 =	vadd.f32 v4, v2;
	v6 =	vmul.f32 v7, v8;
	_ =	sdelay $0x1  }
0x319: {  	v1 =	vmul.f32 v2, v1;
	v3 =	vadd.f32 v6, v5;
	_ =	sdelay $0x1  }
0x31a: {  	v1 =	vadd.f32 v3, v1;
	_ =	sdelay $0x1  }
0x31b: {  	v1 =	vadd.f32 v1, v0;
	_ =	sdelay $0x1  }
0x31c: {  	s3 =	simm.s32 $0x0;
	[tilespmem:$0x48A0] =	vst v1;
	v1 =	vld [tilespmem:$0x44B0]  }
0x31d: {  	v4 =	vld [tilespmem:s3+$0x2430]  }
0x31e: {  	v6 =	vld [tilespmem:s3+$0x3430]  }
0x31f: {  	v2 =	vld [tilespmem:$0x46B0];
	_ =	sdelay $0x2  }
0x320: {  	s14 =	simm.s32 $0x80;
	v3 =	vshll.u32 v4, $0x10  }
0x321: {  	v5 =	vshll.u32 v6, $0x10;
	v7 =	vadd.f32 v3, v1;
	v3 =	vld [tilespmem:s14+$0x2430]  }
0x322: {  	v9 =	vand.u32 $0xFFFF0000, v4;
	v4 =	vld [tilespmem:s14+$0x3430];
	v8 =	vadd.f32 v5, v2  }
0x323: {  	v10 =	vand.u32 $0xFFFF0000, v6;
	v5 =	vimm.f32 $0.0e+00  }
0x324: {  	s3 =	simm.s32 $0x400;
	v6 =	vmul.f32 v8, v7;
	v7 =	vadd.f32 v9, v1;
	v8 =	vadd.f32 v10, v2  }
.LBB2_32:
0x325: {  	p0 =	sne.s32 s3, $0x3E00  }
.Ltmp15:
0x326: {  	s14 =	sshra.s32 s3, $0x2;
	v9 =	vshll.u32 v3, $0x10;
	v5 =	vadd.f32 v6, v5;
	v6 =	vmul.f32 v8, v7;
	v7 =	vmovc v3;
	(pc) =	sbr.rel @p0 .LBB2_32-.Ltmp15, $4  }
0x327: {  	s3 =	sadd.s32 $0x200, s3;
	v3 =	vld [tilespmem:s14+$0x2430];
	v8 =	vshll.u32 v4, $0x10;
	v9 =	vadd.f32 v9, v1;
	v10 =	vmov v4  }
0x328: {  	v4 =	vld [tilespmem:s14+$0x3430];
	v8 =	vadd.f32 v8, v2;
	v5 =	vadd.f32 v5, v6  }
0x329: {  	v7 =	vand.u32 $0xFFFF0000, v7;
	v10 =	vand.u32 $0xFFFF0000, v10  }
0x32a: {  	v7 =	vadd.f32 v7, v1;
	v6 =	vmul.f32 v8, v9;
	v8 =	vadd.f32 v10, v2  }
0x32b: {  	_ = 	snop  }
0x32c: {  	v9 =	vshll.u32 v3, $0x10  }
0x32d: {  	v5 =	vadd.f32 v6, v5;
	v6 =	vmul.f32 v8, v7;
	v7 =	vshll.u32 v4, $0x10  }
0x32e: {  	v3 =	vand.u32 $0xFFFF0000, v3;
	v8 =	vadd.f32 v9, v1;
	v7 =	vadd.f32 v7, v2  }
0x32f: {  	v4 =	vand.u32 $0xFFFF0000, v4;
	v1 =	vadd.f32 v3, v1  }
0x330: {  	v5 =	vadd.f32 v5, v6;
	v2 =	vadd.f32 v4, v2;
	v6 =	vmul.f32 v7, v8;
	_ =	sdelay $0x1  }
0x331: {  	v1 =	vmul.f32 v2, v1;
	v3 =	vadd.f32 v6, v5;
	_ =	sdelay $0x1  }
0x332: {  	v1 =	vadd.f32 v3, v1;
	_ =	sdelay $0x1  }
0x333: {  	v1 =	vadd.f32 v1, v0;
	_ =	sdelay $0x1  }
0x334: {  	s3 =	simm.s32 $0x0;
	[tilespmem:$0x48B0] =	vst v1;
	v1 =	vld [tilespmem:$0x44C0]  }
0x335: {  	v4 =	vld [tilespmem:s3+$0x2440]  }
0x336: {  	v6 =	vld [tilespmem:s3+$0x3440]  }
0x337: {  	v2 =	vld [tilespmem:$0x46C0];
	_ =	sdelay $0x2  }
0x338: {  	s14 =	simm.s32 $0x80;
	v3 =	vshll.u32 v4, $0x10  }
0x339: {  	v5 =	vshll.u32 v6, $0x10;
	v7 =	vadd.f32 v3, v1;
	v3 =	vld [tilespmem:s14+$0x2440]  }
0x33a: {  	v9 =	vand.u32 $0xFFFF0000, v4;
	v4 =	vld [tilespmem:s14+$0x3440];
	v8 =	vadd.f32 v5, v2  }
0x33b: {  	v10 =	vand.u32 $0xFFFF0000, v6;
	v5 =	vimm.f32 $0.0e+00  }
0x33c: {  	s3 =	simm.s32 $0x400;
	v6 =	vmul.f32 v8, v7;
	v7 =	vadd.f32 v9, v1;
	v8 =	vadd.f32 v10, v2  }
.LBB2_34:
0x33d: {  	p0 =	sne.s32 s3, $0x3E00  }
.Ltmp16:
0x33e: {  	s14 =	sshra.s32 s3, $0x2;
	v9 =	vshll.u32 v3, $0x10;
	v5 =	vadd.f32 v6, v5;
	v6 =	vmul.f32 v8, v7;
	v7 =	vmovc v3;
	(pc) =	sbr.rel @p0 .LBB2_34-.Ltmp16, $4  }
0x33f: {  	s3 =	sadd.s32 $0x200, s3;
	v3 =	vld [tilespmem:s14+$0x2440];
	v8 =	vshll.u32 v4, $0x10;
	v9 =	vadd.f32 v9, v1;
	v10 =	vmov v4  }
0x340: {  	v4 =	vld [tilespmem:s14+$0x3440];
	v8 =	vadd.f32 v8, v2;
	v5 =	vadd.f32 v5, v6  }
0x341: {  	v7 =	vand.u32 $0xFFFF0000, v7;
	v10 =	vand.u32 $0xFFFF0000, v10  }
0x342: {  	v7 =	vadd.f32 v7, v1;
	v6 =	vmul.f32 v8, v9;
	v8 =	vadd.f32 v10, v2  }
0x343: {  	_ = 	snop  }
0x344: {  	v9 =	vshll.u32 v3, $0x10  }
0x345: {  	v5 =	vadd.f32 v6, v5;
	v6 =	vmul.f32 v8, v7;
	v7 =	vshll.u32 v4, $0x10  }
0x346: {  	v3 =	vand.u32 $0xFFFF0000, v3;
	v8 =	vadd.f32 v9, v1;
	v7 =	vadd.f32 v7, v2  }
0x347: {  	v4 =	vand.u32 $0xFFFF0000, v4;
	v1 =	vadd.f32 v3, v1  }
0x348: {  	v5 =	vadd.f32 v5, v6;
	v2 =	vadd.f32 v4, v2;
	v6 =	vmul.f32 v7, v8;
	_ =	sdelay $0x1  }
0x349: {  	v1 =	vmul.f32 v2, v1;
	v3 =	vadd.f32 v6, v5;
	_ =	sdelay $0x1  }
0x34a: {  	v1 =	vadd.f32 v3, v1;
	_ =	sdelay $0x1  }
0x34b: {  	v1 =	vadd.f32 v1, v0;
	_ =	sdelay $0x1  }
0x34c: {  	s3 =	simm.s32 $0x0;
	[tilespmem:$0x48C0] =	vst v1;
	v1 =	vld [tilespmem:$0x44D0]  }
0x34d: {  	v4 =	vld [tilespmem:s3+$0x2450]  }
0x34e: {  	v6 =	vld [tilespmem:s3+$0x3450]  }
0x34f: {  	v2 =	vld [tilespmem:$0x46D0];
	_ =	sdelay $0x2  }
0x350: {  	s14 =	simm.s32 $0x80;
	v3 =	vshll.u32 v4, $0x10  }
0x351: {  	v5 =	vshll.u32 v6, $0x10;
	v7 =	vadd.f32 v3, v1;
	v3 =	vld [tilespmem:s14+$0x2450]  }
0x352: {  	v9 =	vand.u32 $0xFFFF0000, v4;
	v4 =	vld [tilespmem:s14+$0x3450];
	v8 =	vadd.f32 v5, v2  }
0x353: {  	v10 =	vand.u32 $0xFFFF0000, v6;
	v5 =	vimm.f32 $0.0e+00  }
0x354: {  	s3 =	simm.s32 $0x400;
	v6 =	vmul.f32 v8, v7;
	v7 =	vadd.f32 v9, v1;
	v8 =	vadd.f32 v10, v2  }
.LBB2_36:
0x355: {  	p0 =	sne.s32 s3, $0x3E00  }
.Ltmp17:
0x356: {  	s14 =	sshra.s32 s3, $0x2;
	v9 =	vshll.u32 v3, $0x10;
	v5 =	vadd.f32 v6, v5;
	v6 =	vmul.f32 v8, v7;
	v7 =	vmovc v3;
	(pc) =	sbr.rel @p0 .LBB2_36-.Ltmp17, $4  }
0x357: {  	s3 =	sadd.s32 $0x200, s3;
	v3 =	vld [tilespmem:s14+$0x2450];
	v8 =	vshll.u32 v4, $0x10;
	v9 =	vadd.f32 v9, v1;
	v10 =	vmov v4  }
0x358: {  	v4 =	vld [tilespmem:s14+$0x3450];
	v8 =	vadd.f32 v8, v2;
	v5 =	vadd.f32 v5, v6  }
0x359: {  	v7 =	vand.u32 $0xFFFF0000, v7;
	v10 =	vand.u32 $0xFFFF0000, v10  }
0x35a: {  	v7 =	vadd.f32 v7, v1;
	v6 =	vmul.f32 v8, v9;
	v8 =	vadd.f32 v10, v2  }
0x35b: {  	_ = 	snop  }
0x35c: {  	v9 =	vshll.u32 v3, $0x10  }
0x35d: {  	v5 =	vadd.f32 v6, v5;
	v6 =	vmul.f32 v8, v7;
	v7 =	vshll.u32 v4, $0x10  }
0x35e: {  	v3 =	vand.u32 $0xFFFF0000, v3;
	v8 =	vadd.f32 v9, v1;
	v7 =	vadd.f32 v7, v2  }
0x35f: {  	v4 =	vand.u32 $0xFFFF0000, v4;
	v1 =	vadd.f32 v3, v1  }
0x360: {  	v5 =	vadd.f32 v5, v6;
	v2 =	vadd.f32 v4, v2;
	v6 =	vmul.f32 v7, v8;
	_ =	sdelay $0x1  }
0x361: {  	v1 =	vmul.f32 v2, v1;
	v3 =	vadd.f32 v6, v5;
	_ =	sdelay $0x1  }
0x362: {  	v1 =	vadd.f32 v3, v1;
	_ =	sdelay $0x1  }
0x363: {  	v1 =	vadd.f32 v1, v0;
	_ =	sdelay $0x1  }
0x364: {  	s3 =	simm.s32 $0x0;
	[tilespmem:$0x48D0] =	vst v1;
	v1 =	vld [tilespmem:$0x44E0]  }
0x365: {  	v4 =	vld [tilespmem:s3+$0x2460]  }
0x366: {  	v6 =	vld [tilespmem:s3+$0x3460]  }
0x367: {  	v2 =	vld [tilespmem:$0x46E0];
	_ =	sdelay $0x2  }
0x368: {  	s14 =	simm.s32 $0x80;
	v3 =	vshll.u32 v4, $0x10  }
0x369: {  	v5 =	vshll.u32 v6, $0x10;
	v7 =	vadd.f32 v3, v1;
	v3 =	vld [tilespmem:s14+$0x2460]  }
0x36a: {  	v9 =	vand.u32 $0xFFFF0000, v4;
	v4 =	vld [tilespmem:s14+$0x3460];
	v8 =	vadd.f32 v5, v2  }
0x36b: {  	v10 =	vand.u32 $0xFFFF0000, v6;
	v5 =	vimm.f32 $0.0e+00  }
0x36c: {  	s3 =	simm.s32 $0x400;
	v6 =	vmul.f32 v8, v7;
	v7 =	vadd.f32 v9, v1;
	v8 =	vadd.f32 v10, v2  }
.LBB2_38:
0x36d: {  	p0 =	sne.s32 s3, $0x3E00  }
.Ltmp18:
0x36e: {  	s14 =	sshra.s32 s3, $0x2;
	v9 =	vshll.u32 v3, $0x10;
	v5 =	vadd.f32 v6, v5;
	v6 =	vmul.f32 v8, v7;
	v7 =	vmovc v3;
	(pc) =	sbr.rel @p0 .LBB2_38-.Ltmp18, $4  }
0x36f: {  	s3 =	sadd.s32 $0x200, s3;
	v3 =	vld [tilespmem:s14+$0x2460];
	v8 =	vshll.u32 v4, $0x10;
	v9 =	vadd.f32 v9, v1;
	v10 =	vmov v4  }
0x370: {  	v4 =	vld [tilespmem:s14+$0x3460];
	v8 =	vadd.f32 v8, v2;
	v5 =	vadd.f32 v5, v6  }
0x371: {  	v7 =	vand.u32 $0xFFFF0000, v7;
	v10 =	vand.u32 $0xFFFF0000, v10  }
0x372: {  	v7 =	vadd.f32 v7, v1;
	v6 =	vmul.f32 v8, v9;
	v8 =	vadd.f32 v10, v2  }
0x373: {  	_ = 	snop  }
0x374: {  	v9 =	vshll.u32 v3, $0x10  }
0x375: {  	v5 =	vadd.f32 v6, v5;
	v6 =	vmul.f32 v8, v7;
	v7 =	vshll.u32 v4, $0x10  }
0x376: {  	v3 =	vand.u32 $0xFFFF0000, v3;
	v8 =	vadd.f32 v9, v1;
	v7 =	vadd.f32 v7, v2  }
0x377: {  	v4 =	vand.u32 $0xFFFF0000, v4;
	v1 =	vadd.f32 v3, v1  }
0x378: {  	v5 =	vadd.f32 v5, v6;
	v2 =	vadd.f32 v4, v2;
	v6 =	vmul.f32 v7, v8;
	_ =	sdelay $0x1  }
0x379: {  	v1 =	vmul.f32 v2, v1;
	v3 =	vadd.f32 v6, v5;
	_ =	sdelay $0x1  }
0x37a: {  	v1 =	vadd.f32 v3, v1;
	_ =	sdelay $0x1  }
0x37b: {  	v1 =	vadd.f32 v1, v0;
	_ =	sdelay $0x1  }
0x37c: {  	s3 =	simm.s32 $0x0;
	[tilespmem:$0x48E0] =	vst v1;
	v1 =	vld [tilespmem:$0x44F0]  }
0x37d: {  	v4 =	vld [tilespmem:s3+$0x2470]  }
0x37e: {  	v6 =	vld [tilespmem:s3+$0x3470]  }
0x37f: {  	v2 =	vld [tilespmem:$0x46F0];
	_ =	sdelay $0x2  }
0x380: {  	s14 =	simm.s32 $0x80;
	v3 =	vshll.u32 v4, $0x10  }
0x381: {  	v5 =	vshll.u32 v6, $0x10;
	v7 =	vadd.f32 v3, v1;
	v3 =	vld [tilespmem:s14+$0x2470]  }
0x382: {  	v9 =	vand.u32 $0xFFFF0000, v4;
	v4 =	vld [tilespmem:s14+$0x3470];
	v8 =	vadd.f32 v5, v2  }
0x383: {  	v10 =	vand.u32 $0xFFFF0000, v6;
	v5 =	vimm.f32 $0.0e+00  }
0x384: {  	s3 =	simm.s32 $0x400;
	v6 =	vmul.f32 v8, v7;
	v7 =	vadd.f32 v9, v1;
	v8 =	vadd.f32 v10, v2  }
.LBB2_40:
0x385: {  	p0 =	sne.s32 s3, $0x3E00  }
.Ltmp19:
0x386: {  	s14 =	sshra.s32 s3, $0x2;
	v9 =	vshll.u32 v3, $0x10;
	v5 =	vadd.f32 v6, v5;
	v6 =	vmul.f32 v8, v7;
	v7 =	vmovc v3;
	(pc) =	sbr.rel @p0 .LBB2_40-.Ltmp19, $4  }
0x387: {  	s3 =	sadd.s32 $0x200, s3;
	v3 =	vld [tilespmem:s14+$0x2470];
	v8 =	vshll.u32 v4, $0x10;
	v9 =	vadd.f32 v9, v1;
	v10 =	vmov v4  }
0x388: {  	v4 =	vld [tilespmem:s14+$0x3470];
	v8 =	vadd.f32 v8, v2;
	v5 =	vadd.f32 v5, v6  }
0x389: {  	v7 =	vand.u32 $0xFFFF0000, v7;
	v10 =	vand.u32 $0xFFFF0000, v10  }
0x38a: {  	v7 =	vadd.f32 v7, v1;
	v6 =	vmul.f32 v8, v9;
	v8 =	vadd.f32 v10, v2  }
0x38b: {  	_ = 	snop  }
0x38c: {  	v9 =	vshll.u32 v3, $0x10  }
0x38d: {  	v5 =	vadd.f32 v6, v5;
	v58 =	vmul.f32 v8, v7;
	v59 =	vshll.u32 v4, $0x10  }
0x38e: {  	v3 =	vand.u32 $0xFFFF0000, v3;
	v60 =	vadd.f32 v9, v1;
	v7 =	vadd.f32 v59, v2  }
0x38f: {  	v61 =	vand.u32 $0xFFFF0000, v4;
	v1 =	vadd.f32 v3, v1  }
0x390: {  	v5 =	vadd.f32 v5, v58;
	v2 =	vadd.f32 v61, v2;
	v62 =	vmul.f32 v7, v60  }
0x391: {  	v3 =	vld [tilespmem:$0x100]  }
0x392: {  	v1 =	vmul.f32 v2, v1;
	v63 =	vadd.f32 v62, v5;
	_ =	sdelay $0x1  }
0x393: {  	s3 =	simm.s32 $0x0;
	v1 =	vadd.f32 v63, v1  }
0x394: {  	s14 =	sand.u32 $0x1800000, s3;
	s16 =	sand.u32 $0xE0000, s3  }
0x395: {  	s17 =	sor.u32 s16, s14;
	v2 =	vshll.u32 v3, $0x3;
	v3 =	vand.u32 $0x1FFFF, v3;
	v1 =	vadd.f32 v1, v0  }
0x396: {  	v2 =	vand.u32 $0xFFF00000, v2;
	v3 =	vor.u32 s17, v3  }
0x397: {  	s14 =	simm.s32 $0x440;
	[tilespmem:$0x48F0] =	vst v1;
	v1 =	vadd.s32 v2, v3  }
0x398: {  	[tilespmem:s14+$0xFFFFFFC0] =	vst v1  }
0x399: {  	v1 =	vld [tilespmem:$0x300];
	_ =	sdelay $0x4  }
0x39a: {  	v2 =	vshll.u32 v1, $0x3;
	v1 =	vand.u32 $0x1FFFF, v1  }
0x39b: {  	v2 =	vand.u32 $0xFFF00000, v2;
	v1 =	vor.u32 s17, v1  }
0x39c: {  	s16 =	simm.s32 $0x1440;
	v1 =	vadd.s32 v2, v1  }
0x39d: {  	[tilespmem:s16+$0xFFFFFFC0] =	vst v1  }
0x39e: {  	v1 =	vld [tilespmem:$0x110];
	_ =	sdelay $0x4  }
0x39f: {  	v2 =	vshll.u32 v1, $0x3;
	v1 =	vand.u32 $0x1FFFF, v1  }
0x3a0: {  	v2 =	vand.u32 $0xFFF00000, v2;
	v1 =	vor.u32 s17, v1  }
0x3a1: {  	v1 =	vadd.s32 v2, v1  }
0x3a2: {  	[tilespmem:s14+$0xFFFFFFD0] =	vst v1  }
0x3a3: {  	v1 =	vld [tilespmem:$0x310];
	_ =	sdelay $0x4  }
0x3a4: {  	v2 =	vshll.u32 v1, $0x3;
	v1 =	vand.u32 $0x1FFFF, v1  }
0x3a5: {  	v2 =	vand.u32 $0xFFF00000, v2;
	v1 =	vor.u32 s17, v1  }
0x3a6: {  	v1 =	vadd.s32 v2, v1  }
0x3a7: {  	[tilespmem:s16+$0xFFFFFFD0] =	vst v1  }
0x3a8: {  	v1 =	vld [tilespmem:$0x120];
	_ =	sdelay $0x4  }
0x3a9: {  	v2 =	vshll.u32 v1, $0x3;
	v1 =	vand.u32 $0x1FFFF, v1  }
0x3aa: {  	v2 =	vand.u32 $0xFFF00000, v2;
	v1 =	vor.u32 s17, v1  }
0x3ab: {  	v1 =	vadd.s32 v2, v1  }
0x3ac: {  	[tilespmem:s14+$0xFFFFFFE0] =	vst v1  }
0x3ad: {  	v1 =	vld [tilespmem:$0x320];
	_ =	sdelay $0x4  }
0x3ae: {  	v2 =	vshll.u32 v1, $0x3;
	v1 =	vand.u32 $0x1FFFF, v1  }
0x3af: {  	v2 =	vand.u32 $0xFFF00000, v2;
	v1 =	vor.u32 s17, v1  }
0x3b0: {  	v1 =	vadd.s32 v2, v1  }
0x3b1: {  	[tilespmem:s16+$0xFFFFFFE0] =	vst v1  }
0x3b2: {  	v1 =	vld [tilespmem:$0x130];
	_ =	sdelay $0x4  }
0x3b3: {  	v2 =	vshll.u32 v1, $0x3;
	v1 =	vand.u32 $0x1FFFF, v1  }
0x3b4: {  	v2 =	vand.u32 $0xFFF00000, v2;
	v1 =	vor.u32 s17, v1  }
0x3b5: {  	v1 =	vadd.s32 v2, v1  }
0x3b6: {  	[tilespmem:s14+$0xFFFFFFF0] =	vst v1  }
0x3b7: {  	v1 =	vld [tilespmem:$0x330];
	_ =	sdelay $0x4  }
0x3b8: {  	v2 =	vshll.u32 v1, $0x3;
	v1 =	vand.u32 $0x1FFFF, v1  }
0x3b9: {  	v2 =	vand.u32 $0xFFF00000, v2;
	v1 =	vor.u32 s17, v1  }
0x3ba: {  	v1 =	vadd.s32 v2, v1  }
0x3bb: {  	[tilespmem:s16+$0xFFFFFFF0] =	vst v1  }
0x3bc: {  	v1 =	vld [tilespmem:$0x140];
	_ =	sdelay $0x4  }
0x3bd: {  	v2 =	vshll.u32 v1, $0x3;
	v1 =	vand.u32 $0x1FFFF, v1  }
0x3be: {  	v2 =	vand.u32 $0xFFF00000, v2;
	v1 =	vor.u32 s17, v1  }
0x3bf: {  	v1 =	vadd.s32 v2, v1  }
0x3c0: {  	[tilespmem:s14+$0x0] =	vst v1  }
0x3c1: {  	v1 =	vld [tilespmem:$0x340];
	_ =	sdelay $0x4  }
0x3c2: {  	v2 =	vshll.u32 v1, $0x3;
	v1 =	vand.u32 $0x1FFFF, v1  }
0x3c3: {  	v2 =	vand.u32 $0xFFF00000, v2;
	v1 =	vor.u32 s17, v1  }
0x3c4: {  	v1 =	vadd.s32 v2, v1  }
0x3c5: {  	[tilespmem:s16+$0x0] =	vst v1  }
0x3c6: {  	v1 =	vld [tilespmem:$0x150];
	_ =	sdelay $0x4  }
0x3c7: {  	v2 =	vshll.u32 v1, $0x3;
	v1 =	vand.u32 $0x1FFFF, v1  }
0x3c8: {  	v2 =	vand.u32 $0xFFF00000, v2;
	v1 =	vor.u32 s17, v1  }
0x3c9: {  	v1 =	vadd.s32 v2, v1  }
0x3ca: {  	[tilespmem:s14+$0x10] =	vst v1  }
0x3cb: {  	v1 =	vld [tilespmem:$0x350];
	_ =	sdelay $0x4  }
0x3cc: {  	v2 =	vshll.u32 v1, $0x3;
	v1 =	vand.u32 $0x1FFFF, v1  }
0x3cd: {  	v2 =	vand.u32 $0xFFF00000, v2;
	v1 =	vor.u32 s17, v1  }
0x3ce: {  	v1 =	vadd.s32 v2, v1  }
0x3cf: {  	[tilespmem:s16+$0x10] =	vst v1  }
0x3d0: {  	v1 =	vld [tilespmem:$0x160];
	_ =	sdelay $0x4  }
0x3d1: {  	v2 =	vshll.u32 v1, $0x3;
	v1 =	vand.u32 $0x1FFFF, v1  }
0x3d2: {  	v2 =	vand.u32 $0xFFF00000, v2;
	v1 =	vor.u32 s17, v1  }
0x3d3: {  	v1 =	vadd.s32 v2, v1  }
0x3d4: {  	[tilespmem:s14+$0x20] =	vst v1  }
0x3d5: {  	v1 =	vld [tilespmem:$0x360];
	_ =	sdelay $0x4  }
0x3d6: {  	v2 =	vshll.u32 v1, $0x3;
	v1 =	vand.u32 $0x1FFFF, v1  }
0x3d7: {  	v2 =	vand.u32 $0xFFF00000, v2;
	v1 =	vor.u32 s17, v1  }
0x3d8: {  	v1 =	vadd.s32 v2, v1  }
0x3d9: {  	[tilespmem:s16+$0x20] =	vst v1  }
0x3da: {  	v1 =	vld [tilespmem:$0x170];
	_ =	sdelay $0x4  }
0x3db: {  	v2 =	vshll.u32 v1, $0x3;
	v1 =	vand.u32 $0x1FFFF, v1  }
0x3dc: {  	v2 =	vand.u32 $0xFFF00000, v2;
	v1 =	vor.u32 s17, v1  }
0x3dd: {  	v1 =	vadd.s32 v2, v1  }
0x3de: {  	[tilespmem:s14+$0x30] =	vst v1  }
0x3df: {  	v1 =	vld [tilespmem:$0x370];
	_ =	sdelay $0x4  }
0x3e0: {  	v2 =	vshll.u32 v1, $0x3;
	v1 =	vand.u32 $0x1FFFF, v1  }
0x3e1: {  	v2 =	vand.u32 $0xFFF00000, v2;
	v1 =	vor.u32 s17, v1  }
0x3e2: {  	s17 =	simm.s32 $0x100000;
	v1 =	vadd.s32 v2, v1  }
.LBB2_42:
0x3e3: {  	[tilespmem:s16+$0x30] =	vst v1;
	s3 =	sadd.s32 $0x20000, s3;
	s16 =	sadd.s32 $0x80, s16;
	s14 =	sadd.s32 $0x80, s14  }
0x3e4: {  	p0 =	sne.s32 s17, $0x1F00000;
	s18 =	smov.u32 s17;
	s17 =	sadd.s32 $0x100000, s17;
	v1 =	vld [tilespmem:$0x100]  }
0x3e5: {  	_ =	sdelay $0x2  }
0x3e6: {  	s18 =	sand.u32 $0x1800000, s18;
	s19 =	sand.u32 $0xE0000, s3  }
0x3e7: {  	s18 =	sor.u32 s19, s18;
	v2 =	vshll.u32 v1, $0x3;
	v1 =	vand.u32 $0x1FFFF, v1  }
0x3e8: {  	v2 =	vand.u32 $0xFFF00000, v2;
	v1 =	vor.u32 s18, v1  }
0x3e9: {  	v1 =	vadd.s32 v2, v1  }
0x3ea: {  	[tilespmem:s14+$0xFFFFFFC0] =	vst v1  }
0x3eb: {  	v1 =	vld [tilespmem:$0x300];
	_ =	sdelay $0x4  }
0x3ec: {  	v2 =	vshll.u32 v1, $0x3;
	v1 =	vand.u32 $0x1FFFF, v1  }
0x3ed: {  	v2 =	vand.u32 $0xFFF00000, v2;
	v1 =	vor.u32 s18, v1  }
0x3ee: {  	v1 =	vadd.s32 v2, v1  }
0x3ef: {  	[tilespmem:s16+$0xFFFFFFC0] =	vst v1  }
0x3f0: {  	v1 =	vld [tilespmem:$0x110];
	_ =	sdelay $0x4  }
0x3f1: {  	v2 =	vshll.u32 v1, $0x3;
	v1 =	vand.u32 $0x1FFFF, v1  }
0x3f2: {  	v2 =	vand.u32 $0xFFF00000, v2;
	v1 =	vor.u32 s18, v1  }
0x3f3: {  	v1 =	vadd.s32 v2, v1  }
0x3f4: {  	[tilespmem:s14+$0xFFFFFFD0] =	vst v1  }
0x3f5: {  	v1 =	vld [tilespmem:$0x310];
	_ =	sdelay $0x4  }
0x3f6: {  	v2 =	vshll.u32 v1, $0x3;
	v1 =	vand.u32 $0x1FFFF, v1  }
0x3f7: {  	v2 =	vand.u32 $0xFFF00000, v2;
	v1 =	vor.u32 s18, v1  }
0x3f8: {  	v1 =	vadd.s32 v2, v1  }
0x3f9: {  	[tilespmem:s16+$0xFFFFFFD0] =	vst v1  }
0x3fa: {  	v1 =	vld [tilespmem:$0x120];
	_ =	sdelay $0x4  }
0x3fb: {  	v2 =	vshll.u32 v1, $0x3;
	v1 =	vand.u32 $0x1FFFF, v1  }
0x3fc: {  	v2 =	vand.u32 $0xFFF00000, v2;
	v1 =	vor.u32 s18, v1  }
0x3fd: {  	v1 =	vadd.s32 v2, v1  }
0x3fe: {  	[tilespmem:s14+$0xFFFFFFE0] =	vst v1  }
0x3ff: {  	v1 =	vld [tilespmem:$0x320];
	_ =	sdelay $0x4  }
0x400: {  	v2 =	vshll.u32 v1, $0x3;
	v1 =	vand.u32 $0x1FFFF, v1  }
0x401: {  	v2 =	vand.u32 $0xFFF00000, v2;
	v1 =	vor.u32 s18, v1  }
0x402: {  	v1 =	vadd.s32 v2, v1  }
0x403: {  	[tilespmem:s16+$0xFFFFFFE0] =	vst v1  }
0x404: {  	v1 =	vld [tilespmem:$0x130];
	_ =	sdelay $0x4  }
0x405: {  	v2 =	vshll.u32 v1, $0x3;
	v1 =	vand.u32 $0x1FFFF, v1  }
0x406: {  	v2 =	vand.u32 $0xFFF00000, v2;
	v1 =	vor.u32 s18, v1  }
0x407: {  	v1 =	vadd.s32 v2, v1  }
0x408: {  	[tilespmem:s14+$0xFFFFFFF0] =	vst v1  }
0x409: {  	v1 =	vld [tilespmem:$0x330];
	_ =	sdelay $0x4  }
0x40a: {  	v2 =	vshll.u32 v1, $0x3;
	v1 =	vand.u32 $0x1FFFF, v1  }
0x40b: {  	v2 =	vand.u32 $0xFFF00000, v2;
	v1 =	vor.u32 s18, v1  }
0x40c: {  	v1 =	vadd.s32 v2, v1  }
0x40d: {  	[tilespmem:s16+$0xFFFFFFF0] =	vst v1  }
0x40e: {  	v1 =	vld [tilespmem:$0x140];
	_ =	sdelay $0x4  }
0x40f: {  	v2 =	vshll.u32 v1, $0x3;
	v1 =	vand.u32 $0x1FFFF, v1  }
0x410: {  	v2 =	vand.u32 $0xFFF00000, v2;
	v1 =	vor.u32 s18, v1  }
0x411: {  	v1 =	vadd.s32 v2, v1  }
0x412: {  	[tilespmem:s14+$0x0] =	vst v1  }
0x413: {  	v1 =	vld [tilespmem:$0x340];
	_ =	sdelay $0x4  }
0x414: {  	v2 =	vshll.u32 v1, $0x3;
	v1 =	vand.u32 $0x1FFFF, v1  }
0x415: {  	v2 =	vand.u32 $0xFFF00000, v2;
	v1 =	vor.u32 s18, v1  }
0x416: {  	v1 =	vadd.s32 v2, v1  }
0x417: {  	[tilespmem:s16+$0x0] =	vst v1  }
0x418: {  	v1 =	vld [tilespmem:$0x150];
	_ =	sdelay $0x4  }
0x419: {  	v2 =	vshll.u32 v1, $0x3;
	v1 =	vand.u32 $0x1FFFF, v1  }
0x41a: {  	v2 =	vand.u32 $0xFFF00000, v2;
	v1 =	vor.u32 s18, v1  }
0x41b: {  	v1 =	vadd.s32 v2, v1  }
0x41c: {  	[tilespmem:s14+$0x10] =	vst v1  }
0x41d: {  	v1 =	vld [tilespmem:$0x350];
	_ =	sdelay $0x4  }
0x41e: {  	v2 =	vshll.u32 v1, $0x3;
	v1 =	vand.u32 $0x1FFFF, v1  }
0x41f: {  	v2 =	vand.u32 $0xFFF00000, v2;
	v1 =	vor.u32 s18, v1  }
0x420: {  	v1 =	vadd.s32 v2, v1  }
0x421: {  	[tilespmem:s16+$0x10] =	vst v1  }
0x422: {  	v1 =	vld [tilespmem:$0x160];
	_ =	sdelay $0x4  }
0x423: {  	v2 =	vshll.u32 v1, $0x3;
	v1 =	vand.u32 $0x1FFFF, v1  }
0x424: {  	v2 =	vand.u32 $0xFFF00000, v2;
	v1 =	vor.u32 s18, v1  }
0x425: {  	v1 =	vadd.s32 v2, v1  }
0x426: {  	[tilespmem:s14+$0x20] =	vst v1  }
0x427: {  	v1 =	vld [tilespmem:$0x360];
	_ =	sdelay $0x4  }
0x428: {  	v2 =	vshll.u32 v1, $0x3;
	v1 =	vand.u32 $0x1FFFF, v1  }
0x429: {  	v2 =	vand.u32 $0xFFF00000, v2;
	v1 =	vor.u32 s18, v1  }
0x42a: {  	v1 =	vadd.s32 v2, v1  }
0x42b: {  	[tilespmem:s16+$0x20] =	vst v1  }
0x42c: {  	v1 =	vld [tilespmem:$0x170];
	_ =	sdelay $0x4  }
0x42d: {  	v2 =	vshll.u32 v1, $0x3;
	v1 =	vand.u32 $0x1FFFF, v1  }
0x42e: {  	v2 =	vand.u32 $0xFFF00000, v2;
	v1 =	vor.u32 s18, v1  }
0x42f: {  	v1 =	vadd.s32 v2, v1  }
0x430: {  	[tilespmem:s14+$0x30] =	vst v1  }
0x431: {  	v1 =	vld [tilespmem:$0x370];
	_ =	sdelay $0x2  }
.Ltmp20:
0x432: {  	(pc) =	sbr.rel @p0 .LBB2_42-.Ltmp20, $4  }
0x433: {  	_ = 	snop  }
0x434: {  	v2 =	vshll.u32 v1, $0x3;
	v1 =	vand.u32 $0x1FFFF, v1  }
0x435: {  	v2 =	vand.u32 $0xFFF00000, v2;
	v1 =	vor.u32 s18, v1  }
0x436: {  	v1 =	vadd.s32 v2, v1  }
0x437: {  	[tilespmem:s16+$0x30] =	vst v1;
	s3 =	simm.s32 $0x2400;
	s14 =	simm.s32 $0x400;
	p0 =	por $0x1, $0x1  }
0x438: {  	[tilespmem:s3], [sflag:$0x1] =	stream.indirect.gather [hbm4b:s4+s15], $0x1, s14, s15, $0xb8;
	[tilespmem:$0x4A10] =	vst v63  }
0x439: {  	s19 =	simm.s32 $0x3400;
	s20 =	simm.s32 $0x1400;
	s17 =	simm.s32 @!p0 $0x1  }
0x43a: {  	[tilespmem:s19], [sflag:$0x1] =	stream.indirect.gather [hbm4b:s5+s15], $0x1, s20, s15, $0xb8;
	[tilespmem:$0x4A10] =	vst v63  }
0x43b: {  	_ =	swait.ge @!p0 [sflag:s17], $0x80  }
0x43c: {  	[sflag:s17] =	ssyncset.done @!p0 $0x0  }
0x43d: {  	s16 =	simm.s32 $0x1480;
	s18 =	simm.s32 $0x3480;
	[sflag:s17] =	ssyncadd.s32 @!p0 $0xFFFFFF80  }
0x43e: {  	s14 =	simm.s32 $0x1;
	s19 =	simm.s32 $0x480;
	_ =	swait.ge @!p0 [sflag:s17], $0x80  }
.LBB2_44:
0x43f: {  	[sflag:s17] =	ssyncset.done @!p0 $0x0  }
0x440: {  	s3 =	sadd.s32 $0x80, s3;
	s20 =	smov.u32 s14;
	s14 =	sadd.s32 $0x1, s14  }
0x441: {  	p1 =	sne.s32 s14, $0x20;
	[sflag:s17] =	ssyncadd.s32 @!p0 $0xFFFFFF80  }
0x442: {  	[tilespmem:s3], [sflag:$0x1] =	stream.indirect.gather [hbm4b:s4+s15], $0x1, s19, s15, $0xb8;
	[tilespmem:$0x4A10] =	vst v63  }
0x443: {  	p0 =	slt.u32 s20, $0x8  }
0x444: {  	[tilespmem:s18], [sflag:$0x1] =	stream.indirect.gather [hbm4b:s5+s15], $0x1, s16, s15, $0xb8;
	[tilespmem:$0x4A10] =	vst v63  }
.Ltmp21:
0x445: {  	s17 =	simm.s32 @!p0 $0x1;
	(pc) =	sbr.rel @p1 .LBB2_44-.Ltmp21, $4  }
0x446: {  	_ =	swait.ge @!p0 [sflag:s17], $0x80  }
0x447: {  	[sflag:s17] =	ssyncset.done @!p0 $0x0  }
0x448: {  	s16 =	sadd.s32 $0x80, s16;
	[sflag:s17] =	ssyncadd.s32 @!p0 $0xFFFFFF80  }
0x449: {  	s19 =	sadd.s32 $0x80, s19;
	s18 =	sadd.s32 $0x80, s18;
	_ =	swait.ge @!p0 [sflag:s17], $0x80  }
0x44a: {  	[sflag:s17] =	ssyncset.done @!p0 $0x0  }
0x44b: {  	[sflag:s17] =	ssyncadd.s32 @!p0 $0xFFFFFF80  }
0x44c: {  	_ =	swait.ge [sflag:s30], $0x80  }
0x44d: {  	[sflag:s30] =	ssyncset.done $0x0  }
0x44e: {  	[sflag:s30] =	ssyncadd.s32 $0xFFFFFF80  }
0x44f: {  	_ =	swait.ge [sflag:s30], $0x80  }
0x450: {  	[sflag:s30] =	ssyncset.done $0x0  }
0x451: {  	[sflag:s30] =	ssyncadd.s32 $0xFFFFFF80  }
0x452: {  	_ =	swait.ge [sflag:s30], $0x80  }
0x453: {  	[sflag:s30] =	ssyncset.done $0x0  }
0x454: {  	[sflag:s30] =	ssyncadd.s32 $0xFFFFFF80  }
0x455: {  	_ =	swait.ge [sflag:s30], $0x80  }
0x456: {  	[sflag:s30] =	ssyncset.done $0x0  }
0x457: {  	[sflag:s30] =	ssyncadd.s32 $0xFFFFFF80  }
0x458: {  	_ =	swait.ge [sflag:s30], $0x80  }
0x459: {  	[sflag:s30] =	ssyncset.done $0x0  }
0x45a: {  	[sflag:s30] =	ssyncadd.s32 $0xFFFFFF80  }
0x45b: {  	_ =	swait.ge [sflag:s30], $0x80  }
0x45c: {  	[sflag:s30] =	ssyncset.done $0x0  }
0x45d: {  	[sflag:s30] =	ssyncadd.s32 $0xFFFFFF80  }
0x45e: {  	_ =	swait.ge [sflag:s30], $0x80  }
0x45f: {  	[sflag:s30] =	ssyncset.done $0x0  }
0x460: {  	[sflag:s30] =	ssyncadd.s32 $0xFFFFFF80  }
0x461: {  	_ =	swait.ge [sflag:s30], $0x80  }
0x462: {  	[sflag:s30] =	ssyncset.done $0x0  }
0x463: {  	[sflag:s30] =	ssyncadd.s32 $0xFFFFFF80  }
0x464: {  	_ =	swait.ge [sflag:s30], $0x80  }
0x465: {  	[sflag:s30] =	ssyncset.done $0x0  }
0x466: {  	[sflag:s30] =	ssyncadd.s32 $0xFFFFFF80  }
0x467: {  	_ =	swait.ge [sflag:s30], $0x80  }
0x468: {  	[sflag:s30] =	ssyncset.done $0x0  }
0x469: {  	[sflag:s30] =	ssyncadd.s32 $0xFFFFFF80  }
0x46a: {  	_ =	swait.ge [sflag:s30], $0x80  }
0x46b: {  	[sflag:s30] =	ssyncset.done $0x0  }
0x46c: {  	[sflag:s30] =	ssyncadd.s32 $0xFFFFFF80  }
0x46d: {  	_ =	swait.ge [sflag:s30], $0x80  }
0x46e: {  	[sflag:s30] =	ssyncset.done $0x0  }
0x46f: {  	[sflag:s30] =	ssyncadd.s32 $0xFFFFFF80  }
0x470: {  	_ =	swait.ge [sflag:s30], $0x80  }
0x471: {  	[sflag:s30] =	ssyncset.done $0x0  }
0x472: {  	[sflag:s30] =	ssyncadd.s32 $0xFFFFFF80  }
0x473: {  	_ =	swait.ge [sflag:s30], $0x80  }
0x474: {  	[sflag:s30] =	ssyncset.done $0x0  }
0x475: {  	[sflag:s30] =	ssyncadd.s32 $0xFFFFFF80  }
0x476: {  	_ =	swait.ge [sflag:s30], $0x80  }
0x477: {  	[sflag:s30] =	ssyncset.done $0x0  }
0x478: {  	[sflag:s30] =	ssyncadd.s32 $0xFFFFFF80  }
0x479: {  	_ =	swait.ge [sflag:s30], $0x80  }
0x47a: {  	[sflag:s30] =	ssyncset.done $0x0  }
0x47b: {  	[sflag:s30] =	ssyncadd.s32 $0xFFFFFF80  }
0x47c: {  	s3 =	simm.s32 $0x0;
	v1 =	vld [tilespmem:$0x4500]  }
0x47d: {  	v4 =	vld [tilespmem:s3+$0x2400]  }
0x47e: {  	v6 =	vld [tilespmem:s3+$0x3400]  }
0x47f: {  	v2 =	vld [tilespmem:$0x4700];
	_ =	sdelay $0x2  }
0x480: {  	s14 =	simm.s32 $0x80;
	v3 =	vshll.u32 v4, $0x10  }
0x481: {  	v5 =	vshll.u32 v6, $0x10;
	v7 =	vadd.f32 v3, v1;
	v3 =	vld [tilespmem:s14+$0x2400]  }
0x482: {  	v9 =	vand.u32 $0xFFFF0000, v4;
	v4 =	vld [tilespmem:s14+$0x3400];
	v8 =	vadd.f32 v5, v2  }
0x483: {  	v10 =	vand.u32 $0xFFFF0000, v6;
	v5 =	vimm.f32 $0.0e+00  }
0x484: {  	s3 =	simm.s32 $0x400;
	v6 =	vmul.f32 v8, v7;
	v7 =	vadd.f32 v9, v1;
	v8 =	vadd.f32 v10, v2  }
.LBB2_46:
0x485: {  	p0 =	sne.s32 s3, $0x3E00  }
.Ltmp22:
0x486: {  	s14 =	sshra.s32 s3, $0x2;
	v9 =	vshll.u32 v3, $0x10;
	v5 =	vadd.f32 v6, v5;
	v6 =	vmul.f32 v8, v7;
	v7 =	vmovc v3;
	(pc) =	sbr.rel @p0 .LBB2_46-.Ltmp22, $4  }
0x487: {  	s3 =	sadd.s32 $0x200, s3;
	v3 =	vld [tilespmem:s14+$0x2400];
	v8 =	vshll.u32 v4, $0x10;
	v9 =	vadd.f32 v9, v1;
	v10 =	vmov v4  }
0x488: {  	v4 =	vld [tilespmem:s14+$0x3400];
	v8 =	vadd.f32 v8, v2;
	v5 =	vadd.f32 v5, v6  }
0x489: {  	v7 =	vand.u32 $0xFFFF0000, v7;
	v10 =	vand.u32 $0xFFFF0000, v10  }
0x48a: {  	v7 =	vadd.f32 v7, v1;
	v6 =	vmul.f32 v8, v9;
	v8 =	vadd.f32 v10, v2  }
0x48b: {  	_ = 	snop  }
0x48c: {  	v9 =	vshll.u32 v3, $0x10  }
0x48d: {  	v5 =	vadd.f32 v6, v5;
	v6 =	vmul.f32 v8, v7;
	v7 =	vshll.u32 v4, $0x10  }
0x48e: {  	v3 =	vand.u32 $0xFFFF0000, v3;
	v8 =	vadd.f32 v9, v1;
	v7 =	vadd.f32 v7, v2  }
0x48f: {  	v4 =	vand.u32 $0xFFFF0000, v4;
	v1 =	vadd.f32 v3, v1  }
0x490: {  	v5 =	vadd.f32 v5, v6;
	v2 =	vadd.f32 v4, v2;
	v6 =	vmul.f32 v7, v8;
	_ =	sdelay $0x1  }
0x491: {  	v1 =	vmul.f32 v2, v1;
	v3 =	vadd.f32 v6, v5;
	_ =	sdelay $0x1  }
0x492: {  	v1 =	vadd.f32 v3, v1;
	_ =	sdelay $0x1  }
0x493: {  	v1 =	vadd.f32 v1, v0;
	_ =	sdelay $0x1  }
0x494: {  	s3 =	simm.s32 $0x0;
	[tilespmem:$0x4900] =	vst v1;
	v1 =	vld [tilespmem:$0x4510]  }
0x495: {  	v4 =	vld [tilespmem:s3+$0x2410]  }
0x496: {  	v6 =	vld [tilespmem:s3+$0x3410]  }
0x497: {  	v2 =	vld [tilespmem:$0x4710];
	_ =	sdelay $0x2  }
0x498: {  	s14 =	simm.s32 $0x80;
	v3 =	vshll.u32 v4, $0x10  }
0x499: {  	v5 =	vshll.u32 v6, $0x10;
	v7 =	vadd.f32 v3, v1;
	v3 =	vld [tilespmem:s14+$0x2410]  }
0x49a: {  	v9 =	vand.u32 $0xFFFF0000, v4;
	v4 =	vld [tilespmem:s14+$0x3410];
	v8 =	vadd.f32 v5, v2  }
0x49b: {  	v10 =	vand.u32 $0xFFFF0000, v6;
	v5 =	vimm.f32 $0.0e+00  }
0x49c: {  	s3 =	simm.s32 $0x400;
	v6 =	vmul.f32 v8, v7;
	v7 =	vadd.f32 v9, v1;
	v8 =	vadd.f32 v10, v2  }
.LBB2_48:
0x49d: {  	p0 =	sne.s32 s3, $0x3E00  }
.Ltmp23:
0x49e: {  	s14 =	sshra.s32 s3, $0x2;
	v9 =	vshll.u32 v3, $0x10;
	v5 =	vadd.f32 v6, v5;
	v6 =	vmul.f32 v8, v7;
	v7 =	vmovc v3;
	(pc) =	sbr.rel @p0 .LBB2_48-.Ltmp23, $4  }
0x49f: {  	s3 =	sadd.s32 $0x200, s3;
	v3 =	vld [tilespmem:s14+$0x2410];
	v8 =	vshll.u32 v4, $0x10;
	v9 =	vadd.f32 v9, v1;
	v10 =	vmov v4  }
0x4a0: {  	v4 =	vld [tilespmem:s14+$0x3410];
	v8 =	vadd.f32 v8, v2;
	v5 =	vadd.f32 v5, v6  }
0x4a1: {  	v7 =	vand.u32 $0xFFFF0000, v7;
	v10 =	vand.u32 $0xFFFF0000, v10  }
0x4a2: {  	v7 =	vadd.f32 v7, v1;
	v6 =	vmul.f32 v8, v9;
	v8 =	vadd.f32 v10, v2  }
0x4a3: {  	_ = 	snop  }
0x4a4: {  	v9 =	vshll.u32 v3, $0x10  }
0x4a5: {  	v5 =	vadd.f32 v6, v5;
	v6 =	vmul.f32 v8, v7;
	v7 =	vshll.u32 v4, $0x10  }
0x4a6: {  	v3 =	vand.u32 $0xFFFF0000, v3;
	v8 =	vadd.f32 v9, v1;
	v7 =	vadd.f32 v7, v2  }
0x4a7: {  	v4 =	vand.u32 $0xFFFF0000, v4;
	v1 =	vadd.f32 v3, v1  }
0x4a8: {  	v5 =	vadd.f32 v5, v6;
	v2 =	vadd.f32 v4, v2;
	v6 =	vmul.f32 v7, v8;
	_ =	sdelay $0x1  }
0x4a9: {  	v1 =	vmul.f32 v2, v1;
	v3 =	vadd.f32 v6, v5;
	_ =	sdelay $0x1  }
0x4aa: {  	v1 =	vadd.f32 v3, v1;
	_ =	sdelay $0x1  }
0x4ab: {  	v1 =	vadd.f32 v1, v0;
	_ =	sdelay $0x1  }
0x4ac: {  	s3 =	simm.s32 $0x0;
	[tilespmem:$0x4910] =	vst v1;
	v1 =	vld [tilespmem:$0x4520]  }
0x4ad: {  	v4 =	vld [tilespmem:s3+$0x2420]  }
0x4ae: {  	v6 =	vld [tilespmem:s3+$0x3420]  }
0x4af: {  	v2 =	vld [tilespmem:$0x4720];
	_ =	sdelay $0x2  }
0x4b0: {  	s14 =	simm.s32 $0x80;
	v3 =	vshll.u32 v4, $0x10  }
0x4b1: {  	v5 =	vshll.u32 v6, $0x10;
	v7 =	vadd.f32 v3, v1;
	v3 =	vld [tilespmem:s14+$0x2420]  }
0x4b2: {  	v9 =	vand.u32 $0xFFFF0000, v4;
	v4 =	vld [tilespmem:s14+$0x3420];
	v8 =	vadd.f32 v5, v2  }
0x4b3: {  	v10 =	vand.u32 $0xFFFF0000, v6;
	v5 =	vimm.f32 $0.0e+00  }
0x4b4: {  	s3 =	simm.s32 $0x400;
	v6 =	vmul.f32 v8, v7;
	v7 =	vadd.f32 v9, v1;
	v8 =	vadd.f32 v10, v2  }
.LBB2_50:
0x4b5: {  	p0 =	sne.s32 s3, $0x3E00  }
.Ltmp24:
0x4b6: {  	s14 =	sshra.s32 s3, $0x2;
	v9 =	vshll.u32 v3, $0x10;
	v5 =	vadd.f32 v6, v5;
	v6 =	vmul.f32 v8, v7;
	v7 =	vmovc v3;
	(pc) =	sbr.rel @p0 .LBB2_50-.Ltmp24, $4  }
0x4b7: {  	s3 =	sadd.s32 $0x200, s3;
	v3 =	vld [tilespmem:s14+$0x2420];
	v8 =	vshll.u32 v4, $0x10;
	v9 =	vadd.f32 v9, v1;
	v10 =	vmov v4  }
0x4b8: {  	v4 =	vld [tilespmem:s14+$0x3420];
	v8 =	vadd.f32 v8, v2;
	v5 =	vadd.f32 v5, v6  }
0x4b9: {  	v7 =	vand.u32 $0xFFFF0000, v7;
	v10 =	vand.u32 $0xFFFF0000, v10  }
0x4ba: {  	v7 =	vadd.f32 v7, v1;
	v6 =	vmul.f32 v8, v9;
	v8 =	vadd.f32 v10, v2  }
0x4bb: {  	_ = 	snop  }
0x4bc: {  	v9 =	vshll.u32 v3, $0x10  }
0x4bd: {  	v5 =	vadd.f32 v6, v5;
	v6 =	vmul.f32 v8, v7;
	v7 =	vshll.u32 v4, $0x10  }
0x4be: {  	v3 =	vand.u32 $0xFFFF0000, v3;
	v8 =	vadd.f32 v9, v1;
	v7 =	vadd.f32 v7, v2  }
0x4bf: {  	v4 =	vand.u32 $0xFFFF0000, v4;
	v1 =	vadd.f32 v3, v1  }
0x4c0: {  	v5 =	vadd.f32 v5, v6;
	v2 =	vadd.f32 v4, v2;
	v6 =	vmul.f32 v7, v8;
	_ =	sdelay $0x1  }
0x4c1: {  	v1 =	vmul.f32 v2, v1;
	v3 =	vadd.f32 v6, v5;
	_ =	sdelay $0x1  }
0x4c2: {  	v1 =	vadd.f32 v3, v1;
	_ =	sdelay $0x1  }
0x4c3: {  	v1 =	vadd.f32 v1, v0;
	_ =	sdelay $0x1  }
0x4c4: {  	s3 =	simm.s32 $0x0;
	[tilespmem:$0x4920] =	vst v1;
	v1 =	vld [tilespmem:$0x4530]  }
0x4c5: {  	v4 =	vld [tilespmem:s3+$0x2430]  }
0x4c6: {  	v6 =	vld [tilespmem:s3+$0x3430]  }
0x4c7: {  	v2 =	vld [tilespmem:$0x4730];
	_ =	sdelay $0x2  }
0x4c8: {  	s14 =	simm.s32 $0x80;
	v3 =	vshll.u32 v4, $0x10  }
0x4c9: {  	v5 =	vshll.u32 v6, $0x10;
	v7 =	vadd.f32 v3, v1;
	v3 =	vld [tilespmem:s14+$0x2430]  }
0x4ca: {  	v9 =	vand.u32 $0xFFFF0000, v4;
	v4 =	vld [tilespmem:s14+$0x3430];
	v8 =	vadd.f32 v5, v2  }
0x4cb: {  	v10 =	vand.u32 $0xFFFF0000, v6;
	v5 =	vimm.f32 $0.0e+00  }
0x4cc: {  	s3 =	simm.s32 $0x400;
	v6 =	vmul.f32 v8, v7;
	v7 =	vadd.f32 v9, v1;
	v8 =	vadd.f32 v10, v2  }
.LBB2_52:
0x4cd: {  	p0 =	sne.s32 s3, $0x3E00  }
.Ltmp25:
0x4ce: {  	s14 =	sshra.s32 s3, $0x2;
	v9 =	vshll.u32 v3, $0x10;
	v5 =	vadd.f32 v6, v5;
	v6 =	vmul.f32 v8, v7;
	v7 =	vmovc v3;
	(pc) =	sbr.rel @p0 .LBB2_52-.Ltmp25, $4  }
0x4cf: {  	s3 =	sadd.s32 $0x200, s3;
	v3 =	vld [tilespmem:s14+$0x2430];
	v8 =	vshll.u32 v4, $0x10;
	v9 =	vadd.f32 v9, v1;
	v10 =	vmov v4  }
0x4d0: {  	v4 =	vld [tilespmem:s14+$0x3430];
	v8 =	vadd.f32 v8, v2;
	v5 =	vadd.f32 v5, v6  }
0x4d1: {  	v7 =	vand.u32 $0xFFFF0000, v7;
	v10 =	vand.u32 $0xFFFF0000, v10  }
0x4d2: {  	v7 =	vadd.f32 v7, v1;
	v6 =	vmul.f32 v8, v9;
	v8 =	vadd.f32 v10, v2  }
0x4d3: {  	_ = 	snop  }
0x4d4: {  	v9 =	vshll.u32 v3, $0x10  }
0x4d5: {  	v5 =	vadd.f32 v6, v5;
	v6 =	vmul.f32 v8, v7;
	v7 =	vshll.u32 v4, $0x10  }
0x4d6: {  	v3 =	vand.u32 $0xFFFF0000, v3;
	v8 =	vadd.f32 v9, v1;
	v7 =	vadd.f32 v7, v2  }
0x4d7: {  	v4 =	vand.u32 $0xFFFF0000, v4;
	v1 =	vadd.f32 v3, v1  }
0x4d8: {  	v5 =	vadd.f32 v5, v6;
	v2 =	vadd.f32 v4, v2;
	v6 =	vmul.f32 v7, v8;
	_ =	sdelay $0x1  }
0x4d9: {  	v1 =	vmul.f32 v2, v1;
	v3 =	vadd.f32 v6, v5;
	_ =	sdelay $0x1  }
0x4da: {  	v1 =	vadd.f32 v3, v1;
	_ =	sdelay $0x1  }
0x4db: {  	v1 =	vadd.f32 v1, v0;
	_ =	sdelay $0x1  }
0x4dc: {  	s3 =	simm.s32 $0x0;
	[tilespmem:$0x4930] =	vst v1;
	v1 =	vld [tilespmem:$0x4540]  }
0x4dd: {  	v4 =	vld [tilespmem:s3+$0x2440]  }
0x4de: {  	v6 =	vld [tilespmem:s3+$0x3440]  }
0x4df: {  	v2 =	vld [tilespmem:$0x4740];
	_ =	sdelay $0x2  }
0x4e0: {  	s14 =	simm.s32 $0x80;
	v3 =	vshll.u32 v4, $0x10  }
0x4e1: {  	v5 =	vshll.u32 v6, $0x10;
	v7 =	vadd.f32 v3, v1;
	v3 =	vld [tilespmem:s14+$0x2440]  }
0x4e2: {  	v9 =	vand.u32 $0xFFFF0000, v4;
	v4 =	vld [tilespmem:s14+$0x3440];
	v8 =	vadd.f32 v5, v2  }
0x4e3: {  	v10 =	vand.u32 $0xFFFF0000, v6;
	v5 =	vimm.f32 $0.0e+00  }
0x4e4: {  	s3 =	simm.s32 $0x400;
	v6 =	vmul.f32 v8, v7;
	v7 =	vadd.f32 v9, v1;
	v8 =	vadd.f32 v10, v2  }
.LBB2_54:
0x4e5: {  	p0 =	sne.s32 s3, $0x3E00  }
.Ltmp26:
0x4e6: {  	s14 =	sshra.s32 s3, $0x2;
	v9 =	vshll.u32 v3, $0x10;
	v5 =	vadd.f32 v6, v5;
	v6 =	vmul.f32 v8, v7;
	v7 =	vmovc v3;
	(pc) =	sbr.rel @p0 .LBB2_54-.Ltmp26, $4  }
0x4e7: {  	s3 =	sadd.s32 $0x200, s3;
	v3 =	vld [tilespmem:s14+$0x2440];
	v8 =	vshll.u32 v4, $0x10;
	v9 =	vadd.f32 v9, v1;
	v10 =	vmov v4  }
0x4e8: {  	v4 =	vld [tilespmem:s14+$0x3440];
	v8 =	vadd.f32 v8, v2;
	v5 =	vadd.f32 v5, v6  }
0x4e9: {  	v7 =	vand.u32 $0xFFFF0000, v7;
	v10 =	vand.u32 $0xFFFF0000, v10  }
0x4ea: {  	v7 =	vadd.f32 v7, v1;
	v6 =	vmul.f32 v8, v9;
	v8 =	vadd.f32 v10, v2  }
0x4eb: {  	_ = 	snop  }
0x4ec: {  	v9 =	vshll.u32 v3, $0x10  }
0x4ed: {  	v5 =	vadd.f32 v6, v5;
	v6 =	vmul.f32 v8, v7;
	v7 =	vshll.u32 v4, $0x10  }
0x4ee: {  	v3 =	vand.u32 $0xFFFF0000, v3;
	v8 =	vadd.f32 v9, v1;
	v7 =	vadd.f32 v7, v2  }
0x4ef: {  	v4 =	vand.u32 $0xFFFF0000, v4;
	v1 =	vadd.f32 v3, v1  }
0x4f0: {  	v5 =	vadd.f32 v5, v6;
	v2 =	vadd.f32 v4, v2;
	v6 =	vmul.f32 v7, v8;
	_ =	sdelay $0x1  }
0x4f1: {  	v1 =	vmul.f32 v2, v1;
	v3 =	vadd.f32 v6, v5;
	_ =	sdelay $0x1  }
0x4f2: {  	v1 =	vadd.f32 v3, v1;
	_ =	sdelay $0x1  }
0x4f3: {  	v1 =	vadd.f32 v1, v0;
	_ =	sdelay $0x1  }
0x4f4: {  	s3 =	simm.s32 $0x0;
	[tilespmem:$0x4940] =	vst v1;
	v1 =	vld [tilespmem:$0x4550]  }
0x4f5: {  	v4 =	vld [tilespmem:s3+$0x2450]  }
0x4f6: {  	v6 =	vld [tilespmem:s3+$0x3450]  }
0x4f7: {  	v2 =	vld [tilespmem:$0x4750];
	_ =	sdelay $0x2  }
0x4f8: {  	s14 =	simm.s32 $0x80;
	v3 =	vshll.u32 v4, $0x10  }
0x4f9: {  	v5 =	vshll.u32 v6, $0x10;
	v7 =	vadd.f32 v3, v1;
	v3 =	vld [tilespmem:s14+$0x2450]  }
0x4fa: {  	v9 =	vand.u32 $0xFFFF0000, v4;
	v4 =	vld [tilespmem:s14+$0x3450];
	v8 =	vadd.f32 v5, v2  }
0x4fb: {  	v10 =	vand.u32 $0xFFFF0000, v6;
	v5 =	vimm.f32 $0.0e+00  }
0x4fc: {  	s3 =	simm.s32 $0x400;
	v6 =	vmul.f32 v8, v7;
	v7 =	vadd.f32 v9, v1;
	v8 =	vadd.f32 v10, v2  }
.LBB2_56:
0x4fd: {  	p0 =	sne.s32 s3, $0x3E00  }
.Ltmp27:
0x4fe: {  	s14 =	sshra.s32 s3, $0x2;
	v9 =	vshll.u32 v3, $0x10;
	v5 =	vadd.f32 v6, v5;
	v6 =	vmul.f32 v8, v7;
	v7 =	vmovc v3;
	(pc) =	sbr.rel @p0 .LBB2_56-.Ltmp27, $4  }
0x4ff: {  	s3 =	sadd.s32 $0x200, s3;
	v3 =	vld [tilespmem:s14+$0x2450];
	v8 =	vshll.u32 v4, $0x10;
	v9 =	vadd.f32 v9, v1;
	v10 =	vmov v4  }
0x500: {  	v4 =	vld [tilespmem:s14+$0x3450];
	v8 =	vadd.f32 v8, v2;
	v5 =	vadd.f32 v5, v6  }
0x501: {  	v7 =	vand.u32 $0xFFFF0000, v7;
	v10 =	vand.u32 $0xFFFF0000, v10  }
0x502: {  	v7 =	vadd.f32 v7, v1;
	v6 =	vmul.f32 v8, v9;
	v8 =	vadd.f32 v10, v2  }
0x503: {  	_ = 	snop  }
0x504: {  	v9 =	vshll.u32 v3, $0x10  }
0x505: {  	v5 =	vadd.f32 v6, v5;
	v6 =	vmul.f32 v8, v7;
	v7 =	vshll.u32 v4, $0x10  }
0x506: {  	v3 =	vand.u32 $0xFFFF0000, v3;
	v8 =	vadd.f32 v9, v1;
	v7 =	vadd.f32 v7, v2  }
0x507: {  	v4 =	vand.u32 $0xFFFF0000, v4;
	v1 =	vadd.f32 v3, v1  }
0x508: {  	v5 =	vadd.f32 v5, v6;
	v2 =	vadd.f32 v4, v2;
	v6 =	vmul.f32 v7, v8;
	_ =	sdelay $0x1  }
0x509: {  	v1 =	vmul.f32 v2, v1;
	v3 =	vadd.f32 v6, v5;
	_ =	sdelay $0x1  }
0x50a: {  	v1 =	vadd.f32 v3, v1;
	_ =	sdelay $0x1  }
0x50b: {  	v1 =	vadd.f32 v1, v0;
	_ =	sdelay $0x1  }
0x50c: {  	s3 =	simm.s32 $0x0;
	[tilespmem:$0x4950] =	vst v1;
	v1 =	vld [tilespmem:$0x4560]  }
0x50d: {  	v4 =	vld [tilespmem:s3+$0x2460]  }
0x50e: {  	v6 =	vld [tilespmem:s3+$0x3460]  }
0x50f: {  	v2 =	vld [tilespmem:$0x4760];
	_ =	sdelay $0x2  }
0x510: {  	s14 =	simm.s32 $0x80;
	v3 =	vshll.u32 v4, $0x10  }
0x511: {  	v5 =	vshll.u32 v6, $0x10;
	v7 =	vadd.f32 v3, v1;
	v3 =	vld [tilespmem:s14+$0x2460]  }
0x512: {  	v9 =	vand.u32 $0xFFFF0000, v4;
	v4 =	vld [tilespmem:s14+$0x3460];
	v8 =	vadd.f32 v5, v2  }
0x513: {  	v10 =	vand.u32 $0xFFFF0000, v6;
	v5 =	vimm.f32 $0.0e+00  }
0x514: {  	s3 =	simm.s32 $0x400;
	v6 =	vmul.f32 v8, v7;
	v7 =	vadd.f32 v9, v1;
	v8 =	vadd.f32 v10, v2  }
.LBB2_58:
0x515: {  	p0 =	sne.s32 s3, $0x3E00  }
.Ltmp28:
0x516: {  	s14 =	sshra.s32 s3, $0x2;
	v9 =	vshll.u32 v3, $0x10;
	v5 =	vadd.f32 v6, v5;
	v6 =	vmul.f32 v8, v7;
	v7 =	vmovc v3;
	(pc) =	sbr.rel @p0 .LBB2_58-.Ltmp28, $4  }
0x517: {  	s3 =	sadd.s32 $0x200, s3;
	v3 =	vld [tilespmem:s14+$0x2460];
	v8 =	vshll.u32 v4, $0x10;
	v9 =	vadd.f32 v9, v1;
	v10 =	vmov v4  }
0x518: {  	v4 =	vld [tilespmem:s14+$0x3460];
	v8 =	vadd.f32 v8, v2;
	v5 =	vadd.f32 v5, v6  }
0x519: {  	v7 =	vand.u32 $0xFFFF0000, v7;
	v10 =	vand.u32 $0xFFFF0000, v10  }
0x51a: {  	v7 =	vadd.f32 v7, v1;
	v6 =	vmul.f32 v8, v9;
	v8 =	vadd.f32 v10, v2  }
0x51b: {  	_ = 	snop  }
0x51c: {  	v9 =	vshll.u32 v3, $0x10  }
0x51d: {  	v5 =	vadd.f32 v6, v5;
	v6 =	vmul.f32 v8, v7;
	v7 =	vshll.u32 v4, $0x10  }
0x51e: {  	v3 =	vand.u32 $0xFFFF0000, v3;
	v8 =	vadd.f32 v9, v1;
	v7 =	vadd.f32 v7, v2  }
0x51f: {  	v4 =	vand.u32 $0xFFFF0000, v4;
	v1 =	vadd.f32 v3, v1  }
0x520: {  	v5 =	vadd.f32 v5, v6;
	v2 =	vadd.f32 v4, v2;
	v6 =	vmul.f32 v7, v8;
	_ =	sdelay $0x1  }
0x521: {  	v1 =	vmul.f32 v2, v1;
	v3 =	vadd.f32 v6, v5;
	_ =	sdelay $0x1  }
0x522: {  	v1 =	vadd.f32 v3, v1;
	_ =	sdelay $0x1  }
0x523: {  	v1 =	vadd.f32 v1, v0;
	_ =	sdelay $0x1  }
0x524: {  	s3 =	simm.s32 $0x0;
	[tilespmem:$0x4960] =	vst v1;
	v1 =	vld [tilespmem:$0x4570]  }
0x525: {  	v4 =	vld [tilespmem:s3+$0x2470]  }
0x526: {  	v6 =	vld [tilespmem:s3+$0x3470]  }
0x527: {  	v2 =	vld [tilespmem:$0x4770];
	_ =	sdelay $0x2  }
0x528: {  	s14 =	simm.s32 $0x80;
	v3 =	vshll.u32 v4, $0x10  }
0x529: {  	v5 =	vshll.u32 v6, $0x10;
	v7 =	vadd.f32 v3, v1;
	v3 =	vld [tilespmem:s14+$0x2470]  }
0x52a: {  	v9 =	vand.u32 $0xFFFF0000, v4;
	v4 =	vld [tilespmem:s14+$0x3470];
	v8 =	vadd.f32 v5, v2  }
0x52b: {  	v10 =	vand.u32 $0xFFFF0000, v6;
	v5 =	vimm.f32 $0.0e+00  }
0x52c: {  	s3 =	simm.s32 $0x400;
	v6 =	vmul.f32 v8, v7;
	v7 =	vadd.f32 v9, v1;
	v8 =	vadd.f32 v10, v2  }
.LBB2_60:
0x52d: {  	p0 =	sne.s32 s3, $0x3E00  }
.Ltmp29:
0x52e: {  	s14 =	sshra.s32 s3, $0x2;
	v9 =	vshll.u32 v3, $0x10;
	v5 =	vadd.f32 v6, v5;
	v6 =	vmul.f32 v8, v7;
	v7 =	vmovc v3;
	(pc) =	sbr.rel @p0 .LBB2_60-.Ltmp29, $4  }
0x52f: {  	s3 =	sadd.s32 $0x200, s3;
	v3 =	vld [tilespmem:s14+$0x2470];
	v8 =	vshll.u32 v4, $0x10;
	v9 =	vadd.f32 v9, v1;
	v10 =	vmov v4  }
0x530: {  	v4 =	vld [tilespmem:s14+$0x3470];
	v8 =	vadd.f32 v8, v2;
	v5 =	vadd.f32 v5, v6  }
0x531: {  	v7 =	vand.u32 $0xFFFF0000, v7;
	v10 =	vand.u32 $0xFFFF0000, v10  }
0x532: {  	v7 =	vadd.f32 v7, v1;
	v6 =	vmul.f32 v8, v9;
	v8 =	vadd.f32 v10, v2  }
0x533: {  	_ = 	snop  }
0x534: {  	v9 =	vshll.u32 v3, $0x10  }
0x535: {  	v5 =	vadd.f32 v6, v5;
	v58 =	vmul.f32 v8, v7;
	v59 =	vshll.u32 v4, $0x10  }
0x536: {  	v3 =	vand.u32 $0xFFFF0000, v3;
	v60 =	vadd.f32 v9, v1;
	v7 =	vadd.f32 v59, v2  }
0x537: {  	v61 =	vand.u32 $0xFFFF0000, v4;
	v1 =	vadd.f32 v3, v1  }
0x538: {  	v5 =	vadd.f32 v5, v58;
	v2 =	vadd.f32 v61, v2;
	v62 =	vmul.f32 v7, v60  }
0x539: {  	v3 =	vld [tilespmem:$0x180]  }
0x53a: {  	v1 =	vmul.f32 v2, v1;
	v63 =	vadd.f32 v62, v5;
	_ =	sdelay $0x1  }
0x53b: {  	s3 =	simm.s32 $0x0;
	v1 =	vadd.f32 v63, v1  }
0x53c: {  	s14 =	sand.u32 $0x1800000, s3;
	s16 =	sand.u32 $0xE0000, s3  }
0x53d: {  	s17 =	sor.u32 s16, s14;
	v2 =	vshll.u32 v3, $0x3;
	v3 =	vand.u32 $0x1FFFF, v3;
	v1 =	vadd.f32 v1, v0  }
0x53e: {  	v2 =	vand.u32 $0xFFF00000, v2;
	v3 =	vor.u32 s17, v3  }
0x53f: {  	s14 =	simm.s32 $0x440;
	[tilespmem:$0x4970] =	vst v1;
	v1 =	vadd.s32 v2, v3  }
0x540: {  	[tilespmem:s14+$0xFFFFFFC0] =	vst v1  }
0x541: {  	v1 =	vld [tilespmem:$0x380];
	_ =	sdelay $0x4  }
0x542: {  	v2 =	vshll.u32 v1, $0x3;
	v1 =	vand.u32 $0x1FFFF, v1  }
0x543: {  	v2 =	vand.u32 $0xFFF00000, v2;
	v1 =	vor.u32 s17, v1  }
0x544: {  	s16 =	simm.s32 $0x1440;
	v1 =	vadd.s32 v2, v1  }
0x545: {  	[tilespmem:s16+$0xFFFFFFC0] =	vst v1  }
0x546: {  	v1 =	vld [tilespmem:$0x190];
	_ =	sdelay $0x4  }
0x547: {  	v2 =	vshll.u32 v1, $0x3;
	v1 =	vand.u32 $0x1FFFF, v1  }
0x548: {  	v2 =	vand.u32 $0xFFF00000, v2;
	v1 =	vor.u32 s17, v1  }
0x549: {  	v1 =	vadd.s32 v2, v1  }
0x54a: {  	[tilespmem:s14+$0xFFFFFFD0] =	vst v1  }
0x54b: {  	v1 =	vld [tilespmem:$0x390];
	_ =	sdelay $0x4  }
0x54c: {  	v2 =	vshll.u32 v1, $0x3;
	v1 =	vand.u32 $0x1FFFF, v1  }
0x54d: {  	v2 =	vand.u32 $0xFFF00000, v2;
	v1 =	vor.u32 s17, v1  }
0x54e: {  	v1 =	vadd.s32 v2, v1  }
0x54f: {  	[tilespmem:s16+$0xFFFFFFD0] =	vst v1  }
0x550: {  	v1 =	vld [tilespmem:$0x1A0];
	_ =	sdelay $0x4  }
0x551: {  	v2 =	vshll.u32 v1, $0x3;
	v1 =	vand.u32 $0x1FFFF, v1  }
0x552: {  	v2 =	vand.u32 $0xFFF00000, v2;
	v1 =	vor.u32 s17, v1  }
0x553: {  	v1 =	vadd.s32 v2, v1  }
0x554: {  	[tilespmem:s14+$0xFFFFFFE0] =	vst v1  }
0x555: {  	v1 =	vld [tilespmem:$0x3A0];
	_ =	sdelay $0x4  }
0x556: {  	v2 =	vshll.u32 v1, $0x3;
	v1 =	vand.u32 $0x1FFFF, v1  }
0x557: {  	v2 =	vand.u32 $0xFFF00000, v2;
	v1 =	vor.u32 s17, v1  }
0x558: {  	v1 =	vadd.s32 v2, v1  }
0x559: {  	[tilespmem:s16+$0xFFFFFFE0] =	vst v1  }
0x55a: {  	v1 =	vld [tilespmem:$0x1B0];
	_ =	sdelay $0x4  }
0x55b: {  	v2 =	vshll.u32 v1, $0x3;
	v1 =	vand.u32 $0x1FFFF, v1  }
0x55c: {  	v2 =	vand.u32 $0xFFF00000, v2;
	v1 =	vor.u32 s17, v1  }
0x55d: {  	v1 =	vadd.s32 v2, v1  }
0x55e: {  	[tilespmem:s14+$0xFFFFFFF0] =	vst v1  }
0x55f: {  	v1 =	vld [tilespmem:$0x3B0];
	_ =	sdelay $0x4  }
0x560: {  	v2 =	vshll.u32 v1, $0x3;
	v1 =	vand.u32 $0x1FFFF, v1  }
0x561: {  	v2 =	vand.u32 $0xFFF00000, v2;
	v1 =	vor.u32 s17, v1  }
0x562: {  	v1 =	vadd.s32 v2, v1  }
0x563: {  	[tilespmem:s16+$0xFFFFFFF0] =	vst v1  }
0x564: {  	v1 =	vld [tilespmem:$0x1C0];
	_ =	sdelay $0x4  }
0x565: {  	v2 =	vshll.u32 v1, $0x3;
	v1 =	vand.u32 $0x1FFFF, v1  }
0x566: {  	v2 =	vand.u32 $0xFFF00000, v2;
	v1 =	vor.u32 s17, v1  }
0x567: {  	v1 =	vadd.s32 v2, v1  }
0x568: {  	[tilespmem:s14+$0x0] =	vst v1  }
0x569: {  	v1 =	vld [tilespmem:$0x3C0];
	_ =	sdelay $0x4  }
0x56a: {  	v2 =	vshll.u32 v1, $0x3;
	v1 =	vand.u32 $0x1FFFF, v1  }
0x56b: {  	v2 =	vand.u32 $0xFFF00000, v2;
	v1 =	vor.u32 s17, v1  }
0x56c: {  	v1 =	vadd.s32 v2, v1  }
0x56d: {  	[tilespmem:s16+$0x0] =	vst v1  }
0x56e: {  	v1 =	vld [tilespmem:$0x1D0];
	_ =	sdelay $0x4  }
0x56f: {  	v2 =	vshll.u32 v1, $0x3;
	v1 =	vand.u32 $0x1FFFF, v1  }
0x570: {  	v2 =	vand.u32 $0xFFF00000, v2;
	v1 =	vor.u32 s17, v1  }
0x571: {  	v1 =	vadd.s32 v2, v1  }
0x572: {  	[tilespmem:s14+$0x10] =	vst v1  }
0x573: {  	v1 =	vld [tilespmem:$0x3D0];
	_ =	sdelay $0x4  }
0x574: {  	v2 =	vshll.u32 v1, $0x3;
	v1 =	vand.u32 $0x1FFFF, v1  }
0x575: {  	v2 =	vand.u32 $0xFFF00000, v2;
	v1 =	vor.u32 s17, v1  }
0x576: {  	v1 =	vadd.s32 v2, v1  }
0x577: {  	[tilespmem:s16+$0x10] =	vst v1  }
0x578: {  	v1 =	vld [tilespmem:$0x1E0];
	_ =	sdelay $0x4  }
0x579: {  	v2 =	vshll.u32 v1, $0x3;
	v1 =	vand.u32 $0x1FFFF, v1  }
0x57a: {  	v2 =	vand.u32 $0xFFF00000, v2;
	v1 =	vor.u32 s17, v1  }
0x57b: {  	v1 =	vadd.s32 v2, v1  }
0x57c: {  	[tilespmem:s14+$0x20] =	vst v1  }
0x57d: {  	v1 =	vld [tilespmem:$0x3E0];
	_ =	sdelay $0x4  }
0x57e: {  	v2 =	vshll.u32 v1, $0x3;
	v1 =	vand.u32 $0x1FFFF, v1  }
0x57f: {  	v2 =	vand.u32 $0xFFF00000, v2;
	v1 =	vor.u32 s17, v1  }
0x580: {  	v1 =	vadd.s32 v2, v1  }
0x581: {  	[tilespmem:s16+$0x20] =	vst v1  }
0x582: {  	v1 =	vld [tilespmem:$0x1F0];
	_ =	sdelay $0x4  }
0x583: {  	v2 =	vshll.u32 v1, $0x3;
	v1 =	vand.u32 $0x1FFFF, v1  }
0x584: {  	v2 =	vand.u32 $0xFFF00000, v2;
	v1 =	vor.u32 s17, v1  }
0x585: {  	v1 =	vadd.s32 v2, v1  }
0x586: {  	[tilespmem:s14+$0x30] =	vst v1  }
0x587: {  	v1 =	vld [tilespmem:$0x3F0];
	_ =	sdelay $0x4  }
0x588: {  	v2 =	vshll.u32 v1, $0x3;
	v1 =	vand.u32 $0x1FFFF, v1  }
0x589: {  	v2 =	vand.u32 $0xFFF00000, v2;
	v1 =	vor.u32 s17, v1  }
0x58a: {  	s17 =	simm.s32 $0x100000;
	v1 =	vadd.s32 v2, v1  }
.LBB2_62:
0x58b: {  	[tilespmem:s16+$0x30] =	vst v1;
	s3 =	sadd.s32 $0x20000, s3;
	s16 =	sadd.s32 $0x80, s16;
	s14 =	sadd.s32 $0x80, s14  }
0x58c: {  	p0 =	sne.s32 s17, $0x1F00000;
	s18 =	smov.u32 s17;
	s17 =	sadd.s32 $0x100000, s17;
	v1 =	vld [tilespmem:$0x180]  }
0x58d: {  	_ =	sdelay $0x2  }
0x58e: {  	s18 =	sand.u32 $0x1800000, s18;
	s19 =	sand.u32 $0xE0000, s3  }
0x58f: {  	s18 =	sor.u32 s19, s18;
	v2 =	vshll.u32 v1, $0x3;
	v1 =	vand.u32 $0x1FFFF, v1  }
0x590: {  	v2 =	vand.u32 $0xFFF00000, v2;
	v1 =	vor.u32 s18, v1  }
0x591: {  	v1 =	vadd.s32 v2, v1  }
0x592: {  	[tilespmem:s14+$0xFFFFFFC0] =	vst v1  }
0x593: {  	v1 =	vld [tilespmem:$0x380];
	_ =	sdelay $0x4  }
0x594: {  	v2 =	vshll.u32 v1, $0x3;
	v1 =	vand.u32 $0x1FFFF, v1  }
0x595: {  	v2 =	vand.u32 $0xFFF00000, v2;
	v1 =	vor.u32 s18, v1  }
0x596: {  	v1 =	vadd.s32 v2, v1  }
0x597: {  	[tilespmem:s16+$0xFFFFFFC0] =	vst v1  }
0x598: {  	v1 =	vld [tilespmem:$0x190];
	_ =	sdelay $0x4  }
0x599: {  	v2 =	vshll.u32 v1, $0x3;
	v1 =	vand.u32 $0x1FFFF, v1  }
0x59a: {  	v2 =	vand.u32 $0xFFF00000, v2;
	v1 =	vor.u32 s18, v1  }
0x59b: {  	v1 =	vadd.s32 v2, v1  }
0x59c: {  	[tilespmem:s14+$0xFFFFFFD0] =	vst v1  }
0x59d: {  	v1 =	vld [tilespmem:$0x390];
	_ =	sdelay $0x4  }
0x59e: {  	v2 =	vshll.u32 v1, $0x3;
	v1 =	vand.u32 $0x1FFFF, v1  }
0x59f: {  	v2 =	vand.u32 $0xFFF00000, v2;
	v1 =	vor.u32 s18, v1  }
0x5a0: {  	v1 =	vadd.s32 v2, v1  }
0x5a1: {  	[tilespmem:s16+$0xFFFFFFD0] =	vst v1  }
0x5a2: {  	v1 =	vld [tilespmem:$0x1A0];
	_ =	sdelay $0x4  }
0x5a3: {  	v2 =	vshll.u32 v1, $0x3;
	v1 =	vand.u32 $0x1FFFF, v1  }
0x5a4: {  	v2 =	vand.u32 $0xFFF00000, v2;
	v1 =	vor.u32 s18, v1  }
0x5a5: {  	v1 =	vadd.s32 v2, v1  }
0x5a6: {  	[tilespmem:s14+$0xFFFFFFE0] =	vst v1  }
0x5a7: {  	v1 =	vld [tilespmem:$0x3A0];
	_ =	sdelay $0x4  }
0x5a8: {  	v2 =	vshll.u32 v1, $0x3;
	v1 =	vand.u32 $0x1FFFF, v1  }
0x5a9: {  	v2 =	vand.u32 $0xFFF00000, v2;
	v1 =	vor.u32 s18, v1  }
0x5aa: {  	v1 =	vadd.s32 v2, v1  }
0x5ab: {  	[tilespmem:s16+$0xFFFFFFE0] =	vst v1  }
0x5ac: {  	v1 =	vld [tilespmem:$0x1B0];
	_ =	sdelay $0x4  }
0x5ad: {  	v2 =	vshll.u32 v1, $0x3;
	v1 =	vand.u32 $0x1FFFF, v1  }
0x5ae: {  	v2 =	vand.u32 $0xFFF00000, v2;
	v1 =	vor.u32 s18, v1  }
0x5af: {  	v1 =	vadd.s32 v2, v1  }
0x5b0: {  	[tilespmem:s14+$0xFFFFFFF0] =	vst v1  }
0x5b1: {  	v1 =	vld [tilespmem:$0x3B0];
	_ =	sdelay $0x4  }
0x5b2: {  	v2 =	vshll.u32 v1, $0x3;
	v1 =	vand.u32 $0x1FFFF, v1  }
0x5b3: {  	v2 =	vand.u32 $0xFFF00000, v2;
	v1 =	vor.u32 s18, v1  }
0x5b4: {  	v1 =	vadd.s32 v2, v1  }
0x5b5: {  	[tilespmem:s16+$0xFFFFFFF0] =	vst v1  }
0x5b6: {  	v1 =	vld [tilespmem:$0x1C0];
	_ =	sdelay $0x4  }
0x5b7: {  	v2 =	vshll.u32 v1, $0x3;
	v1 =	vand.u32 $0x1FFFF, v1  }
0x5b8: {  	v2 =	vand.u32 $0xFFF00000, v2;
	v1 =	vor.u32 s18, v1  }
0x5b9: {  	v1 =	vadd.s32 v2, v1  }
0x5ba: {  	[tilespmem:s14+$0x0] =	vst v1  }
0x5bb: {  	v1 =	vld [tilespmem:$0x3C0];
	_ =	sdelay $0x4  }
0x5bc: {  	v2 =	vshll.u32 v1, $0x3;
	v1 =	vand.u32 $0x1FFFF, v1  }
0x5bd: {  	v2 =	vand.u32 $0xFFF00000, v2;
	v1 =	vor.u32 s18, v1  }
0x5be: {  	v1 =	vadd.s32 v2, v1  }
0x5bf: {  	[tilespmem:s16+$0x0] =	vst v1  }
0x5c0: {  	v1 =	vld [tilespmem:$0x1D0];
	_ =	sdelay $0x4  }
0x5c1: {  	v2 =	vshll.u32 v1, $0x3;
	v1 =	vand.u32 $0x1FFFF, v1  }
0x5c2: {  	v2 =	vand.u32 $0xFFF00000, v2;
	v1 =	vor.u32 s18, v1  }
0x5c3: {  	v1 =	vadd.s32 v2, v1  }
0x5c4: {  	[tilespmem:s14+$0x10] =	vst v1  }
0x5c5: {  	v1 =	vld [tilespmem:$0x3D0];
	_ =	sdelay $0x4  }
0x5c6: {  	v2 =	vshll.u32 v1, $0x3;
	v1 =	vand.u32 $0x1FFFF, v1  }
0x5c7: {  	v2 =	vand.u32 $0xFFF00000, v2;
	v1 =	vor.u32 s18, v1  }
0x5c8: {  	v1 =	vadd.s32 v2, v1  }
0x5c9: {  	[tilespmem:s16+$0x10] =	vst v1  }
0x5ca: {  	v1 =	vld [tilespmem:$0x1E0];
	_ =	sdelay $0x4  }
0x5cb: {  	v2 =	vshll.u32 v1, $0x3;
	v1 =	vand.u32 $0x1FFFF, v1  }
0x5cc: {  	v2 =	vand.u32 $0xFFF00000, v2;
	v1 =	vor.u32 s18, v1  }
0x5cd: {  	v1 =	vadd.s32 v2, v1  }
0x5ce: {  	[tilespmem:s14+$0x20] =	vst v1  }
0x5cf: {  	v1 =	vld [tilespmem:$0x3E0];
	_ =	sdelay $0x4  }
0x5d0: {  	v2 =	vshll.u32 v1, $0x3;
	v1 =	vand.u32 $0x1FFFF, v1  }
0x5d1: {  	v2 =	vand.u32 $0xFFF00000, v2;
	v1 =	vor.u32 s18, v1  }
0x5d2: {  	v1 =	vadd.s32 v2, v1  }
0x5d3: {  	[tilespmem:s16+$0x20] =	vst v1  }
0x5d4: {  	v1 =	vld [tilespmem:$0x1F0];
	_ =	sdelay $0x4  }
0x5d5: {  	v2 =	vshll.u32 v1, $0x3;
	v1 =	vand.u32 $0x1FFFF, v1  }
0x5d6: {  	v2 =	vand.u32 $0xFFF00000, v2;
	v1 =	vor.u32 s18, v1  }
0x5d7: {  	v1 =	vadd.s32 v2, v1  }
0x5d8: {  	[tilespmem:s14+$0x30] =	vst v1  }
0x5d9: {  	v1 =	vld [tilespmem:$0x3F0];
	_ =	sdelay $0x2  }
.Ltmp30:
0x5da: {  	(pc) =	sbr.rel @p0 .LBB2_62-.Ltmp30, $4  }
0x5db: {  	_ = 	snop  }
0x5dc: {  	v2 =	vshll.u32 v1, $0x3;
	v1 =	vand.u32 $0x1FFFF, v1  }
0x5dd: {  	v2 =	vand.u32 $0xFFF00000, v2;
	v1 =	vor.u32 s18, v1  }
0x5de: {  	v1 =	vadd.s32 v2, v1  }
0x5df: {  	[tilespmem:s16+$0x30] =	vst v1;
	s3 =	simm.s32 $0x2400;
	s14 =	simm.s32 $0x400;
	p0 =	por $0x1, $0x1  }
0x5e0: {  	[tilespmem:s3], [sflag:$0x1] =	stream.indirect.gather [hbm4b:s4+s15], $0x1, s14, s15, $0xb8;
	[tilespmem:$0x4A10] =	vst v63  }
0x5e1: {  	s19 =	simm.s32 $0x3400;
	s20 =	simm.s32 $0x1400;
	s17 =	simm.s32 @!p0 $0x1  }
0x5e2: {  	[tilespmem:s19], [sflag:$0x1] =	stream.indirect.gather [hbm4b:s5+s15], $0x1, s20, s15, $0xb8;
	[tilespmem:$0x4A10] =	vst v63  }
0x5e3: {  	_ =	swait.ge @!p0 [sflag:s17], $0x80  }
0x5e4: {  	[sflag:s17] =	ssyncset.done @!p0 $0x0  }
0x5e5: {  	s16 =	simm.s32 $0x1480;
	s18 =	simm.s32 $0x3480;
	[sflag:s17] =	ssyncadd.s32 @!p0 $0xFFFFFF80  }
0x5e6: {  	s14 =	simm.s32 $0x1;
	s19 =	simm.s32 $0x480;
	_ =	swait.ge @!p0 [sflag:s17], $0x80  }
.LBB2_64:
0x5e7: {  	[sflag:s17] =	ssyncset.done @!p0 $0x0  }
0x5e8: {  	s3 =	sadd.s32 $0x80, s3;
	s20 =	smov.u32 s14;
	s14 =	sadd.s32 $0x1, s14  }
0x5e9: {  	p1 =	sne.s32 s14, $0x20;
	[sflag:s17] =	ssyncadd.s32 @!p0 $0xFFFFFF80  }
0x5ea: {  	[tilespmem:s3], [sflag:$0x1] =	stream.indirect.gather [hbm4b:s4+s15], $0x1, s19, s15, $0xb8;
	[tilespmem:$0x4A10] =	vst v63  }
0x5eb: {  	p0 =	slt.u32 s20, $0x8  }
0x5ec: {  	[tilespmem:s18], [sflag:$0x1] =	stream.indirect.gather [hbm4b:s5+s15], $0x1, s16, s15, $0xb8;
	[tilespmem:$0x4A10] =	vst v63  }
.Ltmp31:
0x5ed: {  	s17 =	simm.s32 @!p0 $0x1;
	(pc) =	sbr.rel @p1 .LBB2_64-.Ltmp31, $4  }
0x5ee: {  	_ =	swait.ge @!p0 [sflag:s17], $0x80  }
0x5ef: {  	[sflag:s17] =	ssyncset.done @!p0 $0x0  }
0x5f0: {  	s16 =	sadd.s32 $0x80, s16;
	[sflag:s17] =	ssyncadd.s32 @!p0 $0xFFFFFF80  }
0x5f1: {  	s19 =	sadd.s32 $0x80, s19;
	s18 =	sadd.s32 $0x80, s18;
	_ =	swait.ge @!p0 [sflag:s17], $0x80  }
0x5f2: {  	[sflag:s17] =	ssyncset.done @!p0 $0x0  }
0x5f3: {  	[sflag:s17] =	ssyncadd.s32 @!p0 $0xFFFFFF80  }
0x5f4: {  	_ =	swait.ge [sflag:s30], $0x80  }
0x5f5: {  	[sflag:s30] =	ssyncset.done $0x0  }
0x5f6: {  	[sflag:s30] =	ssyncadd.s32 $0xFFFFFF80  }
0x5f7: {  	_ =	swait.ge [sflag:s30], $0x80  }
0x5f8: {  	[sflag:s30] =	ssyncset.done $0x0  }
0x5f9: {  	[sflag:s30] =	ssyncadd.s32 $0xFFFFFF80  }
0x5fa: {  	_ =	swait.ge [sflag:s30], $0x80  }
0x5fb: {  	[sflag:s30] =	ssyncset.done $0x0  }
0x5fc: {  	[sflag:s30] =	ssyncadd.s32 $0xFFFFFF80  }
0x5fd: {  	_ =	swait.ge [sflag:s30], $0x80  }
0x5fe: {  	[sflag:s30] =	ssyncset.done $0x0  }
0x5ff: {  	[sflag:s30] =	ssyncadd.s32 $0xFFFFFF80  }
0x600: {  	_ =	swait.ge [sflag:s30], $0x80  }
0x601: {  	[sflag:s30] =	ssyncset.done $0x0  }
0x602: {  	[sflag:s30] =	ssyncadd.s32 $0xFFFFFF80  }
0x603: {  	_ =	swait.ge [sflag:s30], $0x80  }
0x604: {  	[sflag:s30] =	ssyncset.done $0x0  }
0x605: {  	[sflag:s30] =	ssyncadd.s32 $0xFFFFFF80  }
0x606: {  	_ =	swait.ge [sflag:s30], $0x80  }
0x607: {  	[sflag:s30] =	ssyncset.done $0x0  }
0x608: {  	[sflag:s30] =	ssyncadd.s32 $0xFFFFFF80  }
0x609: {  	_ =	swait.ge [sflag:s30], $0x80  }
0x60a: {  	[sflag:s30] =	ssyncset.done $0x0  }
0x60b: {  	[sflag:s30] =	ssyncadd.s32 $0xFFFFFF80  }
0x60c: {  	_ =	swait.ge [sflag:s30], $0x80  }
0x60d: {  	[sflag:s30] =	ssyncset.done $0x0  }
0x60e: {  	[sflag:s30] =	ssyncadd.s32 $0xFFFFFF80  }
0x60f: {  	_ =	swait.ge [sflag:s30], $0x80  }
0x610: {  	[sflag:s30] =	ssyncset.done $0x0  }
0x611: {  	[sflag:s30] =	ssyncadd.s32 $0xFFFFFF80  }
0x612: {  	_ =	swait.ge [sflag:s30], $0x80  }
0x613: {  	[sflag:s30] =	ssyncset.done $0x0  }
0x614: {  	[sflag:s30] =	ssyncadd.s32 $0xFFFFFF80  }
0x615: {  	_ =	swait.ge [sflag:s30], $0x80  }
0x616: {  	[sflag:s30] =	ssyncset.done $0x0  }
0x617: {  	[sflag:s30] =	ssyncadd.s32 $0xFFFFFF80  }
0x618: {  	_ =	swait.ge [sflag:s30], $0x80  }
0x619: {  	[sflag:s30] =	ssyncset.done $0x0  }
0x61a: {  	[sflag:s30] =	ssyncadd.s32 $0xFFFFFF80  }
0x61b: {  	_ =	swait.ge [sflag:s30], $0x80  }
0x61c: {  	[sflag:s30] =	ssyncset.done $0x0  }
0x61d: {  	[sflag:s30] =	ssyncadd.s32 $0xFFFFFF80  }
0x61e: {  	_ =	swait.ge [sflag:s30], $0x80  }
0x61f: {  	[sflag:s30] =	ssyncset.done $0x0  }
0x620: {  	[sflag:s30] =	ssyncadd.s32 $0xFFFFFF80  }
0x621: {  	_ =	swait.ge [sflag:s30], $0x80  }
0x622: {  	[sflag:s30] =	ssyncset.done $0x0  }
0x623: {  	[sflag:s30] =	ssyncadd.s32 $0xFFFFFF80  }
0x624: {  	s3 =	simm.s32 $0x0;
	v1 =	vld [tilespmem:$0x4580]  }
0x625: {  	v4 =	vld [tilespmem:s3+$0x2400]  }
0x626: {  	v6 =	vld [tilespmem:s3+$0x3400]  }
0x627: {  	v2 =	vld [tilespmem:$0x4780];
	_ =	sdelay $0x2  }
0x628: {  	s14 =	simm.s32 $0x80;
	v3 =	vshll.u32 v4, $0x10  }
0x629: {  	v5 =	vshll.u32 v6, $0x10;
	v7 =	vadd.f32 v3, v1;
	v3 =	vld [tilespmem:s14+$0x2400]  }
0x62a: {  	v9 =	vand.u32 $0xFFFF0000, v4;
	v4 =	vld [tilespmem:s14+$0x3400];
	v8 =	vadd.f32 v5, v2  }
0x62b: {  	v10 =	vand.u32 $0xFFFF0000, v6;
	v5 =	vimm.f32 $0.0e+00  }
0x62c: {  	s3 =	simm.s32 $0x400;
	v6 =	vmul.f32 v8, v7;
	v7 =	vadd.f32 v9, v1;
	v8 =	vadd.f32 v10, v2  }
.LBB2_66:
0x62d: {  	p0 =	sne.s32 s3, $0x3E00  }
.Ltmp32:
0x62e: {  	s14 =	sshra.s32 s3, $0x2;
	v9 =	vshll.u32 v3, $0x10;
	v5 =	vadd.f32 v6, v5;
	v6 =	vmul.f32 v8, v7;
	v7 =	vmovc v3;
	(pc) =	sbr.rel @p0 .LBB2_66-.Ltmp32, $4  }
0x62f: {  	s3 =	sadd.s32 $0x200, s3;
	v3 =	vld [tilespmem:s14+$0x2400];
	v8 =	vshll.u32 v4, $0x10;
	v9 =	vadd.f32 v9, v1;
	v10 =	vmov v4  }
0x630: {  	v4 =	vld [tilespmem:s14+$0x3400];
	v8 =	vadd.f32 v8, v2;
	v5 =	vadd.f32 v5, v6  }
0x631: {  	v7 =	vand.u32 $0xFFFF0000, v7;
	v10 =	vand.u32 $0xFFFF0000, v10  }
0x632: {  	v7 =	vadd.f32 v7, v1;
	v6 =	vmul.f32 v8, v9;
	v8 =	vadd.f32 v10, v2  }
0x633: {  	_ = 	snop  }
0x634: {  	v9 =	vshll.u32 v3, $0x10  }
0x635: {  	v5 =	vadd.f32 v6, v5;
	v6 =	vmul.f32 v8, v7;
	v7 =	vshll.u32 v4, $0x10  }
0x636: {  	v3 =	vand.u32 $0xFFFF0000, v3;
	v8 =	vadd.f32 v9, v1;
	v7 =	vadd.f32 v7, v2  }
0x637: {  	v4 =	vand.u32 $0xFFFF0000, v4;
	v1 =	vadd.f32 v3, v1  }
0x638: {  	v5 =	vadd.f32 v5, v6;
	v2 =	vadd.f32 v4, v2;
	v6 =	vmul.f32 v7, v8;
	_ =	sdelay $0x1  }
0x639: {  	v1 =	vmul.f32 v2, v1;
	v3 =	vadd.f32 v6, v5;
	_ =	sdelay $0x1  }
0x63a: {  	v1 =	vadd.f32 v3, v1;
	_ =	sdelay $0x1  }
0x63b: {  	v1 =	vadd.f32 v1, v0;
	_ =	sdelay $0x1  }
0x63c: {  	s3 =	simm.s32 $0x0;
	[tilespmem:$0x4980] =	vst v1;
	v1 =	vld [tilespmem:$0x4590]  }
0x63d: {  	v4 =	vld [tilespmem:s3+$0x2410]  }
0x63e: {  	v6 =	vld [tilespmem:s3+$0x3410]  }
0x63f: {  	v2 =	vld [tilespmem:$0x4790];
	_ =	sdelay $0x2  }
0x640: {  	s14 =	simm.s32 $0x80;
	v3 =	vshll.u32 v4, $0x10  }
0x641: {  	v5 =	vshll.u32 v6, $0x10;
	v7 =	vadd.f32 v3, v1;
	v3 =	vld [tilespmem:s14+$0x2410]  }
0x642: {  	v9 =	vand.u32 $0xFFFF0000, v4;
	v4 =	vld [tilespmem:s14+$0x3410];
	v8 =	vadd.f32 v5, v2  }
0x643: {  	v10 =	vand.u32 $0xFFFF0000, v6;
	v5 =	vimm.f32 $0.0e+00  }
0x644: {  	s3 =	simm.s32 $0x400;
	v6 =	vmul.f32 v8, v7;
	v7 =	vadd.f32 v9, v1;
	v8 =	vadd.f32 v10, v2  }
.LBB2_68:
0x645: {  	p0 =	sne.s32 s3, $0x3E00  }
.Ltmp33:
0x646: {  	s14 =	sshra.s32 s3, $0x2;
	v9 =	vshll.u32 v3, $0x10;
	v5 =	vadd.f32 v6, v5;
	v6 =	vmul.f32 v8, v7;
	v7 =	vmovc v3;
	(pc) =	sbr.rel @p0 .LBB2_68-.Ltmp33, $4  }
0x647: {  	s3 =	sadd.s32 $0x200, s3;
	v3 =	vld [tilespmem:s14+$0x2410];
	v8 =	vshll.u32 v4, $0x10;
	v9 =	vadd.f32 v9, v1;
	v10 =	vmov v4  }
0x648: {  	v4 =	vld [tilespmem:s14+$0x3410];
	v8 =	vadd.f32 v8, v2;
	v5 =	vadd.f32 v5, v6  }
0x649: {  	v7 =	vand.u32 $0xFFFF0000, v7;
	v10 =	vand.u32 $0xFFFF0000, v10  }
0x64a: {  	v7 =	vadd.f32 v7, v1;
	v6 =	vmul.f32 v8, v9;
	v8 =	vadd.f32 v10, v2  }
0x64b: {  	_ = 	snop  }
0x64c: {  	v9 =	vshll.u32 v3, $0x10  }
0x64d: {  	v5 =	vadd.f32 v6, v5;
	v6 =	vmul.f32 v8, v7;
	v7 =	vshll.u32 v4, $0x10  }
0x64e: {  	v3 =	vand.u32 $0xFFFF0000, v3;
	v8 =	vadd.f32 v9, v1;
	v7 =	vadd.f32 v7, v2  }
0x64f: {  	v4 =	vand.u32 $0xFFFF0000, v4;
	v1 =	vadd.f32 v3, v1  }
0x650: {  	v5 =	vadd.f32 v5, v6;
	v2 =	vadd.f32 v4, v2;
	v6 =	vmul.f32 v7, v8;
	_ =	sdelay $0x1  }
0x651: {  	v1 =	vmul.f32 v2, v1;
	v3 =	vadd.f32 v6, v5;
	_ =	sdelay $0x1  }
0x652: {  	v1 =	vadd.f32 v3, v1;
	_ =	sdelay $0x1  }
0x653: {  	v1 =	vadd.f32 v1, v0;
	_ =	sdelay $0x1  }
0x654: {  	s3 =	simm.s32 $0x0;
	[tilespmem:$0x4990] =	vst v1;
	v1 =	vld [tilespmem:$0x45A0]  }
0x655: {  	v4 =	vld [tilespmem:s3+$0x2420]  }
0x656: {  	v6 =	vld [tilespmem:s3+$0x3420]  }
0x657: {  	v2 =	vld [tilespmem:$0x47A0];
	_ =	sdelay $0x2  }
0x658: {  	s14 =	simm.s32 $0x80;
	v3 =	vshll.u32 v4, $0x10  }
0x659: {  	v5 =	vshll.u32 v6, $0x10;
	v7 =	vadd.f32 v3, v1;
	v3 =	vld [tilespmem:s14+$0x2420]  }
0x65a: {  	v9 =	vand.u32 $0xFFFF0000, v4;
	v4 =	vld [tilespmem:s14+$0x3420];
	v8 =	vadd.f32 v5, v2  }
0x65b: {  	v10 =	vand.u32 $0xFFFF0000, v6;
	v5 =	vimm.f32 $0.0e+00  }
0x65c: {  	s3 =	simm.s32 $0x400;
	v6 =	vmul.f32 v8, v7;
	v7 =	vadd.f32 v9, v1;
	v8 =	vadd.f32 v10, v2  }
.LBB2_70:
0x65d: {  	p0 =	sne.s32 s3, $0x3E00  }
.Ltmp34:
0x65e: {  	s14 =	sshra.s32 s3, $0x2;
	v9 =	vshll.u32 v3, $0x10;
	v5 =	vadd.f32 v6, v5;
	v6 =	vmul.f32 v8, v7;
	v7 =	vmovc v3;
	(pc) =	sbr.rel @p0 .LBB2_70-.Ltmp34, $4  }
0x65f: {  	s3 =	sadd.s32 $0x200, s3;
	v3 =	vld [tilespmem:s14+$0x2420];
	v8 =	vshll.u32 v4, $0x10;
	v9 =	vadd.f32 v9, v1;
	v10 =	vmov v4  }
0x660: {  	v4 =	vld [tilespmem:s14+$0x3420];
	v8 =	vadd.f32 v8, v2;
	v5 =	vadd.f32 v5, v6  }
0x661: {  	v7 =	vand.u32 $0xFFFF0000, v7;
	v10 =	vand.u32 $0xFFFF0000, v10  }
0x662: {  	v7 =	vadd.f32 v7, v1;
	v6 =	vmul.f32 v8, v9;
	v8 =	vadd.f32 v10, v2  }
0x663: {  	_ = 	snop  }
0x664: {  	v9 =	vshll.u32 v3, $0x10  }
0x665: {  	v5 =	vadd.f32 v6, v5;
	v6 =	vmul.f32 v8, v7;
	v7 =	vshll.u32 v4, $0x10  }
0x666: {  	v3 =	vand.u32 $0xFFFF0000, v3;
	v8 =	vadd.f32 v9, v1;
	v7 =	vadd.f32 v7, v2  }
0x667: {  	v4 =	vand.u32 $0xFFFF0000, v4;
	v1 =	vadd.f32 v3, v1  }
0x668: {  	v5 =	vadd.f32 v5, v6;
	v2 =	vadd.f32 v4, v2;
	v6 =	vmul.f32 v7, v8;
	_ =	sdelay $0x1  }
0x669: {  	v1 =	vmul.f32 v2, v1;
	v3 =	vadd.f32 v6, v5;
	_ =	sdelay $0x1  }
0x66a: {  	v1 =	vadd.f32 v3, v1;
	_ =	sdelay $0x1  }
0x66b: {  	v1 =	vadd.f32 v1, v0;
	_ =	sdelay $0x1  }
0x66c: {  	s3 =	simm.s32 $0x0;
	[tilespmem:$0x49A0] =	vst v1;
	v1 =	vld [tilespmem:$0x45B0]  }
0x66d: {  	v4 =	vld [tilespmem:s3+$0x2430]  }
0x66e: {  	v6 =	vld [tilespmem:s3+$0x3430]  }
0x66f: {  	v2 =	vld [tilespmem:$0x47B0];
	_ =	sdelay $0x2  }
0x670: {  	s14 =	simm.s32 $0x80;
	v3 =	vshll.u32 v4, $0x10  }
0x671: {  	v5 =	vshll.u32 v6, $0x10;
	v7 =	vadd.f32 v3, v1;
	v3 =	vld [tilespmem:s14+$0x2430]  }
0x672: {  	v9 =	vand.u32 $0xFFFF0000, v4;
	v4 =	vld [tilespmem:s14+$0x3430];
	v8 =	vadd.f32 v5, v2  }
0x673: {  	v10 =	vand.u32 $0xFFFF0000, v6;
	v5 =	vimm.f32 $0.0e+00  }
0x674: {  	s3 =	simm.s32 $0x400;
	v6 =	vmul.f32 v8, v7;
	v7 =	vadd.f32 v9, v1;
	v8 =	vadd.f32 v10, v2  }
.LBB2_72:
0x675: {  	p0 =	sne.s32 s3, $0x3E00  }
.Ltmp35:
0x676: {  	s14 =	sshra.s32 s3, $0x2;
	v9 =	vshll.u32 v3, $0x10;
	v5 =	vadd.f32 v6, v5;
	v6 =	vmul.f32 v8, v7;
	v7 =	vmovc v3;
	(pc) =	sbr.rel @p0 .LBB2_72-.Ltmp35, $4  }
0x677: {  	s3 =	sadd.s32 $0x200, s3;
	v3 =	vld [tilespmem:s14+$0x2430];
	v8 =	vshll.u32 v4, $0x10;
	v9 =	vadd.f32 v9, v1;
	v10 =	vmov v4  }
0x678: {  	v4 =	vld [tilespmem:s14+$0x3430];
	v8 =	vadd.f32 v8, v2;
	v5 =	vadd.f32 v5, v6  }
0x679: {  	v7 =	vand.u32 $0xFFFF0000, v7;
	v10 =	vand.u32 $0xFFFF0000, v10  }
0x67a: {  	v7 =	vadd.f32 v7, v1;
	v6 =	vmul.f32 v8, v9;
	v8 =	vadd.f32 v10, v2  }
0x67b: {  	_ = 	snop  }
0x67c: {  	v9 =	vshll.u32 v3, $0x10  }
0x67d: {  	v5 =	vadd.f32 v6, v5;
	v6 =	vmul.f32 v8, v7;
	v7 =	vshll.u32 v4, $0x10  }
0x67e: {  	v3 =	vand.u32 $0xFFFF0000, v3;
	v8 =	vadd.f32 v9, v1;
	v7 =	vadd.f32 v7, v2  }
0x67f: {  	v4 =	vand.u32 $0xFFFF0000, v4;
	v1 =	vadd.f32 v3, v1  }
0x680: {  	v5 =	vadd.f32 v5, v6;
	v2 =	vadd.f32 v4, v2;
	v6 =	vmul.f32 v7, v8;
	_ =	sdelay $0x1  }
0x681: {  	v1 =	vmul.f32 v2, v1;
	v3 =	vadd.f32 v6, v5;
	_ =	sdelay $0x1  }
0x682: {  	v1 =	vadd.f32 v3, v1;
	_ =	sdelay $0x1  }
0x683: {  	v1 =	vadd.f32 v1, v0;
	_ =	sdelay $0x1  }
0x684: {  	s3 =	simm.s32 $0x0;
	[tilespmem:$0x49B0] =	vst v1;
	v1 =	vld [tilespmem:$0x45C0]  }
0x685: {  	v4 =	vld [tilespmem:s3+$0x2440]  }
0x686: {  	v6 =	vld [tilespmem:s3+$0x3440]  }
0x687: {  	v2 =	vld [tilespmem:$0x47C0];
	_ =	sdelay $0x2  }
0x688: {  	s14 =	simm.s32 $0x80;
	v3 =	vshll.u32 v4, $0x10  }
0x689: {  	v5 =	vshll.u32 v6, $0x10;
	v7 =	vadd.f32 v3, v1;
	v3 =	vld [tilespmem:s14+$0x2440]  }
0x68a: {  	v9 =	vand.u32 $0xFFFF0000, v4;
	v4 =	vld [tilespmem:s14+$0x3440];
	v8 =	vadd.f32 v5, v2  }
0x68b: {  	v10 =	vand.u32 $0xFFFF0000, v6;
	v5 =	vimm.f32 $0.0e+00  }
0x68c: {  	s3 =	simm.s32 $0x400;
	v6 =	vmul.f32 v8, v7;
	v7 =	vadd.f32 v9, v1;
	v8 =	vadd.f32 v10, v2  }
.LBB2_74:
0x68d: {  	p0 =	sne.s32 s3, $0x3E00  }
.Ltmp36:
0x68e: {  	s14 =	sshra.s32 s3, $0x2;
	v9 =	vshll.u32 v3, $0x10;
	v5 =	vadd.f32 v6, v5;
	v6 =	vmul.f32 v8, v7;
	v7 =	vmovc v3;
	(pc) =	sbr.rel @p0 .LBB2_74-.Ltmp36, $4  }
0x68f: {  	s3 =	sadd.s32 $0x200, s3;
	v3 =	vld [tilespmem:s14+$0x2440];
	v8 =	vshll.u32 v4, $0x10;
	v9 =	vadd.f32 v9, v1;
	v10 =	vmov v4  }
0x690: {  	v4 =	vld [tilespmem:s14+$0x3440];
	v8 =	vadd.f32 v8, v2;
	v5 =	vadd.f32 v5, v6  }
0x691: {  	v7 =	vand.u32 $0xFFFF0000, v7;
	v10 =	vand.u32 $0xFFFF0000, v10  }
0x692: {  	v7 =	vadd.f32 v7, v1;
	v6 =	vmul.f32 v8, v9;
	v8 =	vadd.f32 v10, v2  }
0x693: {  	_ = 	snop  }
0x694: {  	v9 =	vshll.u32 v3, $0x10  }
0x695: {  	v5 =	vadd.f32 v6, v5;
	v6 =	vmul.f32 v8, v7;
	v7 =	vshll.u32 v4, $0x10  }
0x696: {  	v3 =	vand.u32 $0xFFFF0000, v3;
	v8 =	vadd.f32 v9, v1;
	v7 =	vadd.f32 v7, v2  }
0x697: {  	v4 =	vand.u32 $0xFFFF0000, v4;
	v1 =	vadd.f32 v3, v1  }
0x698: {  	v5 =	vadd.f32 v5, v6;
	v2 =	vadd.f32 v4, v2;
	v6 =	vmul.f32 v7, v8;
	_ =	sdelay $0x1  }
0x699: {  	v1 =	vmul.f32 v2, v1;
	v3 =	vadd.f32 v6, v5;
	_ =	sdelay $0x1  }
0x69a: {  	v1 =	vadd.f32 v3, v1;
	_ =	sdelay $0x1  }
0x69b: {  	v1 =	vadd.f32 v1, v0;
	_ =	sdelay $0x1  }
0x69c: {  	s3 =	simm.s32 $0x0;
	[tilespmem:$0x49C0] =	vst v1;
	v1 =	vld [tilespmem:$0x45D0]  }
0x69d: {  	v4 =	vld [tilespmem:s3+$0x2450]  }
0x69e: {  	v6 =	vld [tilespmem:s3+$0x3450]  }
0x69f: {  	v2 =	vld [tilespmem:$0x47D0];
	_ =	sdelay $0x2  }
0x6a0: {  	s14 =	simm.s32 $0x80;
	v3 =	vshll.u32 v4, $0x10  }
0x6a1: {  	v5 =	vshll.u32 v6, $0x10;
	v7 =	vadd.f32 v3, v1;
	v3 =	vld [tilespmem:s14+$0x2450]  }
0x6a2: {  	v9 =	vand.u32 $0xFFFF0000, v4;
	v4 =	vld [tilespmem:s14+$0x3450];
	v8 =	vadd.f32 v5, v2  }
0x6a3: {  	v10 =	vand.u32 $0xFFFF0000, v6;
	v5 =	vimm.f32 $0.0e+00  }
0x6a4: {  	s3 =	simm.s32 $0x400;
	v6 =	vmul.f32 v8, v7;
	v7 =	vadd.f32 v9, v1;
	v8 =	vadd.f32 v10, v2  }
.LBB2_76:
0x6a5: {  	p0 =	sne.s32 s3, $0x3E00  }
.Ltmp37:
0x6a6: {  	s14 =	sshra.s32 s3, $0x2;
	v9 =	vshll.u32 v3, $0x10;
	v5 =	vadd.f32 v6, v5;
	v6 =	vmul.f32 v8, v7;
	v7 =	vmovc v3;
	(pc) =	sbr.rel @p0 .LBB2_76-.Ltmp37, $4  }
0x6a7: {  	s3 =	sadd.s32 $0x200, s3;
	v3 =	vld [tilespmem:s14+$0x2450];
	v8 =	vshll.u32 v4, $0x10;
	v9 =	vadd.f32 v9, v1;
	v10 =	vmov v4  }
0x6a8: {  	v4 =	vld [tilespmem:s14+$0x3450];
	v8 =	vadd.f32 v8, v2;
	v5 =	vadd.f32 v5, v6  }
0x6a9: {  	v7 =	vand.u32 $0xFFFF0000, v7;
	v10 =	vand.u32 $0xFFFF0000, v10  }
0x6aa: {  	v7 =	vadd.f32 v7, v1;
	v6 =	vmul.f32 v8, v9;
	v8 =	vadd.f32 v10, v2  }
0x6ab: {  	_ = 	snop  }
0x6ac: {  	v9 =	vshll.u32 v3, $0x10  }
0x6ad: {  	v5 =	vadd.f32 v6, v5;
	v6 =	vmul.f32 v8, v7;
	v7 =	vshll.u32 v4, $0x10  }
0x6ae: {  	v3 =	vand.u32 $0xFFFF0000, v3;
	v8 =	vadd.f32 v9, v1;
	v7 =	vadd.f32 v7, v2  }
0x6af: {  	v4 =	vand.u32 $0xFFFF0000, v4;
	v1 =	vadd.f32 v3, v1  }
0x6b0: {  	v5 =	vadd.f32 v5, v6;
	v2 =	vadd.f32 v4, v2;
	v6 =	vmul.f32 v7, v8;
	_ =	sdelay $0x1  }
0x6b1: {  	v1 =	vmul.f32 v2, v1;
	v3 =	vadd.f32 v6, v5;
	_ =	sdelay $0x1  }
0x6b2: {  	v1 =	vadd.f32 v3, v1;
	_ =	sdelay $0x1  }
0x6b3: {  	v1 =	vadd.f32 v1, v0;
	_ =	sdelay $0x1  }
0x6b4: {  	s3 =	simm.s32 $0x0;
	[tilespmem:$0x49D0] =	vst v1;
	v1 =	vld [tilespmem:$0x45E0]  }
0x6b5: {  	v4 =	vld [tilespmem:s3+$0x2460]  }
0x6b6: {  	v6 =	vld [tilespmem:s3+$0x3460]  }
0x6b7: {  	v2 =	vld [tilespmem:$0x47E0];
	_ =	sdelay $0x2  }
0x6b8: {  	s14 =	simm.s32 $0x80;
	v3 =	vshll.u32 v4, $0x10  }
0x6b9: {  	v5 =	vshll.u32 v6, $0x10;
	v7 =	vadd.f32 v3, v1;
	v3 =	vld [tilespmem:s14+$0x2460]  }
0x6ba: {  	v9 =	vand.u32 $0xFFFF0000, v4;
	v4 =	vld [tilespmem:s14+$0x3460];
	v8 =	vadd.f32 v5, v2  }
0x6bb: {  	v10 =	vand.u32 $0xFFFF0000, v6;
	v5 =	vimm.f32 $0.0e+00  }
0x6bc: {  	s3 =	simm.s32 $0x400;
	v6 =	vmul.f32 v8, v7;
	v7 =	vadd.f32 v9, v1;
	v8 =	vadd.f32 v10, v2  }
.LBB2_78:
0x6bd: {  	p0 =	sne.s32 s3, $0x3E00  }
.Ltmp38:
0x6be: {  	s14 =	sshra.s32 s3, $0x2;
	v9 =	vshll.u32 v3, $0x10;
	v5 =	vadd.f32 v6, v5;
	v6 =	vmul.f32 v8, v7;
	v7 =	vmovc v3;
	(pc) =	sbr.rel @p0 .LBB2_78-.Ltmp38, $4  }
0x6bf: {  	s3 =	sadd.s32 $0x200, s3;
	v3 =	vld [tilespmem:s14+$0x2460];
	v8 =	vshll.u32 v4, $0x10;
	v9 =	vadd.f32 v9, v1;
	v10 =	vmov v4  }
0x6c0: {  	v4 =	vld [tilespmem:s14+$0x3460];
	v8 =	vadd.f32 v8, v2;
	v5 =	vadd.f32 v5, v6  }
0x6c1: {  	v7 =	vand.u32 $0xFFFF0000, v7;
	v10 =	vand.u32 $0xFFFF0000, v10  }
0x6c2: {  	v7 =	vadd.f32 v7, v1;
	v6 =	vmul.f32 v8, v9;
	v8 =	vadd.f32 v10, v2  }
0x6c3: {  	_ = 	snop  }
0x6c4: {  	v9 =	vshll.u32 v3, $0x10  }
0x6c5: {  	v5 =	vadd.f32 v6, v5;
	v6 =	vmul.f32 v8, v7;
	v7 =	vshll.u32 v4, $0x10  }
0x6c6: {  	v3 =	vand.u32 $0xFFFF0000, v3;
	v8 =	vadd.f32 v9, v1;
	v7 =	vadd.f32 v7, v2  }
0x6c7: {  	v4 =	vand.u32 $0xFFFF0000, v4;
	v1 =	vadd.f32 v3, v1  }
0x6c8: {  	v5 =	vadd.f32 v5, v6;
	v2 =	vadd.f32 v4, v2;
	v6 =	vmul.f32 v7, v8;
	_ =	sdelay $0x1  }
0x6c9: {  	v1 =	vmul.f32 v2, v1;
	v3 =	vadd.f32 v6, v5;
	_ =	sdelay $0x1  }
0x6ca: {  	v1 =	vadd.f32 v3, v1;
	_ =	sdelay $0x1  }
0x6cb: {  	v1 =	vadd.f32 v1, v0;
	_ =	sdelay $0x1  }
0x6cc: {  	s3 =	simm.s32 $0x0;
	[tilespmem:$0x49E0] =	vst v1;
	v1 =	vld [tilespmem:$0x45F0]  }
0x6cd: {  	v4 =	vld [tilespmem:s3+$0x2470]  }
0x6ce: {  	v6 =	vld [tilespmem:s3+$0x3470]  }
0x6cf: {  	v2 =	vld [tilespmem:$0x47F0];
	_ =	sdelay $0x2  }
0x6d0: {  	s14 =	simm.s32 $0x80;
	v3 =	vshll.u32 v4, $0x10  }
0x6d1: {  	v5 =	vshll.u32 v6, $0x10;
	v7 =	vadd.f32 v3, v1;
	v3 =	vld [tilespmem:s14+$0x2470]  }
0x6d2: {  	v9 =	vand.u32 $0xFFFF0000, v4;
	v4 =	vld [tilespmem:s14+$0x3470];
	v8 =	vadd.f32 v5, v2  }
0x6d3: {  	v10 =	vand.u32 $0xFFFF0000, v6;
	v5 =	vimm.f32 $0.0e+00  }
0x6d4: {  	s3 =	simm.s32 $0x400;
	v6 =	vmul.f32 v8, v7;
	v7 =	vadd.f32 v9, v1;
	v8 =	vadd.f32 v10, v2  }
.LBB2_80:
0x6d5: {  	p0 =	sne.s32 s3, $0x3E00  }
.Ltmp39:
0x6d6: {  	s14 =	sshra.s32 s3, $0x2;
	v9 =	vshll.u32 v3, $0x10;
	v5 =	vadd.f32 v6, v5;
	v6 =	vmul.f32 v8, v7;
	v7 =	vmovc v3;
	(pc) =	sbr.rel @p0 .LBB2_80-.Ltmp39, $4  }
0x6d7: {  	s3 =	sadd.s32 $0x200, s3;
	v3 =	vld [tilespmem:s14+$0x2470];
	v8 =	vshll.u32 v4, $0x10;
	v9 =	vadd.f32 v9, v1;
	v10 =	vmov v4  }
0x6d8: {  	v4 =	vld [tilespmem:s14+$0x3470];
	v8 =	vadd.f32 v8, v2;
	v5 =	vadd.f32 v5, v6  }
0x6d9: {  	v7 =	vand.u32 $0xFFFF0000, v7;
	v10 =	vand.u32 $0xFFFF0000, v10  }
0x6da: {  	v7 =	vadd.f32 v7, v1;
	v6 =	vmul.f32 v8, v9;
	v8 =	vadd.f32 v10, v2  }
0x6db: {  	_ = 	snop  }
0x6dc: {  	v9 =	vshll.u32 v3, $0x10  }
0x6dd: {  	v5 =	vadd.f32 v6, v5;
	v55 =	vmul.f32 v8, v7;
	v56 =	vshll.u32 v4, $0x10  }
0x6de: {  	v58 =	vand.u32 $0xFFFF0000, v3;
	v57 =	vadd.f32 v9, v1;
	v7 =	vadd.f32 v56, v2  }
0x6df: {  	v59 =	vand.u32 $0xFFFF0000, v4;
	v61 =	vadd.f32 v58, v1  }
0x6e0: {  	v5 =	vadd.f32 v5, v55;
	v62 =	vadd.f32 v59, v2;
	v60 =	vmul.f32 v7, v57;
	_ =	sdelay $0x1  }
0x6e1: {  	v1 =	vmul.f32 v62, v61;
	v63 =	vadd.f32 v60, v5;
	_ =	sdelay $0x1  }
0x6e2: {  	v1 =	vadd.f32 v63, v1;
	_ =	sdelay $0x1  }
0x6e3: {  	s0 =	sadd.s32 $0x1, s0;
	v0 =	vadd.f32 v1, v0  }
0x6e4: {  	p0 =	sne.s32 s0, s11  }
.Ltmp40:
0x6e5: {  	[tilespmem:$0x49F0] =	vst v0;
	(pc) =	sbr.rel @p0 .LBB2_1-.Ltmp40, $4  }
0x6e6: {  	[hbm4b:s10+s2] =	stream.linear.scatter [tilespmem:s31], [sflag:$0x2], $0x200, $0x38;
	[tilespmem:$0x4A10] =	vst v63  }
0x6e7: {  	_ =	swait.ge [sflag:s12], $0x200  }
0x6e8: {  	[sflag:s12] =	ssyncset.done $0x0  }
0x6e9: {  	[sflag:s12] =	ssyncadd.s32 $0xFFFFFE00  }
0x6ea: {  	_ =	sfence.sel $0x180000  }
0x6eb: {  	[bflag:$0x0] =	sbarrier.arrive $0xFFFF  }
0x6ec: {  	_ =	strace $0x90000047  }
0x6ed: {  	s0 =	stileid.u32;
	[bflag:$0x2] =	sbarrier.arrive $0xFFFF  }
0x6ee: {  	p0 =	sne.s32 s0, $0x0;
	s0 =	rddreg [dreg:$0x4]  }
0x6ef: {  	s0 =	sadd.s32 @!p0 $0x100000, s0  }
0x6f0: {  	[sflag:s0] =	ssyncadd.tile.s32 @!p0 $0x1;
	_ =	shalt  }
.Lfunc_end2:
_tile_overlayer_lowered:
.L_overlay_start_2:
0x6f1: {  	(tag) =	ssettag $0x2  }
0x6f2: {  	s0 =	rddreg [dreg:$0x0];
	s2 =	stileid.u32  }
0x6f3: {  	s1 =	rddreg [dreg:$0x1];
	p0 =	sne.s32 s2, $0x0  }
0x6f4: {  	s3 =	rddreg [dreg:$0x2];
	[bflag:$0x3] =	sbarrier.arrive $0xFFFF;
	s2 =	simm.s32 @!p0 $0x1C02  }
0x6f5: {  	[timem:s3], [sflag:s2] =	dma.local @!p0 [hbm:s0], s1  }
0x6f6: {  	s0 =	simm.s32 @!p0 $0x2  }
0x6f7: {  	_ =	swait.ge @!p0 [sflag:s0], s1  }
0x6f8: {  	s1 =	ssub.s32 @!p0 $0x0, s1;
	[sflag:s0] =	ssyncset.done @!p0 $0x0  }
0x6f9: {  	[sflag:s0] =	ssyncadd.s32 @!p0 s1  }
0x6fa: {  	[bflag:$0x3] =	sbarrier.arrive $0xFFFF  }
0x6fb: {  	_ =	shalt  }

</sc_bundles>
